<compile_context>
chip_gen: v7x
topology: tpu7x:2x2x1
jax: 0.10.2.dev20260603
libtpu: 0.0.44.dev20260713+nightly
codegen_flags: <defaults>
</compile_context>

<pallas_src>
import dataclasses
import functools

import jax
import jax.numpy as jnp
from jax import lax
from jax.experimental import pallas as pl
from jax.experimental.pallas import tpu as pltpu
from jax.experimental.pallas import tpu_sc as plsc

_TN = 512
_TM = 512
_Q = 16
_SC_LANES = 16
_SC_CORES = 2
_SC_SUBCORES = 16
_SC_WORKERS = _SC_CORES * _SC_SUBCORES


def _sc_params():
    cp = pltpu.CompilerParams()
    if "needs_layout_passes" in pltpu.CompilerParams.__dataclass_fields__:
        cp = dataclasses.replace(cp, needs_layout_passes=False)
    return cp



def _to_bf16_pair(w):
    u = lax.bitcast_convert_type(w, jnp.uint32)
    hi = (u + jnp.uint32(0x7FFF) + ((u >> 16) & jnp.uint32(1))) >> 16
    word = (hi << 16) | hi
    return lax.bitcast_convert_type(word, jnp.int32)


def _knn_body(x_ref, yt_ref, idx_ref, wc_ref):
    b = pl.program_id(0)
    x = x_ref[0]
    yt = yt_ref[0]
    S = yt.shape[1]
    x0, x1, x2 = x[:, 0:1], x[:, 1:2], x[:, 2:3]
    y0, y1, y2 = yt[0:1, :], yt[1:2, :], yt[2:3, :]
    e = jnp.dot(x.astype(jnp.bfloat16), yt.astype(jnp.bfloat16),
                preferred_element_type=jnp.float32)
    sx = x0 * x0 + x1 * x1 + x2 * x2
    sy = y0 * y0 + y1 * y1 + y2 * y2
    d = -2.0 * e
    d = d + sx
    d = d + sy
    lane = lax.broadcasted_iota(jnp.int32, d.shape, 1).astype(jnp.float32)
    big = jnp.float32(S)
    idxs, vals = [], []
    for k in range(3):
        m = jnp.min(d, axis=1, keepdims=True)
        i_f = jnp.min(jnp.where(d == m, lane, big), axis=1, keepdims=True)
        if k < 2:
            d = jnp.where(lane == i_f, jnp.inf, d)
        idxs.append(i_f.astype(jnp.int32))
        vals.append(m)
    r0 = 1.0 / (vals[0] + 1e-8)
    r1 = 1.0 / (vals[1] + 1e-8)
    r2 = 1.0 / (vals[2] + 1e-8)
    norm = r0 + r1 + r2
    base = b * S
    idx_ref[0] = jnp.concatenate(
        [idxs[0] + base, idxs[1] + base, idxs[2] + base], axis=1)
    TN = r0.shape[0]
    wc_ref[0] = jnp.concatenate(
        [jnp.broadcast_to(_to_bf16_pair(r / norm), (TN, 16))
         for r in (r0, r1, r2)], axis=1)


def _knn(xyz1, xyz2t):
    B, N, _ = xyz1.shape
    S = xyz2t.shape[2]
    return pl.pallas_call(
        _knn_body,
        grid=(B, N // _TN),
        in_specs=[
            pl.BlockSpec((1, _TN, 3), lambda b, i: (b, i, 0)),
            pl.BlockSpec((1, 3, S), lambda b, i: (b, 0, 0)),
        ],
        out_specs=[
            pl.BlockSpec((1, _TN, 3), lambda b, i: (b, i, 0)),
            pl.BlockSpec((1, _TN, 48), lambda b, i: (b, i, 0)),
        ],
        out_shape=[
            jax.ShapeDtypeStruct((B, N, 3), jnp.int32),
            jax.ShapeDtypeStruct((B, N, 48), jnp.int32),
        ],
    )(xyz1, xyz2t)



_PK_ROWS = 16


def _pack_sc(feat2f):
    R, C = feat2f.shape
    RW = R // _SC_WORKERS
    mesh = plsc.VectorSubcoreMesh(core_axis_name="core", subcore_axis_name="subcore")

    @functools.partial(
        pl.kernel,
        mesh=mesh,
        compiler_params=_sc_params(),
        out_type=jax.ShapeDtypeStruct((R, C // 2), jnp.int32),
        scratch_types=[
            pltpu.VMEM((_PK_ROWS, C), jnp.float32),
            pltpu.VMEM((_PK_ROWS, C // 2), jnp.int32),
            pltpu.SemaphoreType.DMA,
        ],
    )
    def pk(x_hbm, o_hbm, xin, xout, sem):
        wid = lax.axis_index("subcore") * _SC_CORES + lax.axis_index("core")
        rbase = wid * RW

        @pl.loop(0, RW // _PK_ROWS)
        def _(ci):
            r0 = rbase + ci * _PK_ROWS
            pltpu.async_copy(x_hbm.at[pl.ds(r0, _PK_ROWS)], xin, sem).wait()
            for r in range(_PK_ROWS):
                @pl.loop(0, C // 32)
                def _(h):
                    a = xin[r, pl.ds(h * 32, 16)]
                    b = xin[r, pl.ds(h * 32 + 16, 16)]
                    p = plsc.pack(a, b, format=plsc.PackFormat.INTERLEAVED)
                    xout[r, pl.ds(h * 16, 16)] = plsc.bitcast(p, jnp.int32)
            pltpu.async_copy(xout, o_hbm.at[pl.ds(r0, _PK_ROWS)], sem).wait()

    return pk(feat2f)


def _interp(f2p, idxf, wcat):
    BN = idxf.shape[0] // 3
    C2i = f2p.shape[1]
    C2 = 2 * C2i
    QW = BN // _SC_WORKERS
    mesh = plsc.VectorSubcoreMesh(core_axis_name="core", subcore_axis_name="subcore")

    @functools.partial(
        pl.kernel,
        mesh=mesh,
        compiler_params=_sc_params(),
        out_type=jax.ShapeDtypeStruct((BN, C2), jnp.float32),
        scratch_types=[
            pltpu.VMEM((3 * QW,), jnp.int32),
            pltpu.VMEM((3 * _Q, C2i), jnp.int32),
            pltpu.VMEM((3 * _Q, C2i), jnp.int32),
            pltpu.VMEM((_Q, 48), jnp.int32),
            pltpu.VMEM((_Q, 48), jnp.int32),
            pltpu.VMEM((_Q, C2), jnp.float32),
            pltpu.VMEM((_Q, C2), jnp.float32),
            pltpu.SemaphoreType.DMA,
            pltpu.SemaphoreType.DMA,
            pltpu.SemaphoreType.DMA,
            pltpu.SemaphoreType.DMA,
            pltpu.SemaphoreType.DMA,
            pltpu.SemaphoreType.DMA,
        ],
    )
    def k(f2_hbm, i_hbm, w_hbm, o_hbm,
          idx_v, g_a, g_b, wv_a, wv_b, o_a, o_b,
          sem_ga, sem_gb, sem_wa, sem_wb, sem_oa, sem_ob):
        wid = lax.axis_index("subcore") * _SC_CORES + lax.axis_index("core")
        qbase = wid * QW
        nch = QW // _Q
        pltpu.sync_copy(i_hbm.at[pl.ds(3 * qbase, 3 * QW)], idx_v)

        def start_chunk(ci, g_ref, wv_ref, sem_g, sem_w):
            pltpu.async_copy(
                f2_hbm.at[idx_v.at[pl.ds(3 * ci * _Q, 3 * _Q)]], g_ref, sem_g)
            pltpu.async_copy(
                w_hbm.at[pl.ds(qbase + ci * _Q, _Q)], wv_ref, sem_w)

        def wait_chunk(g_ref, wv_ref, sem_g, sem_w):
            pltpu.make_async_copy(f2_hbm.at[pl.ds(0, 3 * _Q)], g_ref,
                                  sem_g).wait()
            pltpu.make_async_copy(w_hbm.at[pl.ds(0, _Q)], wv_ref,
                                  sem_w).wait()

        def wait_store(o_ref, sem):
            pltpu.make_async_copy(o_ref, o_hbm.at[pl.ds(0, _Q)], sem).wait()

        def combine(g_ref, wv_ref, o_ref):
            for j in range(_Q):
                w0v = plsc.bitcast(wv_ref[j, pl.ds(0, 16)], jnp.bfloat16)
                w1v = plsc.bitcast(wv_ref[j, pl.ds(16, 16)], jnp.bfloat16)
                w2v = plsc.bitcast(wv_ref[j, pl.ds(32, 16)], jnp.bfloat16)

                @pl.loop(0, C2i // 16)
                def _(h):
                    sl = pl.ds(h * 16, 16)
                    g0 = plsc.bitcast(g_ref[3 * j, sl], jnp.bfloat16)
                    g1 = plsc.bitcast(g_ref[3 * j + 1, sl], jnp.bfloat16)
                    g2 = plsc.bitcast(g_ref[3 * j + 2, sl], jnp.bfloat16)
                    acc = g0 * w0v
                    acc = acc + g1 * w1v
                    acc = acc + g2 * w2v
                    a, c = plsc.unpack(acc, format=plsc.PackFormat.INTERLEAVED)
                    o_ref[j, pl.ds(h * 32, 16)] = a
                    o_ref[j, pl.ds(h * 32 + 16, 16)] = c

        start_chunk(0, g_a, wv_a, sem_ga, sem_wa)

        @pl.loop(0, nch // 2)
        def _(cj):
            c0 = 2 * cj
            start_chunk(c0 + 1, g_b, wv_b, sem_gb, sem_wb)
            wait_chunk(g_a, wv_a, sem_ga, sem_wa)

            @pl.when(cj > 0)
            def _():
                wait_store(o_a, sem_oa)

            combine(g_a, wv_a, o_a)
            pltpu.async_copy(o_a, o_hbm.at[pl.ds(qbase + c0 * _Q, _Q)], sem_oa)

            @pl.when(c0 + 2 < nch)
            def _():
                start_chunk(c0 + 2, g_a, wv_a, sem_ga, sem_wa)

            wait_chunk(g_b, wv_b, sem_gb, sem_wb)

            @pl.when(cj > 0)
            def _():
                wait_store(o_b, sem_ob)

            combine(g_b, wv_b, o_b)
            pltpu.async_copy(o_b, o_hbm.at[pl.ds(qbase + (c0 + 1) * _Q, _Q)],
                             sem_ob)

        wait_store(o_a, sem_oa)
        wait_store(o_b, sem_ob)

    return k(f2p, idxf, wcat)



def _mm1_body(f1_ref, ip_ref, wa_ref, wb_ref, b1_ref, x1_ref, s_ref, q_ref):
    i = pl.program_id(0)
    x = jnp.dot(f1_ref[...].astype(jnp.bfloat16), wa_ref[...],
                preferred_element_type=jnp.float32)
    x = x + jnp.dot(ip_ref[...].astype(jnp.bfloat16), wb_ref[...],
                    preferred_element_type=jnp.float32)
    x = x + b1_ref[...]
    x1_ref[...] = x.astype(jnp.bfloat16)
    cs = jnp.sum(x, axis=0, keepdims=True)
    cq = jnp.sum(x * x, axis=0, keepdims=True)

    @pl.when(i == 0)
    def _():
        s_ref[...] = cs
        q_ref[...] = cq

    @pl.when(i != 0)
    def _():
        s_ref[...] += cs
        q_ref[...] += cq


def _bn_mm2_body(x1_ref, s_ref, q_ref, g_ref, be_ref, w2_ref, b2_ref,
                 x2_ref, s2_ref, q2_ref, *, inv_n):
    i = pl.program_id(0)
    mean = s_ref[...] * inv_n
    var = q_ref[...] * inv_n - mean * mean
    h = (g_ref[...] * (x1_ref[...].astype(jnp.float32) - mean)
         / jnp.sqrt(var + 1e-5) + be_ref[...])
    h = jnp.maximum(h, 0.0)
    x2 = jnp.dot(h.astype(jnp.bfloat16), w2_ref[...],
                 preferred_element_type=jnp.float32)
    x2 = x2 + b2_ref[...]
    x2_ref[...] = x2.astype(jnp.bfloat16)
    cs = jnp.sum(x2, axis=0, keepdims=True)
    cq = jnp.sum(x2 * x2, axis=0, keepdims=True)

    @pl.when(i == 0)
    def _():
        s2_ref[...] = cs
        q2_ref[...] = cq

    @pl.when(i != 0)
    def _():
        s2_ref[...] += cs
        q2_ref[...] += cq


def _bn_out_body(x2_ref, s_ref, q_ref, g_ref, be_ref, o_ref, *, inv_n):
    mean = s_ref[...] * inv_n
    var = q_ref[...] * inv_n - mean * mean
    h = (g_ref[...] * (x2_ref[...].astype(jnp.float32) - mean)
         / jnp.sqrt(var + 1e-5) + be_ref[...])
    o_ref[...] = jnp.maximum(h, 0.0)


def _row_spec(cols):
    return pl.BlockSpec((_TM, cols), lambda i: (i, 0))


def _full_spec(rows, cols):
    return pl.BlockSpec((rows, cols), lambda i: (0, 0))


def _mlp(f1, interp, W1, b1, gamma1, beta1, W2, b2, gamma2, beta2):
    BN, C1 = f1.shape
    C2 = interp.shape[1]
    H = W1.shape[0]
    inv_n = 1.0 / BN
    w1aT = W1[:, :C1].T.astype(jnp.bfloat16)
    w1bT = W1[:, C1:].T.astype(jnp.bfloat16)
    w2T = W2.T.astype(jnp.bfloat16)
    grid = (BN // _TM,)

    x1, s1, q1 = pl.pallas_call(
        _mm1_body,
        grid=grid,
        in_specs=[
            _row_spec(C1), _row_spec(C2),
            _full_spec(C1, H), _full_spec(C2, H), _full_spec(1, H),
        ],
        out_specs=[_row_spec(H), _full_spec(1, H), _full_spec(1, H)],
        out_shape=[
            jax.ShapeDtypeStruct((BN, H), jnp.bfloat16),
            jax.ShapeDtypeStruct((1, H), jnp.float32),
            jax.ShapeDtypeStruct((1, H), jnp.float32),
        ],
    )(f1, interp, w1aT, w1bT, b1.reshape(1, H))

    x2, s2, q2 = pl.pallas_call(
        functools.partial(_bn_mm2_body, inv_n=inv_n),
        grid=grid,
        in_specs=[
            _row_spec(H), _full_spec(1, H), _full_spec(1, H),
            _full_spec(1, H), _full_spec(1, H),
            _full_spec(H, H), _full_spec(1, H),
        ],
        out_specs=[_row_spec(H), _full_spec(1, H), _full_spec(1, H)],
        out_shape=[
            jax.ShapeDtypeStruct((BN, H), jnp.bfloat16),
            jax.ShapeDtypeStruct((1, H), jnp.float32),
            jax.ShapeDtypeStruct((1, H), jnp.float32),
        ],
    )(x1, s1, q1, gamma1.reshape(1, H), beta1.reshape(1, H), w2T,
      b2.reshape(1, H))

    out = pl.pallas_call(
        functools.partial(_bn_out_body, inv_n=inv_n),
        grid=grid,
        in_specs=[
            _row_spec(H), _full_spec(1, H), _full_spec(1, H),
            _full_spec(1, H), _full_spec(1, H),
        ],
        out_specs=_row_spec(H),
        out_shape=jax.ShapeDtypeStruct((BN, H), jnp.float32),
    )(x2, s2, q2, gamma2.reshape(1, H), beta2.reshape(1, H))
    return out


def kernel(xyz1, feat1, xyz2, feat2, W1, b1, gamma1, beta1, W2, b2, gamma2,
           beta2):
    B, N, _ = xyz1.shape
    S = xyz2.shape[1]
    C1 = feat1.shape[2]
    C2 = feat2.shape[2]
    H = W1.shape[0]
    BN = B * N

    xyz2t = jnp.transpose(xyz2, (0, 2, 1))
    idx, wcat = _knn(xyz1, xyz2t)
    f2p = _pack_sc(feat2.reshape(B * S, C2))
    interp = _interp(f2p, idx.reshape(BN * 3), wcat.reshape(BN, 48))
    out = _mlp(feat1.reshape(BN, C1), interp, W1, b1, gamma1, beta1,
               W2, b2, gamma2, beta2)
    return out.reshape(B, N, H)

# --- scband reference (transcript-rebuilt; emitter-appended) ---
"""Pipeline reference for scband-point-net-feature-propagation-23270132810093 (READ-ONLY COPY).

The authoritative reference and input builder live on the scoring server;
editing this copy changes nothing except your own understanding.
"""

import jax, jax.numpy as jnp
import numpy as np

B, N, S = 16, 4096, 1024
C1, C2 = 256, 512
H = 512

def setup_inputs(seed: int = 0) -> dict:
    key = jax.random.key(seed)
    ks = jax.random.split(key, 6)
    return {
        "xyz1": jax.random.uniform(ks[0], (B, N, 3), dtype=jnp.float32),
        "feat1": jax.random.normal(ks[1], (B, N, C1), dtype=jnp.float32),
        "xyz2": jax.random.uniform(ks[2], (B, S, 3), dtype=jnp.float32),
        "feat2": jax.random.normal(ks[3], (B, S, C2), dtype=jnp.float32),
        "W1": jax.random.normal(ks[4], (H, C1 + C2), dtype=jnp.float32) * 0.02,
        "b1": jnp.zeros((H,), dtype=jnp.float32),
        "gamma1": jnp.ones((H,), dtype=jnp.float32),
        "beta1": jnp.zeros((H,), dtype=jnp.float32),
        "W2": jax.random.normal(ks[5], (H, H), dtype=jnp.float32) * 0.02,
        "b2": jnp.zeros((H,), dtype=jnp.float32),
        "gamma2": jnp.ones((H,), dtype=jnp.float32),
        "beta2": jnp.zeros((H,), dtype=jnp.float32),
    }

def _square_distance(src, dst):
    # dist[b,n,m] = ||src[b,n] - dst[b,m]||^2
    d = -2.0 * jnp.einsum('bnc,bmc->bnm', src, dst)
    d = d + jnp.sum(src ** 2, axis=-1)[:, :, None]
    d = d + jnp.sum(dst ** 2, axis=-1)[:, None, :]
    return d

def _bn_relu(x, gamma, beta):
    # BatchNorm1d (training-mode batch stats) over (batch, points) per channel, then ReLU
    mean = jnp.mean(x, axis=(0, 1), keepdims=True)
    var = jnp.var(x, axis=(0, 1), keepdims=True)
    x = gamma * (x - mean) / jnp.sqrt(var + 1e-5) + beta
    return jax.nn.relu(x)

def reference(xyz1, feat1, xyz2, feat2, W1, b1, gamma1, beta1, W2, b2, gamma2, beta2):
    Bq, Nq, _ = xyz1.shape
    # 3-NN inverse-distance interpolation (S > 1 branch)
    dists = _square_distance(xyz1, xyz2)                 # [B, N, S]
    neg_vals, idx = jax.lax.top_k(-dists, 3)             # ascending distances
    d3 = -neg_vals                                       # [B, N, 3]
    dist_recip = 1.0 / (d3 + 1e-8)
    norm = jnp.sum(dist_recip, axis=2, keepdims=True)
    weight = dist_recip / norm                           # [B, N, 3]
    gathered = jax.vmap(lambda f, i: f[i])(feat2, idx)   # [B, N, 3, C2]
    interpolated = jnp.sum(gathered * weight[..., None], axis=2)  # [B, N, C2]
    new_points = jnp.concatenate([feat1, interpolated], axis=-1)  # [B, N, C1+C2]
    # MLP: two 1x1-conv (pointwise linear) + BN + ReLU layers
    x = new_points @ W1.T + b1
    x = _bn_relu(x, gamma1, beta1)
    x = x @ W2.T + b2
    x = _bn_relu(x, gamma2, beta2)
    return x  # new feature [B, N, 512]; xyz passes through unchanged

if __name__ == "__main__":
    import jax
    _d = setup_inputs()
    print(jax.jit(kernel)(*tuple(_d.values())))

</pallas_src>

<mosaic_0001>
#map = affine_map<(d0, d1) -> (0, 0)>
#map1 = affine_map<(d0, d1) -> (0)>
module attributes {stable_mosaic.version = 14 : i64} {
  func.func @k(%arg0: i32, %arg1: i32, %arg2: memref<16384x256xi32, #tpu.memory_space<hbm>>, %arg3: memref<196608xi32, #tpu.memory_space<hbm>>, %arg4: memref<65536x48xi32, #tpu.memory_space<hbm>>, %arg5: memref<65536x512xf32, #tpu.memory_space<hbm>>, %arg6: memref<6144xi32, #tpu.memory_space<vmem>>, %arg7: memref<48x256xi32, #tpu.memory_space<vmem>>, %arg8: memref<48x256xi32, #tpu.memory_space<vmem>>, %arg9: memref<16x48xi32, #tpu.memory_space<vmem>>, %arg10: memref<16x48xi32, #tpu.memory_space<vmem>>, %arg11: memref<16x512xf32, #tpu.memory_space<vmem>>, %arg12: memref<16x512xf32, #tpu.memory_space<vmem>>, %arg13: memref<!tpu.dma_semaphore, #tpu.memory_space<semaphore_mem>>, %arg14: memref<!tpu.dma_semaphore, #tpu.memory_space<semaphore_mem>>, %arg15: memref<!tpu.dma_semaphore, #tpu.memory_space<semaphore_mem>>, %arg16: memref<!tpu.dma_semaphore, #tpu.memory_space<semaphore_mem>>, %arg17: memref<!tpu.dma_semaphore, #tpu.memory_space<semaphore_mem>>, %arg18: memref<!tpu.dma_semaphore, #tpu.memory_space<semaphore_mem>>) attributes {dimension_semantics = [#tpu.dimension_semantics<core_parallel>, #tpu.dimension_semantics<subcore_parallel>], iteration_bounds = array<i64: 2, 16>, scalar_prefetch = 0 : i64, scratch_operands = 13 : i64, tpu.core_type = #tpu.core_type<sc_vector_subcore>, window_params = [{transform_indices = #map}, {transform_indices = #map1}, {transform_indices = #map}, {transform_indices = #map}]} {
    %mul3A = arith.constant 2 : i32
    %mul3A_0 = arith.muli %arg1, %mul3A : i32
    %add3A = arith.addi %mul3A_0, %arg0 : i32
    %mul3A_1 = arith.constant 2048 : i32
    %mul3A_2 = arith.muli %add3A, %mul3A_1 : i32
    %mul3A_3 = arith.constant 3 : i32
    %mul3A_4 = arith.muli %mul3A_3, %mul3A_2 : i32
    "tpu.region"() ({
      %run_scoped3A = tpu.sem_alloc : memref<!tpu.dma_semaphore, #tpu.memory_space<semaphore_mem>>
      %dma_start3A_30 = tpu.memref_slice %arg3[%mul3A_4] : memref<196608xi32, #tpu.memory_space<hbm>> -> memref<6144xi32, #tpu.memory_space<hbm>>
      %dma_start3A_31 = tpu.memref_slice %arg3[%mul3A_4] : memref<196608xi32, #tpu.memory_space<hbm>> -> memref<6144xi32, #tpu.memory_space<hbm>>
      tpu.enqueue_dma source(%dma_start3A_31 : memref<6144xi32, #tpu.memory_space<hbm>>) target(%arg6 : memref<6144xi32, #tpu.memory_space<vmem>>) target_semaphore(%run_scoped3A : memref<!tpu.dma_semaphore, #tpu.memory_space<semaphore_mem>>)
      %dma_wait3A_32 = tpu.memref_slice %arg3[%mul3A_4] : memref<196608xi32, #tpu.memory_space<hbm>> -> memref<6144xi32, #tpu.memory_space<hbm>>
      %dma_wait3A_33 = tpu.memref_slice %arg3[%mul3A_4] : memref<196608xi32, #tpu.memory_space<hbm>> -> memref<6144xi32, #tpu.memory_space<hbm>>
      tpu.wait_dma2 semaphore(%run_scoped3A : memref<!tpu.dma_semaphore, #tpu.memory_space<semaphore_mem>>) src(%dma_wait3A_33 : memref<6144xi32, #tpu.memory_space<hbm>>) dst(%arg6 : memref<6144xi32, #tpu.memory_space<vmem>>)
      tpu.yield
    }) : () -> ()
    %dma_start3A = arith.constant 0 : i32
    %dma_start3A_5 = tpu.memref_slice %arg6[%dma_start3A] : memref<6144xi32, #tpu.memory_space<vmem>> -> memref<48xi32, #tpu.memory_space<vmem>>
    %dma_start3A_6 = arith.constant 0 : i32
    %dma_start3A_7 = arith.constant 0 : i32
    %dma_start3A_8 = tpu.memref_slice %arg2[%dma_start3A_6, %dma_start3A_7] : memref<16384x256xi32, #tpu.memory_space<hbm>> -> memref<16384x256xi32, #tpu.memory_space<hbm>>
    tpu.enqueue_indirect_dma source(%dma_start3A_8 : memref<16384x256xi32, #tpu.memory_space<hbm>>) target(%arg7 : memref<48x256xi32, #tpu.memory_space<vmem>>) offsets(%dma_start3A_5 : memref<48xi32, #tpu.memory_space<vmem>>) semaphore(%arg13 : memref<!tpu.dma_semaphore, #tpu.memory_space<semaphore_mem>>)
    %add3A_9 = arith.constant 0 : i32
    %add3A_10 = arith.addi %mul3A_2, %add3A_9 : i32
    %dma_start3A_11 = arith.constant 0 : i32
    %dma_start3A_12 = tpu.memref_slice %arg4[%add3A_10, %dma_start3A_11] : memref<65536x48xi32, #tpu.memory_space<hbm>> -> memref<16x48xi32, #tpu.memory_space<hbm>>
    %dma_start3A_13 = arith.constant 0 : i32
    %dma_start3A_14 = tpu.memref_slice %arg4[%add3A_10, %dma_start3A_13] : memref<65536x48xi32, #tpu.memory_space<hbm>> -> memref<16x48xi32, #tpu.memory_space<hbm>>
    tpu.enqueue_dma source(%dma_start3A_14 : memref<16x48xi32, #tpu.memory_space<hbm>>) target(%arg9 : memref<16x48xi32, #tpu.memory_space<vmem>>) target_semaphore(%arg15 : memref<!tpu.dma_semaphore, #tpu.memory_space<semaphore_mem>>)
    %scan3A = arith.constant 0 : i32
    %scan3A_15 = arith.constant 64 : i32
    %scan3A_16 = arith.addi %scan3A, %scan3A_15 : i32
    %scan3A_17 = arith.constant 1 : i32
    scf.for %scan3A_30 = %scan3A to %scan3A_16 step %scan3A_17  : i32 {
      %mul3A_31 = arith.constant 1 : i32
      %mul3A_32 = arith.muli %scan3A_30, %mul3A_31 : i32
      %add3A_33 = arith.constant 0 : i32
      %add3A_34 = arith.addi %add3A_33, %mul3A_32 : i32
      %mul3A_35 = arith.constant 2 : i32
      %mul3A_36 = arith.muli %mul3A_35, %add3A_34 : i32
      %add3A_37 = arith.constant 1 : i32
      %add3A_38 = arith.addi %mul3A_36, %add3A_37 : i32
      %mul3A_39 = arith.constant 3 : i32
      %mul3A_40 = arith.muli %mul3A_39, %add3A_38 : i32
      %mul3A_41 = arith.constant 16 : i32
      %mul3A_42 = arith.muli %mul3A_40, %mul3A_41 : i32
      %dma_start3A_43 = tpu.memref_slice %arg6[%mul3A_42] : memref<6144xi32, #tpu.memory_space<vmem>> -> memref<48xi32, #tpu.memory_space<vmem>>
      %dma_start3A_44 = arith.constant 0 : i32
      %dma_start3A_45 = arith.constant 0 : i32
      %dma_start3A_46 = tpu.memref_slice %arg2[%dma_start3A_44, %dma_start3A_45] : memref<16384x256xi32, #tpu.memory_space<hbm>> -> memref<16384x256xi32, #tpu.memory_space<hbm>>
      tpu.enqueue_indirect_dma source(%dma_start3A_46 : memref<16384x256xi32, #tpu.memory_space<hbm>>) target(%arg8 : memref<48x256xi32, #tpu.memory_space<vmem>>) offsets(%dma_start3A_43 : memref<48xi32, #tpu.memory_space<vmem>>) semaphore(%arg14 : memref<!tpu.dma_semaphore, #tpu.memory_space<semaphore_mem>>)
      %mul3A_47 = arith.constant 16 : i32
      %mul3A_48 = arith.muli %add3A_38, %mul3A_47 : i32
      %add3A_49 = arith.addi %mul3A_2, %mul3A_48 : i32
      %dma_start3A_50 = arith.constant 0 : i32
      %dma_start3A_51 = tpu.memref_slice %arg4[%add3A_49, %dma_start3A_50] : memref<65536x48xi32, #tpu.memory_space<hbm>> -> memref<16x48xi32, #tpu.memory_space<hbm>>
      %dma_start3A_52 = arith.constant 0 : i32
      %dma_start3A_53 = tpu.memref_slice %arg4[%add3A_49, %dma_start3A_52] : memref<65536x48xi32, #tpu.memory_space<hbm>> -> memref<16x48xi32, #tpu.memory_space<hbm>>
      tpu.enqueue_dma source(%dma_start3A_53 : memref<16x48xi32, #tpu.memory_space<hbm>>) target(%arg10 : memref<16x48xi32, #tpu.memory_space<vmem>>) target_semaphore(%arg16 : memref<!tpu.dma_semaphore, #tpu.memory_space<semaphore_mem>>)
      %dma_wait3A_54 = arith.constant 0 : i32
      %dma_wait3A_55 = arith.constant 0 : i32
      %dma_wait3A_56 = tpu.memref_slice %arg2[%dma_wait3A_54, %dma_wait3A_55] : memref<16384x256xi32, #tpu.memory_space<hbm>> -> memref<48x256xi32, #tpu.memory_space<hbm>>
      %dma_wait3A_57 = arith.constant 0 : i32
      %dma_wait3A_58 = arith.constant 0 : i32
      %dma_wait3A_59 = tpu.memref_slice %arg2[%dma_wait3A_57, %dma_wait3A_58] : memref<16384x256xi32, #tpu.memory_space<hbm>> -> memref<48x256xi32, #tpu.memory_space<hbm>>
      tpu.wait_dma2 semaphore(%arg13 : memref<!tpu.dma_semaphore, #tpu.memory_space<semaphore_mem>>) src(%dma_wait3A_59 : memref<48x256xi32, #tpu.memory_space<hbm>>) dst(%arg7 : memref<48x256xi32, #tpu.memory_space<vmem>>)
      %dma_wait3A_60 = arith.constant 0 : i32
      %dma_wait3A_61 = arith.constant 0 : i32
      %dma_wait3A_62 = tpu.memref_slice %arg4[%dma_wait3A_60, %dma_wait3A_61] : memref<65536x48xi32, #tpu.memory_space<hbm>> -> memref<16x48xi32, #tpu.memory_space<hbm>>
      %dma_wait3A_63 = arith.constant 0 : i32
      %dma_wait3A_64 = arith.constant 0 : i32
      %dma_wait3A_65 = tpu.memref_slice %arg4[%dma_wait3A_63, %dma_wait3A_64] : memref<65536x48xi32, #tpu.memory_space<hbm>> -> memref<16x48xi32, #tpu.memory_space<hbm>>
      tpu.wait_dma2 semaphore(%arg15 : memref<!tpu.dma_semaphore, #tpu.memory_space<semaphore_mem>>) src(%dma_wait3A_65 : memref<16x48xi32, #tpu.memory_space<hbm>>) dst(%arg9 : memref<16x48xi32, #tpu.memory_space<vmem>>)
      %gt3A = arith.constant 0 : i32
      %gt3A_66 = arith.cmpi sgt, %add3A_34, %gt3A : i32
      %convert_element_type3A = arith.extui %gt3A_66 : i1 to i32
      %cond3A = arith.constant 0 : i32
      %cond3A_67 = arith.cmpi ne, %convert_element_type3A, %cond3A : i32
      scf.if %cond3A_67 {
        %dma_wait3A_745 = arith.constant 0 : i32
        %dma_wait3A_746 = arith.constant 0 : i32
        %dma_wait3A_747 = tpu.memref_slice %arg5[%dma_wait3A_745, %dma_wait3A_746] : memref<65536x512xf32, #tpu.memory_space<hbm>> -> memref<16x512xf32, #tpu.memory_space<hbm>>
        %dma_wait3A_748 = arith.constant 0 : i32
        %dma_wait3A_749 = arith.constant 0 : i32
        %dma_wait3A_750 = tpu.memref_slice %arg5[%dma_wait3A_748, %dma_wait3A_749] : memref<65536x512xf32, #tpu.memory_space<hbm>> -> memref<16x512xf32, #tpu.memory_space<hbm>>
        tpu.wait_dma2 semaphore(%arg17 : memref<!tpu.dma_semaphore, #tpu.memory_space<semaphore_mem>>) src(%arg11 : memref<16x512xf32, #tpu.memory_space<vmem>>) dst(%dma_wait3A_750 : memref<16x512xf32, #tpu.memory_space<hbm>>)
      } else {
      }
      %get3A = arith.constant 0 : i32
      %get3A_68 = arith.index_cast %get3A : i32 to index
      %get3A_69 = arith.constant 0 : index
      %get3A_70 = tpu.vector_load %arg9[%get3A_68, %get3A_69] {strides = array<i32>} : memref<16x48xi32, #tpu.memory_space<vmem>>, vector<16xi32>,
      %bitcast3A = vector.bitcast %get3A_70 : vector<16xi32> to vector<32xbf16>
      %get3A_71 = arith.constant 0 : i32
      %get3A_72 = arith.index_cast %get3A_71 : i32 to index
      %get3A_73 = arith.constant 16 : index
      %get3A_74 = tpu.vector_load %arg9[%get3A_72, %get3A_73] {strides = array<i32>} : memref<16x48xi32, #tpu.memory_space<vmem>>, vector<16xi32>,
      %bitcast3A_75 = vector.bitcast %get3A_74 : vector<16xi32> to vector<32xbf16>
      %get3A_76 = arith.constant 0 : i32
      %get3A_77 = arith.index_cast %get3A_76 : i32 to index
      %get3A_78 = arith.constant 32 : index
      %get3A_79 = tpu.vector_load %arg9[%get3A_77, %get3A_78] {strides = array<i32>} : memref<16x48xi32, #tpu.memory_space<vmem>>, vector<16xi32>,
      %bitcast3A_80 = vector.bitcast %get3A_79 : vector<16xi32> to vector<32xbf16>
      %scan3A_81 = arith.constant 0 : i32
      %scan3A_82 = arith.constant 16 : i32
      %scan3A_83 = arith.addi %scan3A_81, %scan3A_82 : i32
      %scan3A_84 = arith.constant 1 : i32
      scf.for %scan3A_745 = %scan3A_81 to %scan3A_83 step %scan3A_84  : i32 {
        %mul3A_746 = arith.constant 1 : i32
        %mul3A_747 = arith.muli %scan3A_745, %mul3A_746 : i32
        %add3A_748 = arith.constant 0 : i32
        %add3A_749 = arith.addi %add3A_748, %mul3A_747 : i32
        %mul3A_750 = arith.constant 16 : i32
        %mul3A_751 = arith.muli %add3A_749, %mul3A_750 : i32
        %get3A_752 = arith.constant 0 : i32
        %get3A_753 = arith.index_cast %get3A_752 : i32 to index
        %get3A_754 = arith.index_cast %mul3A_751 : i32 to index
        %get3A_755 = tpu.vector_load %arg7[%get3A_753, %get3A_754] {strides = array<i32>} : memref<48x256xi32, #tpu.memory_space<vmem>>, vector<16xi32>,
        %bitcast3A_756 = vector.bitcast %get3A_755 : vector<16xi32> to vector<32xbf16>
        %get3A_757 = arith.constant 1 : i32
        %get3A_758 = arith.index_cast %get3A_757 : i32 to index
        %get3A_759 = arith.index_cast %mul3A_751 : i32 to index
        %get3A_760 = tpu.vector_load %arg7[%get3A_758, %get3A_759] {strides = array<i32>} : memref<48x256xi32, #tpu.memory_space<vmem>>, vector<16xi32>,
        %bitcast3A_761 = vector.bitcast %get3A_760 : vector<16xi32> to vector<32xbf16>
        %get3A_762 = arith.constant 2 : i32
        %get3A_763 = arith.index_cast %get3A_762 : i32 to index
        %get3A_764 = arith.index_cast %mul3A_751 : i32 to index
        %get3A_765 = tpu.vector_load %arg7[%get3A_763, %get3A_764] {strides = array<i32>} : memref<48x256xi32, #tpu.memory_space<vmem>>, vector<16xi32>,
        %bitcast3A_766 = vector.bitcast %get3A_765 : vector<16xi32> to vector<32xbf16>
        %mul3A_767 = arith.mulf %bitcast3A_756, %bitcast3A : vector<32xbf16>
        %mul3A_768 = arith.mulf %bitcast3A_761, %bitcast3A_75 : vector<32xbf16>
        %add3A_769 = arith.addf %mul3A_767, %mul3A_768 : vector<32xbf16>
        %mul3A_770 = arith.mulf %bitcast3A_766, %bitcast3A_80 : vector<32xbf16>
        %add3A_771 = arith.addf %add3A_769, %mul3A_770 : vector<32xbf16>
        %unpack3A = tpu.unpack_subelements %add3A_771, 0 {pack_format = #tpu.pack_format<interleaved>} : vector<32xbf16> -> vector<16xf32>
        %unpack3A_772 = tpu.unpack_subelements %add3A_771, 1 {pack_format = #tpu.pack_format<interleaved>} : vector<32xbf16> -> vector<16xf32>
        %mul3A_773 = arith.constant 32 : i32
        %mul3A_774 = arith.muli %add3A_749, %mul3A_773 : i32
        %swap3A = arith.constant 0 : i32
        %swap3A_775 = arith.index_cast %swap3A : i32 to index
        %swap3A_776 = arith.index_cast %mul3A_774 : i32 to index
        %swap3A_777 = tpu.vector_load %arg11[%swap3A_775, %swap3A_776] {strides = array<i32>} : memref<16x512xf32, #tpu.memory_space<vmem>>, vector<16xf32>,
        tpu.vector_store %arg11[%swap3A_775, %swap3A_776], %unpack3A {strides = array<i32>} : memref<16x512xf32, #tpu.memory_space<vmem>>, vector<16xf32>,
        %mul3A_778 = arith.constant 32 : i32
        %mul3A_779 = arith.muli %add3A_749, %mul3A_778 : i32
        %add3A_780 = arith.constant 16 : i32
        %add3A_781 = arith.addi %mul3A_779, %add3A_780 : i32
        %swap3A_782 = arith.constant 0 : i32
        %swap3A_783 = arith.index_cast %swap3A_782 : i32 to index
        %swap3A_784 = arith.index_cast %add3A_781 : i32 to index
        %swap3A_785 = tpu.vector_load %arg11[%swap3A_783, %swap3A_784] {strides = array<i32>} : memref<16x512xf32, #tpu.memory_space<vmem>>, vector<16xf32>,
        tpu.vector_store %arg11[%swap3A_783, %swap3A_784], %unpack3A_772 {strides = array<i32>} : memref<16x512xf32, #tpu.memory_space<vmem>>, vector<16xf32>,
      }
      %scan3A_85 = arith.constant 16 : i32
      %get3A_86 = arith.constant 1 : i32
      %get3A_87 = arith.index_cast %get3A_86 : i32 to index
      %get3A_88 = arith.constant 0 : index
      %get3A_89 = tpu.vector_load %arg9[%get3A_87, %get3A_88] {strides = array<i32>} : memref<16x48xi32, #tpu.memory_space<vmem>>, vector<16xi32>,
      %bitcast3A_90 = vector.bitcast %get3A_89 : vector<16xi32> to vector<32xbf16>
      %get3A_91 = arith.constant 1 : i32
      %get3A_92 = arith.index_cast %get3A_91 : i32 to index
      %get3A_93 = arith.constant 16 : index
      %get3A_94 = tpu.vector_load %arg9[%get3A_92, %get3A_93] {strides = array<i32>} : memref<16x48xi32, #tpu.memory_space<vmem>>, vector<16xi32>,
      %bitcast3A_95 = vector.bitcast %get3A_94 : vector<16xi32> to vector<32xbf16>
      %get3A_96 = arith.constant 1 : i32
      %get3A_97 = arith.index_cast %get3A_96 : i32 to index
      %get3A_98 = arith.constant 32 : index
      %get3A_99 = tpu.vector_load %arg9[%get3A_97, %get3A_98] {strides = array<i32>} : memref<16x48xi32, #tpu.memory_space<vmem>>, vector<16xi32>,
      %bitcast3A_100 = vector.bitcast %get3A_99 : vector<16xi32> to vector<32xbf16>
      %scan3A_101 = arith.constant 0 : i32
      %scan3A_102 = arith.constant 16 : i32
      %scan3A_103 = arith.addi %scan3A_101, %scan3A_102 : i32
      %scan3A_104 = arith.constant 1 : i32
      scf.for %scan3A_745 = %scan3A_101 to %scan3A_103 step %scan3A_104  : i32 {
        %mul3A_746 = arith.constant 1 : i32
        %mul3A_747 = arith.muli %scan3A_745, %mul3A_746 : i32
        %add3A_748 = arith.constant 0 : i32
        %add3A_749 = arith.addi %add3A_748, %mul3A_747 : i32
        %mul3A_750 = arith.constant 16 : i32
        %mul3A_751 = arith.muli %add3A_749, %mul3A_750 : i32
        %get3A_752 = arith.constant 3 : i32
        %get3A_753 = arith.index_cast %get3A_752 : i32 to index
        %get3A_754 = arith.index_cast %mul3A_751 : i32 to index
        %get3A_755 = tpu.vector_load %arg7[%get3A_753, %get3A_754] {strides = array<i32>} : memref<48x256xi32, #tpu.memory_space<vmem>>, vector<16xi32>,
        %bitcast3A_756 = vector.bitcast %get3A_755 : vector<16xi32> to vector<32xbf16>
        %get3A_757 = arith.constant 4 : i32
        %get3A_758 = arith.index_cast %get3A_757 : i32 to index
        %get3A_759 = arith.index_cast %mul3A_751 : i32 to index
        %get3A_760 = tpu.vector_load %arg7[%get3A_758, %get3A_759] {strides = array<i32>} : memref<48x256xi32, #tpu.memory_space<vmem>>, vector<16xi32>,
        %bitcast3A_761 = vector.bitcast %get3A_760 : vector<16xi32> to vector<32xbf16>
        %get3A_762 = arith.constant 5 : i32
        %get3A_763 = arith.index_cast %get3A_762 : i32 to index
        %get3A_764 = arith.index_cast %mul3A_751 : i32 to index
        %get3A_765 = tpu.vector_load %arg7[%get3A_763, %get3A_764] {strides = array<i32>} : memref<48x256xi32, #tpu.memory_space<vmem>>, vector<16xi32>,
        %bitcast3A_766 = vector.bitcast %get3A_765 : vector<16xi32> to vector<32xbf16>
        %mul3A_767 = arith.mulf %bitcast3A_756, %bitcast3A_90 : vector<32xbf16>
        %mul3A_768 = arith.mulf %bitcast3A_761, %bitcast3A_95 : vector<32xbf16>
        %add3A_769 = arith.addf %mul3A_767, %mul3A_768 : vector<32xbf16>
        %mul3A_770 = arith.mulf %bitcast3A_766, %bitcast3A_100 : vector<32xbf16>
        %add3A_771 = arith.addf %add3A_769, %mul3A_770 : vector<32xbf16>
        %unpack3A = tpu.unpack_subelements %add3A_771, 0 {pack_format = #tpu.pack_format<interleaved>} : vector<32xbf16> -> vector<16xf32>
        %unpack3A_772 = tpu.unpack_subelements %add3A_771, 1 {pack_format = #tpu.pack_format<interleaved>} : vector<32xbf16> -> vector<16xf32>
        %mul3A_773 = arith.constant 32 : i32
        %mul3A_774 = arith.muli %add3A_749, %mul3A_773 : i32
        %swap3A = arith.constant 1 : i32
        %swap3A_775 = arith.index_cast %swap3A : i32 to index
        %swap3A_776 = arith.index_cast %mul3A_774 : i32 to index
        %swap3A_777 = tpu.vector_load %arg11[%swap3A_775, %swap3A_776] {strides = array<i32>} : memref<16x512xf32, #tpu.memory_space<vmem>>, vector<16xf32>,
        tpu.vector_store %arg11[%swap3A_775, %swap3A_776], %unpack3A {strides = array<i32>} : memref<16x512xf32, #tpu.memory_space<vmem>>, vector<16xf32>,
        %mul3A_778 = arith.constant 32 : i32
        %mul3A_779 = arith.muli %add3A_749, %mul3A_778 : i32
        %add3A_780 = arith.constant 16 : i32
        %add3A_781 = arith.addi %mul3A_779, %add3A_780 : i32
        %swap3A_782 = arith.constant 1 : i32
        %swap3A_783 = arith.index_cast %swap3A_782 : i32 to index
        %swap3A_784 = arith.index_cast %add3A_781 : i32 to index
        %swap3A_785 = tpu.vector_load %arg11[%swap3A_783, %swap3A_784] {strides = array<i32>} : memref<16x512xf32, #tpu.memory_space<vmem>>, vector<16xf32>,
        tpu.vector_store %arg11[%swap3A_783, %swap3A_784], %unpack3A_772 {strides = array<i32>} : memref<16x512xf32, #tpu.memory_space<vmem>>, vector<16xf32>,
      }
      %scan3A_105 = arith.constant 16 : i32
      %get3A_106 = arith.constant 2 : i32
      %get3A_107 = arith.index_cast %get3A_106 : i32 to index
      %get3A_108 = arith.constant 0 : index
      %get3A_109 = tpu.vector_load %arg9[%get3A_107, %get3A_108] {strides = array<i32>} : memref<16x48xi32, #tpu.memory_space<vmem>>, vector<16xi32>,
      %bitcast3A_110 = vector.bitcast %get3A_109 : vector<16xi32> to vector<32xbf16>
      %get3A_111 = arith.constant 2 : i32
      %get3A_112 = arith.index_cast %get3A_111 : i32 to index
      %get3A_113 = arith.constant 16 : index
      %get3A_114 = tpu.vector_load %arg9[%get3A_112, %get3A_113] {strides = array<i32>} : memref<16x48xi32, #tpu.memory_space<vmem>>, vector<16xi32>,
      %bitcast3A_115 = vector.bitcast %get3A_114 : vector<16xi32> to vector<32xbf16>
      %get3A_116 = arith.constant 2 : i32
      %get3A_117 = arith.index_cast %get3A_116 : i32 to index
      %get3A_118 = arith.constant 32 : index
      %get3A_119 = tpu.vector_load %arg9[%get3A_117, %get3A_118] {strides = array<i32>} : memref<16x48xi32, #tpu.memory_space<vmem>>, vector<16xi32>,
      %bitcast3A_120 = vector.bitcast %get3A_119 : vector<16xi32> to vector<32xbf16>
      %scan3A_121 = arith.constant 0 : i32
      %scan3A_122 = arith.constant 16 : i32
      %scan3A_123 = arith.addi %scan3A_121, %scan3A_122 : i32
      %scan3A_124 = arith.constant 1 : i32
      scf.for %scan3A_745 = %scan3A_121 to %scan3A_123 step %scan3A_124  : i32 {
        %mul3A_746 = arith.constant 1 : i32
        %mul3A_747 = arith.muli %scan3A_745, %mul3A_746 : i32
        %add3A_748 = arith.constant 0 : i32
        %add3A_749 = arith.addi %add3A_748, %mul3A_747 : i32
        %mul3A_750 = arith.constant 16 : i32
        %mul3A_751 = arith.muli %add3A_749, %mul3A_750 : i32
        %get3A_752 = arith.constant 6 : i32
        %get3A_753 = arith.index_cast %get3A_752 : i32 to index
        %get3A_754 = arith.index_cast %mul3A_751 : i32 to index
        %get3A_755 = tpu.vector_load %arg7[%get3A_753, %get3A_754] {strides = array<i32>} : memref<48x256xi32, #tpu.memory_space<vmem>>, vector<16xi32>,
        %bitcast3A_756 = vector.bitcast %get3A_755 : vector<16xi32> to vector<32xbf16>
        %get3A_757 = arith.constant 7 : i32
        %get3A_758 = arith.index_cast %get3A_757 : i32 to index
        %get3A_759 = arith.index_cast %mul3A_751 : i32 to index
        %get3A_760 = tpu.vector_load %arg7[%get3A_758, %get3A_759] {strides = array<i32>} : memref<48x256xi32, #tpu.memory_space<vmem>>, vector<16xi32>,
        %bitcast3A_761 = vector.bitcast %get3A_760 : vector<16xi32> to vector<32xbf16>
        %get3A_762 = arith.constant 8 : i32
        %get3A_763 = arith.index_cast %get3A_762 : i32 to index
        %get3A_764 = arith.index_cast %mul3A_751 : i32 to index
        %get3A_765 = tpu.vector_load %arg7[%get3A_763, %get3A_764] {strides = array<i32>} : memref<48x256xi32, #tpu.memory_space<vmem>>, vector<16xi32>,
        %bitcast3A_766 = vector.bitcast %get3A_765 : vector<16xi32> to vector<32xbf16>
        %mul3A_767 = arith.mulf %bitcast3A_756, %bitcast3A_110 : vector<32xbf16>
        %mul3A_768 = arith.mulf %bitcast3A_761, %bitcast3A_115 : vector<32xbf16>
        %add3A_769 = arith.addf %mul3A_767, %mul3A_768 : vector<32xbf16>
        %mul3A_770 = arith.mulf %bitcast3A_766, %bitcast3A_120 : vector<32xbf16>
        %add3A_771 = arith.addf %add3A_769, %mul3A_770 : vector<32xbf16>
        %unpack3A = tpu.unpack_subelements %add3A_771, 0 {pack_format = #tpu.pack_format<interleaved>} : vector<32xbf16> -> vector<16xf32>
        %unpack3A_772 = tpu.unpack_subelements %add3A_771, 1 {pack_format = #tpu.pack_format<interleaved>} : vector<32xbf16> -> vector<16xf32>
        %mul3A_773 = arith.constant 32 : i32
        %mul3A_774 = arith.muli %add3A_749, %mul3A_773 : i32
        %swap3A = arith.constant 2 : i32
        %swap3A_775 = arith.index_cast %swap3A : i32 to index
        %swap3A_776 = arith.index_cast %mul3A_774 : i32 to index
        %swap3A_777 = tpu.vector_load %arg11[%swap3A_775, %swap3A_776] {strides = array<i32>} : memref<16x512xf32, #tpu.memory_space<vmem>>, vector<16xf32>,
        tpu.vector_store %arg11[%swap3A_775, %swap3A_776], %unpack3A {strides = array<i32>} : memref<16x512xf32, #tpu.memory_space<vmem>>, vector<16xf32>,
        %mul3A_778 = arith.constant 32 : i32
        %mul3A_779 = arith.muli %add3A_749, %mul3A_778 : i32
        %add3A_780 = arith.constant 16 : i32
        %add3A_781 = arith.addi %mul3A_779, %add3A_780 : i32
        %swap3A_782 = arith.constant 2 : i32
        %swap3A_783 = arith.index_cast %swap3A_782 : i32 to index
        %swap3A_784 = arith.index_cast %add3A_781 : i32 to index
        %swap3A_785 = tpu.vector_load %arg11[%swap3A_783, %swap3A_784] {strides = array<i32>} : memref<16x512xf32, #tpu.memory_space<vmem>>, vector<16xf32>,
        tpu.vector_store %arg11[%swap3A_783, %swap3A_784], %unpack3A_772 {strides = array<i32>} : memref<16x512xf32, #tpu.memory_space<vmem>>, vector<16xf32>,
      }
      %scan3A_125 = arith.constant 16 : i32
      %get3A_126 = arith.constant 3 : i32
      %get3A_127 = arith.index_cast %get3A_126 : i32 to index
      %get3A_128 = arith.constant 0 : index
      %get3A_129 = tpu.vector_load %arg9[%get3A_127, %get3A_128] {strides = array<i32>} : memref<16x48xi32, #tpu.memory_space<vmem>>, vector<16xi32>,
      %bitcast3A_130 = vector.bitcast %get3A_129 : vector<16xi32> to vector<32xbf16>
      %get3A_131 = arith.constant 3 : i32
      %get3A_132 = arith.index_cast %get3A_131 : i32 to index
      %get3A_133 = arith.constant 16 : index
      %get3A_134 = tpu.vector_load %arg9[%get3A_132, %get3A_133] {strides = array<i32>} : memref<16x48xi32, #tpu.memory_space<vmem>>, vector<16xi32>,
      %bitcast3A_135 = vector.bitcast %get3A_134 : vector<16xi32> to vector<32xbf16>
      %get3A_136 = arith.constant 3 : i32
      %get3A_137 = arith.index_cast %get3A_136 : i32 to index
      %get3A_138 = arith.constant 32 : index
      %get3A_139 = tpu.vector_load %arg9[%get3A_137, %get3A_138] {strides = array<i32>} : memref<16x48xi32, #tpu.memory_space<vmem>>, vector<16xi32>,
      %bitcast3A_140 = vector.bitcast %get3A_139 : vector<16xi32> to vector<32xbf16>
      %scan3A_141 = arith.constant 0 : i32
      %scan3A_142 = arith.constant 16 : i32
      %scan3A_143 = arith.addi %scan3A_141, %scan3A_142 : i32
      %scan3A_144 = arith.constant 1 : i32
      scf.for %scan3A_745 = %scan3A_141 to %scan3A_143 step %scan3A_144  : i32 {
        %mul3A_746 = arith.constant 1 : i32
        %mul3A_747 = arith.muli %scan3A_745, %mul3A_746 : i32
        %add3A_748 = arith.constant 0 : i32
        %add3A_749 = arith.addi %add3A_748, %mul3A_747 : i32
        %mul3A_750 = arith.constant 16 : i32
        %mul3A_751 = arith.muli %add3A_749, %mul3A_750 : i32
        %get3A_752 = arith.constant 9 : i32
        %get3A_753 = arith.index_cast %get3A_752 : i32 to index
        %get3A_754 = arith.index_cast %mul3A_751 : i32 to index
        %get3A_755 = tpu.vector_load %arg7[%get3A_753, %get3A_754] {strides = array<i32>} : memref<48x256xi32, #tpu.memory_space<vmem>>, vector<16xi32>,
        %bitcast3A_756 = vector.bitcast %get3A_755 : vector<16xi32> to vector<32xbf16>
        %get3A_757 = arith.constant 10 : i32
        %get3A_758 = arith.index_cast %get3A_757 : i32 to index
        %get3A_759 = arith.index_cast %mul3A_751 : i32 to index
        %get3A_760 = tpu.vector_load %arg7[%get3A_758, %get3A_759] {strides = array<i32>} : memref<48x256xi32, #tpu.memory_space<vmem>>, vector<16xi32>,
        %bitcast3A_761 = vector.bitcast %get3A_760 : vector<16xi32> to vector<32xbf16>
        %get3A_762 = arith.constant 11 : i32
        %get3A_763 = arith.index_cast %get3A_762 : i32 to index
        %get3A_764 = arith.index_cast %mul3A_751 : i32 to index
        %get3A_765 = tpu.vector_load %arg7[%get3A_763, %get3A_764] {strides = array<i32>} : memref<48x256xi32, #tpu.memory_space<vmem>>, vector<16xi32>,
        %bitcast3A_766 = vector.bitcast %get3A_765 : vector<16xi32> to vector<32xbf16>
        %mul3A_767 = arith.mulf %bitcast3A_756, %bitcast3A_130 : vector<32xbf16>
        %mul3A_768 = arith.mulf %bitcast3A_761, %bitcast3A_135 : vector<32xbf16>
        %add3A_769 = arith.addf %mul3A_767, %mul3A_768 : vector<32xbf16>
        %mul3A_770 = arith.mulf %bitcast3A_766, %bitcast3A_140 : vector<32xbf16>
        %add3A_771 = arith.addf %add3A_769, %mul3A_770 : vector<32xbf16>
        %unpack3A = tpu.unpack_subelements %add3A_771, 0 {pack_format = #tpu.pack_format<interleaved>} : vector<32xbf16> -> vector<16xf32>
        %unpack3A_772 = tpu.unpack_subelements %add3A_771, 1 {pack_format = #tpu.pack_format<interleaved>} : vector<32xbf16> -> vector<16xf32>
        %mul3A_773 = arith.constant 32 : i32
        %mul3A_774 = arith.muli %add3A_749, %mul3A_773 : i32
        %swap3A = arith.constant 3 : i32
        %swap3A_775 = arith.index_cast %swap3A : i32 to index
        %swap3A_776 = arith.index_cast %mul3A_774 : i32 to index
        %swap3A_777 = tpu.vector_load %arg11[%swap3A_775, %swap3A_776] {strides = array<i32>} : memref<16x512xf32, #tpu.memory_space<vmem>>, vector<16xf32>,
        tpu.vector_store %arg11[%swap3A_775, %swap3A_776], %unpack3A {strides = array<i32>} : memref<16x512xf32, #tpu.memory_space<vmem>>, vector<16xf32>,
        %mul3A_778 = arith.constant 32 : i32
        %mul3A_779 = arith.muli %add3A_749, %mul3A_778 : i32
        %add3A_780 = arith.constant 16 : i32
        %add3A_781 = arith.addi %mul3A_779, %add3A_780 : i32
        %swap3A_782 = arith.constant 3 : i32
        %swap3A_783 = arith.index_cast %swap3A_782 : i32 to index
        %swap3A_784 = arith.index_cast %add3A_781 : i32 to index
        %swap3A_785 = tpu.vector_load %arg11[%swap3A_783, %swap3A_784] {strides = array<i32>} : memref<16x512xf32, #tpu.memory_space<vmem>>, vector<16xf32>,
        tpu.vector_store %arg11[%swap3A_783, %swap3A_784], %unpack3A_772 {strides = array<i32>} : memref<16x512xf32, #tpu.memory_space<vmem>>, vector<16xf32>,
      }
      %scan3A_145 = arith.constant 16 : i32
      %get3A_146 = arith.constant 4 : i32
      %get3A_147 = arith.index_cast %get3A_146 : i32 to index
      %get3A_148 = arith.constant 0 : index
      %get3A_149 = tpu.vector_load %arg9[%get3A_147, %get3A_148] {strides = array<i32>} : memref<16x48xi32, #tpu.memory_space<vmem>>, vector<16xi32>,
      %bitcast3A_150 = vector.bitcast %get3A_149 : vector<16xi32> to vector<32xbf16>
      %get3A_151 = arith.constant 4 : i32
      %get3A_152 = arith.index_cast %get3A_151 : i32 to index
      %get3A_153 = arith.constant 16 : index
      %get3A_154 = tpu.vector_load %arg9[%get3A_152, %get3A_153] {strides = array<i32>} : memref<16x48xi32, #tpu.memory_space<vmem>>, vector<16xi32>,
      %bitcast3A_155 = vector.bitcast %get3A_154 : vector<16xi32> to vector<32xbf16>
      %get3A_156 = arith.constant 4 : i32
      %get3A_157 = arith.index_cast %get3A_156 : i32 to index
      %get3A_158 = arith.constant 32 : index
      %get3A_159 = tpu.vector_load %arg9[%get3A_157, %get3A_158] {strides = array<i32>} : memref<16x48xi32, #tpu.memory_space<vmem>>, vector<16xi32>,
      %bitcast3A_160 = vector.bitcast %get3A_159 : vector<16xi32> to vector<32xbf16>
      %scan3A_161 = arith.constant 0 : i32
      %scan3A_162 = arith.constant 16 : i32
      %scan3A_163 = arith.addi %scan3A_161, %scan3A_162 : i32
      %scan3A_164 = arith.constant 1 : i32
      scf.for %scan3A_745 = %scan3A_161 to %scan3A_163 step %scan3A_164  : i32 {
        %mul3A_746 = arith.constant 1 : i32
        %mul3A_747 = arith.muli %scan3A_745, %mul3A_746 : i32
        %add3A_748 = arith.constant 0 : i32
        %add3A_749 = arith.addi %add3A_748, %mul3A_747 : i32
        %mul3A_750 = arith.constant 16 : i32
        %mul3A_751 = arith.muli %add3A_749, %mul3A_750 : i32
        %get3A_752 = arith.constant 12 : i32
        %get3A_753 = arith.index_cast %get3A_752 : i32 to index
        %get3A_754 = arith.index_cast %mul3A_751 : i32 to index
        %get3A_755 = tpu.vector_load %arg7[%get3A_753, %get3A_754] {strides = array<i32>} : memref<48x256xi32, #tpu.memory_space<vmem>>, vector<16xi32>,
        %bitcast3A_756 = vector.bitcast %get3A_755 : vector<16xi32> to vector<32xbf16>
        %get3A_757 = arith.constant 13 : i32
        %get3A_758 = arith.index_cast %get3A_757 : i32 to index
        %get3A_759 = arith.index_cast %mul3A_751 : i32 to index
        %get3A_760 = tpu.vector_load %arg7[%get3A_758, %get3A_759] {strides = array<i32>} : memref<48x256xi32, #tpu.memory_space<vmem>>, vector<16xi32>,
        %bitcast3A_761 = vector.bitcast %get3A_760 : vector<16xi32> to vector<32xbf16>
        %get3A_762 = arith.constant 14 : i32
        %get3A_763 = arith.index_cast %get3A_762 : i32 to index
        %get3A_764 = arith.index_cast %mul3A_751 : i32 to index
        %get3A_765 = tpu.vector_load %arg7[%get3A_763, %get3A_764] {strides = array<i32>} : memref<48x256xi32, #tpu.memory_space<vmem>>, vector<16xi32>,
        %bitcast3A_766 = vector.bitcast %get3A_765 : vector<16xi32> to vector<32xbf16>
        %mul3A_767 = arith.mulf %bitcast3A_756, %bitcast3A_150 : vector<32xbf16>
        %mul3A_768 = arith.mulf %bitcast3A_761, %bitcast3A_155 : vector<32xbf16>
        %add3A_769 = arith.addf %mul3A_767, %mul3A_768 : vector<32xbf16>
        %mul3A_770 = arith.mulf %bitcast3A_766, %bitcast3A_160 : vector<32xbf16>
        %add3A_771 = arith.addf %add3A_769, %mul3A_770 : vector<32xbf16>
        %unpack3A = tpu.unpack_subelements %add3A_771, 0 {pack_format = #tpu.pack_format<interleaved>} : vector<32xbf16> -> vector<16xf32>
        %unpack3A_772 = tpu.unpack_subelements %add3A_771, 1 {pack_format = #tpu.pack_format<interleaved>} : vector<32xbf16> -> vector<16xf32>
        %mul3A_773 = arith.constant 32 : i32
        %mul3A_774 = arith.muli %add3A_749, %mul3A_773 : i32
        %swap3A = arith.constant 4 : i32
        %swap3A_775 = arith.index_cast %swap3A : i32 to index
        %swap3A_776 = arith.index_cast %mul3A_774 : i32 to index
        %swap3A_777 = tpu.vector_load %arg11[%swap3A_775, %swap3A_776] {strides = array<i32>} : memref<16x512xf32, #tpu.memory_space<vmem>>, vector<16xf32>,
        tpu.vector_store %arg11[%swap3A_775, %swap3A_776], %unpack3A {strides = array<i32>} : memref<16x512xf32, #tpu.memory_space<vmem>>, vector<16xf32>,
        %mul3A_778 = arith.constant 32 : i32
        %mul3A_779 = arith.muli %add3A_749, %mul3A_778 : i32
        %add3A_780 = arith.constant 16 : i32
        %add3A_781 = arith.addi %mul3A_779, %add3A_780 : i32
        %swap3A_782 = arith.constant 4 : i32
        %swap3A_783 = arith.index_cast %swap3A_782 : i32 to index
        %swap3A_784 = arith.index_cast %add3A_781 : i32 to index
        %swap3A_785 = tpu.vector_load %arg11[%swap3A_783, %swap3A_784] {strides = array<i32>} : memref<16x512xf32, #tpu.memory_space<vmem>>, vector<16xf32>,
        tpu.vector_store %arg11[%swap3A_783, %swap3A_784], %unpack3A_772 {strides = array<i32>} : memref<16x512xf32, #tpu.memory_space<vmem>>, vector<16xf32>,
      }
      %scan3A_165 = arith.constant 16 : i32
      %get3A_166 = arith.constant 5 : i32
      %get3A_167 = arith.index_cast %get3A_166 : i32 to index
      %get3A_168 = arith.constant 0 : index
      %get3A_169 = tpu.vector_load %arg9[%get3A_167, %get3A_168] {strides = array<i32>} : memref<16x48xi32, #tpu.memory_space<vmem>>, vector<16xi32>,
      %bitcast3A_170 = vector.bitcast %get3A_169 : vector<16xi32> to vector<32xbf16>
      %get3A_171 = arith.constant 5 : i32
      %get3A_172 = arith.index_cast %get3A_171 : i32 to index
      %get3A_173 = arith.constant 16 : index
      %get3A_174 = tpu.vector_load %arg9[%get3A_172, %get3A_173] {strides = array<i32>} : memref<16x48xi32, #tpu.memory_space<vmem>>, vector<16xi32>,
      %bitcast3A_175 = vector.bitcast %get3A_174 : vector<16xi32> to vector<32xbf16>
      %get3A_176 = arith.constant 5 : i32
      %get3A_177 = arith.index_cast %get3A_176 : i32 to index
      %get3A_178 = arith.constant 32 : index
      %get3A_179 = tpu.vector_load %arg9[%get3A_177, %get3A_178] {strides = array<i32>} : memref<16x48xi32, #tpu.memory_space<vmem>>, vector<16xi32>,
      %bitcast3A_180 = vector.bitcast %get3A_179 : vector<16xi32> to vector<32xbf16>
      %scan3A_181 = arith.constant 0 : i32
      %scan3A_182 = arith.constant 16 : i32
      %scan3A_183 = arith.addi %scan3A_181, %scan3A_182 : i32
      %scan3A_184 = arith.constant 1 : i32
      scf.for %scan3A_745 = %scan3A_181 to %scan3A_183 step %scan3A_184  : i32 {
        %mul3A_746 = arith.constant 1 : i32
        %mul3A_747 = arith.muli %scan3A_745, %mul3A_746 : i32
        %add3A_748 = arith.constant 0 : i32
        %add3A_749 = arith.addi %add3A_748, %mul3A_747 : i32
        %mul3A_750 = arith.constant 16 : i32
        %mul3A_751 = arith.muli %add3A_749, %mul3A_750 : i32
        %get3A_752 = arith.constant 15 : i32
        %get3A_753 = arith.index_cast %get3A_752 : i32 to index
        %get3A_754 = arith.index_cast %mul3A_751 : i32 to index
        %get3A_755 = tpu.vector_load %arg7[%get3A_753, %get3A_754] {strides = array<i32>} : memref<48x256xi32, #tpu.memory_space<vmem>>, vector<16xi32>,
        %bitcast3A_756 = vector.bitcast %get3A_755 : vector<16xi32> to vector<32xbf16>
        %get3A_757 = arith.constant 16 : i32
        %get3A_758 = arith.index_cast %get3A_757 : i32 to index
        %get3A_759 = arith.index_cast %mul3A_751 : i32 to index
        %get3A_760 = tpu.vector_load %arg7[%get3A_758, %get3A_759] {strides = array<i32>} : memref<48x256xi32, #tpu.memory_space<vmem>>, vector<16xi32>,
        %bitcast3A_761 = vector.bitcast %get3A_760 : vector<16xi32> to vector<32xbf16>
        %get3A_762 = arith.constant 17 : i32
        %get3A_763 = arith.index_cast %get3A_762 : i32 to index
        %get3A_764 = arith.index_cast %mul3A_751 : i32 to index
        %get3A_765 = tpu.vector_load %arg7[%get3A_763, %get3A_764] {strides = array<i32>} : memref<48x256xi32, #tpu.memory_space<vmem>>, vector<16xi32>,
        %bitcast3A_766 = vector.bitcast %get3A_765 : vector<16xi32> to vector<32xbf16>
        %mul3A_767 = arith.mulf %bitcast3A_756, %bitcast3A_170 : vector<32xbf16>
        %mul3A_768 = arith.mulf %bitcast3A_761, %bitcast3A_175 : vector<32xbf16>
        %add3A_769 = arith.addf %mul3A_767, %mul3A_768 : vector<32xbf16>
        %mul3A_770 = arith.mulf %bitcast3A_766, %bitcast3A_180 : vector<32xbf16>
        %add3A_771 = arith.addf %add3A_769, %mul3A_770 : vector<32xbf16>
        %unpack3A = tpu.unpack_subelements %add3A_771, 0 {pack_format = #tpu.pack_format<interleaved>} : vector<32xbf16> -> vector<16xf32>
        %unpack3A_772 = tpu.unpack_subelements %add3A_771, 1 {pack_format = #tpu.pack_format<interleaved>} : vector<32xbf16> -> vector<16xf32>
        %mul3A_773 = arith.constant 32 : i32
        %mul3A_774 = arith.muli %add3A_749, %mul3A_773 : i32
        %swap3A = arith.constant 5 : i32
        %swap3A_775 = arith.index_cast %swap3A : i32 to index
        %swap3A_776 = arith.index_cast %mul3A_774 : i32 to index
        %swap3A_777 = tpu.vector_load %arg11[%swap3A_775, %swap3A_776] {strides = array<i32>} : memref<16x512xf32, #tpu.memory_space<vmem>>, vector<16xf32>,
        tpu.vector_store %arg11[%swap3A_775, %swap3A_776], %unpack3A {strides = array<i32>} : memref<16x512xf32, #tpu.memory_space<vmem>>, vector<16xf32>,
        %mul3A_778 = arith.constant 32 : i32
        %mul3A_779 = arith.muli %add3A_749, %mul3A_778 : i32
        %add3A_780 = arith.constant 16 : i32
        %add3A_781 = arith.addi %mul3A_779, %add3A_780 : i32
        %swap3A_782 = arith.constant 5 : i32
        %swap3A_783 = arith.index_cast %swap3A_782 : i32 to index
        %swap3A_784 = arith.index_cast %add3A_781 : i32 to index
        %swap3A_785 = tpu.vector_load %arg11[%swap3A_783, %swap3A_784] {strides = array<i32>} : memref<16x512xf32, #tpu.memory_space<vmem>>, vector<16xf32>,
        tpu.vector_store %arg11[%swap3A_783, %swap3A_784], %unpack3A_772 {strides = array<i32>} : memref<16x512xf32, #tpu.memory_space<vmem>>, vector<16xf32>,
      }
      %scan3A_185 = arith.constant 16 : i32
      %get3A_186 = arith.constant 6 : i32
      %get3A_187 = arith.index_cast %get3A_186 : i32 to index
      %get3A_188 = arith.constant 0 : index
      %get3A_189 = tpu.vector_load %arg9[%get3A_187, %get3A_188] {strides = array<i32>} : memref<16x48xi32, #tpu.memory_space<vmem>>, vector<16xi32>,
      %bitcast3A_190 = vector.bitcast %get3A_189 : vector<16xi32> to vector<32xbf16>
      %get3A_191 = arith.constant 6 : i32
      %get3A_192 = arith.index_cast %get3A_191 : i32 to index
      %get3A_193 = arith.constant 16 : index
      %get3A_194 = tpu.vector_load %arg9[%get3A_192, %get3A_193] {strides = array<i32>} : memref<16x48xi32, #tpu.memory_space<vmem>>, vector<16xi32>,
      %bitcast3A_195 = vector.bitcast %get3A_194 : vector<16xi32> to vector<32xbf16>
      %get3A_196 = arith.constant 6 : i32
      %get3A_197 = arith.index_cast %get3A_196 : i32 to index
      %get3A_198 = arith.constant 32 : index
      %get3A_199 = tpu.vector_load %arg9[%get3A_197, %get3A_198] {strides = array<i32>} : memref<16x48xi32, #tpu.memory_space<vmem>>, vector<16xi32>,
      %bitcast3A_200 = vector.bitcast %get3A_199 : vector<16xi32> to vector<32xbf16>
      %scan3A_201 = arith.constant 0 : i32
      %scan3A_202 = arith.constant 16 : i32
      %scan3A_203 = arith.addi %scan3A_201, %scan3A_202 : i32
      %scan3A_204 = arith.constant 1 : i32
      scf.for %scan3A_745 = %scan3A_201 to %scan3A_203 step %scan3A_204  : i32 {
        %mul3A_746 = arith.constant 1 : i32
        %mul3A_747 = arith.muli %scan3A_745, %mul3A_746 : i32
        %add3A_748 = arith.constant 0 : i32
        %add3A_749 = arith.addi %add3A_748, %mul3A_747 : i32
        %mul3A_750 = arith.constant 16 : i32
        %mul3A_751 = arith.muli %add3A_749, %mul3A_750 : i32
        %get3A_752 = arith.constant 18 : i32
        %get3A_753 = arith.index_cast %get3A_752 : i32 to index
        %get3A_754 = arith.index_cast %mul3A_751 : i32 to index
        %get3A_755 = tpu.vector_load %arg7[%get3A_753, %get3A_754] {strides = array<i32>} : memref<48x256xi32, #tpu.memory_space<vmem>>, vector<16xi32>,
        %bitcast3A_756 = vector.bitcast %get3A_755 : vector<16xi32> to vector<32xbf16>
        %get3A_757 = arith.constant 19 : i32
        %get3A_758 = arith.index_cast %get3A_757 : i32 to index
        %get3A_759 = arith.index_cast %mul3A_751 : i32 to index
        %get3A_760 = tpu.vector_load %arg7[%get3A_758, %get3A_759] {strides = array<i32>} : memref<48x256xi32, #tpu.memory_space<vmem>>, vector<16xi32>,
        %bitcast3A_761 = vector.bitcast %get3A_760 : vector<16xi32> to vector<32xbf16>
        %get3A_762 = arith.constant 20 : i32
        %get3A_763 = arith.index_cast %get3A_762 : i32 to index
        %get3A_764 = arith.index_cast %mul3A_751 : i32 to index
        %get3A_765 = tpu.vector_load %arg7[%get3A_763, %get3A_764] {strides = array<i32>} : memref<48x256xi32, #tpu.memory_space<vmem>>, vector<16xi32>,
        %bitcast3A_766 = vector.bitcast %get3A_765 : vector<16xi32> to vector<32xbf16>
        %mul3A_767 = arith.mulf %bitcast3A_756, %bitcast3A_190 : vector<32xbf16>
        %mul3A_768 = arith.mulf %bitcast3A_761, %bitcast3A_195 : vector<32xbf16>
        %add3A_769 = arith.addf %mul3A_767, %mul3A_768 : vector<32xbf16>
        %mul3A_770 = arith.mulf %bitcast3A_766, %bitcast3A_200 : vector<32xbf16>
        %add3A_771 = arith.addf %add3A_769, %mul3A_770 : vector<32xbf16>
        %unpack3A = tpu.unpack_subelements %add3A_771, 0 {pack_format = #tpu.pack_format<interleaved>} : vector<32xbf16> -> vector<16xf32>
        %unpack3A_772 = tpu.unpack_subelements %add3A_771, 1 {pack_format = #tpu.pack_format<interleaved>} : vector<32xbf16> -> vector<16xf32>
        %mul3A_773 = arith.constant 32 : i32
        %mul3A_774 = arith.muli %add3A_749, %mul3A_773 : i32
        %swap3A = arith.constant 6 : i32
        %swap3A_775 = arith.index_cast %swap3A : i32 to index
        %swap3A_776 = arith.index_cast %mul3A_774 : i32 to index
        %swap3A_777 = tpu.vector_load %arg11[%swap3A_775, %swap3A_776] {strides = array<i32>} : memref<16x512xf32, #tpu.memory_space<vmem>>, vector<16xf32>,
        tpu.vector_store %arg11[%swap3A_775, %swap3A_776], %unpack3A {strides = array<i32>} : memref<16x512xf32, #tpu.memory_space<vmem>>, vector<16xf32>,
        %mul3A_778 = arith.constant 32 : i32
        %mul3A_779 = arith.muli %add3A_749, %mul3A_778 : i32
        %add3A_780 = arith.constant 16 : i32
        %add3A_781 = arith.addi %mul3A_779, %add3A_780 : i32
        %swap3A_782 = arith.constant 6 : i32
        %swap3A_783 = arith.index_cast %swap3A_782 : i32 to index
        %swap3A_784 = arith.index_cast %add3A_781 : i32 to index
        %swap3A_785 = tpu.vector_load %arg11[%swap3A_783, %swap3A_784] {strides = array<i32>} : memref<16x512xf32, #tpu.memory_space<vmem>>, vector<16xf32>,
        tpu.vector_store %arg11[%swap3A_783, %swap3A_784], %unpack3A_772 {strides = array<i32>} : memref<16x512xf32, #tpu.memory_space<vmem>>, vector<16xf32>,
      }
      %scan3A_205 = arith.constant 16 : i32
      %get3A_206 = arith.constant 7 : i32
      %get3A_207 = arith.index_cast %get3A_206 : i32 to index
      %get3A_208 = arith.constant 0 : index
      %get3A_209 = tpu.vector_load %arg9[%get3A_207, %get3A_208] {strides = array<i32>} : memref<16x48xi32, #tpu.memory_space<vmem>>, vector<16xi32>,
      %bitcast3A_210 = vector.bitcast %get3A_209 : vector<16xi32> to vector<32xbf16>
      %get3A_211 = arith.constant 7 : i32
      %get3A_212 = arith.index_cast %get3A_211 : i32 to index
      %get3A_213 = arith.constant 16 : index
      %get3A_214 = tpu.vector_load %arg9[%get3A_212, %get3A_213] {strides = array<i32>} : memref<16x48xi32, #tpu.memory_space<vmem>>, vector<16xi32>,
      %bitcast3A_215 = vector.bitcast %get3A_214 : vector<16xi32> to vector<32xbf16>
      %get3A_216 = arith.constant 7 : i32
      %get3A_217 = arith.index_cast %get3A_216 : i32 to index
      %get3A_218 = arith.constant 32 : index
      %get3A_219 = tpu.vector_load %arg9[%get3A_217, %get3A_218] {strides = array<i32>} : memref<16x48xi32, #tpu.memory_space<vmem>>, vector<16xi32>,
      %bitcast3A_220 = vector.bitcast %get3A_219 : vector<16xi32> to vector<32xbf16>
      %scan3A_221 = arith.constant 0 : i32
      %scan3A_222 = arith.constant 16 : i32
      %scan3A_223 = arith.addi %scan3A_221, %scan3A_222 : i32
      %scan3A_224 = arith.constant 1 : i32
      scf.for %scan3A_745 = %scan3A_221 to %scan3A_223 step %scan3A_224  : i32 {
        %mul3A_746 = arith.constant 1 : i32
        %mul3A_747 = arith.muli %scan3A_745, %mul3A_746 : i32
        %add3A_748 = arith.constant 0 : i32
        %add3A_749 = arith.addi %add3A_748, %mul3A_747 : i32
        %mul3A_750 = arith.constant 16 : i32
        %mul3A_751 = arith.muli %add3A_749, %mul3A_750 : i32
        %get3A_752 = arith.constant 21 : i32
        %get3A_753 = arith.index_cast %get3A_752 : i32 to index
        %get3A_754 = arith.index_cast %mul3A_751 : i32 to index
        %get3A_755 = tpu.vector_load %arg7[%get3A_753, %get3A_754] {strides = array<i32>} : memref<48x256xi32, #tpu.memory_space<vmem>>, vector<16xi32>,
        %bitcast3A_756 = vector.bitcast %get3A_755 : vector<16xi32> to vector<32xbf16>
        %get3A_757 = arith.constant 22 : i32
        %get3A_758 = arith.index_cast %get3A_757 : i32 to index
        %get3A_759 = arith.index_cast %mul3A_751 : i32 to index
        %get3A_760 = tpu.vector_load %arg7[%get3A_758, %get3A_759] {strides = array<i32>} : memref<48x256xi32, #tpu.memory_space<vmem>>, vector<16xi32>,
        %bitcast3A_761 = vector.bitcast %get3A_760 : vector<16xi32> to vector<32xbf16>
        %get3A_762 = arith.constant 23 : i32
        %get3A_763 = arith.index_cast %get3A_762 : i32 to index
        %get3A_764 = arith.index_cast %mul3A_751 : i32 to index
        %get3A_765 = tpu.vector_load %arg7[%get3A_763, %get3A_764] {strides = array<i32>} : memref<48x256xi32, #tpu.memory_space<vmem>>, vector<16xi32>,
        %bitcast3A_766 = vector.bitcast %get3A_765 : vector<16xi32> to vector<32xbf16>
        %mul3A_767 = arith.mulf %bitcast3A_756, %bitcast3A_210 : vector<32xbf16>
        %mul3A_768 = arith.mulf %bitcast3A_761, %bitcast3A_215 : vector<32xbf16>
        %add3A_769 = arith.addf %mul3A_767, %mul3A_768 : vector<32xbf16>
        %mul3A_770 = arith.mulf %bitcast3A_766, %bitcast3A_220 : vector<32xbf16>
        %add3A_771 = arith.addf %add3A_769, %mul3A_770 : vector<32xbf16>
        %unpack3A = tpu.unpack_subelements %add3A_771, 0 {pack_format = #tpu.pack_format<interleaved>} : vector<32xbf16> -> vector<16xf32>
        %unpack3A_772 = tpu.unpack_subelements %add3A_771, 1 {pack_format = #tpu.pack_format<interleaved>} : vector<32xbf16> -> vector<16xf32>
        %mul3A_773 = arith.constant 32 : i32
        %mul3A_774 = arith.muli %add3A_749, %mul3A_773 : i32
        %swap3A = arith.constant 7 : i32
        %swap3A_775 = arith.index_cast %swap3A : i32 to index
        %swap3A_776 = arith.index_cast %mul3A_774 : i32 to index
        %swap3A_777 = tpu.vector_load %arg11[%swap3A_775, %swap3A_776] {strides = array<i32>} : memref<16x512xf32, #tpu.memory_space<vmem>>, vector<16xf32>,
        tpu.vector_store %arg11[%swap3A_775, %swap3A_776], %unpack3A {strides = array<i32>} : memref<16x512xf32, #tpu.memory_space<vmem>>, vector<16xf32>,
        %mul3A_778 = arith.constant 32 : i32
        %mul3A_779 = arith.muli %add3A_749, %mul3A_778 : i32
        %add3A_780 = arith.constant 16 : i32
        %add3A_781 = arith.addi %mul3A_779, %add3A_780 : i32
        %swap3A_782 = arith.constant 7 : i32
        %swap3A_783 = arith.index_cast %swap3A_782 : i32 to index
        %swap3A_784 = arith.index_cast %add3A_781 : i32 to index
        %swap3A_785 = tpu.vector_load %arg11[%swap3A_783, %swap3A_784] {strides = array<i32>} : memref<16x512xf32, #tpu.memory_space<vmem>>, vector<16xf32>,
        tpu.vector_store %arg11[%swap3A_783, %swap3A_784], %unpack3A_772 {strides = array<i32>} : memref<16x512xf32, #tpu.memory_space<vmem>>, vector<16xf32>,
      }
      %scan3A_225 = arith.constant 16 : i32
      %get3A_226 = arith.constant 8 : i32
      %get3A_227 = arith.index_cast %get3A_226 : i32 to index
      %get3A_228 = arith.constant 0 : index
      %get3A_229 = tpu.vector_load %arg9[%get3A_227, %get3A_228] {strides = array<i32>} : memref<16x48xi32, #tpu.memory_space<vmem>>, vector<16xi32>,
      %bitcast3A_230 = vector.bitcast %get3A_229 : vector<16xi32> to vector<32xbf16>
      %get3A_231 = arith.constant 8 : i32
      %get3A_232 = arith.index_cast %get3A_231 : i32 to index
      %get3A_233 = arith.constant 16 : index
      %get3A_234 = tpu.vector_load %arg9[%get3A_232, %get3A_233] {strides = array<i32>} : memref<16x48xi32, #tpu.memory_space<vmem>>, vector<16xi32>,
      %bitcast3A_235 = vector.bitcast %get3A_234 : vector<16xi32> to vector<32xbf16>
      %get3A_236 = arith.constant 8 : i32
      %get3A_237 = arith.index_cast %get3A_236 : i32 to index
      %get3A_238 = arith.constant 32 : index
      %get3A_239 = tpu.vector_load %arg9[%get3A_237, %get3A_238] {strides = array<i32>} : memref<16x48xi32, #tpu.memory_space<vmem>>, vector<16xi32>,
      %bitcast3A_240 = vector.bitcast %get3A_239 : vector<16xi32> to vector<32xbf16>
      %scan3A_241 = arith.constant 0 : i32
      %scan3A_242 = arith.constant 16 : i32
      %scan3A_243 = arith.addi %scan3A_241, %scan3A_242 : i32
      %scan3A_244 = arith.constant 1 : i32
      scf.for %scan3A_745 = %scan3A_241 to %scan3A_243 step %scan3A_244  : i32 {
        %mul3A_746 = arith.constant 1 : i32
        %mul3A_747 = arith.muli %scan3A_745, %mul3A_746 : i32
        %add3A_748 = arith.constant 0 : i32
        %add3A_749 = arith.addi %add3A_748, %mul3A_747 : i32
        %mul3A_750 = arith.constant 16 : i32
        %mul3A_751 = arith.muli %add3A_749, %mul3A_750 : i32
        %get3A_752 = arith.constant 24 : i32
        %get3A_753 = arith.index_cast %get3A_752 : i32 to index
        %get3A_754 = arith.index_cast %mul3A_751 : i32 to index
        %get3A_755 = tpu.vector_load %arg7[%get3A_753, %get3A_754] {strides = array<i32>} : memref<48x256xi32, #tpu.memory_space<vmem>>, vector<16xi32>,
        %bitcast3A_756 = vector.bitcast %get3A_755 : vector<16xi32> to vector<32xbf16>
        %get3A_757 = arith.constant 25 : i32
        %get3A_758 = arith.index_cast %get3A_757 : i32 to index
        %get3A_759 = arith.index_cast %mul3A_751 : i32 to index
        %get3A_760 = tpu.vector_load %arg7[%get3A_758, %get3A_759] {strides = array<i32>} : memref<48x256xi32, #tpu.memory_space<vmem>>, vector<16xi32>,
        %bitcast3A_761 = vector.bitcast %get3A_760 : vector<16xi32> to vector<32xbf16>
        %get3A_762 = arith.constant 26 : i32
        %get3A_763 = arith.index_cast %get3A_762 : i32 to index
        %get3A_764 = arith.index_cast %mul3A_751 : i32 to index
        %get3A_765 = tpu.vector_load %arg7[%get3A_763, %get3A_764] {strides = array<i32>} : memref<48x256xi32, #tpu.memory_space<vmem>>, vector<16xi32>,
        %bitcast3A_766 = vector.bitcast %get3A_765 : vector<16xi32> to vector<32xbf16>
        %mul3A_767 = arith.mulf %bitcast3A_756, %bitcast3A_230 : vector<32xbf16>
        %mul3A_768 = arith.mulf %bitcast3A_761, %bitcast3A_235 : vector<32xbf16>
        %add3A_769 = arith.addf %mul3A_767, %mul3A_768 : vector<32xbf16>
        %mul3A_770 = arith.mulf %bitcast3A_766, %bitcast3A_240 : vector<32xbf16>
        %add3A_771 = arith.addf %add3A_769, %mul3A_770 : vector<32xbf16>
        %unpack3A = tpu.unpack_subelements %add3A_771, 0 {pack_format = #tpu.pack_format<interleaved>} : vector<32xbf16> -> vector<16xf32>
        %unpack3A_772 = tpu.unpack_subelements %add3A_771, 1 {pack_format = #tpu.pack_format<interleaved>} : vector<32xbf16> -> vector<16xf32>
        %mul3A_773 = arith.constant 32 : i32
        %mul3A_774 = arith.muli %add3A_749, %mul3A_773 : i32
        %swap3A = arith.constant 8 : i32
        %swap3A_775 = arith.index_cast %swap3A : i32 to index
        %swap3A_776 = arith.index_cast %mul3A_774 : i32 to index
        %swap3A_777 = tpu.vector_load %arg11[%swap3A_775, %swap3A_776] {strides = array<i32>} : memref<16x512xf32, #tpu.memory_space<vmem>>, vector<16xf32>,
        tpu.vector_store %arg11[%swap3A_775, %swap3A_776], %unpack3A {strides = array<i32>} : memref<16x512xf32, #tpu.memory_space<vmem>>, vector<16xf32>,
        %mul3A_778 = arith.constant 32 : i32
        %mul3A_779 = arith.muli %add3A_749, %mul3A_778 : i32
        %add3A_780 = arith.constant 16 : i32
        %add3A_781 = arith.addi %mul3A_779, %add3A_780 : i32
        %swap3A_782 = arith.constant 8 : i32
        %swap3A_783 = arith.index_cast %swap3A_782 : i32 to index
        %swap3A_784 = arith.index_cast %add3A_781 : i32 to index
        %swap3A_785 = tpu.vector_load %arg11[%swap3A_783, %swap3A_784] {strides = array<i32>} : memref<16x512xf32, #tpu.memory_space<vmem>>, vector<16xf32>,
        tpu.vector_store %arg11[%swap3A_783, %swap3A_784], %unpack3A_772 {strides = array<i32>} : memref<16x512xf32, #tpu.memory_space<vmem>>, vector<16xf32>,
      }
      %scan3A_245 = arith.constant 16 : i32
      %get3A_246 = arith.constant 9 : i32
      %get3A_247 = arith.index_cast %get3A_246 : i32 to index
      %get3A_248 = arith.constant 0 : index
      %get3A_249 = tpu.vector_load %arg9[%get3A_247, %get3A_248] {strides = array<i32>} : memref<16x48xi32, #tpu.memory_space<vmem>>, vector<16xi32>,
      %bitcast3A_250 = vector.bitcast %get3A_249 : vector<16xi32> to vector<32xbf16>
      %get3A_251 = arith.constant 9 : i32
      %get3A_252 = arith.index_cast %get3A_251 : i32 to index
      %get3A_253 = arith.constant 16 : index
      %get3A_254 = tpu.vector_load %arg9[%get3A_252, %get3A_253] {strides = array<i32>} : memref<16x48xi32, #tpu.memory_space<vmem>>, vector<16xi32>,
      %bitcast3A_255 = vector.bitcast %get3A_254 : vector<16xi32> to vector<32xbf16>
      %get3A_256 = arith.constant 9 : i32
      %get3A_257 = arith.index_cast %get3A_256 : i32 to index
      %get3A_258 = arith.constant 32 : index
      %get3A_259 = tpu.vector_load %arg9[%get3A_257, %get3A_258] {strides = array<i32>} : memref<16x48xi32, #tpu.memory_space<vmem>>, vector<16xi32>,
      %bitcast3A_260 = vector.bitcast %get3A_259 : vector<16xi32> to vector<32xbf16>
      %scan3A_261 = arith.constant 0 : i32
      %scan3A_262 = arith.constant 16 : i32
      %scan3A_263 = arith.addi %scan3A_261, %scan3A_262 : i32
      %scan3A_264 = arith.constant 1 : i32
      scf.for %scan3A_745 = %scan3A_261 to %scan3A_263 step %scan3A_264  : i32 {
        %mul3A_746 = arith.constant 1 : i32
        %mul3A_747 = arith.muli %scan3A_745, %mul3A_746 : i32
        %add3A_748 = arith.constant 0 : i32
        %add3A_749 = arith.addi %add3A_748, %mul3A_747 : i32
        %mul3A_750 = arith.constant 16 : i32
        %mul3A_751 = arith.muli %add3A_749, %mul3A_750 : i32
        %get3A_752 = arith.constant 27 : i32
        %get3A_753 = arith.index_cast %get3A_752 : i32 to index
        %get3A_754 = arith.index_cast %mul3A_751 : i32 to index
        %get3A_755 = tpu.vector_load %arg7[%get3A_753, %get3A_754] {strides = array<i32>} : memref<48x256xi32, #tpu.memory_space<vmem>>, vector<16xi32>,
        %bitcast3A_756 = vector.bitcast %get3A_755 : vector<16xi32> to vector<32xbf16>
        %get3A_757 = arith.constant 28 : i32
        %get3A_758 = arith.index_cast %get3A_757 : i32 to index
        %get3A_759 = arith.index_cast %mul3A_751 : i32 to index
        %get3A_760 = tpu.vector_load %arg7[%get3A_758, %get3A_759] {strides = array<i32>} : memref<48x256xi32, #tpu.memory_space<vmem>>, vector<16xi32>,
        %bitcast3A_761 = vector.bitcast %get3A_760 : vector<16xi32> to vector<32xbf16>
        %get3A_762 = arith.constant 29 : i32
        %get3A_763 = arith.index_cast %get3A_762 : i32 to index
        %get3A_764 = arith.index_cast %mul3A_751 : i32 to index
        %get3A_765 = tpu.vector_load %arg7[%get3A_763, %get3A_764] {strides = array<i32>} : memref<48x256xi32, #tpu.memory_space<vmem>>, vector<16xi32>,
        %bitcast3A_766 = vector.bitcast %get3A_765 : vector<16xi32> to vector<32xbf16>
        %mul3A_767 = arith.mulf %bitcast3A_756, %bitcast3A_250 : vector<32xbf16>
        %mul3A_768 = arith.mulf %bitcast3A_761, %bitcast3A_255 : vector<32xbf16>
        %add3A_769 = arith.addf %mul3A_767, %mul3A_768 : vector<32xbf16>
        %mul3A_770 = arith.mulf %bitcast3A_766, %bitcast3A_260 : vector<32xbf16>
        %add3A_771 = arith.addf %add3A_769, %mul3A_770 : vector<32xbf16>
        %unpack3A = tpu.unpack_subelements %add3A_771, 0 {pack_format = #tpu.pack_format<interleaved>} : vector<32xbf16> -> vector<16xf32>
        %unpack3A_772 = tpu.unpack_subelements %add3A_771, 1 {pack_format = #tpu.pack_format<interleaved>} : vector<32xbf16> -> vector<16xf32>
        %mul3A_773 = arith.constant 32 : i32
        %mul3A_774 = arith.muli %add3A_749, %mul3A_773 : i32
        %swap3A = arith.constant 9 : i32
        %swap3A_775 = arith.index_cast %swap3A : i32 to index
        %swap3A_776 = arith.index_cast %mul3A_774 : i32 to index
        %swap3A_777 = tpu.vector_load %arg11[%swap3A_775, %swap3A_776] {strides = array<i32>} : memref<16x512xf32, #tpu.memory_space<vmem>>, vector<16xf32>,
        tpu.vector_store %arg11[%swap3A_775, %swap3A_776], %unpack3A {strides = array<i32>} : memref<16x512xf32, #tpu.memory_space<vmem>>, vector<16xf32>,
        %mul3A_778 = arith.constant 32 : i32
        %mul3A_779 = arith.muli %add3A_749, %mul3A_778 : i32
        %add3A_780 = arith.constant 16 : i32
        %add3A_781 = arith.addi %mul3A_779, %add3A_780 : i32
        %swap3A_782 = arith.constant 9 : i32
        %swap3A_783 = arith.index_cast %swap3A_782 : i32 to index
        %swap3A_784 = arith.index_cast %add3A_781 : i32 to index
        %swap3A_785 = tpu.vector_load %arg11[%swap3A_783, %swap3A_784] {strides = array<i32>} : memref<16x512xf32, #tpu.memory_space<vmem>>, vector<16xf32>,
        tpu.vector_store %arg11[%swap3A_783, %swap3A_784], %unpack3A_772 {strides = array<i32>} : memref<16x512xf32, #tpu.memory_space<vmem>>, vector<16xf32>,
      }
      %scan3A_265 = arith.constant 16 : i32
      %get3A_266 = arith.constant 10 : i32
      %get3A_267 = arith.index_cast %get3A_266 : i32 to index
      %get3A_268 = arith.constant 0 : index
      %get3A_269 = tpu.vector_load %arg9[%get3A_267, %get3A_268] {strides = array<i32>} : memref<16x48xi32, #tpu.memory_space<vmem>>, vector<16xi32>,
      %bitcast3A_270 = vector.bitcast %get3A_269 : vector<16xi32> to vector<32xbf16>
      %get3A_271 = arith.constant 10 : i32
      %get3A_272 = arith.index_cast %get3A_271 : i32 to index
      %get3A_273 = arith.constant 16 : index
      %get3A_274 = tpu.vector_load %arg9[%get3A_272, %get3A_273] {strides = array<i32>} : memref<16x48xi32, #tpu.memory_space<vmem>>, vector<16xi32>,
      %bitcast3A_275 = vector.bitcast %get3A_274 : vector<16xi32> to vector<32xbf16>
      %get3A_276 = arith.constant 10 : i32
      %get3A_277 = arith.index_cast %get3A_276 : i32 to index
      %get3A_278 = arith.constant 32 : index
      %get3A_279 = tpu.vector_load %arg9[%get3A_277, %get3A_278] {strides = array<i32>} : memref<16x48xi32, #tpu.memory_space<vmem>>, vector<16xi32>,
      %bitcast3A_280 = vector.bitcast %get3A_279 : vector<16xi32> to vector<32xbf16>
      %scan3A_281 = arith.constant 0 : i32
      %scan3A_282 = arith.constant 16 : i32
      %scan3A_283 = arith.addi %scan3A_281, %scan3A_282 : i32
      %scan3A_284 = arith.constant 1 : i32
      scf.for %scan3A_745 = %scan3A_281 to %scan3A_283 step %scan3A_284  : i32 {
        %mul3A_746 = arith.constant 1 : i32
        %mul3A_747 = arith.muli %scan3A_745, %mul3A_746 : i32
        %add3A_748 = arith.constant 0 : i32
        %add3A_749 = arith.addi %add3A_748, %mul3A_747 : i32
        %mul3A_750 = arith.constant 16 : i32
        %mul3A_751 = arith.muli %add3A_749, %mul3A_750 : i32
        %get3A_752 = arith.constant 30 : i32
        %get3A_753 = arith.index_cast %get3A_752 : i32 to index
        %get3A_754 = arith.index_cast %mul3A_751 : i32 to index
        %get3A_755 = tpu.vector_load %arg7[%get3A_753, %get3A_754] {strides = array<i32>} : memref<48x256xi32, #tpu.memory_space<vmem>>, vector<16xi32>,
        %bitcast3A_756 = vector.bitcast %get3A_755 : vector<16xi32> to vector<32xbf16>
        %get3A_757 = arith.constant 31 : i32
        %get3A_758 = arith.index_cast %get3A_757 : i32 to index
        %get3A_759 = arith.index_cast %mul3A_751 : i32 to index
        %get3A_760 = tpu.vector_load %arg7[%get3A_758, %get3A_759] {strides = array<i32>} : memref<48x256xi32, #tpu.memory_space<vmem>>, vector<16xi32>,
        %bitcast3A_761 = vector.bitcast %get3A_760 : vector<16xi32> to vector<32xbf16>
        %get3A_762 = arith.constant 32 : i32
        %get3A_763 = arith.index_cast %get3A_762 : i32 to index
        %get3A_764 = arith.index_cast %mul3A_751 : i32 to index
        %get3A_765 = tpu.vector_load %arg7[%get3A_763, %get3A_764] {strides = array<i32>} : memref<48x256xi32, #tpu.memory_space<vmem>>, vector<16xi32>,
        %bitcast3A_766 = vector.bitcast %get3A_765 : vector<16xi32> to vector<32xbf16>
        %mul3A_767 = arith.mulf %bitcast3A_756, %bitcast3A_270 : vector<32xbf16>
        %mul3A_768 = arith.mulf %bitcast3A_761, %bitcast3A_275 : vector<32xbf16>
        %add3A_769 = arith.addf %mul3A_767, %mul3A_768 : vector<32xbf16>
        %mul3A_770 = arith.mulf %bitcast3A_766, %bitcast3A_280 : vector<32xbf16>
        %add3A_771 = arith.addf %add3A_769, %mul3A_770 : vector<32xbf16>
        %unpack3A = tpu.unpack_subelements %add3A_771, 0 {pack_format = #tpu.pack_format<interleaved>} : vector<32xbf16> -> vector<16xf32>
        %unpack3A_772 = tpu.unpack_subelements %add3A_771, 1 {pack_format = #tpu.pack_format<interleaved>} : vector<32xbf16> -> vector<16xf32>
        %mul3A_773 = arith.constant 32 : i32
        %mul3A_774 = arith.muli %add3A_749, %mul3A_773 : i32
        %swap3A = arith.constant 10 : i32
        %swap3A_775 = arith.index_cast %swap3A : i32 to index
        %swap3A_776 = arith.index_cast %mul3A_774 : i32 to index
        %swap3A_777 = tpu.vector_load %arg11[%swap3A_775, %swap3A_776] {strides = array<i32>} : memref<16x512xf32, #tpu.memory_space<vmem>>, vector<16xf32>,
        tpu.vector_store %arg11[%swap3A_775, %swap3A_776], %unpack3A {strides = array<i32>} : memref<16x512xf32, #tpu.memory_space<vmem>>, vector<16xf32>,
        %mul3A_778 = arith.constant 32 : i32
        %mul3A_779 = arith.muli %add3A_749, %mul3A_778 : i32
        %add3A_780 = arith.constant 16 : i32
        %add3A_781 = arith.addi %mul3A_779, %add3A_780 : i32
        %swap3A_782 = arith.constant 10 : i32
        %swap3A_783 = arith.index_cast %swap3A_782 : i32 to index
        %swap3A_784 = arith.index_cast %add3A_781 : i32 to index
        %swap3A_785 = tpu.vector_load %arg11[%swap3A_783, %swap3A_784] {strides = array<i32>} : memref<16x512xf32, #tpu.memory_space<vmem>>, vector<16xf32>,
        tpu.vector_store %arg11[%swap3A_783, %swap3A_784], %unpack3A_772 {strides = array<i32>} : memref<16x512xf32, #tpu.memory_space<vmem>>, vector<16xf32>,
      }
      %scan3A_285 = arith.constant 16 : i32
      %get3A_286 = arith.constant 11 : i32
      %get3A_287 = arith.index_cast %get3A_286 : i32 to index
      %get3A_288 = arith.constant 0 : index
      %get3A_289 = tpu.vector_load %arg9[%get3A_287, %get3A_288] {strides = array<i32>} : memref<16x48xi32, #tpu.memory_space<vmem>>, vector<16xi32>,
      %bitcast3A_290 = vector.bitcast %get3A_289 : vector<16xi32> to vector<32xbf16>
      %get3A_291 = arith.constant 11 : i32
      %get3A_292 = arith.index_cast %get3A_291 : i32 to index
      %get3A_293 = arith.constant 16 : index
      %get3A_294 = tpu.vector_load %arg9[%get3A_292, %get3A_293] {strides = array<i32>} : memref<16x48xi32, #tpu.memory_space<vmem>>, vector<16xi32>,
      %bitcast3A_295 = vector.bitcast %get3A_294 : vector<16xi32> to vector<32xbf16>
      %get3A_296 = arith.constant 11 : i32
      %get3A_297 = arith.index_cast %get3A_296 : i32 to index
      %get3A_298 = arith.constant 32 : index
      %get3A_299 = tpu.vector_load %arg9[%get3A_297, %get3A_298] {strides = array<i32>} : memref<16x48xi32, #tpu.memory_space<vmem>>, vector<16xi32>,
      %bitcast3A_300 = vector.bitcast %get3A_299 : vector<16xi32> to vector<32xbf16>
      %scan3A_301 = arith.constant 0 : i32
      %scan3A_302 = arith.constant 16 : i32
      %scan3A_303 = arith.addi %scan3A_301, %scan3A_302 : i32
      %scan3A_304 = arith.constant 1 : i32
      scf.for %scan3A_745 = %scan3A_301 to %scan3A_303 step %scan3A_304  : i32 {
        %mul3A_746 = arith.constant 1 : i32
        %mul3A_747 = arith.muli %scan3A_745, %mul3A_746 : i32
        %add3A_748 = arith.constant 0 : i32
        %add3A_749 = arith.addi %add3A_748, %mul3A_747 : i32
        %mul3A_750 = arith.constant 16 : i32
        %mul3A_751 = arith.muli %add3A_749, %mul3A_750 : i32
        %get3A_752 = arith.constant 33 : i32
        %get3A_753 = arith.index_cast %get3A_752 : i32 to index
        %get3A_754 = arith.index_cast %mul3A_751 : i32 to index
        %get3A_755 = tpu.vector_load %arg7[%get3A_753, %get3A_754] {strides = array<i32>} : memref<48x256xi32, #tpu.memory_space<vmem>>, vector<16xi32>,
        %bitcast3A_756 = vector.bitcast %get3A_755 : vector<16xi32> to vector<32xbf16>
        %get3A_757 = arith.constant 34 : i32
        %get3A_758 = arith.index_cast %get3A_757 : i32 to index
        %get3A_759 = arith.index_cast %mul3A_751 : i32 to index
        %get3A_760 = tpu.vector_load %arg7[%get3A_758, %get3A_759] {strides = array<i32>} : memref<48x256xi32, #tpu.memory_space<vmem>>, vector<16xi32>,
        %bitcast3A_761 = vector.bitcast %get3A_760 : vector<16xi32> to vector<32xbf16>
        %get3A_762 = arith.constant 35 : i32
        %get3A_763 = arith.index_cast %get3A_762 : i32 to index
        %get3A_764 = arith.index_cast %mul3A_751 : i32 to index
        %get3A_765 = tpu.vector_load %arg7[%get3A_763, %get3A_764] {strides = array<i32>} : memref<48x256xi32, #tpu.memory_space<vmem>>, vector<16xi32>,
        %bitcast3A_766 = vector.bitcast %get3A_765 : vector<16xi32> to vector<32xbf16>
        %mul3A_767 = arith.mulf %bitcast3A_756, %bitcast3A_290 : vector<32xbf16>
        %mul3A_768 = arith.mulf %bitcast3A_761, %bitcast3A_295 : vector<32xbf16>
        %add3A_769 = arith.addf %mul3A_767, %mul3A_768 : vector<32xbf16>
        %mul3A_770 = arith.mulf %bitcast3A_766, %bitcast3A_300 : vector<32xbf16>
        %add3A_771 = arith.addf %add3A_769, %mul3A_770 : vector<32xbf16>
        %unpack3A = tpu.unpack_subelements %add3A_771, 0 {pack_format = #tpu.pack_format<interleaved>} : vector<32xbf16> -> vector<16xf32>
        %unpack3A_772 = tpu.unpack_subelements %add3A_771, 1 {pack_format = #tpu.pack_format<interleaved>} : vector<32xbf16> -> vector<16xf32>
        %mul3A_773 = arith.constant 32 : i32
        %mul3A_774 = arith.muli %add3A_749, %mul3A_773 : i32
        %swap3A = arith.constant 11 : i32
        %swap3A_775 = arith.index_cast %swap3A : i32 to index
        %swap3A_776 = arith.index_cast %mul3A_774 : i32 to index
        %swap3A_777 = tpu.vector_load %arg11[%swap3A_775, %swap3A_776] {strides = array<i32>} : memref<16x512xf32, #tpu.memory_space<vmem>>, vector<16xf32>,
        tpu.vector_store %arg11[%swap3A_775, %swap3A_776], %unpack3A {strides = array<i32>} : memref<16x512xf32, #tpu.memory_space<vmem>>, vector<16xf32>,
        %mul3A_778 = arith.constant 32 : i32
        %mul3A_779 = arith.muli %add3A_749, %mul3A_778 : i32
        %add3A_780 = arith.constant 16 : i32
        %add3A_781 = arith.addi %mul3A_779, %add3A_780 : i32
        %swap3A_782 = arith.constant 11 : i32
        %swap3A_783 = arith.index_cast %swap3A_782 : i32 to index
        %swap3A_784 = arith.index_cast %add3A_781 : i32 to index
        %swap3A_785 = tpu.vector_load %arg11[%swap3A_783, %swap3A_784] {strides = array<i32>} : memref<16x512xf32, #tpu.memory_space<vmem>>, vector<16xf32>,
        tpu.vector_store %arg11[%swap3A_783, %swap3A_784], %unpack3A_772 {strides = array<i32>} : memref<16x512xf32, #tpu.memory_space<vmem>>, vector<16xf32>,
      }
      %scan3A_305 = arith.constant 16 : i32
      %get3A_306 = arith.constant 12 : i32
      %get3A_307 = arith.index_cast %get3A_306 : i32 to index
      %get3A_308 = arith.constant 0 : index
      %get3A_309 = tpu.vector_load %arg9[%get3A_307, %get3A_308] {strides = array<i32>} : memref<16x48xi32, #tpu.memory_space<vmem>>, vector<16xi32>,
      %bitcast3A_310 = vector.bitcast %get3A_309 : vector<16xi32> to vector<32xbf16>
      %get3A_311 = arith.constant 12 : i32
      %get3A_312 = arith.index_cast %get3A_311 : i32 to index
      %get3A_313 = arith.constant 16 : index
      %get3A_314 = tpu.vector_load %arg9[%get3A_312, %get3A_313] {strides = array<i32>} : memref<16x48xi32, #tpu.memory_space<vmem>>, vector<16xi32>,
      %bitcast3A_315 = vector.bitcast %get3A_314 : vector<16xi32> to vector<32xbf16>
      %get3A_316 = arith.constant 12 : i32
      %get3A_317 = arith.index_cast %get3A_316 : i32 to index
      %get3A_318 = arith.constant 32 : index
      %get3A_319 = tpu.vector_load %arg9[%get3A_317, %get3A_318] {strides = array<i32>} : memref<16x48xi32, #tpu.memory_space<vmem>>, vector<16xi32>,
      %bitcast3A_320 = vector.bitcast %get3A_319 : vector<16xi32> to vector<32xbf16>
      %scan3A_321 = arith.constant 0 : i32
      %scan3A_322 = arith.constant 16 : i32
      %scan3A_323 = arith.addi %scan3A_321, %scan3A_322 : i32
      %scan3A_324 = arith.constant 1 : i32
      scf.for %scan3A_745 = %scan3A_321 to %scan3A_323 step %scan3A_324  : i32 {
        %mul3A_746 = arith.constant 1 : i32
        %mul3A_747 = arith.muli %scan3A_745, %mul3A_746 : i32
        %add3A_748 = arith.constant 0 : i32
        %add3A_749 = arith.addi %add3A_748, %mul3A_747 : i32
        %mul3A_750 = arith.constant 16 : i32
        %mul3A_751 = arith.muli %add3A_749, %mul3A_750 : i32
        %get3A_752 = arith.constant 36 : i32
        %get3A_753 = arith.index_cast %get3A_752 : i32 to index
        %get3A_754 = arith.index_cast %mul3A_751 : i32 to index
        %get3A_755 = tpu.vector_load %arg7[%get3A_753, %get3A_754] {strides = array<i32>} : memref<48x256xi32, #tpu.memory_space<vmem>>, vector<16xi32>,
        %bitcast3A_756 = vector.bitcast %get3A_755 : vector<16xi32> to vector<32xbf16>
        %get3A_757 = arith.constant 37 : i32
        %get3A_758 = arith.index_cast %get3A_757 : i32 to index
        %get3A_759 = arith.index_cast %mul3A_751 : i32 to index
        %get3A_760 = tpu.vector_load %arg7[%get3A_758, %get3A_759] {strides = array<i32>} : memref<48x256xi32, #tpu.memory_space<vmem>>, vector<16xi32>,
        %bitcast3A_761 = vector.bitcast %get3A_760 : vector<16xi32> to vector<32xbf16>
        %get3A_762 = arith.constant 38 : i32
        %get3A_763 = arith.index_cast %get3A_762 : i32 to index
        %get3A_764 = arith.index_cast %mul3A_751 : i32 to index
        %get3A_765 = tpu.vector_load %arg7[%get3A_763, %get3A_764] {strides = array<i32>} : memref<48x256xi32, #tpu.memory_space<vmem>>, vector<16xi32>,
        %bitcast3A_766 = vector.bitcast %get3A_765 : vector<16xi32> to vector<32xbf16>
        %mul3A_767 = arith.mulf %bitcast3A_756, %bitcast3A_310 : vector<32xbf16>
        %mul3A_768 = arith.mulf %bitcast3A_761, %bitcast3A_315 : vector<32xbf16>
        %add3A_769 = arith.addf %mul3A_767, %mul3A_768 : vector<32xbf16>
        %mul3A_770 = arith.mulf %bitcast3A_766, %bitcast3A_320 : vector<32xbf16>
        %add3A_771 = arith.addf %add3A_769, %mul3A_770 : vector<32xbf16>
        %unpack3A = tpu.unpack_subelements %add3A_771, 0 {pack_format = #tpu.pack_format<interleaved>} : vector<32xbf16> -> vector<16xf32>
        %unpack3A_772 = tpu.unpack_subelements %add3A_771, 1 {pack_format = #tpu.pack_format<interleaved>} : vector<32xbf16> -> vector<16xf32>
        %mul3A_773 = arith.constant 32 : i32
        %mul3A_774 = arith.muli %add3A_749, %mul3A_773 : i32
        %swap3A = arith.constant 12 : i32
        %swap3A_775 = arith.index_cast %swap3A : i32 to index
        %swap3A_776 = arith.index_cast %mul3A_774 : i32 to index
        %swap3A_777 = tpu.vector_load %arg11[%swap3A_775, %swap3A_776] {strides = array<i32>} : memref<16x512xf32, #tpu.memory_space<vmem>>, vector<16xf32>,
        tpu.vector_store %arg11[%swap3A_775, %swap3A_776], %unpack3A {strides = array<i32>} : memref<16x512xf32, #tpu.memory_space<vmem>>, vector<16xf32>,
        %mul3A_778 = arith.constant 32 : i32
        %mul3A_779 = arith.muli %add3A_749, %mul3A_778 : i32
        %add3A_780 = arith.constant 16 : i32
        %add3A_781 = arith.addi %mul3A_779, %add3A_780 : i32
        %swap3A_782 = arith.constant 12 : i32
        %swap3A_783 = arith.index_cast %swap3A_782 : i32 to index
        %swap3A_784 = arith.index_cast %add3A_781 : i32 to index
        %swap3A_785 = tpu.vector_load %arg11[%swap3A_783, %swap3A_784] {strides = array<i32>} : memref<16x512xf32, #tpu.memory_space<vmem>>, vector<16xf32>,
        tpu.vector_store %arg11[%swap3A_783, %swap3A_784], %unpack3A_772 {strides = array<i32>} : memref<16x512xf32, #tpu.memory_space<vmem>>, vector<16xf32>,
      }
      %scan3A_325 = arith.constant 16 : i32
      %get3A_326 = arith.constant 13 : i32
      %get3A_327 = arith.index_cast %get3A_326 : i32 to index
      %get3A_328 = arith.constant 0 : index
      %get3A_329 = tpu.vector_load %arg9[%get3A_327, %get3A_328] {strides = array<i32>} : memref<16x48xi32, #tpu.memory_space<vmem>>, vector<16xi32>,
      %bitcast3A_330 = vector.bitcast %get3A_329 : vector<16xi32> to vector<32xbf16>
      %get3A_331 = arith.constant 13 : i32
      %get3A_332 = arith.index_cast %get3A_331 : i32 to index
      %get3A_333 = arith.constant 16 : index
      %get3A_334 = tpu.vector_load %arg9[%get3A_332, %get3A_333] {strides = array<i32>} : memref<16x48xi32, #tpu.memory_space<vmem>>, vector<16xi32>,
      %bitcast3A_335 = vector.bitcast %get3A_334 : vector<16xi32> to vector<32xbf16>
      %get3A_336 = arith.constant 13 : i32
      %get3A_337 = arith.index_cast %get3A_336 : i32 to index
      %get3A_338 = arith.constant 32 : index
      %get3A_339 = tpu.vector_load %arg9[%get3A_337, %get3A_338] {strides = array<i32>} : memref<16x48xi32, #tpu.memory_space<vmem>>, vector<16xi32>,
      %bitcast3A_340 = vector.bitcast %get3A_339 : vector<16xi32> to vector<32xbf16>
      %scan3A_341 = arith.constant 0 : i32
      %scan3A_342 = arith.constant 16 : i32
      %scan3A_343 = arith.addi %scan3A_341, %scan3A_342 : i32
      %scan3A_344 = arith.constant 1 : i32
      scf.for %scan3A_745 = %scan3A_341 to %scan3A_343 step %scan3A_344  : i32 {
        %mul3A_746 = arith.constant 1 : i32
        %mul3A_747 = arith.muli %scan3A_745, %mul3A_746 : i32
        %add3A_748 = arith.constant 0 : i32
        %add3A_749 = arith.addi %add3A_748, %mul3A_747 : i32
        %mul3A_750 = arith.constant 16 : i32
        %mul3A_751 = arith.muli %add3A_749, %mul3A_750 : i32
        %get3A_752 = arith.constant 39 : i32
        %get3A_753 = arith.index_cast %get3A_752 : i32 to index
        %get3A_754 = arith.index_cast %mul3A_751 : i32 to index
        %get3A_755 = tpu.vector_load %arg7[%get3A_753, %get3A_754] {strides = array<i32>} : memref<48x256xi32, #tpu.memory_space<vmem>>, vector<16xi32>,
        %bitcast3A_756 = vector.bitcast %get3A_755 : vector<16xi32> to vector<32xbf16>
        %get3A_757 = arith.constant 40 : i32
        %get3A_758 = arith.index_cast %get3A_757 : i32 to index
        %get3A_759 = arith.index_cast %mul3A_751 : i32 to index
        %get3A_760 = tpu.vector_load %arg7[%get3A_758, %get3A_759] {strides = array<i32>} : memref<48x256xi32, #tpu.memory_space<vmem>>, vector<16xi32>,
        %bitcast3A_761 = vector.bitcast %get3A_760 : vector<16xi32> to vector<32xbf16>
        %get3A_762 = arith.constant 41 : i32
        %get3A_763 = arith.index_cast %get3A_762 : i32 to index
        %get3A_764 = arith.index_cast %mul3A_751 : i32 to index
        %get3A_765 = tpu.vector_load %arg7[%get3A_763, %get3A_764] {strides = array<i32>} : memref<48x256xi32, #tpu.memory_space<vmem>>, vector<16xi32>,
        %bitcast3A_766 = vector.bitcast %get3A_765 : vector<16xi32> to vector<32xbf16>
        %mul3A_767 = arith.mulf %bitcast3A_756, %bitcast3A_330 : vector<32xbf16>
        %mul3A_768 = arith.mulf %bitcast3A_761, %bitcast3A_335 : vector<32xbf16>
        %add3A_769 = arith.addf %mul3A_767, %mul3A_768 : vector<32xbf16>
        %mul3A_770 = arith.mulf %bitcast3A_766, %bitcast3A_340 : vector<32xbf16>
        %add3A_771 = arith.addf %add3A_769, %mul3A_770 : vector<32xbf16>
        %unpack3A = tpu.unpack_subelements %add3A_771, 0 {pack_format = #tpu.pack_format<interleaved>} : vector<32xbf16> -> vector<16xf32>
        %unpack3A_772 = tpu.unpack_subelements %add3A_771, 1 {pack_format = #tpu.pack_format<interleaved>} : vector<32xbf16> -> vector<16xf32>
        %mul3A_773 = arith.constant 32 : i32
        %mul3A_774 = arith.muli %add3A_749, %mul3A_773 : i32
        %swap3A = arith.constant 13 : i32
        %swap3A_775 = arith.index_cast %swap3A : i32 to index
        %swap3A_776 = arith.index_cast %mul3A_774 : i32 to index
        %swap3A_777 = tpu.vector_load %arg11[%swap3A_775, %swap3A_776] {strides = array<i32>} : memref<16x512xf32, #tpu.memory_space<vmem>>, vector<16xf32>,
        tpu.vector_store %arg11[%swap3A_775, %swap3A_776], %unpack3A {strides = array<i32>} : memref<16x512xf32, #tpu.memory_space<vmem>>, vector<16xf32>,
        %mul3A_778 = arith.constant 32 : i32
        %mul3A_779 = arith.muli %add3A_749, %mul3A_778 : i32
        %add3A_780 = arith.constant 16 : i32
        %add3A_781 = arith.addi %mul3A_779, %add3A_780 : i32
        %swap3A_782 = arith.constant 13 : i32
        %swap3A_783 = arith.index_cast %swap3A_782 : i32 to index
        %swap3A_784 = arith.index_cast %add3A_781 : i32 to index
        %swap3A_785 = tpu.vector_load %arg11[%swap3A_783, %swap3A_784] {strides = array<i32>} : memref<16x512xf32, #tpu.memory_space<vmem>>, vector<16xf32>,
        tpu.vector_store %arg11[%swap3A_783, %swap3A_784], %unpack3A_772 {strides = array<i32>} : memref<16x512xf32, #tpu.memory_space<vmem>>, vector<16xf32>,
      }
      %scan3A_345 = arith.constant 16 : i32
      %get3A_346 = arith.constant 14 : i32
      %get3A_347 = arith.index_cast %get3A_346 : i32 to index
      %get3A_348 = arith.constant 0 : index
      %get3A_349 = tpu.vector_load %arg9[%get3A_347, %get3A_348] {strides = array<i32>} : memref<16x48xi32, #tpu.memory_space<vmem>>, vector<16xi32>,
      %bitcast3A_350 = vector.bitcast %get3A_349 : vector<16xi32> to vector<32xbf16>
      %get3A_351 = arith.constant 14 : i32
      %get3A_352 = arith.index_cast %get3A_351 : i32 to index
      %get3A_353 = arith.constant 16 : index
      %get3A_354 = tpu.vector_load %arg9[%get3A_352, %get3A_353] {strides = array<i32>} : memref<16x48xi32, #tpu.memory_space<vmem>>, vector<16xi32>,
      %bitcast3A_355 = vector.bitcast %get3A_354 : vector<16xi32> to vector<32xbf16>
      %get3A_356 = arith.constant 14 : i32
      %get3A_357 = arith.index_cast %get3A_356 : i32 to index
      %get3A_358 = arith.constant 32 : index
      %get3A_359 = tpu.vector_load %arg9[%get3A_357, %get3A_358] {strides = array<i32>} : memref<16x48xi32, #tpu.memory_space<vmem>>, vector<16xi32>,
      %bitcast3A_360 = vector.bitcast %get3A_359 : vector<16xi32> to vector<32xbf16>
      %scan3A_361 = arith.constant 0 : i32
      %scan3A_362 = arith.constant 16 : i32
      %scan3A_363 = arith.addi %scan3A_361, %scan3A_362 : i32
      %scan3A_364 = arith.constant 1 : i32
      scf.for %scan3A_745 = %scan3A_361 to %scan3A_363 step %scan3A_364  : i32 {
        %mul3A_746 = arith.constant 1 : i32
        %mul3A_747 = arith.muli %scan3A_745, %mul3A_746 : i32
        %add3A_748 = arith.constant 0 : i32
        %add3A_749 = arith.addi %add3A_748, %mul3A_747 : i32
        %mul3A_750 = arith.constant 16 : i32
        %mul3A_751 = arith.muli %add3A_749, %mul3A_750 : i32
        %get3A_752 = arith.constant 42 : i32
        %get3A_753 = arith.index_cast %get3A_752 : i32 to index
        %get3A_754 = arith.index_cast %mul3A_751 : i32 to index
        %get3A_755 = tpu.vector_load %arg7[%get3A_753, %get3A_754] {strides = array<i32>} : memref<48x256xi32, #tpu.memory_space<vmem>>, vector<16xi32>,
        %bitcast3A_756 = vector.bitcast %get3A_755 : vector<16xi32> to vector<32xbf16>
        %get3A_757 = arith.constant 43 : i32
        %get3A_758 = arith.index_cast %get3A_757 : i32 to index
        %get3A_759 = arith.index_cast %mul3A_751 : i32 to index
        %get3A_760 = tpu.vector_load %arg7[%get3A_758, %get3A_759] {strides = array<i32>} : memref<48x256xi32, #tpu.memory_space<vmem>>, vector<16xi32>,
        %bitcast3A_761 = vector.bitcast %get3A_760 : vector<16xi32> to vector<32xbf16>
        %get3A_762 = arith.constant 44 : i32
        %get3A_763 = arith.index_cast %get3A_762 : i32 to index
        %get3A_764 = arith.index_cast %mul3A_751 : i32 to index
        %get3A_765 = tpu.vector_load %arg7[%get3A_763, %get3A_764] {strides = array<i32>} : memref<48x256xi32, #tpu.memory_space<vmem>>, vector<16xi32>,
        %bitcast3A_766 = vector.bitcast %get3A_765 : vector<16xi32> to vector<32xbf16>
        %mul3A_767 = arith.mulf %bitcast3A_756, %bitcast3A_350 : vector<32xbf16>
        %mul3A_768 = arith.mulf %bitcast3A_761, %bitcast3A_355 : vector<32xbf16>
        %add3A_769 = arith.addf %mul3A_767, %mul3A_768 : vector<32xbf16>
        %mul3A_770 = arith.mulf %bitcast3A_766, %bitcast3A_360 : vector<32xbf16>
        %add3A_771 = arith.addf %add3A_769, %mul3A_770 : vector<32xbf16>
        %unpack3A = tpu.unpack_subelements %add3A_771, 0 {pack_format = #tpu.pack_format<interleaved>} : vector<32xbf16> -> vector<16xf32>
        %unpack3A_772 = tpu.unpack_subelements %add3A_771, 1 {pack_format = #tpu.pack_format<interleaved>} : vector<32xbf16> -> vector<16xf32>
        %mul3A_773 = arith.constant 32 : i32
        %mul3A_774 = arith.muli %add3A_749, %mul3A_773 : i32
        %swap3A = arith.constant 14 : i32
        %swap3A_775 = arith.index_cast %swap3A : i32 to index
        %swap3A_776 = arith.index_cast %mul3A_774 : i32 to index
        %swap3A_777 = tpu.vector_load %arg11[%swap3A_775, %swap3A_776] {strides = array<i32>} : memref<16x512xf32, #tpu.memory_space<vmem>>, vector<16xf32>,
        tpu.vector_store %arg11[%swap3A_775, %swap3A_776], %unpack3A {strides = array<i32>} : memref<16x512xf32, #tpu.memory_space<vmem>>, vector<16xf32>,
        %mul3A_778 = arith.constant 32 : i32
        %mul3A_779 = arith.muli %add3A_749, %mul3A_778 : i32
        %add3A_780 = arith.constant 16 : i32
        %add3A_781 = arith.addi %mul3A_779, %add3A_780 : i32
        %swap3A_782 = arith.constant 14 : i32
        %swap3A_783 = arith.index_cast %swap3A_782 : i32 to index
        %swap3A_784 = arith.index_cast %add3A_781 : i32 to index
        %swap3A_785 = tpu.vector_load %arg11[%swap3A_783, %swap3A_784] {strides = array<i32>} : memref<16x512xf32, #tpu.memory_space<vmem>>, vector<16xf32>,
        tpu.vector_store %arg11[%swap3A_783, %swap3A_784], %unpack3A_772 {strides = array<i32>} : memref<16x512xf32, #tpu.memory_space<vmem>>, vector<16xf32>,
      }
      %scan3A_365 = arith.constant 16 : i32
      %get3A_366 = arith.constant 15 : i32
      %get3A_367 = arith.index_cast %get3A_366 : i32 to index
      %get3A_368 = arith.constant 0 : index
      %get3A_369 = tpu.vector_load %arg9[%get3A_367, %get3A_368] {strides = array<i32>} : memref<16x48xi32, #tpu.memory_space<vmem>>, vector<16xi32>,
      %bitcast3A_370 = vector.bitcast %get3A_369 : vector<16xi32> to vector<32xbf16>
      %get3A_371 = arith.constant 15 : i32
      %get3A_372 = arith.index_cast %get3A_371 : i32 to index
      %get3A_373 = arith.constant 16 : index
      %get3A_374 = tpu.vector_load %arg9[%get3A_372, %get3A_373] {strides = array<i32>} : memref<16x48xi32, #tpu.memory_space<vmem>>, vector<16xi32>,
      %bitcast3A_375 = vector.bitcast %get3A_374 : vector<16xi32> to vector<32xbf16>
      %get3A_376 = arith.constant 15 : i32
      %get3A_377 = arith.index_cast %get3A_376 : i32 to index
      %get3A_378 = arith.constant 32 : index
      %get3A_379 = tpu.vector_load %arg9[%get3A_377, %get3A_378] {strides = array<i32>} : memref<16x48xi32, #tpu.memory_space<vmem>>, vector<16xi32>,
      %bitcast3A_380 = vector.bitcast %get3A_379 : vector<16xi32> to vector<32xbf16>
      %scan3A_381 = arith.constant 0 : i32
      %scan3A_382 = arith.constant 16 : i32
      %scan3A_383 = arith.addi %scan3A_381, %scan3A_382 : i32
      %scan3A_384 = arith.constant 1 : i32
      scf.for %scan3A_745 = %scan3A_381 to %scan3A_383 step %scan3A_384  : i32 {
        %mul3A_746 = arith.constant 1 : i32
        %mul3A_747 = arith.muli %scan3A_745, %mul3A_746 : i32
        %add3A_748 = arith.constant 0 : i32
        %add3A_749 = arith.addi %add3A_748, %mul3A_747 : i32
        %mul3A_750 = arith.constant 16 : i32
        %mul3A_751 = arith.muli %add3A_749, %mul3A_750 : i32
        %get3A_752 = arith.constant 45 : i32
        %get3A_753 = arith.index_cast %get3A_752 : i32 to index
        %get3A_754 = arith.index_cast %mul3A_751 : i32 to index
        %get3A_755 = tpu.vector_load %arg7[%get3A_753, %get3A_754] {strides = array<i32>} : memref<48x256xi32, #tpu.memory_space<vmem>>, vector<16xi32>,
        %bitcast3A_756 = vector.bitcast %get3A_755 : vector<16xi32> to vector<32xbf16>
        %get3A_757 = arith.constant 46 : i32
        %get3A_758 = arith.index_cast %get3A_757 : i32 to index
        %get3A_759 = arith.index_cast %mul3A_751 : i32 to index
        %get3A_760 = tpu.vector_load %arg7[%get3A_758, %get3A_759] {strides = array<i32>} : memref<48x256xi32, #tpu.memory_space<vmem>>, vector<16xi32>,
        %bitcast3A_761 = vector.bitcast %get3A_760 : vector<16xi32> to vector<32xbf16>
        %get3A_762 = arith.constant 47 : i32
        %get3A_763 = arith.index_cast %get3A_762 : i32 to index
        %get3A_764 = arith.index_cast %mul3A_751 : i32 to index
        %get3A_765 = tpu.vector_load %arg7[%get3A_763, %get3A_764] {strides = array<i32>} : memref<48x256xi32, #tpu.memory_space<vmem>>, vector<16xi32>,
        %bitcast3A_766 = vector.bitcast %get3A_765 : vector<16xi32> to vector<32xbf16>
        %mul3A_767 = arith.mulf %bitcast3A_756, %bitcast3A_370 : vector<32xbf16>
        %mul3A_768 = arith.mulf %bitcast3A_761, %bitcast3A_375 : vector<32xbf16>
        %add3A_769 = arith.addf %mul3A_767, %mul3A_768 : vector<32xbf16>
        %mul3A_770 = arith.mulf %bitcast3A_766, %bitcast3A_380 : vector<32xbf16>
        %add3A_771 = arith.addf %add3A_769, %mul3A_770 : vector<32xbf16>
        %unpack3A = tpu.unpack_subelements %add3A_771, 0 {pack_format = #tpu.pack_format<interleaved>} : vector<32xbf16> -> vector<16xf32>
        %unpack3A_772 = tpu.unpack_subelements %add3A_771, 1 {pack_format = #tpu.pack_format<interleaved>} : vector<32xbf16> -> vector<16xf32>
        %mul3A_773 = arith.constant 32 : i32
        %mul3A_774 = arith.muli %add3A_749, %mul3A_773 : i32
        %swap3A = arith.constant 15 : i32
        %swap3A_775 = arith.index_cast %swap3A : i32 to index
        %swap3A_776 = arith.index_cast %mul3A_774 : i32 to index
        %swap3A_777 = tpu.vector_load %arg11[%swap3A_775, %swap3A_776] {strides = array<i32>} : memref<16x512xf32, #tpu.memory_space<vmem>>, vector<16xf32>,
        tpu.vector_store %arg11[%swap3A_775, %swap3A_776], %unpack3A {strides = array<i32>} : memref<16x512xf32, #tpu.memory_space<vmem>>, vector<16xf32>,
        %mul3A_778 = arith.constant 32 : i32
        %mul3A_779 = arith.muli %add3A_749, %mul3A_778 : i32
        %add3A_780 = arith.constant 16 : i32
        %add3A_781 = arith.addi %mul3A_779, %add3A_780 : i32
        %swap3A_782 = arith.constant 15 : i32
        %swap3A_783 = arith.index_cast %swap3A_782 : i32 to index
        %swap3A_784 = arith.index_cast %add3A_781 : i32 to index
        %swap3A_785 = tpu.vector_load %arg11[%swap3A_783, %swap3A_784] {strides = array<i32>} : memref<16x512xf32, #tpu.memory_space<vmem>>, vector<16xf32>,
        tpu.vector_store %arg11[%swap3A_783, %swap3A_784], %unpack3A_772 {strides = array<i32>} : memref<16x512xf32, #tpu.memory_space<vmem>>, vector<16xf32>,
      }
      %scan3A_385 = arith.constant 16 : i32
      %mul3A_386 = arith.constant 16 : i32
      %mul3A_387 = arith.muli %mul3A_36, %mul3A_386 : i32
      %add3A_388 = arith.addi %mul3A_2, %mul3A_387 : i32
      %dma_start3A_389 = arith.constant 0 : i32
      %dma_start3A_390 = tpu.memref_slice %arg5[%add3A_388, %dma_start3A_389] : memref<65536x512xf32, #tpu.memory_space<hbm>> -> memref<16x512xf32, #tpu.memory_space<hbm>>
      %dma_start3A_391 = arith.constant 0 : i32
      %dma_start3A_392 = tpu.memref_slice %arg5[%add3A_388, %dma_start3A_391] : memref<65536x512xf32, #tpu.memory_space<hbm>> -> memref<16x512xf32, #tpu.memory_space<hbm>>
      tpu.enqueue_dma source(%arg11 : memref<16x512xf32, #tpu.memory_space<vmem>>) target(%dma_start3A_392 : memref<16x512xf32, #tpu.memory_space<hbm>>) target_semaphore(%arg17 : memref<!tpu.dma_semaphore, #tpu.memory_space<semaphore_mem>>)
      %add3A_393 = arith.constant 2 : i32
      %add3A_394 = arith.addi %mul3A_36, %add3A_393 : i32
      %lt3A = arith.constant 128 : i32
      %lt3A_395 = arith.cmpi slt, %add3A_394, %lt3A : i32
      %convert_element_type3A_396 = arith.extui %lt3A_395 : i1 to i32
      %cond3A_397 = arith.constant 0 : i32
      %cond3A_398 = arith.cmpi ne, %convert_element_type3A_396, %cond3A_397 : i32
      scf.if %cond3A_398 {
        %add3A_745 = arith.constant 2 : i32
        %add3A_746 = arith.addi %mul3A_36, %add3A_745 : i32
        %mul3A_747 = arith.constant 3 : i32
        %mul3A_748 = arith.muli %mul3A_747, %add3A_746 : i32
        %mul3A_749 = arith.constant 16 : i32
        %mul3A_750 = arith.muli %mul3A_748, %mul3A_749 : i32
        %dma_start3A_751 = tpu.memref_slice %arg6[%mul3A_750] : memref<6144xi32, #tpu.memory_space<vmem>> -> memref<48xi32, #tpu.memory_space<vmem>>
        %dma_start3A_752 = arith.constant 0 : i32
        %dma_start3A_753 = arith.constant 0 : i32
        %dma_start3A_754 = tpu.memref_slice %arg2[%dma_start3A_752, %dma_start3A_753] : memref<16384x256xi32, #tpu.memory_space<hbm>> -> memref<16384x256xi32, #tpu.memory_space<hbm>>
        tpu.enqueue_indirect_dma source(%dma_start3A_754 : memref<16384x256xi32, #tpu.memory_space<hbm>>) target(%arg7 : memref<48x256xi32, #tpu.memory_space<vmem>>) offsets(%dma_start3A_751 : memref<48xi32, #tpu.memory_space<vmem>>) semaphore(%arg13 : memref<!tpu.dma_semaphore, #tpu.memory_space<semaphore_mem>>)
        %mul3A_755 = arith.constant 16 : i32
        %mul3A_756 = arith.muli %add3A_746, %mul3A_755 : i32
        %add3A_757 = arith.addi %mul3A_2, %mul3A_756 : i32
        %dma_start3A_758 = arith.constant 0 : i32
        %dma_start3A_759 = tpu.memref_slice %arg4[%add3A_757, %dma_start3A_758] : memref<65536x48xi32, #tpu.memory_space<hbm>> -> memref<16x48xi32, #tpu.memory_space<hbm>>
        %dma_start3A_760 = arith.constant 0 : i32
        %dma_start3A_761 = tpu.memref_slice %arg4[%add3A_757, %dma_start3A_760] : memref<65536x48xi32, #tpu.memory_space<hbm>> -> memref<16x48xi32, #tpu.memory_space<hbm>>
        tpu.enqueue_dma source(%dma_start3A_761 : memref<16x48xi32, #tpu.memory_space<hbm>>) target(%arg9 : memref<16x48xi32, #tpu.memory_space<vmem>>) target_semaphore(%arg15 : memref<!tpu.dma_semaphore, #tpu.memory_space<semaphore_mem>>)
      } else {
      }
      %dma_wait3A_399 = arith.constant 0 : i32
      %dma_wait3A_400 = arith.constant 0 : i32
      %dma_wait3A_401 = tpu.memref_slice %arg2[%dma_wait3A_399, %dma_wait3A_400] : memref<16384x256xi32, #tpu.memory_space<hbm>> -> memref<48x256xi32, #tpu.memory_space<hbm>>
      %dma_wait3A_402 = arith.constant 0 : i32
      %dma_wait3A_403 = arith.constant 0 : i32
      %dma_wait3A_404 = tpu.memref_slice %arg2[%dma_wait3A_402, %dma_wait3A_403] : memref<16384x256xi32, #tpu.memory_space<hbm>> -> memref<48x256xi32, #tpu.memory_space<hbm>>
      tpu.wait_dma2 semaphore(%arg14 : memref<!tpu.dma_semaphore, #tpu.memory_space<semaphore_mem>>) src(%dma_wait3A_404 : memref<48x256xi32, #tpu.memory_space<hbm>>) dst(%arg8 : memref<48x256xi32, #tpu.memory_space<vmem>>)
      %dma_wait3A_405 = arith.constant 0 : i32
      %dma_wait3A_406 = arith.constant 0 : i32
      %dma_wait3A_407 = tpu.memref_slice %arg4[%dma_wait3A_405, %dma_wait3A_406] : memref<65536x48xi32, #tpu.memory_space<hbm>> -> memref<16x48xi32, #tpu.memory_space<hbm>>
      %dma_wait3A_408 = arith.constant 0 : i32
      %dma_wait3A_409 = arith.constant 0 : i32
      %dma_wait3A_410 = tpu.memref_slice %arg4[%dma_wait3A_408, %dma_wait3A_409] : memref<65536x48xi32, #tpu.memory_space<hbm>> -> memref<16x48xi32, #tpu.memory_space<hbm>>
      tpu.wait_dma2 semaphore(%arg16 : memref<!tpu.dma_semaphore, #tpu.memory_space<semaphore_mem>>) src(%dma_wait3A_410 : memref<16x48xi32, #tpu.memory_space<hbm>>) dst(%arg10 : memref<16x48xi32, #tpu.memory_space<vmem>>)
      %gt3A_411 = arith.constant 0 : i32
      %gt3A_412 = arith.cmpi sgt, %add3A_34, %gt3A_411 : i32
      %convert_element_type3A_413 = arith.extui %gt3A_412 : i1 to i32
      %cond3A_414 = arith.constant 0 : i32
      %cond3A_415 = arith.cmpi ne, %convert_element_type3A_413, %cond3A_414 : i32
      scf.if %cond3A_415 {
        %dma_wait3A_745 = arith.constant 0 : i32
        %dma_wait3A_746 = arith.constant 0 : i32
        %dma_wait3A_747 = tpu.memref_slice %arg5[%dma_wait3A_745, %dma_wait3A_746] : memref<65536x512xf32, #tpu.memory_space<hbm>> -> memref<16x512xf32, #tpu.memory_space<hbm>>
        %dma_wait3A_748 = arith.constant 0 : i32
        %dma_wait3A_749 = arith.constant 0 : i32
        %dma_wait3A_750 = tpu.memref_slice %arg5[%dma_wait3A_748, %dma_wait3A_749] : memref<65536x512xf32, #tpu.memory_space<hbm>> -> memref<16x512xf32, #tpu.memory_space<hbm>>
        tpu.wait_dma2 semaphore(%arg18 : memref<!tpu.dma_semaphore, #tpu.memory_space<semaphore_mem>>) src(%arg12 : memref<16x512xf32, #tpu.memory_space<vmem>>) dst(%dma_wait3A_750 : memref<16x512xf32, #tpu.memory_space<hbm>>)
      } else {
      }
      %get3A_416 = arith.constant 0 : i32
      %get3A_417 = arith.index_cast %get3A_416 : i32 to index
      %get3A_418 = arith.constant 0 : index
      %get3A_419 = tpu.vector_load %arg10[%get3A_417, %get3A_418] {strides = array<i32>} : memref<16x48xi32, #tpu.memory_space<vmem>>, vector<16xi32>,
      %bitcast3A_420 = vector.bitcast %get3A_419 : vector<16xi32> to vector<32xbf16>
      %get3A_421 = arith.constant 0 : i32
      %get3A_422 = arith.index_cast %get3A_421 : i32 to index
      %get3A_423 = arith.constant 16 : index
      %get3A_424 = tpu.vector_load %arg10[%get3A_422, %get3A_423] {strides = array<i32>} : memref<16x48xi32, #tpu.memory_space<vmem>>, vector<16xi32>,
      %bitcast3A_425 = vector.bitcast %get3A_424 : vector<16xi32> to vector<32xbf16>
      %get3A_426 = arith.constant 0 : i32
      %get3A_427 = arith.index_cast %get3A_426 : i32 to index
      %get3A_428 = arith.constant 32 : index
      %get3A_429 = tpu.vector_load %arg10[%get3A_427, %get3A_428] {strides = array<i32>} : memref<16x48xi32, #tpu.memory_space<vmem>>, vector<16xi32>,
      %bitcast3A_430 = vector.bitcast %get3A_429 : vector<16xi32> to vector<32xbf16>
      %scan3A_431 = arith.constant 0 : i32
      %scan3A_432 = arith.constant 16 : i32
      %scan3A_433 = arith.addi %scan3A_431, %scan3A_432 : i32
      %scan3A_434 = arith.constant 1 : i32
      scf.for %scan3A_745 = %scan3A_431 to %scan3A_433 step %scan3A_434  : i32 {
        %mul3A_746 = arith.constant 1 : i32
        %mul3A_747 = arith.muli %scan3A_745, %mul3A_746 : i32
        %add3A_748 = arith.constant 0 : i32
        %add3A_749 = arith.addi %add3A_748, %mul3A_747 : i32
        %mul3A_750 = arith.constant 16 : i32
        %mul3A_751 = arith.muli %add3A_749, %mul3A_750 : i32
        %get3A_752 = arith.constant 0 : i32
        %get3A_753 = arith.index_cast %get3A_752 : i32 to index
        %get3A_754 = arith.index_cast %mul3A_751 : i32 to index
        %get3A_755 = tpu.vector_load %arg8[%get3A_753, %get3A_754] {strides = array<i32>} : memref<48x256xi32, #tpu.memory_space<vmem>>, vector<16xi32>,
        %bitcast3A_756 = vector.bitcast %get3A_755 : vector<16xi32> to vector<32xbf16>
        %get3A_757 = arith.constant 1 : i32
        %get3A_758 = arith.index_cast %get3A_757 : i32 to index
        %get3A_759 = arith.index_cast %mul3A_751 : i32 to index
        %get3A_760 = tpu.vector_load %arg8[%get3A_758, %get3A_759] {strides = array<i32>} : memref<48x256xi32, #tpu.memory_space<vmem>>, vector<16xi32>,
        %bitcast3A_761 = vector.bitcast %get3A_760 : vector<16xi32> to vector<32xbf16>
        %get3A_762 = arith.constant 2 : i32
        %get3A_763 = arith.index_cast %get3A_762 : i32 to index
        %get3A_764 = arith.index_cast %mul3A_751 : i32 to index
        %get3A_765 = tpu.vector_load %arg8[%get3A_763, %get3A_764] {strides = array<i32>} : memref<48x256xi32, #tpu.memory_space<vmem>>, vector<16xi32>,
        %bitcast3A_766 = vector.bitcast %get3A_765 : vector<16xi32> to vector<32xbf16>
        %mul3A_767 = arith.mulf %bitcast3A_756, %bitcast3A_420 : vector<32xbf16>
        %mul3A_768 = arith.mulf %bitcast3A_761, %bitcast3A_425 : vector<32xbf16>
        %add3A_769 = arith.addf %mul3A_767, %mul3A_768 : vector<32xbf16>
        %mul3A_770 = arith.mulf %bitcast3A_766, %bitcast3A_430 : vector<32xbf16>
        %add3A_771 = arith.addf %add3A_769, %mul3A_770 : vector<32xbf16>
        %unpack3A = tpu.unpack_subelements %add3A_771, 0 {pack_format = #tpu.pack_format<interleaved>} : vector<32xbf16> -> vector<16xf32>
        %unpack3A_772 = tpu.unpack_subelements %add3A_771, 1 {pack_format = #tpu.pack_format<interleaved>} : vector<32xbf16> -> vector<16xf32>
        %mul3A_773 = arith.constant 32 : i32
        %mul3A_774 = arith.muli %add3A_749, %mul3A_773 : i32
        %swap3A = arith.constant 0 : i32
        %swap3A_775 = arith.index_cast %swap3A : i32 to index
        %swap3A_776 = arith.index_cast %mul3A_774 : i32 to index
        %swap3A_777 = tpu.vector_load %arg12[%swap3A_775, %swap3A_776] {strides = array<i32>} : memref<16x512xf32, #tpu.memory_space<vmem>>, vector<16xf32>,
        tpu.vector_store %arg12[%swap3A_775, %swap3A_776], %unpack3A {strides = array<i32>} : memref<16x512xf32, #tpu.memory_space<vmem>>, vector<16xf32>,
        %mul3A_778 = arith.constant 32 : i32
        %mul3A_779 = arith.muli %add3A_749, %mul3A_778 : i32
        %add3A_780 = arith.constant 16 : i32
        %add3A_781 = arith.addi %mul3A_779, %add3A_780 : i32
        %swap3A_782 = arith.constant 0 : i32
        %swap3A_783 = arith.index_cast %swap3A_782 : i32 to index
        %swap3A_784 = arith.index_cast %add3A_781 : i32 to index
        %swap3A_785 = tpu.vector_load %arg12[%swap3A_783, %swap3A_784] {strides = array<i32>} : memref<16x512xf32, #tpu.memory_space<vmem>>, vector<16xf32>,
        tpu.vector_store %arg12[%swap3A_783, %swap3A_784], %unpack3A_772 {strides = array<i32>} : memref<16x512xf32, #tpu.memory_space<vmem>>, vector<16xf32>,
      }
      %scan3A_435 = arith.constant 16 : i32
      %get3A_436 = arith.constant 1 : i32
      %get3A_437 = arith.index_cast %get3A_436 : i32 to index
      %get3A_438 = arith.constant 0 : index
      %get3A_439 = tpu.vector_load %arg10[%get3A_437, %get3A_438] {strides = array<i32>} : memref<16x48xi32, #tpu.memory_space<vmem>>, vector<16xi32>,
      %bitcast3A_440 = vector.bitcast %get3A_439 : vector<16xi32> to vector<32xbf16>
      %get3A_441 = arith.constant 1 : i32
      %get3A_442 = arith.index_cast %get3A_441 : i32 to index
      %get3A_443 = arith.constant 16 : index
      %get3A_444 = tpu.vector_load %arg10[%get3A_442, %get3A_443] {strides = array<i32>} : memref<16x48xi32, #tpu.memory_space<vmem>>, vector<16xi32>,
      %bitcast3A_445 = vector.bitcast %get3A_444 : vector<16xi32> to vector<32xbf16>
      %get3A_446 = arith.constant 1 : i32
      %get3A_447 = arith.index_cast %get3A_446 : i32 to index
      %get3A_448 = arith.constant 32 : index
      %get3A_449 = tpu.vector_load %arg10[%get3A_447, %get3A_448] {strides = array<i32>} : memref<16x48xi32, #tpu.memory_space<vmem>>, vector<16xi32>,
      %bitcast3A_450 = vector.bitcast %get3A_449 : vector<16xi32> to vector<32xbf16>
      %scan3A_451 = arith.constant 0 : i32
      %scan3A_452 = arith.constant 16 : i32
      %scan3A_453 = arith.addi %scan3A_451, %scan3A_452 : i32
      %scan3A_454 = arith.constant 1 : i32
      scf.for %scan3A_745 = %scan3A_451 to %scan3A_453 step %scan3A_454  : i32 {
        %mul3A_746 = arith.constant 1 : i32
        %mul3A_747 = arith.muli %scan3A_745, %mul3A_746 : i32
        %add3A_748 = arith.constant 0 : i32
        %add3A_749 = arith.addi %add3A_748, %mul3A_747 : i32
        %mul3A_750 = arith.constant 16 : i32
        %mul3A_751 = arith.muli %add3A_749, %mul3A_750 : i32
        %get3A_752 = arith.constant 3 : i32
        %get3A_753 = arith.index_cast %get3A_752 : i32 to index
        %get3A_754 = arith.index_cast %mul3A_751 : i32 to index
        %get3A_755 = tpu.vector_load %arg8[%get3A_753, %get3A_754] {strides = array<i32>} : memref<48x256xi32, #tpu.memory_space<vmem>>, vector<16xi32>,
        %bitcast3A_756 = vector.bitcast %get3A_755 : vector<16xi32> to vector<32xbf16>
        %get3A_757 = arith.constant 4 : i32
        %get3A_758 = arith.index_cast %get3A_757 : i32 to index
        %get3A_759 = arith.index_cast %mul3A_751 : i32 to index
        %get3A_760 = tpu.vector_load %arg8[%get3A_758, %get3A_759] {strides = array<i32>} : memref<48x256xi32, #tpu.memory_space<vmem>>, vector<16xi32>,
        %bitcast3A_761 = vector.bitcast %get3A_760 : vector<16xi32> to vector<32xbf16>
        %get3A_762 = arith.constant 5 : i32
        %get3A_763 = arith.index_cast %get3A_762 : i32 to index
        %get3A_764 = arith.index_cast %mul3A_751 : i32 to index
        %get3A_765 = tpu.vector_load %arg8[%get3A_763, %get3A_764] {strides = array<i32>} : memref<48x256xi32, #tpu.memory_space<vmem>>, vector<16xi32>,
        %bitcast3A_766 = vector.bitcast %get3A_765 : vector<16xi32> to vector<32xbf16>
        %mul3A_767 = arith.mulf %bitcast3A_756, %bitcast3A_440 : vector<32xbf16>
        %mul3A_768 = arith.mulf %bitcast3A_761, %bitcast3A_445 : vector<32xbf16>
        %add3A_769 = arith.addf %mul3A_767, %mul3A_768 : vector<32xbf16>
        %mul3A_770 = arith.mulf %bitcast3A_766, %bitcast3A_450 : vector<32xbf16>
        %add3A_771 = arith.addf %add3A_769, %mul3A_770 : vector<32xbf16>
        %unpack3A = tpu.unpack_subelements %add3A_771, 0 {pack_format = #tpu.pack_format<interleaved>} : vector<32xbf16> -> vector<16xf32>
        %unpack3A_772 = tpu.unpack_subelements %add3A_771, 1 {pack_format = #tpu.pack_format<interleaved>} : vector<32xbf16> -> vector<16xf32>
        %mul3A_773 = arith.constant 32 : i32
        %mul3A_774 = arith.muli %add3A_749, %mul3A_773 : i32
        %swap3A = arith.constant 1 : i32
        %swap3A_775 = arith.index_cast %swap3A : i32 to index
        %swap3A_776 = arith.index_cast %mul3A_774 : i32 to index
        %swap3A_777 = tpu.vector_load %arg12[%swap3A_775, %swap3A_776] {strides = array<i32>} : memref<16x512xf32, #tpu.memory_space<vmem>>, vector<16xf32>,
        tpu.vector_store %arg12[%swap3A_775, %swap3A_776], %unpack3A {strides = array<i32>} : memref<16x512xf32, #tpu.memory_space<vmem>>, vector<16xf32>,
        %mul3A_778 = arith.constant 32 : i32
        %mul3A_779 = arith.muli %add3A_749, %mul3A_778 : i32
        %add3A_780 = arith.constant 16 : i32
        %add3A_781 = arith.addi %mul3A_779, %add3A_780 : i32
        %swap3A_782 = arith.constant 1 : i32
        %swap3A_783 = arith.index_cast %swap3A_782 : i32 to index
        %swap3A_784 = arith.index_cast %add3A_781 : i32 to index
        %swap3A_785 = tpu.vector_load %arg12[%swap3A_783, %swap3A_784] {strides = array<i32>} : memref<16x512xf32, #tpu.memory_space<vmem>>, vector<16xf32>,
        tpu.vector_store %arg12[%swap3A_783, %swap3A_784], %unpack3A_772 {strides = array<i32>} : memref<16x512xf32, #tpu.memory_space<vmem>>, vector<16xf32>,
      }
      %scan3A_455 = arith.constant 16 : i32
      %get3A_456 = arith.constant 2 : i32
      %get3A_457 = arith.index_cast %get3A_456 : i32 to index
      %get3A_458 = arith.constant 0 : index
      %get3A_459 = tpu.vector_load %arg10[%get3A_457, %get3A_458] {strides = array<i32>} : memref<16x48xi32, #tpu.memory_space<vmem>>, vector<16xi32>,
      %bitcast3A_460 = vector.bitcast %get3A_459 : vector<16xi32> to vector<32xbf16>
      %get3A_461 = arith.constant 2 : i32
      %get3A_462 = arith.index_cast %get3A_461 : i32 to index
      %get3A_463 = arith.constant 16 : index
      %get3A_464 = tpu.vector_load %arg10[%get3A_462, %get3A_463] {strides = array<i32>} : memref<16x48xi32, #tpu.memory_space<vmem>>, vector<16xi32>,
      %bitcast3A_465 = vector.bitcast %get3A_464 : vector<16xi32> to vector<32xbf16>
      %get3A_466 = arith.constant 2 : i32
      %get3A_467 = arith.index_cast %get3A_466 : i32 to index
      %get3A_468 = arith.constant 32 : index
      %get3A_469 = tpu.vector_load %arg10[%get3A_467, %get3A_468] {strides = array<i32>} : memref<16x48xi32, #tpu.memory_space<vmem>>, vector<16xi32>,
      %bitcast3A_470 = vector.bitcast %get3A_469 : vector<16xi32> to vector<32xbf16>
      %scan3A_471 = arith.constant 0 : i32
      %scan3A_472 = arith.constant 16 : i32
      %scan3A_473 = arith.addi %scan3A_471, %scan3A_472 : i32
      %scan3A_474 = arith.constant 1 : i32
      scf.for %scan3A_745 = %scan3A_471 to %scan3A_473 step %scan3A_474  : i32 {
        %mul3A_746 = arith.constant 1 : i32
        %mul3A_747 = arith.muli %scan3A_745, %mul3A_746 : i32
        %add3A_748 = arith.constant 0 : i32
        %add3A_749 = arith.addi %add3A_748, %mul3A_747 : i32
        %mul3A_750 = arith.constant 16 : i32
        %mul3A_751 = arith.muli %add3A_749, %mul3A_750 : i32
        %get3A_752 = arith.constant 6 : i32
        %get3A_753 = arith.index_cast %get3A_752 : i32 to index
        %get3A_754 = arith.index_cast %mul3A_751 : i32 to index
        %get3A_755 = tpu.vector_load %arg8[%get3A_753, %get3A_754] {strides = array<i32>} : memref<48x256xi32, #tpu.memory_space<vmem>>, vector<16xi32>,
        %bitcast3A_756 = vector.bitcast %get3A_755 : vector<16xi32> to vector<32xbf16>
        %get3A_757 = arith.constant 7 : i32
        %get3A_758 = arith.index_cast %get3A_757 : i32 to index
        %get3A_759 = arith.index_cast %mul3A_751 : i32 to index
        %get3A_760 = tpu.vector_load %arg8[%get3A_758, %get3A_759] {strides = array<i32>} : memref<48x256xi32, #tpu.memory_space<vmem>>, vector<16xi32>,
        %bitcast3A_761 = vector.bitcast %get3A_760 : vector<16xi32> to vector<32xbf16>
        %get3A_762 = arith.constant 8 : i32
        %get3A_763 = arith.index_cast %get3A_762 : i32 to index
        %get3A_764 = arith.index_cast %mul3A_751 : i32 to index
        %get3A_765 = tpu.vector_load %arg8[%get3A_763, %get3A_764] {strides = array<i32>} : memref<48x256xi32, #tpu.memory_space<vmem>>, vector<16xi32>,
        %bitcast3A_766 = vector.bitcast %get3A_765 : vector<16xi32> to vector<32xbf16>
        %mul3A_767 = arith.mulf %bitcast3A_756, %bitcast3A_460 : vector<32xbf16>
        %mul3A_768 = arith.mulf %bitcast3A_761, %bitcast3A_465 : vector<32xbf16>
        %add3A_769 = arith.addf %mul3A_767, %mul3A_768 : vector<32xbf16>
        %mul3A_770 = arith.mulf %bitcast3A_766, %bitcast3A_470 : vector<32xbf16>
        %add3A_771 = arith.addf %add3A_769, %mul3A_770 : vector<32xbf16>
        %unpack3A = tpu.unpack_subelements %add3A_771, 0 {pack_format = #tpu.pack_format<interleaved>} : vector<32xbf16> -> vector<16xf32>
        %unpack3A_772 = tpu.unpack_subelements %add3A_771, 1 {pack_format = #tpu.pack_format<interleaved>} : vector<32xbf16> -> vector<16xf32>
        %mul3A_773 = arith.constant 32 : i32
        %mul3A_774 = arith.muli %add3A_749, %mul3A_773 : i32
        %swap3A = arith.constant 2 : i32
        %swap3A_775 = arith.index_cast %swap3A : i32 to index
        %swap3A_776 = arith.index_cast %mul3A_774 : i32 to index
        %swap3A_777 = tpu.vector_load %arg12[%swap3A_775, %swap3A_776] {strides = array<i32>} : memref<16x512xf32, #tpu.memory_space<vmem>>, vector<16xf32>,
        tpu.vector_store %arg12[%swap3A_775, %swap3A_776], %unpack3A {strides = array<i32>} : memref<16x512xf32, #tpu.memory_space<vmem>>, vector<16xf32>,
        %mul3A_778 = arith.constant 32 : i32
        %mul3A_779 = arith.muli %add3A_749, %mul3A_778 : i32
        %add3A_780 = arith.constant 16 : i32
        %add3A_781 = arith.addi %mul3A_779, %add3A_780 : i32
        %swap3A_782 = arith.constant 2 : i32
        %swap3A_783 = arith.index_cast %swap3A_782 : i32 to index
        %swap3A_784 = arith.index_cast %add3A_781 : i32 to index
        %swap3A_785 = tpu.vector_load %arg12[%swap3A_783, %swap3A_784] {strides = array<i32>} : memref<16x512xf32, #tpu.memory_space<vmem>>, vector<16xf32>,
        tpu.vector_store %arg12[%swap3A_783, %swap3A_784], %unpack3A_772 {strides = array<i32>} : memref<16x512xf32, #tpu.memory_space<vmem>>, vector<16xf32>,
      }
      %scan3A_475 = arith.constant 16 : i32
      %get3A_476 = arith.constant 3 : i32
      %get3A_477 = arith.index_cast %get3A_476 : i32 to index
      %get3A_478 = arith.constant 0 : index
      %get3A_479 = tpu.vector_load %arg10[%get3A_477, %get3A_478] {strides = array<i32>} : memref<16x48xi32, #tpu.memory_space<vmem>>, vector<16xi32>,
      %bitcast3A_480 = vector.bitcast %get3A_479 : vector<16xi32> to vector<32xbf16>
      %get3A_481 = arith.constant 3 : i32
      %get3A_482 = arith.index_cast %get3A_481 : i32 to index
      %get3A_483 = arith.constant 16 : index
      %get3A_484 = tpu.vector_load %arg10[%get3A_482, %get3A_483] {strides = array<i32>} : memref<16x48xi32, #tpu.memory_space<vmem>>, vector<16xi32>,
      %bitcast3A_485 = vector.bitcast %get3A_484 : vector<16xi32> to vector<32xbf16>
      %get3A_486 = arith.constant 3 : i32
      %get3A_487 = arith.index_cast %get3A_486 : i32 to index
      %get3A_488 = arith.constant 32 : index
      %get3A_489 = tpu.vector_load %arg10[%get3A_487, %get3A_488] {strides = array<i32>} : memref<16x48xi32, #tpu.memory_space<vmem>>, vector<16xi32>,
      %bitcast3A_490 = vector.bitcast %get3A_489 : vector<16xi32> to vector<32xbf16>
      %scan3A_491 = arith.constant 0 : i32
      %scan3A_492 = arith.constant 16 : i32
      %scan3A_493 = arith.addi %scan3A_491, %scan3A_492 : i32
      %scan3A_494 = arith.constant 1 : i32
      scf.for %scan3A_745 = %scan3A_491 to %scan3A_493 step %scan3A_494  : i32 {
        %mul3A_746 = arith.constant 1 : i32
        %mul3A_747 = arith.muli %scan3A_745, %mul3A_746 : i32
        %add3A_748 = arith.constant 0 : i32
        %add3A_749 = arith.addi %add3A_748, %mul3A_747 : i32
        %mul3A_750 = arith.constant 16 : i32
        %mul3A_751 = arith.muli %add3A_749, %mul3A_750 : i32
        %get3A_752 = arith.constant 9 : i32
        %get3A_753 = arith.index_cast %get3A_752 : i32 to index
        %get3A_754 = arith.index_cast %mul3A_751 : i32 to index
        %get3A_755 = tpu.vector_load %arg8[%get3A_753, %get3A_754] {strides = array<i32>} : memref<48x256xi32, #tpu.memory_space<vmem>>, vector<16xi32>,
        %bitcast3A_756 = vector.bitcast %get3A_755 : vector<16xi32> to vector<32xbf16>
        %get3A_757 = arith.constant 10 : i32
        %get3A_758 = arith.index_cast %get3A_757 : i32 to index
        %get3A_759 = arith.index_cast %mul3A_751 : i32 to index
        %get3A_760 = tpu.vector_load %arg8[%get3A_758, %get3A_759] {strides = array<i32>} : memref<48x256xi32, #tpu.memory_space<vmem>>, vector<16xi32>,
        %bitcast3A_761 = vector.bitcast %get3A_760 : vector<16xi32> to vector<32xbf16>
        %get3A_762 = arith.constant 11 : i32
        %get3A_763 = arith.index_cast %get3A_762 : i32 to index
        %get3A_764 = arith.index_cast %mul3A_751 : i32 to index
        %get3A_765 = tpu.vector_load %arg8[%get3A_763, %get3A_764] {strides = array<i32>} : memref<48x256xi32, #tpu.memory_space<vmem>>, vector<16xi32>,
        %bitcast3A_766 = vector.bitcast %get3A_765 : vector<16xi32> to vector<32xbf16>
        %mul3A_767 = arith.mulf %bitcast3A_756, %bitcast3A_480 : vector<32xbf16>
        %mul3A_768 = arith.mulf %bitcast3A_761, %bitcast3A_485 : vector<32xbf16>
        %add3A_769 = arith.addf %mul3A_767, %mul3A_768 : vector<32xbf16>
        %mul3A_770 = arith.mulf %bitcast3A_766, %bitcast3A_490 : vector<32xbf16>
        %add3A_771 = arith.addf %add3A_769, %mul3A_770 : vector<32xbf16>
        %unpack3A = tpu.unpack_subelements %add3A_771, 0 {pack_format = #tpu.pack_format<interleaved>} : vector<32xbf16> -> vector<16xf32>
        %unpack3A_772 = tpu.unpack_subelements %add3A_771, 1 {pack_format = #tpu.pack_format<interleaved>} : vector<32xbf16> -> vector<16xf32>
        %mul3A_773 = arith.constant 32 : i32
        %mul3A_774 = arith.muli %add3A_749, %mul3A_773 : i32
        %swap3A = arith.constant 3 : i32
        %swap3A_775 = arith.index_cast %swap3A : i32 to index
        %swap3A_776 = arith.index_cast %mul3A_774 : i32 to index
        %swap3A_777 = tpu.vector_load %arg12[%swap3A_775, %swap3A_776] {strides = array<i32>} : memref<16x512xf32, #tpu.memory_space<vmem>>, vector<16xf32>,
        tpu.vector_store %arg12[%swap3A_775, %swap3A_776], %unpack3A {strides = array<i32>} : memref<16x512xf32, #tpu.memory_space<vmem>>, vector<16xf32>,
        %mul3A_778 = arith.constant 32 : i32
        %mul3A_779 = arith.muli %add3A_749, %mul3A_778 : i32
        %add3A_780 = arith.constant 16 : i32
        %add3A_781 = arith.addi %mul3A_779, %add3A_780 : i32
        %swap3A_782 = arith.constant 3 : i32
        %swap3A_783 = arith.index_cast %swap3A_782 : i32 to index
        %swap3A_784 = arith.index_cast %add3A_781 : i32 to index
        %swap3A_785 = tpu.vector_load %arg12[%swap3A_783, %swap3A_784] {strides = array<i32>} : memref<16x512xf32, #tpu.memory_space<vmem>>, vector<16xf32>,
        tpu.vector_store %arg12[%swap3A_783, %swap3A_784], %unpack3A_772 {strides = array<i32>} : memref<16x512xf32, #tpu.memory_space<vmem>>, vector<16xf32>,
      }
      %scan3A_495 = arith.constant 16 : i32
      %get3A_496 = arith.constant 4 : i32
      %get3A_497 = arith.index_cast %get3A_496 : i32 to index
      %get3A_498 = arith.constant 0 : index
      %get3A_499 = tpu.vector_load %arg10[%get3A_497, %get3A_498] {strides = array<i32>} : memref<16x48xi32, #tpu.memory_space<vmem>>, vector<16xi32>,
      %bitcast3A_500 = vector.bitcast %get3A_499 : vector<16xi32> to vector<32xbf16>
      %get3A_501 = arith.constant 4 : i32
      %get3A_502 = arith.index_cast %get3A_501 : i32 to index
      %get3A_503 = arith.constant 16 : index
      %get3A_504 = tpu.vector_load %arg10[%get3A_502, %get3A_503] {strides = array<i32>} : memref<16x48xi32, #tpu.memory_space<vmem>>, vector<16xi32>,
      %bitcast3A_505 = vector.bitcast %get3A_504 : vector<16xi32> to vector<32xbf16>
      %get3A_506 = arith.constant 4 : i32
      %get3A_507 = arith.index_cast %get3A_506 : i32 to index
      %get3A_508 = arith.constant 32 : index
      %get3A_509 = tpu.vector_load %arg10[%get3A_507, %get3A_508] {strides = array<i32>} : memref<16x48xi32, #tpu.memory_space<vmem>>, vector<16xi32>,
      %bitcast3A_510 = vector.bitcast %get3A_509 : vector<16xi32> to vector<32xbf16>
      %scan3A_511 = arith.constant 0 : i32
      %scan3A_512 = arith.constant 16 : i32
      %scan3A_513 = arith.addi %scan3A_511, %scan3A_512 : i32
      %scan3A_514 = arith.constant 1 : i32
      scf.for %scan3A_745 = %scan3A_511 to %scan3A_513 step %scan3A_514  : i32 {
        %mul3A_746 = arith.constant 1 : i32
        %mul3A_747 = arith.muli %scan3A_745, %mul3A_746 : i32
        %add3A_748 = arith.constant 0 : i32
        %add3A_749 = arith.addi %add3A_748, %mul3A_747 : i32
        %mul3A_750 = arith.constant 16 : i32
        %mul3A_751 = arith.muli %add3A_749, %mul3A_750 : i32
        %get3A_752 = arith.constant 12 : i32
        %get3A_753 = arith.index_cast %get3A_752 : i32 to index
        %get3A_754 = arith.index_cast %mul3A_751 : i32 to index
        %get3A_755 = tpu.vector_load %arg8[%get3A_753, %get3A_754] {strides = array<i32>} : memref<48x256xi32, #tpu.memory_space<vmem>>, vector<16xi32>,
        %bitcast3A_756 = vector.bitcast %get3A_755 : vector<16xi32> to vector<32xbf16>
        %get3A_757 = arith.constant 13 : i32
        %get3A_758 = arith.index_cast %get3A_757 : i32 to index
        %get3A_759 = arith.index_cast %mul3A_751 : i32 to index
        %get3A_760 = tpu.vector_load %arg8[%get3A_758, %get3A_759] {strides = array<i32>} : memref<48x256xi32, #tpu.memory_space<vmem>>, vector<16xi32>,
        %bitcast3A_761 = vector.bitcast %get3A_760 : vector<16xi32> to vector<32xbf16>
        %get3A_762 = arith.constant 14 : i32
        %get3A_763 = arith.index_cast %get3A_762 : i32 to index
        %get3A_764 = arith.index_cast %mul3A_751 : i32 to index
        %get3A_765 = tpu.vector_load %arg8[%get3A_763, %get3A_764] {strides = array<i32>} : memref<48x256xi32, #tpu.memory_space<vmem>>, vector<16xi32>,
        %bitcast3A_766 = vector.bitcast %get3A_765 : vector<16xi32> to vector<32xbf16>
        %mul3A_767 = arith.mulf %bitcast3A_756, %bitcast3A_500 : vector<32xbf16>
        %mul3A_768 = arith.mulf %bitcast3A_761, %bitcast3A_505 : vector<32xbf16>
        %add3A_769 = arith.addf %mul3A_767, %mul3A_768 : vector<32xbf16>
        %mul3A_770 = arith.mulf %bitcast3A_766, %bitcast3A_510 : vector<32xbf16>
        %add3A_771 = arith.addf %add3A_769, %mul3A_770 : vector<32xbf16>
        %unpack3A = tpu.unpack_subelements %add3A_771, 0 {pack_format = #tpu.pack_format<interleaved>} : vector<32xbf16> -> vector<16xf32>
        %unpack3A_772 = tpu.unpack_subelements %add3A_771, 1 {pack_format = #tpu.pack_format<interleaved>} : vector<32xbf16> -> vector<16xf32>
        %mul3A_773 = arith.constant 32 : i32
        %mul3A_774 = arith.muli %add3A_749, %mul3A_773 : i32
        %swap3A = arith.constant 4 : i32
        %swap3A_775 = arith.index_cast %swap3A : i32 to index
        %swap3A_776 = arith.index_cast %mul3A_774 : i32 to index
        %swap3A_777 = tpu.vector_load %arg12[%swap3A_775, %swap3A_776] {strides = array<i32>} : memref<16x512xf32, #tpu.memory_space<vmem>>, vector<16xf32>,
        tpu.vector_store %arg12[%swap3A_775, %swap3A_776], %unpack3A {strides = array<i32>} : memref<16x512xf32, #tpu.memory_space<vmem>>, vector<16xf32>,
        %mul3A_778 = arith.constant 32 : i32
        %mul3A_779 = arith.muli %add3A_749, %mul3A_778 : i32
        %add3A_780 = arith.constant 16 : i32
        %add3A_781 = arith.addi %mul3A_779, %add3A_780 : i32
        %swap3A_782 = arith.constant 4 : i32
        %swap3A_783 = arith.index_cast %swap3A_782 : i32 to index
        %swap3A_784 = arith.index_cast %add3A_781 : i32 to index
        %swap3A_785 = tpu.vector_load %arg12[%swap3A_783, %swap3A_784] {strides = array<i32>} : memref<16x512xf32, #tpu.memory_space<vmem>>, vector<16xf32>,
        tpu.vector_store %arg12[%swap3A_783, %swap3A_784], %unpack3A_772 {strides = array<i32>} : memref<16x512xf32, #tpu.memory_space<vmem>>, vector<16xf32>,
      }
      %scan3A_515 = arith.constant 16 : i32
      %get3A_516 = arith.constant 5 : i32
      %get3A_517 = arith.index_cast %get3A_516 : i32 to index
      %get3A_518 = arith.constant 0 : index
      %get3A_519 = tpu.vector_load %arg10[%get3A_517, %get3A_518] {strides = array<i32>} : memref<16x48xi32, #tpu.memory_space<vmem>>, vector<16xi32>,
      %bitcast3A_520 = vector.bitcast %get3A_519 : vector<16xi32> to vector<32xbf16>
      %get3A_521 = arith.constant 5 : i32
      %get3A_522 = arith.index_cast %get3A_521 : i32 to index
      %get3A_523 = arith.constant 16 : index
      %get3A_524 = tpu.vector_load %arg10[%get3A_522, %get3A_523] {strides = array<i32>} : memref<16x48xi32, #tpu.memory_space<vmem>>, vector<16xi32>,
      %bitcast3A_525 = vector.bitcast %get3A_524 : vector<16xi32> to vector<32xbf16>
      %get3A_526 = arith.constant 5 : i32
      %get3A_527 = arith.index_cast %get3A_526 : i32 to index
      %get3A_528 = arith.constant 32 : index
      %get3A_529 = tpu.vector_load %arg10[%get3A_527, %get3A_528] {strides = array<i32>} : memref<16x48xi32, #tpu.memory_space<vmem>>, vector<16xi32>,
      %bitcast3A_530 = vector.bitcast %get3A_529 : vector<16xi32> to vector<32xbf16>
      %scan3A_531 = arith.constant 0 : i32
      %scan3A_532 = arith.constant 16 : i32
      %scan3A_533 = arith.addi %scan3A_531, %scan3A_532 : i32
      %scan3A_534 = arith.constant 1 : i32
      scf.for %scan3A_745 = %scan3A_531 to %scan3A_533 step %scan3A_534  : i32 {
        %mul3A_746 = arith.constant 1 : i32
        %mul3A_747 = arith.muli %scan3A_745, %mul3A_746 : i32
        %add3A_748 = arith.constant 0 : i32
        %add3A_749 = arith.addi %add3A_748, %mul3A_747 : i32
        %mul3A_750 = arith.constant 16 : i32
        %mul3A_751 = arith.muli %add3A_749, %mul3A_750 : i32
        %get3A_752 = arith.constant 15 : i32
        %get3A_753 = arith.index_cast %get3A_752 : i32 to index
        %get3A_754 = arith.index_cast %mul3A_751 : i32 to index
        %get3A_755 = tpu.vector_load %arg8[%get3A_753, %get3A_754] {strides = array<i32>} : memref<48x256xi32, #tpu.memory_space<vmem>>, vector<16xi32>,
        %bitcast3A_756 = vector.bitcast %get3A_755 : vector<16xi32> to vector<32xbf16>
        %get3A_757 = arith.constant 16 : i32
        %get3A_758 = arith.index_cast %get3A_757 : i32 to index
        %get3A_759 = arith.index_cast %mul3A_751 : i32 to index
        %get3A_760 = tpu.vector_load %arg8[%get3A_758, %get3A_759] {strides = array<i32>} : memref<48x256xi32, #tpu.memory_space<vmem>>, vector<16xi32>,
        %bitcast3A_761 = vector.bitcast %get3A_760 : vector<16xi32> to vector<32xbf16>
        %get3A_762 = arith.constant 17 : i32
        %get3A_763 = arith.index_cast %get3A_762 : i32 to index
        %get3A_764 = arith.index_cast %mul3A_751 : i32 to index
        %get3A_765 = tpu.vector_load %arg8[%get3A_763, %get3A_764] {strides = array<i32>} : memref<48x256xi32, #tpu.memory_space<vmem>>, vector<16xi32>,
        %bitcast3A_766 = vector.bitcast %get3A_765 : vector<16xi32> to vector<32xbf16>
        %mul3A_767 = arith.mulf %bitcast3A_756, %bitcast3A_520 : vector<32xbf16>
        %mul3A_768 = arith.mulf %bitcast3A_761, %bitcast3A_525 : vector<32xbf16>
        %add3A_769 = arith.addf %mul3A_767, %mul3A_768 : vector<32xbf16>
        %mul3A_770 = arith.mulf %bitcast3A_766, %bitcast3A_530 : vector<32xbf16>
        %add3A_771 = arith.addf %add3A_769, %mul3A_770 : vector<32xbf16>
        %unpack3A = tpu.unpack_subelements %add3A_771, 0 {pack_format = #tpu.pack_format<interleaved>} : vector<32xbf16> -> vector<16xf32>
        %unpack3A_772 = tpu.unpack_subelements %add3A_771, 1 {pack_format = #tpu.pack_format<interleaved>} : vector<32xbf16> -> vector<16xf32>
        %mul3A_773 = arith.constant 32 : i32
        %mul3A_774 = arith.muli %add3A_749, %mul3A_773 : i32
        %swap3A = arith.constant 5 : i32
        %swap3A_775 = arith.index_cast %swap3A : i32 to index
        %swap3A_776 = arith.index_cast %mul3A_774 : i32 to index
        %swap3A_777 = tpu.vector_load %arg12[%swap3A_775, %swap3A_776] {strides = array<i32>} : memref<16x512xf32, #tpu.memory_space<vmem>>, vector<16xf32>,
        tpu.vector_store %arg12[%swap3A_775, %swap3A_776], %unpack3A {strides = array<i32>} : memref<16x512xf32, #tpu.memory_space<vmem>>, vector<16xf32>,
        %mul3A_778 = arith.constant 32 : i32
        %mul3A_779 = arith.muli %add3A_749, %mul3A_778 : i32
        %add3A_780 = arith.constant 16 : i32
        %add3A_781 = arith.addi %mul3A_779, %add3A_780 : i32
        %swap3A_782 = arith.constant 5 : i32
        %swap3A_783 = arith.index_cast %swap3A_782 : i32 to index
        %swap3A_784 = arith.index_cast %add3A_781 : i32 to index
        %swap3A_785 = tpu.vector_load %arg12[%swap3A_783, %swap3A_784] {strides = array<i32>} : memref<16x512xf32, #tpu.memory_space<vmem>>, vector<16xf32>,
        tpu.vector_store %arg12[%swap3A_783, %swap3A_784], %unpack3A_772 {strides = array<i32>} : memref<16x512xf32, #tpu.memory_space<vmem>>, vector<16xf32>,
      }
      %scan3A_535 = arith.constant 16 : i32
      %get3A_536 = arith.constant 6 : i32
      %get3A_537 = arith.index_cast %get3A_536 : i32 to index
      %get3A_538 = arith.constant 0 : index
      %get3A_539 = tpu.vector_load %arg10[%get3A_537, %get3A_538] {strides = array<i32>} : memref<16x48xi32, #tpu.memory_space<vmem>>, vector<16xi32>,
      %bitcast3A_540 = vector.bitcast %get3A_539 : vector<16xi32> to vector<32xbf16>
      %get3A_541 = arith.constant 6 : i32
      %get3A_542 = arith.index_cast %get3A_541 : i32 to index
      %get3A_543 = arith.constant 16 : index
      %get3A_544 = tpu.vector_load %arg10[%get3A_542, %get3A_543] {strides = array<i32>} : memref<16x48xi32, #tpu.memory_space<vmem>>, vector<16xi32>,
      %bitcast3A_545 = vector.bitcast %get3A_544 : vector<16xi32> to vector<32xbf16>
      %get3A_546 = arith.constant 6 : i32
      %get3A_547 = arith.index_cast %get3A_546 : i32 to index
      %get3A_548 = arith.constant 32 : index
      %get3A_549 = tpu.vector_load %arg10[%get3A_547, %get3A_548] {strides = array<i32>} : memref<16x48xi32, #tpu.memory_space<vmem>>, vector<16xi32>,
      %bitcast3A_550 = vector.bitcast %get3A_549 : vector<16xi32> to vector<32xbf16>
      %scan3A_551 = arith.constant 0 : i32
      %scan3A_552 = arith.constant 16 : i32
      %scan3A_553 = arith.addi %scan3A_551, %scan3A_552 : i32
      %scan3A_554 = arith.constant 1 : i32
      scf.for %scan3A_745 = %scan3A_551 to %scan3A_553 step %scan3A_554  : i32 {
        %mul3A_746 = arith.constant 1 : i32
        %mul3A_747 = arith.muli %scan3A_745, %mul3A_746 : i32
        %add3A_748 = arith.constant 0 : i32
        %add3A_749 = arith.addi %add3A_748, %mul3A_747 : i32
        %mul3A_750 = arith.constant 16 : i32
        %mul3A_751 = arith.muli %add3A_749, %mul3A_750 : i32
        %get3A_752 = arith.constant 18 : i32
        %get3A_753 = arith.index_cast %get3A_752 : i32 to index
        %get3A_754 = arith.index_cast %mul3A_751 : i32 to index
        %get3A_755 = tpu.vector_load %arg8[%get3A_753, %get3A_754] {strides = array<i32>} : memref<48x256xi32, #tpu.memory_space<vmem>>, vector<16xi32>,
        %bitcast3A_756 = vector.bitcast %get3A_755 : vector<16xi32> to vector<32xbf16>
        %get3A_757 = arith.constant 19 : i32
        %get3A_758 = arith.index_cast %get3A_757 : i32 to index
        %get3A_759 = arith.index_cast %mul3A_751 : i32 to index
        %get3A_760 = tpu.vector_load %arg8[%get3A_758, %get3A_759] {strides = array<i32>} : memref<48x256xi32, #tpu.memory_space<vmem>>, vector<16xi32>,
        %bitcast3A_761 = vector.bitcast %get3A_760 : vector<16xi32> to vector<32xbf16>
        %get3A_762 = arith.constant 20 : i32
        %get3A_763 = arith.index_cast %get3A_762 : i32 to index
        %get3A_764 = arith.index_cast %mul3A_751 : i32 to index
        %get3A_765 = tpu.vector_load %arg8[%get3A_763, %get3A_764] {strides = array<i32>} : memref<48x256xi32, #tpu.memory_space<vmem>>, vector<16xi32>,
        %bitcast3A_766 = vector.bitcast %get3A_765 : vector<16xi32> to vector<32xbf16>
        %mul3A_767 = arith.mulf %bitcast3A_756, %bitcast3A_540 : vector<32xbf16>
        %mul3A_768 = arith.mulf %bitcast3A_761, %bitcast3A_545 : vector<32xbf16>
        %add3A_769 = arith.addf %mul3A_767, %mul3A_768 : vector<32xbf16>
        %mul3A_770 = arith.mulf %bitcast3A_766, %bitcast3A_550 : vector<32xbf16>
        %add3A_771 = arith.addf %add3A_769, %mul3A_770 : vector<32xbf16>
        %unpack3A = tpu.unpack_subelements %add3A_771, 0 {pack_format = #tpu.pack_format<interleaved>} : vector<32xbf16> -> vector<16xf32>
        %unpack3A_772 = tpu.unpack_subelements %add3A_771, 1 {pack_format = #tpu.pack_format<interleaved>} : vector<32xbf16> -> vector<16xf32>
        %mul3A_773 = arith.constant 32 : i32
        %mul3A_774 = arith.muli %add3A_749, %mul3A_773 : i32
        %swap3A = arith.constant 6 : i32
        %swap3A_775 = arith.index_cast %swap3A : i32 to index
        %swap3A_776 = arith.index_cast %mul3A_774 : i32 to index
        %swap3A_777 = tpu.vector_load %arg12[%swap3A_775, %swap3A_776] {strides = array<i32>} : memref<16x512xf32, #tpu.memory_space<vmem>>, vector<16xf32>,
        tpu.vector_store %arg12[%swap3A_775, %swap3A_776], %unpack3A {strides = array<i32>} : memref<16x512xf32, #tpu.memory_space<vmem>>, vector<16xf32>,
        %mul3A_778 = arith.constant 32 : i32
        %mul3A_779 = arith.muli %add3A_749, %mul3A_778 : i32
        %add3A_780 = arith.constant 16 : i32
        %add3A_781 = arith.addi %mul3A_779, %add3A_780 : i32
        %swap3A_782 = arith.constant 6 : i32
        %swap3A_783 = arith.index_cast %swap3A_782 : i32 to index
        %swap3A_784 = arith.index_cast %add3A_781 : i32 to index
        %swap3A_785 = tpu.vector_load %arg12[%swap3A_783, %swap3A_784] {strides = array<i32>} : memref<16x512xf32, #tpu.memory_space<vmem>>, vector<16xf32>,
        tpu.vector_store %arg12[%swap3A_783, %swap3A_784], %unpack3A_772 {strides = array<i32>} : memref<16x512xf32, #tpu.memory_space<vmem>>, vector<16xf32>,
      }
      %scan3A_555 = arith.constant 16 : i32
      %get3A_556 = arith.constant 7 : i32
      %get3A_557 = arith.index_cast %get3A_556 : i32 to index
      %get3A_558 = arith.constant 0 : index
      %get3A_559 = tpu.vector_load %arg10[%get3A_557, %get3A_558] {strides = array<i32>} : memref<16x48xi32, #tpu.memory_space<vmem>>, vector<16xi32>,
      %bitcast3A_560 = vector.bitcast %get3A_559 : vector<16xi32> to vector<32xbf16>
      %get3A_561 = arith.constant 7 : i32
      %get3A_562 = arith.index_cast %get3A_561 : i32 to index
      %get3A_563 = arith.constant 16 : index
      %get3A_564 = tpu.vector_load %arg10[%get3A_562, %get3A_563] {strides = array<i32>} : memref<16x48xi32, #tpu.memory_space<vmem>>, vector<16xi32>,
      %bitcast3A_565 = vector.bitcast %get3A_564 : vector<16xi32> to vector<32xbf16>
      %get3A_566 = arith.constant 7 : i32
      %get3A_567 = arith.index_cast %get3A_566 : i32 to index
      %get3A_568 = arith.constant 32 : index
      %get3A_569 = tpu.vector_load %arg10[%get3A_567, %get3A_568] {strides = array<i32>} : memref<16x48xi32, #tpu.memory_space<vmem>>, vector<16xi32>,
      %bitcast3A_570 = vector.bitcast %get3A_569 : vector<16xi32> to vector<32xbf16>
      %scan3A_571 = arith.constant 0 : i32
      %scan3A_572 = arith.constant 16 : i32
      %scan3A_573 = arith.addi %scan3A_571, %scan3A_572 : i32
      %scan3A_574 = arith.constant 1 : i32
      scf.for %scan3A_745 = %scan3A_571 to %scan3A_573 step %scan3A_574  : i32 {
        %mul3A_746 = arith.constant 1 : i32
        %mul3A_747 = arith.muli %scan3A_745, %mul3A_746 : i32
        %add3A_748 = arith.constant 0 : i32
        %add3A_749 = arith.addi %add3A_748, %mul3A_747 : i32
        %mul3A_750 = arith.constant 16 : i32
        %mul3A_751 = arith.muli %add3A_749, %mul3A_750 : i32
        %get3A_752 = arith.constant 21 : i32
        %get3A_753 = arith.index_cast %get3A_752 : i32 to index
        %get3A_754 = arith.index_cast %mul3A_751 : i32 to index
        %get3A_755 = tpu.vector_load %arg8[%get3A_753, %get3A_754] {strides = array<i32>} : memref<48x256xi32, #tpu.memory_space<vmem>>, vector<16xi32>,
        %bitcast3A_756 = vector.bitcast %get3A_755 : vector<16xi32> to vector<32xbf16>
        %get3A_757 = arith.constant 22 : i32
        %get3A_758 = arith.index_cast %get3A_757 : i32 to index
        %get3A_759 = arith.index_cast %mul3A_751 : i32 to index
        %get3A_760 = tpu.vector_load %arg8[%get3A_758, %get3A_759] {strides = array<i32>} : memref<48x256xi32, #tpu.memory_space<vmem>>, vector<16xi32>,
        %bitcast3A_761 = vector.bitcast %get3A_760 : vector<16xi32> to vector<32xbf16>
        %get3A_762 = arith.constant 23 : i32
        %get3A_763 = arith.index_cast %get3A_762 : i32 to index
        %get3A_764 = arith.index_cast %mul3A_751 : i32 to index
        %get3A_765 = tpu.vector_load %arg8[%get3A_763, %get3A_764] {strides = array<i32>} : memref<48x256xi32, #tpu.memory_space<vmem>>, vector<16xi32>,
        %bitcast3A_766 = vector.bitcast %get3A_765 : vector<16xi32> to vector<32xbf16>
        %mul3A_767 = arith.mulf %bitcast3A_756, %bitcast3A_560 : vector<32xbf16>
        %mul3A_768 = arith.mulf %bitcast3A_761, %bitcast3A_565 : vector<32xbf16>
        %add3A_769 = arith.addf %mul3A_767, %mul3A_768 : vector<32xbf16>
        %mul3A_770 = arith.mulf %bitcast3A_766, %bitcast3A_570 : vector<32xbf16>
        %add3A_771 = arith.addf %add3A_769, %mul3A_770 : vector<32xbf16>
        %unpack3A = tpu.unpack_subelements %add3A_771, 0 {pack_format = #tpu.pack_format<interleaved>} : vector<32xbf16> -> vector<16xf32>
        %unpack3A_772 = tpu.unpack_subelements %add3A_771, 1 {pack_format = #tpu.pack_format<interleaved>} : vector<32xbf16> -> vector<16xf32>
        %mul3A_773 = arith.constant 32 : i32
        %mul3A_774 = arith.muli %add3A_749, %mul3A_773 : i32
        %swap3A = arith.constant 7 : i32
        %swap3A_775 = arith.index_cast %swap3A : i32 to index
        %swap3A_776 = arith.index_cast %mul3A_774 : i32 to index
        %swap3A_777 = tpu.vector_load %arg12[%swap3A_775, %swap3A_776] {strides = array<i32>} : memref<16x512xf32, #tpu.memory_space<vmem>>, vector<16xf32>,
        tpu.vector_store %arg12[%swap3A_775, %swap3A_776], %unpack3A {strides = array<i32>} : memref<16x512xf32, #tpu.memory_space<vmem>>, vector<16xf32>,
        %mul3A_778 = arith.constant 32 : i32
        %mul3A_779 = arith.muli %add3A_749, %mul3A_778 : i32
        %add3A_780 = arith.constant 16 : i32
        %add3A_781 = arith.addi %mul3A_779, %add3A_780 : i32
        %swap3A_782 = arith.constant 7 : i32
        %swap3A_783 = arith.index_cast %swap3A_782 : i32 to index
        %swap3A_784 = arith.index_cast %add3A_781 : i32 to index
        %swap3A_785 = tpu.vector_load %arg12[%swap3A_783, %swap3A_784] {strides = array<i32>} : memref<16x512xf32, #tpu.memory_space<vmem>>, vector<16xf32>,
        tpu.vector_store %arg12[%swap3A_783, %swap3A_784], %unpack3A_772 {strides = array<i32>} : memref<16x512xf32, #tpu.memory_space<vmem>>, vector<16xf32>,
      }
      %scan3A_575 = arith.constant 16 : i32
      %get3A_576 = arith.constant 8 : i32
      %get3A_577 = arith.index_cast %get3A_576 : i32 to index
      %get3A_578 = arith.constant 0 : index
      %get3A_579 = tpu.vector_load %arg10[%get3A_577, %get3A_578] {strides = array<i32>} : memref<16x48xi32, #tpu.memory_space<vmem>>, vector<16xi32>,
      %bitcast3A_580 = vector.bitcast %get3A_579 : vector<16xi32> to vector<32xbf16>
      %get3A_581 = arith.constant 8 : i32
      %get3A_582 = arith.index_cast %get3A_581 : i32 to index
      %get3A_583 = arith.constant 16 : index
      %get3A_584 = tpu.vector_load %arg10[%get3A_582, %get3A_583] {strides = array<i32>} : memref<16x48xi32, #tpu.memory_space<vmem>>, vector<16xi32>,
      %bitcast3A_585 = vector.bitcast %get3A_584 : vector<16xi32> to vector<32xbf16>
      %get3A_586 = arith.constant 8 : i32
      %get3A_587 = arith.index_cast %get3A_586 : i32 to index
      %get3A_588 = arith.constant 32 : index
      %get3A_589 = tpu.vector_load %arg10[%get3A_587, %get3A_588] {strides = array<i32>} : memref<16x48xi32, #tpu.memory_space<vmem>>, vector<16xi32>,
      %bitcast3A_590 = vector.bitcast %get3A_589 : vector<16xi32> to vector<32xbf16>
      %scan3A_591 = arith.constant 0 : i32
      %scan3A_592 = arith.constant 16 : i32
      %scan3A_593 = arith.addi %scan3A_591, %scan3A_592 : i32
      %scan3A_594 = arith.constant 1 : i32
      scf.for %scan3A_745 = %scan3A_591 to %scan3A_593 step %scan3A_594  : i32 {
        %mul3A_746 = arith.constant 1 : i32
        %mul3A_747 = arith.muli %scan3A_745, %mul3A_746 : i32
        %add3A_748 = arith.constant 0 : i32
        %add3A_749 = arith.addi %add3A_748, %mul3A_747 : i32
        %mul3A_750 = arith.constant 16 : i32
        %mul3A_751 = arith.muli %add3A_749, %mul3A_750 : i32
        %get3A_752 = arith.constant 24 : i32
        %get3A_753 = arith.index_cast %get3A_752 : i32 to index
        %get3A_754 = arith.index_cast %mul3A_751 : i32 to index
        %get3A_755 = tpu.vector_load %arg8[%get3A_753, %get3A_754] {strides = array<i32>} : memref<48x256xi32, #tpu.memory_space<vmem>>, vector<16xi32>,
        %bitcast3A_756 = vector.bitcast %get3A_755 : vector<16xi32> to vector<32xbf16>
        %get3A_757 = arith.constant 25 : i32
        %get3A_758 = arith.index_cast %get3A_757 : i32 to index
        %get3A_759 = arith.index_cast %mul3A_751 : i32 to index
        %get3A_760 = tpu.vector_load %arg8[%get3A_758, %get3A_759] {strides = array<i32>} : memref<48x256xi32, #tpu.memory_space<vmem>>, vector<16xi32>,
        %bitcast3A_761 = vector.bitcast %get3A_760 : vector<16xi32> to vector<32xbf16>
        %get3A_762 = arith.constant 26 : i32
        %get3A_763 = arith.index_cast %get3A_762 : i32 to index
        %get3A_764 = arith.index_cast %mul3A_751 : i32 to index
        %get3A_765 = tpu.vector_load %arg8[%get3A_763, %get3A_764] {strides = array<i32>} : memref<48x256xi32, #tpu.memory_space<vmem>>, vector<16xi32>,
        %bitcast3A_766 = vector.bitcast %get3A_765 : vector<16xi32> to vector<32xbf16>
        %mul3A_767 = arith.mulf %bitcast3A_756, %bitcast3A_580 : vector<32xbf16>
        %mul3A_768 = arith.mulf %bitcast3A_761, %bitcast3A_585 : vector<32xbf16>
        %add3A_769 = arith.addf %mul3A_767, %mul3A_768 : vector<32xbf16>
        %mul3A_770 = arith.mulf %bitcast3A_766, %bitcast3A_590 : vector<32xbf16>
        %add3A_771 = arith.addf %add3A_769, %mul3A_770 : vector<32xbf16>
        %unpack3A = tpu.unpack_subelements %add3A_771, 0 {pack_format = #tpu.pack_format<interleaved>} : vector<32xbf16> -> vector<16xf32>
        %unpack3A_772 = tpu.unpack_subelements %add3A_771, 1 {pack_format = #tpu.pack_format<interleaved>} : vector<32xbf16> -> vector<16xf32>
        %mul3A_773 = arith.constant 32 : i32
        %mul3A_774 = arith.muli %add3A_749, %mul3A_773 : i32
        %swap3A = arith.constant 8 : i32
        %swap3A_775 = arith.index_cast %swap3A : i32 to index
        %swap3A_776 = arith.index_cast %mul3A_774 : i32 to index
        %swap3A_777 = tpu.vector_load %arg12[%swap3A_775, %swap3A_776] {strides = array<i32>} : memref<16x512xf32, #tpu.memory_space<vmem>>, vector<16xf32>,
        tpu.vector_store %arg12[%swap3A_775, %swap3A_776], %unpack3A {strides = array<i32>} : memref<16x512xf32, #tpu.memory_space<vmem>>, vector<16xf32>,
        %mul3A_778 = arith.constant 32 : i32
        %mul3A_779 = arith.muli %add3A_749, %mul3A_778 : i32
        %add3A_780 = arith.constant 16 : i32
        %add3A_781 = arith.addi %mul3A_779, %add3A_780 : i32
        %swap3A_782 = arith.constant 8 : i32
        %swap3A_783 = arith.index_cast %swap3A_782 : i32 to index
        %swap3A_784 = arith.index_cast %add3A_781 : i32 to index
        %swap3A_785 = tpu.vector_load %arg12[%swap3A_783, %swap3A_784] {strides = array<i32>} : memref<16x512xf32, #tpu.memory_space<vmem>>, vector<16xf32>,
        tpu.vector_store %arg12[%swap3A_783, %swap3A_784], %unpack3A_772 {strides = array<i32>} : memref<16x512xf32, #tpu.memory_space<vmem>>, vector<16xf32>,
      }
      %scan3A_595 = arith.constant 16 : i32
      %get3A_596 = arith.constant 9 : i32
      %get3A_597 = arith.index_cast %get3A_596 : i32 to index
      %get3A_598 = arith.constant 0 : index
      %get3A_599 = tpu.vector_load %arg10[%get3A_597, %get3A_598] {strides = array<i32>} : memref<16x48xi32, #tpu.memory_space<vmem>>, vector<16xi32>,
      %bitcast3A_600 = vector.bitcast %get3A_599 : vector<16xi32> to vector<32xbf16>
      %get3A_601 = arith.constant 9 : i32
      %get3A_602 = arith.index_cast %get3A_601 : i32 to index
      %get3A_603 = arith.constant 16 : index
      %get3A_604 = tpu.vector_load %arg10[%get3A_602, %get3A_603] {strides = array<i32>} : memref<16x48xi32, #tpu.memory_space<vmem>>, vector<16xi32>,
      %bitcast3A_605 = vector.bitcast %get3A_604 : vector<16xi32> to vector<32xbf16>
      %get3A_606 = arith.constant 9 : i32
      %get3A_607 = arith.index_cast %get3A_606 : i32 to index
      %get3A_608 = arith.constant 32 : index
      %get3A_609 = tpu.vector_load %arg10[%get3A_607, %get3A_608] {strides = array<i32>} : memref<16x48xi32, #tpu.memory_space<vmem>>, vector<16xi32>,
      %bitcast3A_610 = vector.bitcast %get3A_609 : vector<16xi32> to vector<32xbf16>
      %scan3A_611 = arith.constant 0 : i32
      %scan3A_612 = arith.constant 16 : i32
      %scan3A_613 = arith.addi %scan3A_611, %scan3A_612 : i32
      %scan3A_614 = arith.constant 1 : i32
      scf.for %scan3A_745 = %scan3A_611 to %scan3A_613 step %scan3A_614  : i32 {
        %mul3A_746 = arith.constant 1 : i32
        %mul3A_747 = arith.muli %scan3A_745, %mul3A_746 : i32
        %add3A_748 = arith.constant 0 : i32
        %add3A_749 = arith.addi %add3A_748, %mul3A_747 : i32
        %mul3A_750 = arith.constant 16 : i32
        %mul3A_751 = arith.muli %add3A_749, %mul3A_750 : i32
        %get3A_752 = arith.constant 27 : i32
        %get3A_753 = arith.index_cast %get3A_752 : i32 to index
        %get3A_754 = arith.index_cast %mul3A_751 : i32 to index
        %get3A_755 = tpu.vector_load %arg8[%get3A_753, %get3A_754] {strides = array<i32>} : memref<48x256xi32, #tpu.memory_space<vmem>>, vector<16xi32>,
        %bitcast3A_756 = vector.bitcast %get3A_755 : vector<16xi32> to vector<32xbf16>
        %get3A_757 = arith.constant 28 : i32
        %get3A_758 = arith.index_cast %get3A_757 : i32 to index
        %get3A_759 = arith.index_cast %mul3A_751 : i32 to index
        %get3A_760 = tpu.vector_load %arg8[%get3A_758, %get3A_759] {strides = array<i32>} : memref<48x256xi32, #tpu.memory_space<vmem>>, vector<16xi32>,
        %bitcast3A_761 = vector.bitcast %get3A_760 : vector<16xi32> to vector<32xbf16>
        %get3A_762 = arith.constant 29 : i32
        %get3A_763 = arith.index_cast %get3A_762 : i32 to index
        %get3A_764 = arith.index_cast %mul3A_751 : i32 to index
        %get3A_765 = tpu.vector_load %arg8[%get3A_763, %get3A_764] {strides = array<i32>} : memref<48x256xi32, #tpu.memory_space<vmem>>, vector<16xi32>,
        %bitcast3A_766 = vector.bitcast %get3A_765 : vector<16xi32> to vector<32xbf16>
        %mul3A_767 = arith.mulf %bitcast3A_756, %bitcast3A_600 : vector<32xbf16>
        %mul3A_768 = arith.mulf %bitcast3A_761, %bitcast3A_605 : vector<32xbf16>
        %add3A_769 = arith.addf %mul3A_767, %mul3A_768 : vector<32xbf16>
        %mul3A_770 = arith.mulf %bitcast3A_766, %bitcast3A_610 : vector<32xbf16>
        %add3A_771 = arith.addf %add3A_769, %mul3A_770 : vector<32xbf16>
        %unpack3A = tpu.unpack_subelements %add3A_771, 0 {pack_format = #tpu.pack_format<interleaved>} : vector<32xbf16> -> vector<16xf32>
        %unpack3A_772 = tpu.unpack_subelements %add3A_771, 1 {pack_format = #tpu.pack_format<interleaved>} : vector<32xbf16> -> vector<16xf32>
        %mul3A_773 = arith.constant 32 : i32
        %mul3A_774 = arith.muli %add3A_749, %mul3A_773 : i32
        %swap3A = arith.constant 9 : i32
        %swap3A_775 = arith.index_cast %swap3A : i32 to index
        %swap3A_776 = arith.index_cast %mul3A_774 : i32 to index
        %swap3A_777 = tpu.vector_load %arg12[%swap3A_775, %swap3A_776] {strides = array<i32>} : memref<16x512xf32, #tpu.memory_space<vmem>>, vector<16xf32>,
        tpu.vector_store %arg12[%swap3A_775, %swap3A_776], %unpack3A {strides = array<i32>} : memref<16x512xf32, #tpu.memory_space<vmem>>, vector<16xf32>,
        %mul3A_778 = arith.constant 32 : i32
        %mul3A_779 = arith.muli %add3A_749, %mul3A_778 : i32
        %add3A_780 = arith.constant 16 : i32
        %add3A_781 = arith.addi %mul3A_779, %add3A_780 : i32
        %swap3A_782 = arith.constant 9 : i32
        %swap3A_783 = arith.index_cast %swap3A_782 : i32 to index
        %swap3A_784 = arith.index_cast %add3A_781 : i32 to index
        %swap3A_785 = tpu.vector_load %arg12[%swap3A_783, %swap3A_784] {strides = array<i32>} : memref<16x512xf32, #tpu.memory_space<vmem>>, vector<16xf32>,
        tpu.vector_store %arg12[%swap3A_783, %swap3A_784], %unpack3A_772 {strides = array<i32>} : memref<16x512xf32, #tpu.memory_space<vmem>>, vector<16xf32>,
      }
      %scan3A_615 = arith.constant 16 : i32
      %get3A_616 = arith.constant 10 : i32
      %get3A_617 = arith.index_cast %get3A_616 : i32 to index
      %get3A_618 = arith.constant 0 : index
      %get3A_619 = tpu.vector_load %arg10[%get3A_617, %get3A_618] {strides = array<i32>} : memref<16x48xi32, #tpu.memory_space<vmem>>, vector<16xi32>,
      %bitcast3A_620 = vector.bitcast %get3A_619 : vector<16xi32> to vector<32xbf16>
      %get3A_621 = arith.constant 10 : i32
      %get3A_622 = arith.index_cast %get3A_621 : i32 to index
      %get3A_623 = arith.constant 16 : index
      %get3A_624 = tpu.vector_load %arg10[%get3A_622, %get3A_623] {strides = array<i32>} : memref<16x48xi32, #tpu.memory_space<vmem>>, vector<16xi32>,
      %bitcast3A_625 = vector.bitcast %get3A_624 : vector<16xi32> to vector<32xbf16>
      %get3A_626 = arith.constant 10 : i32
      %get3A_627 = arith.index_cast %get3A_626 : i32 to index
      %get3A_628 = arith.constant 32 : index
      %get3A_629 = tpu.vector_load %arg10[%get3A_627, %get3A_628] {strides = array<i32>} : memref<16x48xi32, #tpu.memory_space<vmem>>, vector<16xi32>,
      %bitcast3A_630 = vector.bitcast %get3A_629 : vector<16xi32> to vector<32xbf16>
      %scan3A_631 = arith.constant 0 : i32
      %scan3A_632 = arith.constant 16 : i32
      %scan3A_633 = arith.addi %scan3A_631, %scan3A_632 : i32
      %scan3A_634 = arith.constant 1 : i32
      scf.for %scan3A_745 = %scan3A_631 to %scan3A_633 step %scan3A_634  : i32 {
        %mul3A_746 = arith.constant 1 : i32
        %mul3A_747 = arith.muli %scan3A_745, %mul3A_746 : i32
        %add3A_748 = arith.constant 0 : i32
        %add3A_749 = arith.addi %add3A_748, %mul3A_747 : i32
        %mul3A_750 = arith.constant 16 : i32
        %mul3A_751 = arith.muli %add3A_749, %mul3A_750 : i32
        %get3A_752 = arith.constant 30 : i32
        %get3A_753 = arith.index_cast %get3A_752 : i32 to index
        %get3A_754 = arith.index_cast %mul3A_751 : i32 to index
        %get3A_755 = tpu.vector_load %arg8[%get3A_753, %get3A_754] {strides = array<i32>} : memref<48x256xi32, #tpu.memory_space<vmem>>, vector<16xi32>,
        %bitcast3A_756 = vector.bitcast %get3A_755 : vector<16xi32> to vector<32xbf16>
        %get3A_757 = arith.constant 31 : i32
        %get3A_758 = arith.index_cast %get3A_757 : i32 to index
        %get3A_759 = arith.index_cast %mul3A_751 : i32 to index
        %get3A_760 = tpu.vector_load %arg8[%get3A_758, %get3A_759] {strides = array<i32>} : memref<48x256xi32, #tpu.memory_space<vmem>>, vector<16xi32>,
        %bitcast3A_761 = vector.bitcast %get3A_760 : vector<16xi32> to vector<32xbf16>
        %get3A_762 = arith.constant 32 : i32
        %get3A_763 = arith.index_cast %get3A_762 : i32 to index
        %get3A_764 = arith.index_cast %mul3A_751 : i32 to index
        %get3A_765 = tpu.vector_load %arg8[%get3A_763, %get3A_764] {strides = array<i32>} : memref<48x256xi32, #tpu.memory_space<vmem>>, vector<16xi32>,
        %bitcast3A_766 = vector.bitcast %get3A_765 : vector<16xi32> to vector<32xbf16>
        %mul3A_767 = arith.mulf %bitcast3A_756, %bitcast3A_620 : vector<32xbf16>
        %mul3A_768 = arith.mulf %bitcast3A_761, %bitcast3A_625 : vector<32xbf16>
        %add3A_769 = arith.addf %mul3A_767, %mul3A_768 : vector<32xbf16>
        %mul3A_770 = arith.mulf %bitcast3A_766, %bitcast3A_630 : vector<32xbf16>
        %add3A_771 = arith.addf %add3A_769, %mul3A_770 : vector<32xbf16>
        %unpack3A = tpu.unpack_subelements %add3A_771, 0 {pack_format = #tpu.pack_format<interleaved>} : vector<32xbf16> -> vector<16xf32>
        %unpack3A_772 = tpu.unpack_subelements %add3A_771, 1 {pack_format = #tpu.pack_format<interleaved>} : vector<32xbf16> -> vector<16xf32>
        %mul3A_773 = arith.constant 32 : i32
        %mul3A_774 = arith.muli %add3A_749, %mul3A_773 : i32
        %swap3A = arith.constant 10 : i32
        %swap3A_775 = arith.index_cast %swap3A : i32 to index
        %swap3A_776 = arith.index_cast %mul3A_774 : i32 to index
        %swap3A_777 = tpu.vector_load %arg12[%swap3A_775, %swap3A_776] {strides = array<i32>} : memref<16x512xf32, #tpu.memory_space<vmem>>, vector<16xf32>,
        tpu.vector_store %arg12[%swap3A_775, %swap3A_776], %unpack3A {strides = array<i32>} : memref<16x512xf32, #tpu.memory_space<vmem>>, vector<16xf32>,
        %mul3A_778 = arith.constant 32 : i32
        %mul3A_779 = arith.muli %add3A_749, %mul3A_778 : i32
        %add3A_780 = arith.constant 16 : i32
        %add3A_781 = arith.addi %mul3A_779, %add3A_780 : i32
        %swap3A_782 = arith.constant 10 : i32
        %swap3A_783 = arith.index_cast %swap3A_782 : i32 to index
        %swap3A_784 = arith.index_cast %add3A_781 : i32 to index
        %swap3A_785 = tpu.vector_load %arg12[%swap3A_783, %swap3A_784] {strides = array<i32>} : memref<16x512xf32, #tpu.memory_space<vmem>>, vector<16xf32>,
        tpu.vector_store %arg12[%swap3A_783, %swap3A_784], %unpack3A_772 {strides = array<i32>} : memref<16x512xf32, #tpu.memory_space<vmem>>, vector<16xf32>,
      }
      %scan3A_635 = arith.constant 16 : i32
      %get3A_636 = arith.constant 11 : i32
      %get3A_637 = arith.index_cast %get3A_636 : i32 to index
      %get3A_638 = arith.constant 0 : index
      %get3A_639 = tpu.vector_load %arg10[%get3A_637, %get3A_638] {strides = array<i32>} : memref<16x48xi32, #tpu.memory_space<vmem>>, vector<16xi32>,
      %bitcast3A_640 = vector.bitcast %get3A_639 : vector<16xi32> to vector<32xbf16>
      %get3A_641 = arith.constant 11 : i32
      %get3A_642 = arith.index_cast %get3A_641 : i32 to index
      %get3A_643 = arith.constant 16 : index
      %get3A_644 = tpu.vector_load %arg10[%get3A_642, %get3A_643] {strides = array<i32>} : memref<16x48xi32, #tpu.memory_space<vmem>>, vector<16xi32>,
      %bitcast3A_645 = vector.bitcast %get3A_644 : vector<16xi32> to vector<32xbf16>
      %get3A_646 = arith.constant 11 : i32
      %get3A_647 = arith.index_cast %get3A_646 : i32 to index
      %get3A_648 = arith.constant 32 : index
      %get3A_649 = tpu.vector_load %arg10[%get3A_647, %get3A_648] {strides = array<i32>} : memref<16x48xi32, #tpu.memory_space<vmem>>, vector<16xi32>,
      %bitcast3A_650 = vector.bitcast %get3A_649 : vector<16xi32> to vector<32xbf16>
      %scan3A_651 = arith.constant 0 : i32
      %scan3A_652 = arith.constant 16 : i32
      %scan3A_653 = arith.addi %scan3A_651, %scan3A_652 : i32
      %scan3A_654 = arith.constant 1 : i32
      scf.for %scan3A_745 = %scan3A_651 to %scan3A_653 step %scan3A_654  : i32 {
        %mul3A_746 = arith.constant 1 : i32
        %mul3A_747 = arith.muli %scan3A_745, %mul3A_746 : i32
        %add3A_748 = arith.constant 0 : i32
        %add3A_749 = arith.addi %add3A_748, %mul3A_747 : i32
        %mul3A_750 = arith.constant 16 : i32
        %mul3A_751 = arith.muli %add3A_749, %mul3A_750 : i32
        %get3A_752 = arith.constant 33 : i32
        %get3A_753 = arith.index_cast %get3A_752 : i32 to index
        %get3A_754 = arith.index_cast %mul3A_751 : i32 to index
        %get3A_755 = tpu.vector_load %arg8[%get3A_753, %get3A_754] {strides = array<i32>} : memref<48x256xi32, #tpu.memory_space<vmem>>, vector<16xi32>,
        %bitcast3A_756 = vector.bitcast %get3A_755 : vector<16xi32> to vector<32xbf16>
        %get3A_757 = arith.constant 34 : i32
        %get3A_758 = arith.index_cast %get3A_757 : i32 to index
        %get3A_759 = arith.index_cast %mul3A_751 : i32 to index
        %get3A_760 = tpu.vector_load %arg8[%get3A_758, %get3A_759] {strides = array<i32>} : memref<48x256xi32, #tpu.memory_space<vmem>>, vector<16xi32>,
        %bitcast3A_761 = vector.bitcast %get3A_760 : vector<16xi32> to vector<32xbf16>
        %get3A_762 = arith.constant 35 : i32
        %get3A_763 = arith.index_cast %get3A_762 : i32 to index
        %get3A_764 = arith.index_cast %mul3A_751 : i32 to index
        %get3A_765 = tpu.vector_load %arg8[%get3A_763, %get3A_764] {strides = array<i32>} : memref<48x256xi32, #tpu.memory_space<vmem>>, vector<16xi32>,
        %bitcast3A_766 = vector.bitcast %get3A_765 : vector<16xi32> to vector<32xbf16>
        %mul3A_767 = arith.mulf %bitcast3A_756, %bitcast3A_640 : vector<32xbf16>
        %mul3A_768 = arith.mulf %bitcast3A_761, %bitcast3A_645 : vector<32xbf16>
        %add3A_769 = arith.addf %mul3A_767, %mul3A_768 : vector<32xbf16>
        %mul3A_770 = arith.mulf %bitcast3A_766, %bitcast3A_650 : vector<32xbf16>
        %add3A_771 = arith.addf %add3A_769, %mul3A_770 : vector<32xbf16>
        %unpack3A = tpu.unpack_subelements %add3A_771, 0 {pack_format = #tpu.pack_format<interleaved>} : vector<32xbf16> -> vector<16xf32>
        %unpack3A_772 = tpu.unpack_subelements %add3A_771, 1 {pack_format = #tpu.pack_format<interleaved>} : vector<32xbf16> -> vector<16xf32>
        %mul3A_773 = arith.constant 32 : i32
        %mul3A_774 = arith.muli %add3A_749, %mul3A_773 : i32
        %swap3A = arith.constant 11 : i32
        %swap3A_775 = arith.index_cast %swap3A : i32 to index
        %swap3A_776 = arith.index_cast %mul3A_774 : i32 to index
        %swap3A_777 = tpu.vector_load %arg12[%swap3A_775, %swap3A_776] {strides = array<i32>} : memref<16x512xf32, #tpu.memory_space<vmem>>, vector<16xf32>,
        tpu.vector_store %arg12[%swap3A_775, %swap3A_776], %unpack3A {strides = array<i32>} : memref<16x512xf32, #tpu.memory_space<vmem>>, vector<16xf32>,
        %mul3A_778 = arith.constant 32 : i32
        %mul3A_779 = arith.muli %add3A_749, %mul3A_778 : i32
        %add3A_780 = arith.constant 16 : i32
        %add3A_781 = arith.addi %mul3A_779, %add3A_780 : i32
        %swap3A_782 = arith.constant 11 : i32
        %swap3A_783 = arith.index_cast %swap3A_782 : i32 to index
        %swap3A_784 = arith.index_cast %add3A_781 : i32 to index
        %swap3A_785 = tpu.vector_load %arg12[%swap3A_783, %swap3A_784] {strides = array<i32>} : memref<16x512xf32, #tpu.memory_space<vmem>>, vector<16xf32>,
        tpu.vector_store %arg12[%swap3A_783, %swap3A_784], %unpack3A_772 {strides = array<i32>} : memref<16x512xf32, #tpu.memory_space<vmem>>, vector<16xf32>,
      }
      %scan3A_655 = arith.constant 16 : i32
      %get3A_656 = arith.constant 12 : i32
      %get3A_657 = arith.index_cast %get3A_656 : i32 to index
      %get3A_658 = arith.constant 0 : index
      %get3A_659 = tpu.vector_load %arg10[%get3A_657, %get3A_658] {strides = array<i32>} : memref<16x48xi32, #tpu.memory_space<vmem>>, vector<16xi32>,
      %bitcast3A_660 = vector.bitcast %get3A_659 : vector<16xi32> to vector<32xbf16>
      %get3A_661 = arith.constant 12 : i32
      %get3A_662 = arith.index_cast %get3A_661 : i32 to index
      %get3A_663 = arith.constant 16 : index
      %get3A_664 = tpu.vector_load %arg10[%get3A_662, %get3A_663] {strides = array<i32>} : memref<16x48xi32, #tpu.memory_space<vmem>>, vector<16xi32>,
      %bitcast3A_665 = vector.bitcast %get3A_664 : vector<16xi32> to vector<32xbf16>
      %get3A_666 = arith.constant 12 : i32
      %get3A_667 = arith.index_cast %get3A_666 : i32 to index
      %get3A_668 = arith.constant 32 : index
      %get3A_669 = tpu.vector_load %arg10[%get3A_667, %get3A_668] {strides = array<i32>} : memref<16x48xi32, #tpu.memory_space<vmem>>, vector<16xi32>,
      %bitcast3A_670 = vector.bitcast %get3A_669 : vector<16xi32> to vector<32xbf16>
      %scan3A_671 = arith.constant 0 : i32
      %scan3A_672 = arith.constant 16 : i32
      %scan3A_673 = arith.addi %scan3A_671, %scan3A_672 : i32
      %scan3A_674 = arith.constant 1 : i32
      scf.for %scan3A_745 = %scan3A_671 to %scan3A_673 step %scan3A_674  : i32 {
        %mul3A_746 = arith.constant 1 : i32
        %mul3A_747 = arith.muli %scan3A_745, %mul3A_746 : i32
        %add3A_748 = arith.constant 0 : i32
        %add3A_749 = arith.addi %add3A_748, %mul3A_747 : i32
        %mul3A_750 = arith.constant 16 : i32
        %mul3A_751 = arith.muli %add3A_749, %mul3A_750 : i32
        %get3A_752 = arith.constant 36 : i32
        %get3A_753 = arith.index_cast %get3A_752 : i32 to index
        %get3A_754 = arith.index_cast %mul3A_751 : i32 to index
        %get3A_755 = tpu.vector_load %arg8[%get3A_753, %get3A_754] {strides = array<i32>} : memref<48x256xi32, #tpu.memory_space<vmem>>, vector<16xi32>,
        %bitcast3A_756 = vector.bitcast %get3A_755 : vector<16xi32> to vector<32xbf16>
        %get3A_757 = arith.constant 37 : i32
        %get3A_758 = arith.index_cast %get3A_757 : i32 to index
        %get3A_759 = arith.index_cast %mul3A_751 : i32 to index
        %get3A_760 = tpu.vector_load %arg8[%get3A_758, %get3A_759] {strides = array<i32>} : memref<48x256xi32, #tpu.memory_space<vmem>>, vector<16xi32>,
        %bitcast3A_761 = vector.bitcast %get3A_760 : vector<16xi32> to vector<32xbf16>
        %get3A_762 = arith.constant 38 : i32
        %get3A_763 = arith.index_cast %get3A_762 : i32 to index
        %get3A_764 = arith.index_cast %mul3A_751 : i32 to index
        %get3A_765 = tpu.vector_load %arg8[%get3A_763, %get3A_764] {strides = array<i32>} : memref<48x256xi32, #tpu.memory_space<vmem>>, vector<16xi32>,
        %bitcast3A_766 = vector.bitcast %get3A_765 : vector<16xi32> to vector<32xbf16>
        %mul3A_767 = arith.mulf %bitcast3A_756, %bitcast3A_660 : vector<32xbf16>
        %mul3A_768 = arith.mulf %bitcast3A_761, %bitcast3A_665 : vector<32xbf16>
        %add3A_769 = arith.addf %mul3A_767, %mul3A_768 : vector<32xbf16>
        %mul3A_770 = arith.mulf %bitcast3A_766, %bitcast3A_670 : vector<32xbf16>
        %add3A_771 = arith.addf %add3A_769, %mul3A_770 : vector<32xbf16>
        %unpack3A = tpu.unpack_subelements %add3A_771, 0 {pack_format = #tpu.pack_format<interleaved>} : vector<32xbf16> -> vector<16xf32>
        %unpack3A_772 = tpu.unpack_subelements %add3A_771, 1 {pack_format = #tpu.pack_format<interleaved>} : vector<32xbf16> -> vector<16xf32>
        %mul3A_773 = arith.constant 32 : i32
        %mul3A_774 = arith.muli %add3A_749, %mul3A_773 : i32
        %swap3A = arith.constant 12 : i32
        %swap3A_775 = arith.index_cast %swap3A : i32 to index
        %swap3A_776 = arith.index_cast %mul3A_774 : i32 to index
        %swap3A_777 = tpu.vector_load %arg12[%swap3A_775, %swap3A_776] {strides = array<i32>} : memref<16x512xf32, #tpu.memory_space<vmem>>, vector<16xf32>,
        tpu.vector_store %arg12[%swap3A_775, %swap3A_776], %unpack3A {strides = array<i32>} : memref<16x512xf32, #tpu.memory_space<vmem>>, vector<16xf32>,
        %mul3A_778 = arith.constant 32 : i32
        %mul3A_779 = arith.muli %add3A_749, %mul3A_778 : i32
        %add3A_780 = arith.constant 16 : i32
        %add3A_781 = arith.addi %mul3A_779, %add3A_780 : i32
        %swap3A_782 = arith.constant 12 : i32
        %swap3A_783 = arith.index_cast %swap3A_782 : i32 to index
        %swap3A_784 = arith.index_cast %add3A_781 : i32 to index
        %swap3A_785 = tpu.vector_load %arg12[%swap3A_783, %swap3A_784] {strides = array<i32>} : memref<16x512xf32, #tpu.memory_space<vmem>>, vector<16xf32>,
        tpu.vector_store %arg12[%swap3A_783, %swap3A_784], %unpack3A_772 {strides = array<i32>} : memref<16x512xf32, #tpu.memory_space<vmem>>, vector<16xf32>,
      }
      %scan3A_675 = arith.constant 16 : i32
      %get3A_676 = arith.constant 13 : i32
      %get3A_677 = arith.index_cast %get3A_676 : i32 to index
      %get3A_678 = arith.constant 0 : index
      %get3A_679 = tpu.vector_load %arg10[%get3A_677, %get3A_678] {strides = array<i32>} : memref<16x48xi32, #tpu.memory_space<vmem>>, vector<16xi32>,
      %bitcast3A_680 = vector.bitcast %get3A_679 : vector<16xi32> to vector<32xbf16>
      %get3A_681 = arith.constant 13 : i32
      %get3A_682 = arith.index_cast %get3A_681 : i32 to index
      %get3A_683 = arith.constant 16 : index
      %get3A_684 = tpu.vector_load %arg10[%get3A_682, %get3A_683] {strides = array<i32>} : memref<16x48xi32, #tpu.memory_space<vmem>>, vector<16xi32>,
      %bitcast3A_685 = vector.bitcast %get3A_684 : vector<16xi32> to vector<32xbf16>
      %get3A_686 = arith.constant 13 : i32
      %get3A_687 = arith.index_cast %get3A_686 : i32 to index
      %get3A_688 = arith.constant 32 : index
      %get3A_689 = tpu.vector_load %arg10[%get3A_687, %get3A_688] {strides = array<i32>} : memref<16x48xi32, #tpu.memory_space<vmem>>, vector<16xi32>,
      %bitcast3A_690 = vector.bitcast %get3A_689 : vector<16xi32> to vector<32xbf16>
      %scan3A_691 = arith.constant 0 : i32
      %scan3A_692 = arith.constant 16 : i32
      %scan3A_693 = arith.addi %scan3A_691, %scan3A_692 : i32
      %scan3A_694 = arith.constant 1 : i32
      scf.for %scan3A_745 = %scan3A_691 to %scan3A_693 step %scan3A_694  : i32 {
        %mul3A_746 = arith.constant 1 : i32
        %mul3A_747 = arith.muli %scan3A_745, %mul3A_746 : i32
        %add3A_748 = arith.constant 0 : i32
        %add3A_749 = arith.addi %add3A_748, %mul3A_747 : i32
        %mul3A_750 = arith.constant 16 : i32
        %mul3A_751 = arith.muli %add3A_749, %mul3A_750 : i32
        %get3A_752 = arith.constant 39 : i32
        %get3A_753 = arith.index_cast %get3A_752 : i32 to index
        %get3A_754 = arith.index_cast %mul3A_751 : i32 to index
        %get3A_755 = tpu.vector_load %arg8[%get3A_753, %get3A_754] {strides = array<i32>} : memref<48x256xi32, #tpu.memory_space<vmem>>, vector<16xi32>,
        %bitcast3A_756 = vector.bitcast %get3A_755 : vector<16xi32> to vector<32xbf16>
        %get3A_757 = arith.constant 40 : i32
        %get3A_758 = arith.index_cast %get3A_757 : i32 to index
        %get3A_759 = arith.index_cast %mul3A_751 : i32 to index
        %get3A_760 = tpu.vector_load %arg8[%get3A_758, %get3A_759] {strides = array<i32>} : memref<48x256xi32, #tpu.memory_space<vmem>>, vector<16xi32>,
        %bitcast3A_761 = vector.bitcast %get3A_760 : vector<16xi32> to vector<32xbf16>
        %get3A_762 = arith.constant 41 : i32
        %get3A_763 = arith.index_cast %get3A_762 : i32 to index
        %get3A_764 = arith.index_cast %mul3A_751 : i32 to index
        %get3A_765 = tpu.vector_load %arg8[%get3A_763, %get3A_764] {strides = array<i32>} : memref<48x256xi32, #tpu.memory_space<vmem>>, vector<16xi32>,
        %bitcast3A_766 = vector.bitcast %get3A_765 : vector<16xi32> to vector<32xbf16>
        %mul3A_767 = arith.mulf %bitcast3A_756, %bitcast3A_680 : vector<32xbf16>
        %mul3A_768 = arith.mulf %bitcast3A_761, %bitcast3A_685 : vector<32xbf16>
        %add3A_769 = arith.addf %mul3A_767, %mul3A_768 : vector<32xbf16>
        %mul3A_770 = arith.mulf %bitcast3A_766, %bitcast3A_690 : vector<32xbf16>
        %add3A_771 = arith.addf %add3A_769, %mul3A_770 : vector<32xbf16>
        %unpack3A = tpu.unpack_subelements %add3A_771, 0 {pack_format = #tpu.pack_format<interleaved>} : vector<32xbf16> -> vector<16xf32>
        %unpack3A_772 = tpu.unpack_subelements %add3A_771, 1 {pack_format = #tpu.pack_format<interleaved>} : vector<32xbf16> -> vector<16xf32>
        %mul3A_773 = arith.constant 32 : i32
        %mul3A_774 = arith.muli %add3A_749, %mul3A_773 : i32
        %swap3A = arith.constant 13 : i32
        %swap3A_775 = arith.index_cast %swap3A : i32 to index
        %swap3A_776 = arith.index_cast %mul3A_774 : i32 to index
        %swap3A_777 = tpu.vector_load %arg12[%swap3A_775, %swap3A_776] {strides = array<i32>} : memref<16x512xf32, #tpu.memory_space<vmem>>, vector<16xf32>,
        tpu.vector_store %arg12[%swap3A_775, %swap3A_776], %unpack3A {strides = array<i32>} : memref<16x512xf32, #tpu.memory_space<vmem>>, vector<16xf32>,
        %mul3A_778 = arith.constant 32 : i32
        %mul3A_779 = arith.muli %add3A_749, %mul3A_778 : i32
        %add3A_780 = arith.constant 16 : i32
        %add3A_781 = arith.addi %mul3A_779, %add3A_780 : i32
        %swap3A_782 = arith.constant 13 : i32
        %swap3A_783 = arith.index_cast %swap3A_782 : i32 to index
        %swap3A_784 = arith.index_cast %add3A_781 : i32 to index
        %swap3A_785 = tpu.vector_load %arg12[%swap3A_783, %swap3A_784] {strides = array<i32>} : memref<16x512xf32, #tpu.memory_space<vmem>>, vector<16xf32>,
        tpu.vector_store %arg12[%swap3A_783, %swap3A_784], %unpack3A_772 {strides = array<i32>} : memref<16x512xf32, #tpu.memory_space<vmem>>, vector<16xf32>,
      }
      %scan3A_695 = arith.constant 16 : i32
      %get3A_696 = arith.constant 14 : i32
      %get3A_697 = arith.index_cast %get3A_696 : i32 to index
      %get3A_698 = arith.constant 0 : index
      %get3A_699 = tpu.vector_load %arg10[%get3A_697, %get3A_698] {strides = array<i32>} : memref<16x48xi32, #tpu.memory_space<vmem>>, vector<16xi32>,
      %bitcast3A_700 = vector.bitcast %get3A_699 : vector<16xi32> to vector<32xbf16>
      %get3A_701 = arith.constant 14 : i32
      %get3A_702 = arith.index_cast %get3A_701 : i32 to index
      %get3A_703 = arith.constant 16 : index
      %get3A_704 = tpu.vector_load %arg10[%get3A_702, %get3A_703] {strides = array<i32>} : memref<16x48xi32, #tpu.memory_space<vmem>>, vector<16xi32>,
      %bitcast3A_705 = vector.bitcast %get3A_704 : vector<16xi32> to vector<32xbf16>
      %get3A_706 = arith.constant 14 : i32
      %get3A_707 = arith.index_cast %get3A_706 : i32 to index
      %get3A_708 = arith.constant 32 : index
      %get3A_709 = tpu.vector_load %arg10[%get3A_707, %get3A_708] {strides = array<i32>} : memref<16x48xi32, #tpu.memory_space<vmem>>, vector<16xi32>,
      %bitcast3A_710 = vector.bitcast %get3A_709 : vector<16xi32> to vector<32xbf16>
      %scan3A_711 = arith.constant 0 : i32
      %scan3A_712 = arith.constant 16 : i32
      %scan3A_713 = arith.addi %scan3A_711, %scan3A_712 : i32
      %scan3A_714 = arith.constant 1 : i32
      scf.for %scan3A_745 = %scan3A_711 to %scan3A_713 step %scan3A_714  : i32 {
        %mul3A_746 = arith.constant 1 : i32
        %mul3A_747 = arith.muli %scan3A_745, %mul3A_746 : i32
        %add3A_748 = arith.constant 0 : i32
        %add3A_749 = arith.addi %add3A_748, %mul3A_747 : i32
        %mul3A_750 = arith.constant 16 : i32
        %mul3A_751 = arith.muli %add3A_749, %mul3A_750 : i32
        %get3A_752 = arith.constant 42 : i32
        %get3A_753 = arith.index_cast %get3A_752 : i32 to index
        %get3A_754 = arith.index_cast %mul3A_751 : i32 to index
        %get3A_755 = tpu.vector_load %arg8[%get3A_753, %get3A_754] {strides = array<i32>} : memref<48x256xi32, #tpu.memory_space<vmem>>, vector<16xi32>,
        %bitcast3A_756 = vector.bitcast %get3A_755 : vector<16xi32> to vector<32xbf16>
        %get3A_757 = arith.constant 43 : i32
        %get3A_758 = arith.index_cast %get3A_757 : i32 to index
        %get3A_759 = arith.index_cast %mul3A_751 : i32 to index
        %get3A_760 = tpu.vector_load %arg8[%get3A_758, %get3A_759] {strides = array<i32>} : memref<48x256xi32, #tpu.memory_space<vmem>>, vector<16xi32>,
        %bitcast3A_761 = vector.bitcast %get3A_760 : vector<16xi32> to vector<32xbf16>
        %get3A_762 = arith.constant 44 : i32
        %get3A_763 = arith.index_cast %get3A_762 : i32 to index
        %get3A_764 = arith.index_cast %mul3A_751 : i32 to index
        %get3A_765 = tpu.vector_load %arg8[%get3A_763, %get3A_764] {strides = array<i32>} : memref<48x256xi32, #tpu.memory_space<vmem>>, vector<16xi32>,
        %bitcast3A_766 = vector.bitcast %get3A_765 : vector<16xi32> to vector<32xbf16>
        %mul3A_767 = arith.mulf %bitcast3A_756, %bitcast3A_700 : vector<32xbf16>
        %mul3A_768 = arith.mulf %bitcast3A_761, %bitcast3A_705 : vector<32xbf16>
        %add3A_769 = arith.addf %mul3A_767, %mul3A_768 : vector<32xbf16>
        %mul3A_770 = arith.mulf %bitcast3A_766, %bitcast3A_710 : vector<32xbf16>
        %add3A_771 = arith.addf %add3A_769, %mul3A_770 : vector<32xbf16>
        %unpack3A = tpu.unpack_subelements %add3A_771, 0 {pack_format = #tpu.pack_format<interleaved>} : vector<32xbf16> -> vector<16xf32>
        %unpack3A_772 = tpu.unpack_subelements %add3A_771, 1 {pack_format = #tpu.pack_format<interleaved>} : vector<32xbf16> -> vector<16xf32>
        %mul3A_773 = arith.constant 32 : i32
        %mul3A_774 = arith.muli %add3A_749, %mul3A_773 : i32
        %swap3A = arith.constant 14 : i32
        %swap3A_775 = arith.index_cast %swap3A : i32 to index
        %swap3A_776 = arith.index_cast %mul3A_774 : i32 to index
        %swap3A_777 = tpu.vector_load %arg12[%swap3A_775, %swap3A_776] {strides = array<i32>} : memref<16x512xf32, #tpu.memory_space<vmem>>, vector<16xf32>,
        tpu.vector_store %arg12[%swap3A_775, %swap3A_776], %unpack3A {strides = array<i32>} : memref<16x512xf32, #tpu.memory_space<vmem>>, vector<16xf32>,
        %mul3A_778 = arith.constant 32 : i32
        %mul3A_779 = arith.muli %add3A_749, %mul3A_778 : i32
        %add3A_780 = arith.constant 16 : i32
        %add3A_781 = arith.addi %mul3A_779, %add3A_780 : i32
        %swap3A_782 = arith.constant 14 : i32
        %swap3A_783 = arith.index_cast %swap3A_782 : i32 to index
        %swap3A_784 = arith.index_cast %add3A_781 : i32 to index
        %swap3A_785 = tpu.vector_load %arg12[%swap3A_783, %swap3A_784] {strides = array<i32>} : memref<16x512xf32, #tpu.memory_space<vmem>>, vector<16xf32>,
        tpu.vector_store %arg12[%swap3A_783, %swap3A_784], %unpack3A_772 {strides = array<i32>} : memref<16x512xf32, #tpu.memory_space<vmem>>, vector<16xf32>,
      }
      %scan3A_715 = arith.constant 16 : i32
      %get3A_716 = arith.constant 15 : i32
      %get3A_717 = arith.index_cast %get3A_716 : i32 to index
      %get3A_718 = arith.constant 0 : index
      %get3A_719 = tpu.vector_load %arg10[%get3A_717, %get3A_718] {strides = array<i32>} : memref<16x48xi32, #tpu.memory_space<vmem>>, vector<16xi32>,
      %bitcast3A_720 = vector.bitcast %get3A_719 : vector<16xi32> to vector<32xbf16>
      %get3A_721 = arith.constant 15 : i32
      %get3A_722 = arith.index_cast %get3A_721 : i32 to index
      %get3A_723 = arith.constant 16 : index
      %get3A_724 = tpu.vector_load %arg10[%get3A_722, %get3A_723] {strides = array<i32>} : memref<16x48xi32, #tpu.memory_space<vmem>>, vector<16xi32>,
      %bitcast3A_725 = vector.bitcast %get3A_724 : vector<16xi32> to vector<32xbf16>
      %get3A_726 = arith.constant 15 : i32
      %get3A_727 = arith.index_cast %get3A_726 : i32 to index
      %get3A_728 = arith.constant 32 : index
      %get3A_729 = tpu.vector_load %arg10[%get3A_727, %get3A_728] {strides = array<i32>} : memref<16x48xi32, #tpu.memory_space<vmem>>, vector<16xi32>,
      %bitcast3A_730 = vector.bitcast %get3A_729 : vector<16xi32> to vector<32xbf16>
      %scan3A_731 = arith.constant 0 : i32
      %scan3A_732 = arith.constant 16 : i32
      %scan3A_733 = arith.addi %scan3A_731, %scan3A_732 : i32
      %scan3A_734 = arith.constant 1 : i32
      scf.for %scan3A_745 = %scan3A_731 to %scan3A_733 step %scan3A_734  : i32 {
        %mul3A_746 = arith.constant 1 : i32
        %mul3A_747 = arith.muli %scan3A_745, %mul3A_746 : i32
        %add3A_748 = arith.constant 0 : i32
        %add3A_749 = arith.addi %add3A_748, %mul3A_747 : i32
        %mul3A_750 = arith.constant 16 : i32
        %mul3A_751 = arith.muli %add3A_749, %mul3A_750 : i32
        %get3A_752 = arith.constant 45 : i32
        %get3A_753 = arith.index_cast %get3A_752 : i32 to index
        %get3A_754 = arith.index_cast %mul3A_751 : i32 to index
        %get3A_755 = tpu.vector_load %arg8[%get3A_753, %get3A_754] {strides = array<i32>} : memref<48x256xi32, #tpu.memory_space<vmem>>, vector<16xi32>,
        %bitcast3A_756 = vector.bitcast %get3A_755 : vector<16xi32> to vector<32xbf16>
        %get3A_757 = arith.constant 46 : i32
        %get3A_758 = arith.index_cast %get3A_757 : i32 to index
        %get3A_759 = arith.index_cast %mul3A_751 : i32 to index
        %get3A_760 = tpu.vector_load %arg8[%get3A_758, %get3A_759] {strides = array<i32>} : memref<48x256xi32, #tpu.memory_space<vmem>>, vector<16xi32>,
        %bitcast3A_761 = vector.bitcast %get3A_760 : vector<16xi32> to vector<32xbf16>
        %get3A_762 = arith.constant 47 : i32
        %get3A_763 = arith.index_cast %get3A_762 : i32 to index
        %get3A_764 = arith.index_cast %mul3A_751 : i32 to index
        %get3A_765 = tpu.vector_load %arg8[%get3A_763, %get3A_764] {strides = array<i32>} : memref<48x256xi32, #tpu.memory_space<vmem>>, vector<16xi32>,
        %bitcast3A_766 = vector.bitcast %get3A_765 : vector<16xi32> to vector<32xbf16>
        %mul3A_767 = arith.mulf %bitcast3A_756, %bitcast3A_720 : vector<32xbf16>
        %mul3A_768 = arith.mulf %bitcast3A_761, %bitcast3A_725 : vector<32xbf16>
        %add3A_769 = arith.addf %mul3A_767, %mul3A_768 : vector<32xbf16>
        %mul3A_770 = arith.mulf %bitcast3A_766, %bitcast3A_730 : vector<32xbf16>
        %add3A_771 = arith.addf %add3A_769, %mul3A_770 : vector<32xbf16>
        %unpack3A = tpu.unpack_subelements %add3A_771, 0 {pack_format = #tpu.pack_format<interleaved>} : vector<32xbf16> -> vector<16xf32>
        %unpack3A_772 = tpu.unpack_subelements %add3A_771, 1 {pack_format = #tpu.pack_format<interleaved>} : vector<32xbf16> -> vector<16xf32>
        %mul3A_773 = arith.constant 32 : i32
        %mul3A_774 = arith.muli %add3A_749, %mul3A_773 : i32
        %swap3A = arith.constant 15 : i32
        %swap3A_775 = arith.index_cast %swap3A : i32 to index
        %swap3A_776 = arith.index_cast %mul3A_774 : i32 to index
        %swap3A_777 = tpu.vector_load %arg12[%swap3A_775, %swap3A_776] {strides = array<i32>} : memref<16x512xf32, #tpu.memory_space<vmem>>, vector<16xf32>,
        tpu.vector_store %arg12[%swap3A_775, %swap3A_776], %unpack3A {strides = array<i32>} : memref<16x512xf32, #tpu.memory_space<vmem>>, vector<16xf32>,
        %mul3A_778 = arith.constant 32 : i32
        %mul3A_779 = arith.muli %add3A_749, %mul3A_778 : i32
        %add3A_780 = arith.constant 16 : i32
        %add3A_781 = arith.addi %mul3A_779, %add3A_780 : i32
        %swap3A_782 = arith.constant 15 : i32
        %swap3A_783 = arith.index_cast %swap3A_782 : i32 to index
        %swap3A_784 = arith.index_cast %add3A_781 : i32 to index
        %swap3A_785 = tpu.vector_load %arg12[%swap3A_783, %swap3A_784] {strides = array<i32>} : memref<16x512xf32, #tpu.memory_space<vmem>>, vector<16xf32>,
        tpu.vector_store %arg12[%swap3A_783, %swap3A_784], %unpack3A_772 {strides = array<i32>} : memref<16x512xf32, #tpu.memory_space<vmem>>, vector<16xf32>,
      }
      %scan3A_735 = arith.constant 16 : i32
      %add3A_736 = arith.constant 1 : i32
      %add3A_737 = arith.addi %mul3A_36, %add3A_736 : i32
      %mul3A_738 = arith.constant 16 : i32
      %mul3A_739 = arith.muli %add3A_737, %mul3A_738 : i32
      %add3A_740 = arith.addi %mul3A_2, %mul3A_739 : i32
      %dma_start3A_741 = arith.constant 0 : i32
      %dma_start3A_742 = tpu.memref_slice %arg5[%add3A_740, %dma_start3A_741] : memref<65536x512xf32, #tpu.memory_space<hbm>> -> memref<16x512xf32, #tpu.memory_space<hbm>>
      %dma_start3A_743 = arith.constant 0 : i32
      %dma_start3A_744 = tpu.memref_slice %arg5[%add3A_740, %dma_start3A_743] : memref<65536x512xf32, #tpu.memory_space<hbm>> -> memref<16x512xf32, #tpu.memory_space<hbm>>
      tpu.enqueue_dma source(%arg12 : memref<16x512xf32, #tpu.memory_space<vmem>>) target(%dma_start3A_744 : memref<16x512xf32, #tpu.memory_space<hbm>>) target_semaphore(%arg18 : memref<!tpu.dma_semaphore, #tpu.memory_space<semaphore_mem>>)
    }
    %scan3A_18 = arith.constant 64 : i32
    %dma_wait3A = arith.constant 0 : i32
    %dma_wait3A_19 = arith.constant 0 : i32
    %dma_wait3A_20 = tpu.memref_slice %arg5[%dma_wait3A, %dma_wait3A_19] : memref<65536x512xf32, #tpu.memory_space<hbm>> -> memref<16x512xf32, #tpu.memory_space<hbm>>
    %dma_wait3A_21 = arith.constant 0 : i32
    %dma_wait3A_22 = arith.constant 0 : i32
    %dma_wait3A_23 = tpu.memref_slice %arg5[%dma_wait3A_21, %dma_wait3A_22] : memref<65536x512xf32, #tpu.memory_space<hbm>> -> memref<16x512xf32, #tpu.memory_space<hbm>>
    tpu.wait_dma2 semaphore(%arg17 : memref<!tpu.dma_semaphore, #tpu.memory_space<semaphore_mem>>) src(%arg11 : memref<16x512xf32, #tpu.memory_space<vmem>>) dst(%dma_wait3A_23 : memref<16x512xf32, #tpu.memory_space<hbm>>)
    %dma_wait3A_24 = arith.constant 0 : i32
    %dma_wait3A_25 = arith.constant 0 : i32
    %dma_wait3A_26 = tpu.memref_slice %arg5[%dma_wait3A_24, %dma_wait3A_25] : memref<65536x512xf32, #tpu.memory_space<hbm>> -> memref<16x512xf32, #tpu.memory_space<hbm>>
    %dma_wait3A_27 = arith.constant 0 : i32
    %dma_wait3A_28 = arith.constant 0 : i32
    %dma_wait3A_29 = tpu.memref_slice %arg5[%dma_wait3A_27, %dma_wait3A_28] : memref<65536x512xf32, #tpu.memory_space<hbm>> -> memref<16x512xf32, #tpu.memory_space<hbm>>
    tpu.wait_dma2 semaphore(%arg18 : memref<!tpu.dma_semaphore, #tpu.memory_space<semaphore_mem>>) src(%arg12 : memref<16x512xf32, #tpu.memory_space<vmem>>) dst(%dma_wait3A_29 : memref<16x512xf32, #tpu.memory_space<hbm>>)
    return
  }
}

#map = affine_map<(d0, d1) -> (0, 0)>
module attributes {stable_mosaic.version = 14 : i64} {
  func.func @pk(%arg0: i32, %arg1: i32, %arg2: memref<16384x512xf32, #tpu.memory_space<hbm>>, %arg3: memref<16384x256xi32, #tpu.memory_space<hbm>>, %arg4: memref<16x512xf32, #tpu.memory_space<vmem>>, %arg5: memref<16x256xi32, #tpu.memory_space<vmem>>, %arg6: memref<!tpu.dma_semaphore, #tpu.memory_space<semaphore_mem>>) attributes {dimension_semantics = [#tpu.dimension_semantics<core_parallel>, #tpu.dimension_semantics<subcore_parallel>], iteration_bounds = array<i64: 2, 16>, scalar_prefetch = 0 : i64, scratch_operands = 3 : i64, tpu.core_type = #tpu.core_type<sc_vector_subcore>, window_params = [{transform_indices = #map}, {transform_indices = #map}]} {
    %mul3A = arith.constant 2 : i32
    %mul3A_0 = arith.muli %arg1, %mul3A : i32
    %add3A = arith.addi %mul3A_0, %arg0 : i32
    %mul3A_1 = arith.constant 512 : i32
    %mul3A_2 = arith.muli %add3A, %mul3A_1 : i32
    %scan3A = arith.constant 0 : i32
    %scan3A_3 = arith.constant 32 : i32
    %scan3A_4 = arith.addi %scan3A, %scan3A_3 : i32
    %scan3A_5 = arith.constant 1 : i32
    scf.for %scan3A_7 = %scan3A to %scan3A_4 step %scan3A_5  : i32 {
      %mul3A_8 = arith.constant 1 : i32
      %mul3A_9 = arith.muli %scan3A_7, %mul3A_8 : i32
      %add3A_10 = arith.constant 0 : i32
      %add3A_11 = arith.addi %add3A_10, %mul3A_9 : i32
      %mul3A_12 = arith.constant 16 : i32
      %mul3A_13 = arith.muli %add3A_11, %mul3A_12 : i32
      %add3A_14 = arith.addi %mul3A_2, %mul3A_13 : i32
      %dma_start3A = arith.constant 0 : i32
      %dma_start3A_15 = tpu.memref_slice %arg2[%add3A_14, %dma_start3A] : memref<16384x512xf32, #tpu.memory_space<hbm>> -> memref<16x512xf32, #tpu.memory_space<hbm>>
      %dma_start3A_16 = arith.constant 0 : i32
      %dma_start3A_17 = tpu.memref_slice %arg2[%add3A_14, %dma_start3A_16] : memref<16384x512xf32, #tpu.memory_space<hbm>> -> memref<16x512xf32, #tpu.memory_space<hbm>>
      tpu.enqueue_dma source(%dma_start3A_17 : memref<16x512xf32, #tpu.memory_space<hbm>>) target(%arg4 : memref<16x512xf32, #tpu.memory_space<vmem>>) target_semaphore(%arg6 : memref<!tpu.dma_semaphore, #tpu.memory_space<semaphore_mem>>)
      %dma_wait3A = arith.constant 0 : i32
      %dma_wait3A_18 = tpu.memref_slice %arg2[%add3A_14, %dma_wait3A] : memref<16384x512xf32, #tpu.memory_space<hbm>> -> memref<16x512xf32, #tpu.memory_space<hbm>>
      %dma_wait3A_19 = arith.constant 0 : i32
      %dma_wait3A_20 = tpu.memref_slice %arg2[%add3A_14, %dma_wait3A_19] : memref<16384x512xf32, #tpu.memory_space<hbm>> -> memref<16x512xf32, #tpu.memory_space<hbm>>
      tpu.wait_dma2 semaphore(%arg6 : memref<!tpu.dma_semaphore, #tpu.memory_space<semaphore_mem>>) src(%dma_wait3A_20 : memref<16x512xf32, #tpu.memory_space<hbm>>) dst(%arg4 : memref<16x512xf32, #tpu.memory_space<vmem>>)
      %scan3A_21 = arith.constant 0 : i32
      %scan3A_22 = arith.constant 16 : i32
      %scan3A_23 = arith.addi %scan3A_21, %scan3A_22 : i32
      %scan3A_24 = arith.constant 1 : i32
      scf.for %scan3A_109 = %scan3A_21 to %scan3A_23 step %scan3A_24  : i32 {
        %mul3A_110 = arith.constant 1 : i32
        %mul3A_111 = arith.muli %scan3A_109, %mul3A_110 : i32
        %add3A_112 = arith.constant 0 : i32
        %add3A_113 = arith.addi %add3A_112, %mul3A_111 : i32
        %mul3A_114 = arith.constant 32 : i32
        %mul3A_115 = arith.muli %add3A_113, %mul3A_114 : i32
        %get3A = arith.constant 0 : i32
        %get3A_116 = arith.index_cast %get3A : i32 to index
        %get3A_117 = arith.index_cast %mul3A_115 : i32 to index
        %get3A_118 = tpu.vector_load %arg4[%get3A_116, %get3A_117] {strides = array<i32>} : memref<16x512xf32, #tpu.memory_space<vmem>>, vector<16xf32>,
        %mul3A_119 = arith.constant 32 : i32
        %mul3A_120 = arith.muli %add3A_113, %mul3A_119 : i32
        %add3A_121 = arith.constant 16 : i32
        %add3A_122 = arith.addi %mul3A_120, %add3A_121 : i32
        %get3A_123 = arith.constant 0 : i32
        %get3A_124 = arith.index_cast %get3A_123 : i32 to index
        %get3A_125 = arith.index_cast %add3A_122 : i32 to index
        %get3A_126 = tpu.vector_load %arg4[%get3A_124, %get3A_125] {strides = array<i32>} : memref<16x512xf32, #tpu.memory_space<vmem>>, vector<16xf32>,
        %pack3A = tpu.pack_subelements %get3A_118, %get3A_126 {pack_format = #tpu.pack_format<interleaved>, positions = array<i32: 0, 1>} : vector<16xf32>, vector<16xf32> -> vector<32xbf16>
        %bitcast3A = vector.bitcast %pack3A : vector<32xbf16> to vector<16xi32>
        %mul3A_127 = arith.constant 16 : i32
        %mul3A_128 = arith.muli %add3A_113, %mul3A_127 : i32
        %swap3A = arith.constant 0 : i32
        %swap3A_129 = arith.index_cast %swap3A : i32 to index
        %swap3A_130 = arith.index_cast %mul3A_128 : i32 to index
        %swap3A_131 = tpu.vector_load %arg5[%swap3A_129, %swap3A_130] {strides = array<i32>} : memref<16x256xi32, #tpu.memory_space<vmem>>, vector<16xi32>,
        tpu.vector_store %arg5[%swap3A_129, %swap3A_130], %bitcast3A {strides = array<i32>} : memref<16x256xi32, #tpu.memory_space<vmem>>, vector<16xi32>,
      }
      %scan3A_25 = arith.constant 16 : i32
      %scan3A_26 = arith.constant 0 : i32
      %scan3A_27 = arith.constant 16 : i32
      %scan3A_28 = arith.addi %scan3A_26, %scan3A_27 : i32
      %scan3A_29 = arith.constant 1 : i32
      scf.for %scan3A_109 = %scan3A_26 to %scan3A_28 step %scan3A_29  : i32 {
        %mul3A_110 = arith.constant 1 : i32
        %mul3A_111 = arith.muli %scan3A_109, %mul3A_110 : i32
        %add3A_112 = arith.constant 0 : i32
        %add3A_113 = arith.addi %add3A_112, %mul3A_111 : i32
        %mul3A_114 = arith.constant 32 : i32
        %mul3A_115 = arith.muli %add3A_113, %mul3A_114 : i32
        %get3A = arith.constant 1 : i32
        %get3A_116 = arith.index_cast %get3A : i32 to index
        %get3A_117 = arith.index_cast %mul3A_115 : i32 to index
        %get3A_118 = tpu.vector_load %arg4[%get3A_116, %get3A_117] {strides = array<i32>} : memref<16x512xf32, #tpu.memory_space<vmem>>, vector<16xf32>,
        %mul3A_119 = arith.constant 32 : i32
        %mul3A_120 = arith.muli %add3A_113, %mul3A_119 : i32
        %add3A_121 = arith.constant 16 : i32
        %add3A_122 = arith.addi %mul3A_120, %add3A_121 : i32
        %get3A_123 = arith.constant 1 : i32
        %get3A_124 = arith.index_cast %get3A_123 : i32 to index
        %get3A_125 = arith.index_cast %add3A_122 : i32 to index
        %get3A_126 = tpu.vector_load %arg4[%get3A_124, %get3A_125] {strides = array<i32>} : memref<16x512xf32, #tpu.memory_space<vmem>>, vector<16xf32>,
        %pack3A = tpu.pack_subelements %get3A_118, %get3A_126 {pack_format = #tpu.pack_format<interleaved>, positions = array<i32: 0, 1>} : vector<16xf32>, vector<16xf32> -> vector<32xbf16>
        %bitcast3A = vector.bitcast %pack3A : vector<32xbf16> to vector<16xi32>
        %mul3A_127 = arith.constant 16 : i32
        %mul3A_128 = arith.muli %add3A_113, %mul3A_127 : i32
        %swap3A = arith.constant 1 : i32
        %swap3A_129 = arith.index_cast %swap3A : i32 to index
        %swap3A_130 = arith.index_cast %mul3A_128 : i32 to index
        %swap3A_131 = tpu.vector_load %arg5[%swap3A_129, %swap3A_130] {strides = array<i32>} : memref<16x256xi32, #tpu.memory_space<vmem>>, vector<16xi32>,
        tpu.vector_store %arg5[%swap3A_129, %swap3A_130], %bitcast3A {strides = array<i32>} : memref<16x256xi32, #tpu.memory_space<vmem>>, vector<16xi32>,
      }
      %scan3A_30 = arith.constant 16 : i32
      %scan3A_31 = arith.constant 0 : i32
      %scan3A_32 = arith.constant 16 : i32
      %scan3A_33 = arith.addi %scan3A_31, %scan3A_32 : i32
      %scan3A_34 = arith.constant 1 : i32
      scf.for %scan3A_109 = %scan3A_31 to %scan3A_33 step %scan3A_34  : i32 {
        %mul3A_110 = arith.constant 1 : i32
        %mul3A_111 = arith.muli %scan3A_109, %mul3A_110 : i32
        %add3A_112 = arith.constant 0 : i32
        %add3A_113 = arith.addi %add3A_112, %mul3A_111 : i32
        %mul3A_114 = arith.constant 32 : i32
        %mul3A_115 = arith.muli %add3A_113, %mul3A_114 : i32
        %get3A = arith.constant 2 : i32
        %get3A_116 = arith.index_cast %get3A : i32 to index
        %get3A_117 = arith.index_cast %mul3A_115 : i32 to index
        %get3A_118 = tpu.vector_load %arg4[%get3A_116, %get3A_117] {strides = array<i32>} : memref<16x512xf32, #tpu.memory_space<vmem>>, vector<16xf32>,
        %mul3A_119 = arith.constant 32 : i32
        %mul3A_120 = arith.muli %add3A_113, %mul3A_119 : i32
        %add3A_121 = arith.constant 16 : i32
        %add3A_122 = arith.addi %mul3A_120, %add3A_121 : i32
        %get3A_123 = arith.constant 2 : i32
        %get3A_124 = arith.index_cast %get3A_123 : i32 to index
        %get3A_125 = arith.index_cast %add3A_122 : i32 to index
        %get3A_126 = tpu.vector_load %arg4[%get3A_124, %get3A_125] {strides = array<i32>} : memref<16x512xf32, #tpu.memory_space<vmem>>, vector<16xf32>,
        %pack3A = tpu.pack_subelements %get3A_118, %get3A_126 {pack_format = #tpu.pack_format<interleaved>, positions = array<i32: 0, 1>} : vector<16xf32>, vector<16xf32> -> vector<32xbf16>
        %bitcast3A = vector.bitcast %pack3A : vector<32xbf16> to vector<16xi32>
        %mul3A_127 = arith.constant 16 : i32
        %mul3A_128 = arith.muli %add3A_113, %mul3A_127 : i32
        %swap3A = arith.constant 2 : i32
        %swap3A_129 = arith.index_cast %swap3A : i32 to index
        %swap3A_130 = arith.index_cast %mul3A_128 : i32 to index
        %swap3A_131 = tpu.vector_load %arg5[%swap3A_129, %swap3A_130] {strides = array<i32>} : memref<16x256xi32, #tpu.memory_space<vmem>>, vector<16xi32>,
        tpu.vector_store %arg5[%swap3A_129, %swap3A_130], %bitcast3A {strides = array<i32>} : memref<16x256xi32, #tpu.memory_space<vmem>>, vector<16xi32>,
      }
      %scan3A_35 = arith.constant 16 : i32
      %scan3A_36 = arith.constant 0 : i32
      %scan3A_37 = arith.constant 16 : i32
      %scan3A_38 = arith.addi %scan3A_36, %scan3A_37 : i32
      %scan3A_39 = arith.constant 1 : i32
      scf.for %scan3A_109 = %scan3A_36 to %scan3A_38 step %scan3A_39  : i32 {
        %mul3A_110 = arith.constant 1 : i32
        %mul3A_111 = arith.muli %scan3A_109, %mul3A_110 : i32
        %add3A_112 = arith.constant 0 : i32
        %add3A_113 = arith.addi %add3A_112, %mul3A_111 : i32
        %mul3A_114 = arith.constant 32 : i32
        %mul3A_115 = arith.muli %add3A_113, %mul3A_114 : i32
        %get3A = arith.constant 3 : i32
        %get3A_116 = arith.index_cast %get3A : i32 to index
        %get3A_117 = arith.index_cast %mul3A_115 : i32 to index
        %get3A_118 = tpu.vector_load %arg4[%get3A_116, %get3A_117] {strides = array<i32>} : memref<16x512xf32, #tpu.memory_space<vmem>>, vector<16xf32>,
        %mul3A_119 = arith.constant 32 : i32
        %mul3A_120 = arith.muli %add3A_113, %mul3A_119 : i32
        %add3A_121 = arith.constant 16 : i32
        %add3A_122 = arith.addi %mul3A_120, %add3A_121 : i32
        %get3A_123 = arith.constant 3 : i32
        %get3A_124 = arith.index_cast %get3A_123 : i32 to index
        %get3A_125 = arith.index_cast %add3A_122 : i32 to index
        %get3A_126 = tpu.vector_load %arg4[%get3A_124, %get3A_125] {strides = array<i32>} : memref<16x512xf32, #tpu.memory_space<vmem>>, vector<16xf32>,
        %pack3A = tpu.pack_subelements %get3A_118, %get3A_126 {pack_format = #tpu.pack_format<interleaved>, positions = array<i32: 0, 1>} : vector<16xf32>, vector<16xf32> -> vector<32xbf16>
        %bitcast3A = vector.bitcast %pack3A : vector<32xbf16> to vector<16xi32>
        %mul3A_127 = arith.constant 16 : i32
        %mul3A_128 = arith.muli %add3A_113, %mul3A_127 : i32
        %swap3A = arith.constant 3 : i32
        %swap3A_129 = arith.index_cast %swap3A : i32 to index
        %swap3A_130 = arith.index_cast %mul3A_128 : i32 to index
        %swap3A_131 = tpu.vector_load %arg5[%swap3A_129, %swap3A_130] {strides = array<i32>} : memref<16x256xi32, #tpu.memory_space<vmem>>, vector<16xi32>,
        tpu.vector_store %arg5[%swap3A_129, %swap3A_130], %bitcast3A {strides = array<i32>} : memref<16x256xi32, #tpu.memory_space<vmem>>, vector<16xi32>,
      }
      %scan3A_40 = arith.constant 16 : i32
      %scan3A_41 = arith.constant 0 : i32
      %scan3A_42 = arith.constant 16 : i32
      %scan3A_43 = arith.addi %scan3A_41, %scan3A_42 : i32
      %scan3A_44 = arith.constant 1 : i32
      scf.for %scan3A_109 = %scan3A_41 to %scan3A_43 step %scan3A_44  : i32 {
        %mul3A_110 = arith.constant 1 : i32
        %mul3A_111 = arith.muli %scan3A_109, %mul3A_110 : i32
        %add3A_112 = arith.constant 0 : i32
        %add3A_113 = arith.addi %add3A_112, %mul3A_111 : i32
        %mul3A_114 = arith.constant 32 : i32
        %mul3A_115 = arith.muli %add3A_113, %mul3A_114 : i32
        %get3A = arith.constant 4 : i32
        %get3A_116 = arith.index_cast %get3A : i32 to index
        %get3A_117 = arith.index_cast %mul3A_115 : i32 to index
        %get3A_118 = tpu.vector_load %arg4[%get3A_116, %get3A_117] {strides = array<i32>} : memref<16x512xf32, #tpu.memory_space<vmem>>, vector<16xf32>,
        %mul3A_119 = arith.constant 32 : i32
        %mul3A_120 = arith.muli %add3A_113, %mul3A_119 : i32
        %add3A_121 = arith.constant 16 : i32
        %add3A_122 = arith.addi %mul3A_120, %add3A_121 : i32
        %get3A_123 = arith.constant 4 : i32
        %get3A_124 = arith.index_cast %get3A_123 : i32 to index
        %get3A_125 = arith.index_cast %add3A_122 : i32 to index
        %get3A_126 = tpu.vector_load %arg4[%get3A_124, %get3A_125] {strides = array<i32>} : memref<16x512xf32, #tpu.memory_space<vmem>>, vector<16xf32>,
        %pack3A = tpu.pack_subelements %get3A_118, %get3A_126 {pack_format = #tpu.pack_format<interleaved>, positions = array<i32: 0, 1>} : vector<16xf32>, vector<16xf32> -> vector<32xbf16>
        %bitcast3A = vector.bitcast %pack3A : vector<32xbf16> to vector<16xi32>
        %mul3A_127 = arith.constant 16 : i32
        %mul3A_128 = arith.muli %add3A_113, %mul3A_127 : i32
        %swap3A = arith.constant 4 : i32
        %swap3A_129 = arith.index_cast %swap3A : i32 to index
        %swap3A_130 = arith.index_cast %mul3A_128 : i32 to index
        %swap3A_131 = tpu.vector_load %arg5[%swap3A_129, %swap3A_130] {strides = array<i32>} : memref<16x256xi32, #tpu.memory_space<vmem>>, vector<16xi32>,
        tpu.vector_store %arg5[%swap3A_129, %swap3A_130], %bitcast3A {strides = array<i32>} : memref<16x256xi32, #tpu.memory_space<vmem>>, vector<16xi32>,
      }
      %scan3A_45 = arith.constant 16 : i32
      %scan3A_46 = arith.constant 0 : i32
      %scan3A_47 = arith.constant 16 : i32
      %scan3A_48 = arith.addi %scan3A_46, %scan3A_47 : i32
      %scan3A_49 = arith.constant 1 : i32
      scf.for %scan3A_109 = %scan3A_46 to %scan3A_48 step %scan3A_49  : i32 {
        %mul3A_110 = arith.constant 1 : i32
        %mul3A_111 = arith.muli %scan3A_109, %mul3A_110 : i32
        %add3A_112 = arith.constant 0 : i32
        %add3A_113 = arith.addi %add3A_112, %mul3A_111 : i32
        %mul3A_114 = arith.constant 32 : i32
        %mul3A_115 = arith.muli %add3A_113, %mul3A_114 : i32
        %get3A = arith.constant 5 : i32
        %get3A_116 = arith.index_cast %get3A : i32 to index
        %get3A_117 = arith.index_cast %mul3A_115 : i32 to index
        %get3A_118 = tpu.vector_load %arg4[%get3A_116, %get3A_117] {strides = array<i32>} : memref<16x512xf32, #tpu.memory_space<vmem>>, vector<16xf32>,
        %mul3A_119 = arith.constant 32 : i32
        %mul3A_120 = arith.muli %add3A_113, %mul3A_119 : i32
        %add3A_121 = arith.constant 16 : i32
        %add3A_122 = arith.addi %mul3A_120, %add3A_121 : i32
        %get3A_123 = arith.constant 5 : i32
        %get3A_124 = arith.index_cast %get3A_123 : i32 to index
        %get3A_125 = arith.index_cast %add3A_122 : i32 to index
        %get3A_126 = tpu.vector_load %arg4[%get3A_124, %get3A_125] {strides = array<i32>} : memref<16x512xf32, #tpu.memory_space<vmem>>, vector<16xf32>,
        %pack3A = tpu.pack_subelements %get3A_118, %get3A_126 {pack_format = #tpu.pack_format<interleaved>, positions = array<i32: 0, 1>} : vector<16xf32>, vector<16xf32> -> vector<32xbf16>
        %bitcast3A = vector.bitcast %pack3A : vector<32xbf16> to vector<16xi32>
        %mul3A_127 = arith.constant 16 : i32
        %mul3A_128 = arith.muli %add3A_113, %mul3A_127 : i32
        %swap3A = arith.constant 5 : i32
        %swap3A_129 = arith.index_cast %swap3A : i32 to index
        %swap3A_130 = arith.index_cast %mul3A_128 : i32 to index
        %swap3A_131 = tpu.vector_load %arg5[%swap3A_129, %swap3A_130] {strides = array<i32>} : memref<16x256xi32, #tpu.memory_space<vmem>>, vector<16xi32>,
        tpu.vector_store %arg5[%swap3A_129, %swap3A_130], %bitcast3A {strides = array<i32>} : memref<16x256xi32, #tpu.memory_space<vmem>>, vector<16xi32>,
      }
      %scan3A_50 = arith.constant 16 : i32
      %scan3A_51 = arith.constant 0 : i32
      %scan3A_52 = arith.constant 16 : i32
      %scan3A_53 = arith.addi %scan3A_51, %scan3A_52 : i32
      %scan3A_54 = arith.constant 1 : i32
      scf.for %scan3A_109 = %scan3A_51 to %scan3A_53 step %scan3A_54  : i32 {
        %mul3A_110 = arith.constant 1 : i32
        %mul3A_111 = arith.muli %scan3A_109, %mul3A_110 : i32
        %add3A_112 = arith.constant 0 : i32
        %add3A_113 = arith.addi %add3A_112, %mul3A_111 : i32
        %mul3A_114 = arith.constant 32 : i32
        %mul3A_115 = arith.muli %add3A_113, %mul3A_114 : i32
        %get3A = arith.constant 6 : i32
        %get3A_116 = arith.index_cast %get3A : i32 to index
        %get3A_117 = arith.index_cast %mul3A_115 : i32 to index
        %get3A_118 = tpu.vector_load %arg4[%get3A_116, %get3A_117] {strides = array<i32>} : memref<16x512xf32, #tpu.memory_space<vmem>>, vector<16xf32>,
        %mul3A_119 = arith.constant 32 : i32
        %mul3A_120 = arith.muli %add3A_113, %mul3A_119 : i32
        %add3A_121 = arith.constant 16 : i32
        %add3A_122 = arith.addi %mul3A_120, %add3A_121 : i32
        %get3A_123 = arith.constant 6 : i32
        %get3A_124 = arith.index_cast %get3A_123 : i32 to index
        %get3A_125 = arith.index_cast %add3A_122 : i32 to index
        %get3A_126 = tpu.vector_load %arg4[%get3A_124, %get3A_125] {strides = array<i32>} : memref<16x512xf32, #tpu.memory_space<vmem>>, vector<16xf32>,
        %pack3A = tpu.pack_subelements %get3A_118, %get3A_126 {pack_format = #tpu.pack_format<interleaved>, positions = array<i32: 0, 1>} : vector<16xf32>, vector<16xf32> -> vector<32xbf16>
        %bitcast3A = vector.bitcast %pack3A : vector<32xbf16> to vector<16xi32>
        %mul3A_127 = arith.constant 16 : i32
        %mul3A_128 = arith.muli %add3A_113, %mul3A_127 : i32
        %swap3A = arith.constant 6 : i32
        %swap3A_129 = arith.index_cast %swap3A : i32 to index
        %swap3A_130 = arith.index_cast %mul3A_128 : i32 to index
        %swap3A_131 = tpu.vector_load %arg5[%swap3A_129, %swap3A_130] {strides = array<i32>} : memref<16x256xi32, #tpu.memory_space<vmem>>, vector<16xi32>,
        tpu.vector_store %arg5[%swap3A_129, %swap3A_130], %bitcast3A {strides = array<i32>} : memref<16x256xi32, #tpu.memory_space<vmem>>, vector<16xi32>,
      }
      %scan3A_55 = arith.constant 16 : i32
      %scan3A_56 = arith.constant 0 : i32
      %scan3A_57 = arith.constant 16 : i32
      %scan3A_58 = arith.addi %scan3A_56, %scan3A_57 : i32
      %scan3A_59 = arith.constant 1 : i32
      scf.for %scan3A_109 = %scan3A_56 to %scan3A_58 step %scan3A_59  : i32 {
        %mul3A_110 = arith.constant 1 : i32
        %mul3A_111 = arith.muli %scan3A_109, %mul3A_110 : i32
        %add3A_112 = arith.constant 0 : i32
        %add3A_113 = arith.addi %add3A_112, %mul3A_111 : i32
        %mul3A_114 = arith.constant 32 : i32
        %mul3A_115 = arith.muli %add3A_113, %mul3A_114 : i32
        %get3A = arith.constant 7 : i32
        %get3A_116 = arith.index_cast %get3A : i32 to index
        %get3A_117 = arith.index_cast %mul3A_115 : i32 to index
        %get3A_118 = tpu.vector_load %arg4[%get3A_116, %get3A_117] {strides = array<i32>} : memref<16x512xf32, #tpu.memory_space<vmem>>, vector<16xf32>,
        %mul3A_119 = arith.constant 32 : i32
        %mul3A_120 = arith.muli %add3A_113, %mul3A_119 : i32
        %add3A_121 = arith.constant 16 : i32
        %add3A_122 = arith.addi %mul3A_120, %add3A_121 : i32
        %get3A_123 = arith.constant 7 : i32
        %get3A_124 = arith.index_cast %get3A_123 : i32 to index
        %get3A_125 = arith.index_cast %add3A_122 : i32 to index
        %get3A_126 = tpu.vector_load %arg4[%get3A_124, %get3A_125] {strides = array<i32>} : memref<16x512xf32, #tpu.memory_space<vmem>>, vector<16xf32>,
        %pack3A = tpu.pack_subelements %get3A_118, %get3A_126 {pack_format = #tpu.pack_format<interleaved>, positions = array<i32: 0, 1>} : vector<16xf32>, vector<16xf32> -> vector<32xbf16>
        %bitcast3A = vector.bitcast %pack3A : vector<32xbf16> to vector<16xi32>
        %mul3A_127 = arith.constant 16 : i32
        %mul3A_128 = arith.muli %add3A_113, %mul3A_127 : i32
        %swap3A = arith.constant 7 : i32
        %swap3A_129 = arith.index_cast %swap3A : i32 to index
        %swap3A_130 = arith.index_cast %mul3A_128 : i32 to index
        %swap3A_131 = tpu.vector_load %arg5[%swap3A_129, %swap3A_130] {strides = array<i32>} : memref<16x256xi32, #tpu.memory_space<vmem>>, vector<16xi32>,
        tpu.vector_store %arg5[%swap3A_129, %swap3A_130], %bitcast3A {strides = array<i32>} : memref<16x256xi32, #tpu.memory_space<vmem>>, vector<16xi32>,
      }
      %scan3A_60 = arith.constant 16 : i32
      %scan3A_61 = arith.constant 0 : i32
      %scan3A_62 = arith.constant 16 : i32
      %scan3A_63 = arith.addi %scan3A_61, %scan3A_62 : i32
      %scan3A_64 = arith.constant 1 : i32
      scf.for %scan3A_109 = %scan3A_61 to %scan3A_63 step %scan3A_64  : i32 {
        %mul3A_110 = arith.constant 1 : i32
        %mul3A_111 = arith.muli %scan3A_109, %mul3A_110 : i32
        %add3A_112 = arith.constant 0 : i32
        %add3A_113 = arith.addi %add3A_112, %mul3A_111 : i32
        %mul3A_114 = arith.constant 32 : i32
        %mul3A_115 = arith.muli %add3A_113, %mul3A_114 : i32
        %get3A = arith.constant 8 : i32
        %get3A_116 = arith.index_cast %get3A : i32 to index
        %get3A_117 = arith.index_cast %mul3A_115 : i32 to index
        %get3A_118 = tpu.vector_load %arg4[%get3A_116, %get3A_117] {strides = array<i32>} : memref<16x512xf32, #tpu.memory_space<vmem>>, vector<16xf32>,
        %mul3A_119 = arith.constant 32 : i32
        %mul3A_120 = arith.muli %add3A_113, %mul3A_119 : i32
        %add3A_121 = arith.constant 16 : i32
        %add3A_122 = arith.addi %mul3A_120, %add3A_121 : i32
        %get3A_123 = arith.constant 8 : i32
        %get3A_124 = arith.index_cast %get3A_123 : i32 to index
        %get3A_125 = arith.index_cast %add3A_122 : i32 to index
        %get3A_126 = tpu.vector_load %arg4[%get3A_124, %get3A_125] {strides = array<i32>} : memref<16x512xf32, #tpu.memory_space<vmem>>, vector<16xf32>,
        %pack3A = tpu.pack_subelements %get3A_118, %get3A_126 {pack_format = #tpu.pack_format<interleaved>, positions = array<i32: 0, 1>} : vector<16xf32>, vector<16xf32> -> vector<32xbf16>
        %bitcast3A = vector.bitcast %pack3A : vector<32xbf16> to vector<16xi32>
        %mul3A_127 = arith.constant 16 : i32
        %mul3A_128 = arith.muli %add3A_113, %mul3A_127 : i32
        %swap3A = arith.constant 8 : i32
        %swap3A_129 = arith.index_cast %swap3A : i32 to index
        %swap3A_130 = arith.index_cast %mul3A_128 : i32 to index
        %swap3A_131 = tpu.vector_load %arg5[%swap3A_129, %swap3A_130] {strides = array<i32>} : memref<16x256xi32, #tpu.memory_space<vmem>>, vector<16xi32>,
        tpu.vector_store %arg5[%swap3A_129, %swap3A_130], %bitcast3A {strides = array<i32>} : memref<16x256xi32, #tpu.memory_space<vmem>>, vector<16xi32>,
      }
      %scan3A_65 = arith.constant 16 : i32
      %scan3A_66 = arith.constant 0 : i32
      %scan3A_67 = arith.constant 16 : i32
      %scan3A_68 = arith.addi %scan3A_66, %scan3A_67 : i32
      %scan3A_69 = arith.constant 1 : i32
      scf.for %scan3A_109 = %scan3A_66 to %scan3A_68 step %scan3A_69  : i32 {
        %mul3A_110 = arith.constant 1 : i32
        %mul3A_111 = arith.muli %scan3A_109, %mul3A_110 : i32
        %add3A_112 = arith.constant 0 : i32
        %add3A_113 = arith.addi %add3A_112, %mul3A_111 : i32
        %mul3A_114 = arith.constant 32 : i32
        %mul3A_115 = arith.muli %add3A_113, %mul3A_114 : i32
        %get3A = arith.constant 9 : i32
        %get3A_116 = arith.index_cast %get3A : i32 to index
        %get3A_117 = arith.index_cast %mul3A_115 : i32 to index
        %get3A_118 = tpu.vector_load %arg4[%get3A_116, %get3A_117] {strides = array<i32>} : memref<16x512xf32, #tpu.memory_space<vmem>>, vector<16xf32>,
        %mul3A_119 = arith.constant 32 : i32
        %mul3A_120 = arith.muli %add3A_113, %mul3A_119 : i32
        %add3A_121 = arith.constant 16 : i32
        %add3A_122 = arith.addi %mul3A_120, %add3A_121 : i32
        %get3A_123 = arith.constant 9 : i32
        %get3A_124 = arith.index_cast %get3A_123 : i32 to index
        %get3A_125 = arith.index_cast %add3A_122 : i32 to index
        %get3A_126 = tpu.vector_load %arg4[%get3A_124, %get3A_125] {strides = array<i32>} : memref<16x512xf32, #tpu.memory_space<vmem>>, vector<16xf32>,
        %pack3A = tpu.pack_subelements %get3A_118, %get3A_126 {pack_format = #tpu.pack_format<interleaved>, positions = array<i32: 0, 1>} : vector<16xf32>, vector<16xf32> -> vector<32xbf16>
        %bitcast3A = vector.bitcast %pack3A : vector<32xbf16> to vector<16xi32>
        %mul3A_127 = arith.constant 16 : i32
        %mul3A_128 = arith.muli %add3A_113, %mul3A_127 : i32
        %swap3A = arith.constant 9 : i32
        %swap3A_129 = arith.index_cast %swap3A : i32 to index
        %swap3A_130 = arith.index_cast %mul3A_128 : i32 to index
        %swap3A_131 = tpu.vector_load %arg5[%swap3A_129, %swap3A_130] {strides = array<i32>} : memref<16x256xi32, #tpu.memory_space<vmem>>, vector<16xi32>,
        tpu.vector_store %arg5[%swap3A_129, %swap3A_130], %bitcast3A {strides = array<i32>} : memref<16x256xi32, #tpu.memory_space<vmem>>, vector<16xi32>,
      }
      %scan3A_70 = arith.constant 16 : i32
      %scan3A_71 = arith.constant 0 : i32
      %scan3A_72 = arith.constant 16 : i32
      %scan3A_73 = arith.addi %scan3A_71, %scan3A_72 : i32
      %scan3A_74 = arith.constant 1 : i32
      scf.for %scan3A_109 = %scan3A_71 to %scan3A_73 step %scan3A_74  : i32 {
        %mul3A_110 = arith.constant 1 : i32
        %mul3A_111 = arith.muli %scan3A_109, %mul3A_110 : i32
        %add3A_112 = arith.constant 0 : i32
        %add3A_113 = arith.addi %add3A_112, %mul3A_111 : i32
        %mul3A_114 = arith.constant 32 : i32
        %mul3A_115 = arith.muli %add3A_113, %mul3A_114 : i32
        %get3A = arith.constant 10 : i32
        %get3A_116 = arith.index_cast %get3A : i32 to index
        %get3A_117 = arith.index_cast %mul3A_115 : i32 to index
        %get3A_118 = tpu.vector_load %arg4[%get3A_116, %get3A_117] {strides = array<i32>} : memref<16x512xf32, #tpu.memory_space<vmem>>, vector<16xf32>,
        %mul3A_119 = arith.constant 32 : i32
        %mul3A_120 = arith.muli %add3A_113, %mul3A_119 : i32
        %add3A_121 = arith.constant 16 : i32
        %add3A_122 = arith.addi %mul3A_120, %add3A_121 : i32
        %get3A_123 = arith.constant 10 : i32
        %get3A_124 = arith.index_cast %get3A_123 : i32 to index
        %get3A_125 = arith.index_cast %add3A_122 : i32 to index
        %get3A_126 = tpu.vector_load %arg4[%get3A_124, %get3A_125] {strides = array<i32>} : memref<16x512xf32, #tpu.memory_space<vmem>>, vector<16xf32>,
        %pack3A = tpu.pack_subelements %get3A_118, %get3A_126 {pack_format = #tpu.pack_format<interleaved>, positions = array<i32: 0, 1>} : vector<16xf32>, vector<16xf32> -> vector<32xbf16>
        %bitcast3A = vector.bitcast %pack3A : vector<32xbf16> to vector<16xi32>
        %mul3A_127 = arith.constant 16 : i32
        %mul3A_128 = arith.muli %add3A_113, %mul3A_127 : i32
        %swap3A = arith.constant 10 : i32
        %swap3A_129 = arith.index_cast %swap3A : i32 to index
        %swap3A_130 = arith.index_cast %mul3A_128 : i32 to index
        %swap3A_131 = tpu.vector_load %arg5[%swap3A_129, %swap3A_130] {strides = array<i32>} : memref<16x256xi32, #tpu.memory_space<vmem>>, vector<16xi32>,
        tpu.vector_store %arg5[%swap3A_129, %swap3A_130], %bitcast3A {strides = array<i32>} : memref<16x256xi32, #tpu.memory_space<vmem>>, vector<16xi32>,
      }
      %scan3A_75 = arith.constant 16 : i32
      %scan3A_76 = arith.constant 0 : i32
      %scan3A_77 = arith.constant 16 : i32
      %scan3A_78 = arith.addi %scan3A_76, %scan3A_77 : i32
      %scan3A_79 = arith.constant 1 : i32
      scf.for %scan3A_109 = %scan3A_76 to %scan3A_78 step %scan3A_79  : i32 {
        %mul3A_110 = arith.constant 1 : i32
        %mul3A_111 = arith.muli %scan3A_109, %mul3A_110 : i32
        %add3A_112 = arith.constant 0 : i32
        %add3A_113 = arith.addi %add3A_112, %mul3A_111 : i32
        %mul3A_114 = arith.constant 32 : i32
        %mul3A_115 = arith.muli %add3A_113, %mul3A_114 : i32
        %get3A = arith.constant 11 : i32
        %get3A_116 = arith.index_cast %get3A : i32 to index
        %get3A_117 = arith.index_cast %mul3A_115 : i32 to index
        %get3A_118 = tpu.vector_load %arg4[%get3A_116, %get3A_117] {strides = array<i32>} : memref<16x512xf32, #tpu.memory_space<vmem>>, vector<16xf32>,
        %mul3A_119 = arith.constant 32 : i32
        %mul3A_120 = arith.muli %add3A_113, %mul3A_119 : i32
        %add3A_121 = arith.constant 16 : i32
        %add3A_122 = arith.addi %mul3A_120, %add3A_121 : i32
        %get3A_123 = arith.constant 11 : i32
        %get3A_124 = arith.index_cast %get3A_123 : i32 to index
        %get3A_125 = arith.index_cast %add3A_122 : i32 to index
        %get3A_126 = tpu.vector_load %arg4[%get3A_124, %get3A_125] {strides = array<i32>} : memref<16x512xf32, #tpu.memory_space<vmem>>, vector<16xf32>,
        %pack3A = tpu.pack_subelements %get3A_118, %get3A_126 {pack_format = #tpu.pack_format<interleaved>, positions = array<i32: 0, 1>} : vector<16xf32>, vector<16xf32> -> vector<32xbf16>
        %bitcast3A = vector.bitcast %pack3A : vector<32xbf16> to vector<16xi32>
        %mul3A_127 = arith.constant 16 : i32
        %mul3A_128 = arith.muli %add3A_113, %mul3A_127 : i32
        %swap3A = arith.constant 11 : i32
        %swap3A_129 = arith.index_cast %swap3A : i32 to index
        %swap3A_130 = arith.index_cast %mul3A_128 : i32 to index
        %swap3A_131 = tpu.vector_load %arg5[%swap3A_129, %swap3A_130] {strides = array<i32>} : memref<16x256xi32, #tpu.memory_space<vmem>>, vector<16xi32>,
        tpu.vector_store %arg5[%swap3A_129, %swap3A_130], %bitcast3A {strides = array<i32>} : memref<16x256xi32, #tpu.memory_space<vmem>>, vector<16xi32>,
      }
      %scan3A_80 = arith.constant 16 : i32
      %scan3A_81 = arith.constant 0 : i32
      %scan3A_82 = arith.constant 16 : i32
      %scan3A_83 = arith.addi %scan3A_81, %scan3A_82 : i32
      %scan3A_84 = arith.constant 1 : i32
      scf.for %scan3A_109 = %scan3A_81 to %scan3A_83 step %scan3A_84  : i32 {
        %mul3A_110 = arith.constant 1 : i32
        %mul3A_111 = arith.muli %scan3A_109, %mul3A_110 : i32
        %add3A_112 = arith.constant 0 : i32
        %add3A_113 = arith.addi %add3A_112, %mul3A_111 : i32
        %mul3A_114 = arith.constant 32 : i32
        %mul3A_115 = arith.muli %add3A_113, %mul3A_114 : i32
        %get3A = arith.constant 12 : i32
        %get3A_116 = arith.index_cast %get3A : i32 to index
        %get3A_117 = arith.index_cast %mul3A_115 : i32 to index
        %get3A_118 = tpu.vector_load %arg4[%get3A_116, %get3A_117] {strides = array<i32>} : memref<16x512xf32, #tpu.memory_space<vmem>>, vector<16xf32>,
        %mul3A_119 = arith.constant 32 : i32
        %mul3A_120 = arith.muli %add3A_113, %mul3A_119 : i32
        %add3A_121 = arith.constant 16 : i32
        %add3A_122 = arith.addi %mul3A_120, %add3A_121 : i32
        %get3A_123 = arith.constant 12 : i32
        %get3A_124 = arith.index_cast %get3A_123 : i32 to index
        %get3A_125 = arith.index_cast %add3A_122 : i32 to index
        %get3A_126 = tpu.vector_load %arg4[%get3A_124, %get3A_125] {strides = array<i32>} : memref<16x512xf32, #tpu.memory_space<vmem>>, vector<16xf32>,
        %pack3A = tpu.pack_subelements %get3A_118, %get3A_126 {pack_format = #tpu.pack_format<interleaved>, positions = array<i32: 0, 1>} : vector<16xf32>, vector<16xf32> -> vector<32xbf16>
        %bitcast3A = vector.bitcast %pack3A : vector<32xbf16> to vector<16xi32>
        %mul3A_127 = arith.constant 16 : i32
        %mul3A_128 = arith.muli %add3A_113, %mul3A_127 : i32
        %swap3A = arith.constant 12 : i32
        %swap3A_129 = arith.index_cast %swap3A : i32 to index
        %swap3A_130 = arith.index_cast %mul3A_128 : i32 to index
        %swap3A_131 = tpu.vector_load %arg5[%swap3A_129, %swap3A_130] {strides = array<i32>} : memref<16x256xi32, #tpu.memory_space<vmem>>, vector<16xi32>,
        tpu.vector_store %arg5[%swap3A_129, %swap3A_130], %bitcast3A {strides = array<i32>} : memref<16x256xi32, #tpu.memory_space<vmem>>, vector<16xi32>,
      }
      %scan3A_85 = arith.constant 16 : i32
      %scan3A_86 = arith.constant 0 : i32
      %scan3A_87 = arith.constant 16 : i32
      %scan3A_88 = arith.addi %scan3A_86, %scan3A_87 : i32
      %scan3A_89 = arith.constant 1 : i32
      scf.for %scan3A_109 = %scan3A_86 to %scan3A_88 step %scan3A_89  : i32 {
        %mul3A_110 = arith.constant 1 : i32
        %mul3A_111 = arith.muli %scan3A_109, %mul3A_110 : i32
        %add3A_112 = arith.constant 0 : i32
        %add3A_113 = arith.addi %add3A_112, %mul3A_111 : i32
        %mul3A_114 = arith.constant 32 : i32
        %mul3A_115 = arith.muli %add3A_113, %mul3A_114 : i32
        %get3A = arith.constant 13 : i32
        %get3A_116 = arith.index_cast %get3A : i32 to index
        %get3A_117 = arith.index_cast %mul3A_115 : i32 to index
        %get3A_118 = tpu.vector_load %arg4[%get3A_116, %get3A_117] {strides = array<i32>} : memref<16x512xf32, #tpu.memory_space<vmem>>, vector<16xf32>,
        %mul3A_119 = arith.constant 32 : i32
        %mul3A_120 = arith.muli %add3A_113, %mul3A_119 : i32
        %add3A_121 = arith.constant 16 : i32
        %add3A_122 = arith.addi %mul3A_120, %add3A_121 : i32
        %get3A_123 = arith.constant 13 : i32
        %get3A_124 = arith.index_cast %get3A_123 : i32 to index
        %get3A_125 = arith.index_cast %add3A_122 : i32 to index
        %get3A_126 = tpu.vector_load %arg4[%get3A_124, %get3A_125] {strides = array<i32>} : memref<16x512xf32, #tpu.memory_space<vmem>>, vector<16xf32>,
        %pack3A = tpu.pack_subelements %get3A_118, %get3A_126 {pack_format = #tpu.pack_format<interleaved>, positions = array<i32: 0, 1>} : vector<16xf32>, vector<16xf32> -> vector<32xbf16>
        %bitcast3A = vector.bitcast %pack3A : vector<32xbf16> to vector<16xi32>
        %mul3A_127 = arith.constant 16 : i32
        %mul3A_128 = arith.muli %add3A_113, %mul3A_127 : i32
        %swap3A = arith.constant 13 : i32
        %swap3A_129 = arith.index_cast %swap3A : i32 to index
        %swap3A_130 = arith.index_cast %mul3A_128 : i32 to index
        %swap3A_131 = tpu.vector_load %arg5[%swap3A_129, %swap3A_130] {strides = array<i32>} : memref<16x256xi32, #tpu.memory_space<vmem>>, vector<16xi32>,
        tpu.vector_store %arg5[%swap3A_129, %swap3A_130], %bitcast3A {strides = array<i32>} : memref<16x256xi32, #tpu.memory_space<vmem>>, vector<16xi32>,
      }
      %scan3A_90 = arith.constant 16 : i32
      %scan3A_91 = arith.constant 0 : i32
      %scan3A_92 = arith.constant 16 : i32
      %scan3A_93 = arith.addi %scan3A_91, %scan3A_92 : i32
      %scan3A_94 = arith.constant 1 : i32
      scf.for %scan3A_109 = %scan3A_91 to %scan3A_93 step %scan3A_94  : i32 {
        %mul3A_110 = arith.constant 1 : i32
        %mul3A_111 = arith.muli %scan3A_109, %mul3A_110 : i32
        %add3A_112 = arith.constant 0 : i32
        %add3A_113 = arith.addi %add3A_112, %mul3A_111 : i32
        %mul3A_114 = arith.constant 32 : i32
        %mul3A_115 = arith.muli %add3A_113, %mul3A_114 : i32
        %get3A = arith.constant 14 : i32
        %get3A_116 = arith.index_cast %get3A : i32 to index
        %get3A_117 = arith.index_cast %mul3A_115 : i32 to index
        %get3A_118 = tpu.vector_load %arg4[%get3A_116, %get3A_117] {strides = array<i32>} : memref<16x512xf32, #tpu.memory_space<vmem>>, vector<16xf32>,
        %mul3A_119 = arith.constant 32 : i32
        %mul3A_120 = arith.muli %add3A_113, %mul3A_119 : i32
        %add3A_121 = arith.constant 16 : i32
        %add3A_122 = arith.addi %mul3A_120, %add3A_121 : i32
        %get3A_123 = arith.constant 14 : i32
        %get3A_124 = arith.index_cast %get3A_123 : i32 to index
        %get3A_125 = arith.index_cast %add3A_122 : i32 to index
        %get3A_126 = tpu.vector_load %arg4[%get3A_124, %get3A_125] {strides = array<i32>} : memref<16x512xf32, #tpu.memory_space<vmem>>, vector<16xf32>,
        %pack3A = tpu.pack_subelements %get3A_118, %get3A_126 {pack_format = #tpu.pack_format<interleaved>, positions = array<i32: 0, 1>} : vector<16xf32>, vector<16xf32> -> vector<32xbf16>
        %bitcast3A = vector.bitcast %pack3A : vector<32xbf16> to vector<16xi32>
        %mul3A_127 = arith.constant 16 : i32
        %mul3A_128 = arith.muli %add3A_113, %mul3A_127 : i32
        %swap3A = arith.constant 14 : i32
        %swap3A_129 = arith.index_cast %swap3A : i32 to index
        %swap3A_130 = arith.index_cast %mul3A_128 : i32 to index
        %swap3A_131 = tpu.vector_load %arg5[%swap3A_129, %swap3A_130] {strides = array<i32>} : memref<16x256xi32, #tpu.memory_space<vmem>>, vector<16xi32>,
        tpu.vector_store %arg5[%swap3A_129, %swap3A_130], %bitcast3A {strides = array<i32>} : memref<16x256xi32, #tpu.memory_space<vmem>>, vector<16xi32>,
      }
      %scan3A_95 = arith.constant 16 : i32
      %scan3A_96 = arith.constant 0 : i32
      %scan3A_97 = arith.constant 16 : i32
      %scan3A_98 = arith.addi %scan3A_96, %scan3A_97 : i32
      %scan3A_99 = arith.constant 1 : i32
      scf.for %scan3A_109 = %scan3A_96 to %scan3A_98 step %scan3A_99  : i32 {
        %mul3A_110 = arith.constant 1 : i32
        %mul3A_111 = arith.muli %scan3A_109, %mul3A_110 : i32
        %add3A_112 = arith.constant 0 : i32
        %add3A_113 = arith.addi %add3A_112, %mul3A_111 : i32
        %mul3A_114 = arith.constant 32 : i32
        %mul3A_115 = arith.muli %add3A_113, %mul3A_114 : i32
        %get3A = arith.constant 15 : i32
        %get3A_116 = arith.index_cast %get3A : i32 to index
        %get3A_117 = arith.index_cast %mul3A_115 : i32 to index
        %get3A_118 = tpu.vector_load %arg4[%get3A_116, %get3A_117] {strides = array<i32>} : memref<16x512xf32, #tpu.memory_space<vmem>>, vector<16xf32>,
        %mul3A_119 = arith.constant 32 : i32
        %mul3A_120 = arith.muli %add3A_113, %mul3A_119 : i32
        %add3A_121 = arith.constant 16 : i32
        %add3A_122 = arith.addi %mul3A_120, %add3A_121 : i32
        %get3A_123 = arith.constant 15 : i32
        %get3A_124 = arith.index_cast %get3A_123 : i32 to index
        %get3A_125 = arith.index_cast %add3A_122 : i32 to index
        %get3A_126 = tpu.vector_load %arg4[%get3A_124, %get3A_125] {strides = array<i32>} : memref<16x512xf32, #tpu.memory_space<vmem>>, vector<16xf32>,
        %pack3A = tpu.pack_subelements %get3A_118, %get3A_126 {pack_format = #tpu.pack_format<interleaved>, positions = array<i32: 0, 1>} : vector<16xf32>, vector<16xf32> -> vector<32xbf16>
        %bitcast3A = vector.bitcast %pack3A : vector<32xbf16> to vector<16xi32>
        %mul3A_127 = arith.constant 16 : i32
        %mul3A_128 = arith.muli %add3A_113, %mul3A_127 : i32
        %swap3A = arith.constant 15 : i32
        %swap3A_129 = arith.index_cast %swap3A : i32 to index
        %swap3A_130 = arith.index_cast %mul3A_128 : i32 to index
        %swap3A_131 = tpu.vector_load %arg5[%swap3A_129, %swap3A_130] {strides = array<i32>} : memref<16x256xi32, #tpu.memory_space<vmem>>, vector<16xi32>,
        tpu.vector_store %arg5[%swap3A_129, %swap3A_130], %bitcast3A {strides = array<i32>} : memref<16x256xi32, #tpu.memory_space<vmem>>, vector<16xi32>,
      }
      %scan3A_100 = arith.constant 16 : i32
      %dma_start3A_101 = arith.constant 0 : i32
      %dma_start3A_102 = tpu.memref_slice %arg3[%add3A_14, %dma_start3A_101] : memref<16384x256xi32, #tpu.memory_space<hbm>> -> memref<16x256xi32, #tpu.memory_space<hbm>>
      %dma_start3A_103 = arith.constant 0 : i32
      %dma_start3A_104 = tpu.memref_slice %arg3[%add3A_14, %dma_start3A_103] : memref<16384x256xi32, #tpu.memory_space<hbm>> -> memref<16x256xi32, #tpu.memory_space<hbm>>
      tpu.enqueue_dma source(%arg5 : memref<16x256xi32, #tpu.memory_space<vmem>>) target(%dma_start3A_104 : memref<16x256xi32, #tpu.memory_space<hbm>>) target_semaphore(%arg6 : memref<!tpu.dma_semaphore, #tpu.memory_space<semaphore_mem>>)
      %dma_wait3A_105 = arith.constant 0 : i32
      %dma_wait3A_106 = tpu.memref_slice %arg3[%add3A_14, %dma_wait3A_105] : memref<16384x256xi32, #tpu.memory_space<hbm>> -> memref<16x256xi32, #tpu.memory_space<hbm>>
      %dma_wait3A_107 = arith.constant 0 : i32
      %dma_wait3A_108 = tpu.memref_slice %arg3[%add3A_14, %dma_wait3A_107] : memref<16384x256xi32, #tpu.memory_space<hbm>> -> memref<16x256xi32, #tpu.memory_space<hbm>>
      tpu.wait_dma2 semaphore(%arg6 : memref<!tpu.dma_semaphore, #tpu.memory_space<semaphore_mem>>) src(%arg5 : memref<16x256xi32, #tpu.memory_space<vmem>>) dst(%dma_wait3A_108 : memref<16x256xi32, #tpu.memory_space<hbm>>)
    }
    %scan3A_6 = arith.constant 32 : i32
    return
  }
}

module attributes {stable_mosaic.version = 14 : i64} {
  func.func @_knn_body(%arg0: i32, %arg1: i32, %arg2: memref<1x512x3xf32, #tpu.memory_space<vmem>>, %arg3: memref<1x3x1024xf32, #tpu.memory_space<vmem>>, %arg4: memref<1x512x3xi32, #tpu.memory_space<vmem>>, %arg5: memref<1x512x48xi32, #tpu.memory_space<vmem>>) attributes {dimension_semantics = [#tpu.dimension_semantics<arbitrary>, #tpu.dimension_semantics<arbitrary>], iteration_bounds = array<i64: 16, 8>, scalar_prefetch = 0 : i64, scratch_operands = 0 : i64, tpu.core_type = #tpu.core_type<tc>, window_params = [{transform_indices = @transform_0, window_bounds = array<i64: 1, 512, 3>}, {transform_indices = @transform_1, window_bounds = array<i64: 1, 3, 1024>}, {transform_indices = @transform_2, window_bounds = array<i64: 1, 512, 3>}, {transform_indices = @transform_3, window_bounds = array<i64: 1, 512, 48>}]} {
    %get3A = arith.constant 0 : index
    %get3A_0 = arith.constant 0 : index
    %get3A_1 = arith.constant 0 : index
    %get3A_2 = vector.load %arg2[%get3A, %get3A_0, %get3A_1] : memref<1x512x3xf32, #tpu.memory_space<vmem>>, vector<1x512x3xf32>
    %get3A_3 = vector.shape_cast %get3A_2 : vector<1x512x3xf32> to vector<512x3xf32>
    %get3A_4 = arith.constant 0 : index
    %get3A_5 = arith.constant 0 : index
    %get3A_6 = arith.constant 0 : index
    %get3A_7 = vector.load %arg3[%get3A_4, %get3A_5, %get3A_6] : memref<1x3x1024xf32, #tpu.memory_space<vmem>>, vector<1x3x1024xf32>
    %get3A_8 = vector.shape_cast %get3A_7 : vector<1x3x1024xf32> to vector<3x1024xf32>
    %slice3A = vector.extract_strided_slice %get3A_3 {offsets = [0, 0], sizes = [512, 1], strides = [1, 1]} : vector<512x3xf32> to vector<512x1xf32>
    %slice3A_9 = vector.extract_strided_slice %get3A_3 {offsets = [0, 1], sizes = [512, 1], strides = [1, 1]} : vector<512x3xf32> to vector<512x1xf32>
    %slice3A_10 = vector.extract_strided_slice %get3A_3 {offsets = [0, 2], sizes = [512, 1], strides = [1, 1]} : vector<512x3xf32> to vector<512x1xf32>
    %slice3A_11 = vector.extract_strided_slice %get3A_8 {offsets = [0, 0], sizes = [1, 1024], strides = [1, 1]} : vector<3x1024xf32> to vector<1x1024xf32>
    %slice3A_12 = vector.extract_strided_slice %get3A_8 {offsets = [1, 0], sizes = [1, 1024], strides = [1, 1]} : vector<3x1024xf32> to vector<1x1024xf32>
    %slice3A_13 = vector.extract_strided_slice %get3A_8 {offsets = [2, 0], sizes = [1, 1024], strides = [1, 1]} : vector<3x1024xf32> to vector<1x1024xf32>
    %convert_element_type3A = arith.truncf %get3A_3 : vector<512x3xf32> to vector<512x3xbf16>
    %convert_element_type3A_14 = arith.truncf %get3A_8 : vector<3x1024xf32> to vector<3x1024xbf16>
    %dot_general3A = arith.constant dense<0.000000e+00> : vector<512x1024xf32>
    %dot_general3A_15 = tpu.matmul %convert_element_type3A, %convert_element_type3A_14, %dot_general3A {dimension_numbers = #tpu.dot_dimension_numbers<[1], [0], [0], [1], [0, 0, 1, 1], [], []>, transpose_lhs_hint = false} : vector<512x3xbf16>, vector<3x1024xbf16>, vector<512x1024xf32> -> vector<512x1024xf32>
    %mul3A = arith.mulf %slice3A, %slice3A : vector<512x1xf32>
    %mul3A_16 = arith.mulf %slice3A_9, %slice3A_9 : vector<512x1xf32>
    %add3A = arith.addf %mul3A, %mul3A_16 : vector<512x1xf32>
    %mul3A_17 = arith.mulf %slice3A_10, %slice3A_10 : vector<512x1xf32>
    %add3A_18 = arith.addf %add3A, %mul3A_17 : vector<512x1xf32>
    %mul3A_19 = arith.mulf %slice3A_11, %slice3A_11 : vector<1x1024xf32>
    %mul3A_20 = arith.mulf %slice3A_12, %slice3A_12 : vector<1x1024xf32>
    %add3A_21 = arith.addf %mul3A_19, %mul3A_20 : vector<1x1024xf32>
    %mul3A_22 = arith.mulf %slice3A_13, %slice3A_13 : vector<1x1024xf32>
    %add3A_23 = arith.addf %add3A_21, %mul3A_22 : vector<1x1024xf32>
    %mul3A_24 = arith.constant -2.000000e+00 : f32
    %mul3A_25 = vector.broadcast %mul3A_24 : f32 to vector<512x1024xf32>
    %mul3A_26 = arith.mulf %mul3A_25, %dot_general3A_15 : vector<512x1024xf32>
    %add3A_27 = vector.broadcast %add3A_18 : vector<512x1xf32> to vector<512x1024xf32>
    %add3A_28 = arith.addf %mul3A_26, %add3A_27 : vector<512x1024xf32>
    %add3A_29 = vector.broadcast %add3A_23 : vector<1x1024xf32> to vector<512x1024xf32>
    %add3A_30 = arith.addf %add3A_28, %add3A_29 : vector<512x1024xf32>
    %iota3A = tpu.iota {dimensions = array<i32: 1>} : vector<512x1024xi32>
    %convert_element_type3A_31 = arith.sitofp %iota3A : vector<512x1024xi32> to vector<512x1024xf32>
    %reduce_min3A = arith.constant dense<0x7F800000> : vector<512xf32>
    %reduce_min3A_32 = vector.multi_reduction <minimumf>, %add3A_30, %reduce_min3A [1] : vector<512x1024xf32> to vector<512xf32>
    %broadcast_in_dim3A = vector.shape_cast %reduce_min3A_32 : vector<512xf32> to vector<512x1xf32>
    %eq3A = vector.broadcast %broadcast_in_dim3A : vector<512x1xf32> to vector<512x1024xf32>
    %eq3A_33 = arith.cmpf oeq, %add3A_30, %eq3A : vector<512x1024xf32>
    %jit3A = arith.constant 1.024000e+03 : f32
    %broadcast_in_dim3A_34 = vector.broadcast %jit3A : f32 to vector<512x1024xf32>
    %select_n3A = arith.select %eq3A_33, %convert_element_type3A_31, %broadcast_in_dim3A_34 : vector<512x1024xi1>, vector<512x1024xf32>
    %reduce_min3A_35 = arith.constant dense<0x7F800000> : vector<512xf32>
    %reduce_min3A_36 = vector.multi_reduction <minimumf>, %select_n3A, %reduce_min3A_35 [1] : vector<512x1024xf32> to vector<512xf32>
    %broadcast_in_dim3A_37 = vector.shape_cast %reduce_min3A_36 : vector<512xf32> to vector<512x1xf32>
    %eq3A_38 = vector.broadcast %broadcast_in_dim3A_37 : vector<512x1xf32> to vector<512x1024xf32>
    %eq3A_39 = arith.cmpf oeq, %convert_element_type3A_31, %eq3A_38 : vector<512x1024xf32>
    %jit3A_40 = arith.constant 0x7F800000 : f32
    %broadcast_in_dim3A_41 = vector.broadcast %jit3A_40 : f32 to vector<512x1024xf32>
    %select_n3A_42 = arith.select %eq3A_39, %broadcast_in_dim3A_41, %add3A_30 : vector<512x1024xi1>, vector<512x1024xf32>
    %convert_element_type3A_43 = arith.fptosi %broadcast_in_dim3A_37 : vector<512x1xf32> to vector<512x1xi32>
    %reduce_min3A_44 = arith.constant dense<0x7F800000> : vector<512xf32>
    %reduce_min3A_45 = vector.multi_reduction <minimumf>, %select_n3A_42, %reduce_min3A_44 [1] : vector<512x1024xf32> to vector<512xf32>
    %broadcast_in_dim3A_46 = vector.shape_cast %reduce_min3A_45 : vector<512xf32> to vector<512x1xf32>
    %eq3A_47 = vector.broadcast %broadcast_in_dim3A_46 : vector<512x1xf32> to vector<512x1024xf32>
    %eq3A_48 = arith.cmpf oeq, %select_n3A_42, %eq3A_47 : vector<512x1024xf32>
    %jit3A_49 = arith.constant 1.024000e+03 : f32
    %broadcast_in_dim3A_50 = vector.broadcast %jit3A_49 : f32 to vector<512x1024xf32>
    %select_n3A_51 = arith.select %eq3A_48, %convert_element_type3A_31, %broadcast_in_dim3A_50 : vector<512x1024xi1>, vector<512x1024xf32>
    %reduce_min3A_52 = arith.constant dense<0x7F800000> : vector<512xf32>
    %reduce_min3A_53 = vector.multi_reduction <minimumf>, %select_n3A_51, %reduce_min3A_52 [1] : vector<512x1024xf32> to vector<512xf32>
    %broadcast_in_dim3A_54 = vector.shape_cast %reduce_min3A_53 : vector<512xf32> to vector<512x1xf32>
    %eq3A_55 = vector.broadcast %broadcast_in_dim3A_54 : vector<512x1xf32> to vector<512x1024xf32>
    %eq3A_56 = arith.cmpf oeq, %convert_element_type3A_31, %eq3A_55 : vector<512x1024xf32>
    %jit3A_57 = arith.constant 0x7F800000 : f32
    %broadcast_in_dim3A_58 = vector.broadcast %jit3A_57 : f32 to vector<512x1024xf32>
    %select_n3A_59 = arith.select %eq3A_56, %broadcast_in_dim3A_58, %select_n3A_42 : vector<512x1024xi1>, vector<512x1024xf32>
    %convert_element_type3A_60 = arith.fptosi %broadcast_in_dim3A_54 : vector<512x1xf32> to vector<512x1xi32>
    %reduce_min3A_61 = arith.constant dense<0x7F800000> : vector<512xf32>
    %reduce_min3A_62 = vector.multi_reduction <minimumf>, %select_n3A_59, %reduce_min3A_61 [1] : vector<512x1024xf32> to vector<512xf32>
    %broadcast_in_dim3A_63 = vector.shape_cast %reduce_min3A_62 : vector<512xf32> to vector<512x1xf32>
    %eq3A_64 = vector.broadcast %broadcast_in_dim3A_63 : vector<512x1xf32> to vector<512x1024xf32>
    %eq3A_65 = arith.cmpf oeq, %select_n3A_59, %eq3A_64 : vector<512x1024xf32>
    %jit3A_66 = arith.constant 1.024000e+03 : f32
    %broadcast_in_dim3A_67 = vector.broadcast %jit3A_66 : f32 to vector<512x1024xf32>
    %select_n3A_68 = arith.select %eq3A_65, %convert_element_type3A_31, %broadcast_in_dim3A_67 : vector<512x1024xi1>, vector<512x1024xf32>
    %reduce_min3A_69 = arith.constant dense<0x7F800000> : vector<512xf32>
    %reduce_min3A_70 = vector.multi_reduction <minimumf>, %select_n3A_68, %reduce_min3A_69 [1] : vector<512x1024xf32> to vector<512xf32>
    %broadcast_in_dim3A_71 = vector.shape_cast %reduce_min3A_70 : vector<512xf32> to vector<512x1xf32>
    %convert_element_type3A_72 = arith.fptosi %broadcast_in_dim3A_71 : vector<512x1xf32> to vector<512x1xi32>
    %add3A_73 = arith.constant 9.99999993E-9 : f32
    %add3A_74 = vector.broadcast %add3A_73 : f32 to vector<512x1xf32>
    %add3A_75 = arith.addf %broadcast_in_dim3A, %add3A_74 : vector<512x1xf32>
    %div3A = arith.constant 1.000000e+00 : f32
    %div3A_76 = vector.broadcast %div3A : f32 to vector<512x1xf32>
    %div3A_77 = arith.divf %div3A_76, %add3A_75 : vector<512x1xf32>
    %add3A_78 = arith.constant 9.99999993E-9 : f32
    %add3A_79 = vector.broadcast %add3A_78 : f32 to vector<512x1xf32>
    %add3A_80 = arith.addf %broadcast_in_dim3A_46, %add3A_79 : vector<512x1xf32>
    %div3A_81 = arith.constant 1.000000e+00 : f32
    %div3A_82 = vector.broadcast %div3A_81 : f32 to vector<512x1xf32>
    %div3A_83 = arith.divf %div3A_82, %add3A_80 : vector<512x1xf32>
    %add3A_84 = arith.constant 9.99999993E-9 : f32
    %add3A_85 = vector.broadcast %add3A_84 : f32 to vector<512x1xf32>
    %add3A_86 = arith.addf %broadcast_in_dim3A_63, %add3A_85 : vector<512x1xf32>
    %div3A_87 = arith.constant 1.000000e+00 : f32
    %div3A_88 = vector.broadcast %div3A_87 : f32 to vector<512x1xf32>
    %div3A_89 = arith.divf %div3A_88, %add3A_86 : vector<512x1xf32>
    %add3A_90 = arith.addf %div3A_77, %div3A_83 : vector<512x1xf32>
    %add3A_91 = arith.addf %add3A_90, %div3A_89 : vector<512x1xf32>
    %mul3A_92 = arith.constant 1024 : i32
    %mul3A_93 = arith.muli %arg0, %mul3A_92 : i32
    %add3A_94 = vector.broadcast %mul3A_93 : i32 to vector<512x1xi32>
    %add3A_95 = arith.addi %convert_element_type3A_43, %add3A_94 : vector<512x1xi32>
    %add3A_96 = vector.broadcast %mul3A_93 : i32 to vector<512x1xi32>
    %add3A_97 = arith.addi %convert_element_type3A_60, %add3A_96 : vector<512x1xi32>
    %add3A_98 = vector.broadcast %mul3A_93 : i32 to vector<512x1xi32>
    %add3A_99 = arith.addi %convert_element_type3A_72, %add3A_98 : vector<512x1xi32>
    %concatenate3A = tpu.concatenate %add3A_95, %add3A_97, %add3A_99 in 1 : vector<512x1xi32>, vector<512x1xi32>, vector<512x1xi32> -> vector<512x3xi32>
    %swap3A = arith.constant 0 : index
    %swap3A_100 = arith.constant 0 : index
    %swap3A_101 = arith.constant 0 : index
    %swap3A_102 = vector.load %arg4[%swap3A, %swap3A_100, %swap3A_101] : memref<1x512x3xi32, #tpu.memory_space<vmem>>, vector<1x512x3xi32>
    %swap3A_103 = vector.shape_cast %swap3A_102 : vector<1x512x3xi32> to vector<512x3xi32>
    %swap3A_104 = vector.shape_cast %concatenate3A : vector<512x3xi32> to vector<1x512x3xi32>
    tpu.vector_store %arg4[%swap3A, %swap3A_100, %swap3A_101], %swap3A_104 {strides = array<i32>} : memref<1x512x3xi32, #tpu.memory_space<vmem>>, vector<1x512x3xi32>,
    %div3A_105 = arith.divf %div3A_77, %add3A_91 : vector<512x1xf32>
    %bitcast_convert_type3A = tpu.bitcast %div3A_105 : vector<512x1xf32> -> vector<512x1xi32>
    %add3A_106 = arith.constant 32767 : i32
    %add3A_107 = vector.broadcast %add3A_106 : i32 to vector<512x1xi32>
    %add3A_108 = arith.addi %bitcast_convert_type3A, %add3A_107 : vector<512x1xi32>
    %shift_right_logical3A = arith.constant 16 : i32
    %shift_right_logical3A_109 = vector.broadcast %shift_right_logical3A : i32 to vector<512x1xi32>
    %shift_right_logical3A_110 = arith.shrui %bitcast_convert_type3A, %shift_right_logical3A_109 : vector<512x1xi32>
    %and3A = arith.constant 1 : i32
    %and3A_111 = vector.broadcast %and3A : i32 to vector<512x1xi32>
    %and3A_112 = arith.andi %shift_right_logical3A_110, %and3A_111 : vector<512x1xi32>
    %add3A_113 = arith.addi %add3A_108, %and3A_112 : vector<512x1xi32>
    %shift_right_logical3A_114 = arith.constant 16 : i32
    %shift_right_logical3A_115 = vector.broadcast %shift_right_logical3A_114 : i32 to vector<512x1xi32>
    %shift_right_logical3A_116 = arith.shrui %add3A_113, %shift_right_logical3A_115 : vector<512x1xi32>
    %shift_left3A = arith.constant 16 : i32
    %shift_left3A_117 = vector.broadcast %shift_left3A : i32 to vector<512x1xi32>
    %shift_left3A_118 = arith.shli %shift_right_logical3A_116, %shift_left3A_117 : vector<512x1xi32>
    %or3A = arith.ori %shift_left3A_118, %shift_right_logical3A_116 : vector<512x1xi32>
    %bitcast_convert_type3A_119 = tpu.bitcast %or3A : vector<512x1xi32> -> vector<512x1xi32>
    %broadcast_in_dim3A_120 = vector.shape_cast %bitcast_convert_type3A_119 : vector<512x1xi32> to vector<512x1xi32>
    %broadcast_in_dim3A_121 = vector.broadcast %broadcast_in_dim3A_120 : vector<512x1xi32> to vector<512x16xi32>
    %div3A_122 = arith.divf %div3A_83, %add3A_91 : vector<512x1xf32>
    %bitcast_convert_type3A_123 = tpu.bitcast %div3A_122 : vector<512x1xf32> -> vector<512x1xi32>
    %add3A_124 = arith.constant 32767 : i32
    %add3A_125 = vector.broadcast %add3A_124 : i32 to vector<512x1xi32>
    %add3A_126 = arith.addi %bitcast_convert_type3A_123, %add3A_125 : vector<512x1xi32>
    %shift_right_logical3A_127 = arith.constant 16 : i32
    %shift_right_logical3A_128 = vector.broadcast %shift_right_logical3A_127 : i32 to vector<512x1xi32>
    %shift_right_logical3A_129 = arith.shrui %bitcast_convert_type3A_123, %shift_right_logical3A_128 : vector<512x1xi32>
    %and3A_130 = arith.constant 1 : i32
    %and3A_131 = vector.broadcast %and3A_130 : i32 to vector<512x1xi32>
    %and3A_132 = arith.andi %shift_right_logical3A_129, %and3A_131 : vector<512x1xi32>
    %add3A_133 = arith.addi %add3A_126, %and3A_132 : vector<512x1xi32>
    %shift_right_logical3A_134 = arith.constant 16 : i32
    %shift_right_logical3A_135 = vector.broadcast %shift_right_logical3A_134 : i32 to vector<512x1xi32>
    %shift_right_logical3A_136 = arith.shrui %add3A_133, %shift_right_logical3A_135 : vector<512x1xi32>
    %shift_left3A_137 = arith.constant 16 : i32
    %shift_left3A_138 = vector.broadcast %shift_left3A_137 : i32 to vector<512x1xi32>
    %shift_left3A_139 = arith.shli %shift_right_logical3A_136, %shift_left3A_138 : vector<512x1xi32>
    %or3A_140 = arith.ori %shift_left3A_139, %shift_right_logical3A_136 : vector<512x1xi32>
    %bitcast_convert_type3A_141 = tpu.bitcast %or3A_140 : vector<512x1xi32> -> vector<512x1xi32>
    %broadcast_in_dim3A_142 = vector.shape_cast %bitcast_convert_type3A_141 : vector<512x1xi32> to vector<512x1xi32>
    %broadcast_in_dim3A_143 = vector.broadcast %broadcast_in_dim3A_142 : vector<512x1xi32> to vector<512x16xi32>
    %div3A_144 = arith.divf %div3A_89, %add3A_91 : vector<512x1xf32>
    %bitcast_convert_type3A_145 = tpu.bitcast %div3A_144 : vector<512x1xf32> -> vector<512x1xi32>
    %add3A_146 = arith.constant 32767 : i32
    %add3A_147 = vector.broadcast %add3A_146 : i32 to vector<512x1xi32>
    %add3A_148 = arith.addi %bitcast_convert_type3A_145, %add3A_147 : vector<512x1xi32>
    %shift_right_logical3A_149 = arith.constant 16 : i32
    %shift_right_logical3A_150 = vector.broadcast %shift_right_logical3A_149 : i32 to vector<512x1xi32>
    %shift_right_logical3A_151 = arith.shrui %bitcast_convert_type3A_145, %shift_right_logical3A_150 : vector<512x1xi32>
    %and3A_152 = arith.constant 1 : i32
    %and3A_153 = vector.broadcast %and3A_152 : i32 to vector<512x1xi32>
    %and3A_154 = arith.andi %shift_right_logical3A_151, %and3A_153 : vector<512x1xi32>
    %add3A_155 = arith.addi %add3A_148, %and3A_154 : vector<512x1xi32>
    %shift_right_logical3A_156 = arith.constant 16 : i32
    %shift_right_logical3A_157 = vector.broadcast %shift_right_logical3A_156 : i32 to vector<512x1xi32>
    %shift_right_logical3A_158 = arith.shrui %add3A_155, %shift_right_logical3A_157 : vector<512x1xi32>
    %shift_left3A_159 = arith.constant 16 : i32
    %shift_left3A_160 = vector.broadcast %shift_left3A_159 : i32 to vector<512x1xi32>
    %shift_left3A_161 = arith.shli %shift_right_logical3A_158, %shift_left3A_160 : vector<512x1xi32>
    %or3A_162 = arith.ori %shift_left3A_161, %shift_right_logical3A_158 : vector<512x1xi32>
    %bitcast_convert_type3A_163 = tpu.bitcast %or3A_162 : vector<512x1xi32> -> vector<512x1xi32>
    %broadcast_in_dim3A_164 = vector.shape_cast %bitcast_convert_type3A_163 : vector<512x1xi32> to vector<512x1xi32>
    %broadcast_in_dim3A_165 = vector.broadcast %broadcast_in_dim3A_164 : vector<512x1xi32> to vector<512x16xi32>
    %concatenate3A_166 = tpu.concatenate %broadcast_in_dim3A_121, %broadcast_in_dim3A_143, %broadcast_in_dim3A_165 in 1 : vector<512x16xi32>, vector<512x16xi32>, vector<512x16xi32> -> vector<512x48xi32>
    %swap3A_167 = arith.constant 0 : index
    %swap3A_168 = arith.constant 0 : index
    %swap3A_169 = arith.constant 0 : index
    %swap3A_170 = vector.load %arg5[%swap3A_167, %swap3A_168, %swap3A_169] : memref<1x512x48xi32, #tpu.memory_space<vmem>>, vector<1x512x48xi32>
    %swap3A_171 = vector.shape_cast %swap3A_170 : vector<1x512x48xi32> to vector<512x48xi32>
    %swap3A_172 = vector.shape_cast %concatenate3A_166 : vector<512x48xi32> to vector<1x512x48xi32>
    tpu.vector_store %arg5[%swap3A_167, %swap3A_168, %swap3A_169], %swap3A_172 {strides = array<i32>} : memref<1x512x48xi32, #tpu.memory_space<vmem>>, vector<1x512x48xi32>,
    return
  }
  func.func @transform_0(%arg0: i32, %arg1: i32) -> (i32, i32, i32) {
    %c0_i32 = arith.constant 0 : i32
    %c0_i32_0 = arith.constant 0 : i32
    return %arg0, %arg1, %c0_i32 : i32, i32, i32
  }
  func.func @transform_1(%arg0: i32, %arg1: i32) -> (i32, i32, i32) {
    %c0_i32 = arith.constant 0 : i32
    %c0_i32_0 = arith.constant 0 : i32
    %c0_i32_1 = arith.constant 0 : i32
    return %arg0, %c0_i32, %c0_i32_0 : i32, i32, i32
  }
  func.func @transform_2(%arg0: i32, %arg1: i32) -> (i32, i32, i32) {
    %c0_i32 = arith.constant 0 : i32
    %c0_i32_0 = arith.constant 0 : i32
    return %arg0, %arg1, %c0_i32 : i32, i32, i32
  }
  func.func @transform_3(%arg0: i32, %arg1: i32) -> (i32, i32, i32) {
    %c0_i32 = arith.constant 0 : i32
    %c0_i32_0 = arith.constant 0 : i32
    return %arg0, %arg1, %c0_i32 : i32, i32, i32
  }
}

module attributes {stable_mosaic.version = 14 : i64} {
  func.func @_mm1_body(%arg0: i32, %arg1: memref<512x256xf32, #tpu.memory_space<vmem>>, %arg2: memref<512x512xf32, #tpu.memory_space<vmem>>, %arg3: memref<256x512xbf16, #tpu.memory_space<vmem>>, %arg4: memref<512x512xbf16, #tpu.memory_space<vmem>>, %arg5: memref<1x512xf32, #tpu.memory_space<vmem>>, %arg6: memref<512x512xbf16, #tpu.memory_space<vmem>>, %arg7: memref<1x512xf32, #tpu.memory_space<vmem>>, %arg8: memref<1x512xf32, #tpu.memory_space<vmem>>) attributes {dimension_semantics = [#tpu.dimension_semantics<arbitrary>], iteration_bounds = array<i64: 128>, scalar_prefetch = 0 : i64, scratch_operands = 0 : i64, tpu.core_type = #tpu.core_type<tc>, window_params = [{transform_indices = @transform_0, window_bounds = array<i64: 512, 256>}, {transform_indices = @transform_1, window_bounds = array<i64: 512, 512>}, {pipeline_mode = #tpu.pipeline_mode<synchronous>, transform_indices = @transform_2, window_bounds = array<i64: 256, 512>}, {pipeline_mode = #tpu.pipeline_mode<synchronous>, transform_indices = @transform_3, window_bounds = array<i64: 512, 512>}, {pipeline_mode = #tpu.pipeline_mode<synchronous>, transform_indices = @transform_4, window_bounds = array<i64: 1, 512>}, {transform_indices = @transform_5, window_bounds = array<i64: 512, 512>}, {pipeline_mode = #tpu.pipeline_mode<synchronous>, transform_indices = @transform_6, window_bounds = array<i64: 1, 512>}, {pipeline_mode = #tpu.pipeline_mode<synchronous>, transform_indices = @transform_7, window_bounds = array<i64: 1, 512>}]} {
    %get3A = arith.constant 0 : index
    %get3A_0 = arith.constant 0 : index
    %get3A_1 = vector.load %arg1[%get3A, %get3A_0] : memref<512x256xf32, #tpu.memory_space<vmem>>, vector<512x256xf32>
    %convert_element_type3A = arith.truncf %get3A_1 : vector<512x256xf32> to vector<512x256xbf16>
    %get3A_2 = arith.constant 0 : index
    %get3A_3 = arith.constant 0 : index
    %get3A_4 = vector.load %arg3[%get3A_2, %get3A_3] : memref<256x512xbf16, #tpu.memory_space<vmem>>, vector<256x512xbf16>
    %dot_general3A = arith.constant dense<0.000000e+00> : vector<512x512xf32>
    %dot_general3A_5 = tpu.matmul %convert_element_type3A, %get3A_4, %dot_general3A {dimension_numbers = #tpu.dot_dimension_numbers<[1], [0], [0], [1], [0, 0, 1, 1], [], []>, transpose_lhs_hint = false} : vector<512x256xbf16>, vector<256x512xbf16>, vector<512x512xf32> -> vector<512x512xf32>
    %get3A_6 = arith.constant 0 : index
    %get3A_7 = arith.constant 0 : index
    %get3A_8 = vector.load %arg2[%get3A_6, %get3A_7] : memref<512x512xf32, #tpu.memory_space<vmem>>, vector<512x512xf32>
    %convert_element_type3A_9 = arith.truncf %get3A_8 : vector<512x512xf32> to vector<512x512xbf16>
    %get3A_10 = arith.constant 0 : index
    %get3A_11 = arith.constant 0 : index
    %get3A_12 = vector.load %arg4[%get3A_10, %get3A_11] : memref<512x512xbf16, #tpu.memory_space<vmem>>, vector<512x512xbf16>
    %dot_general3A_13 = arith.constant dense<0.000000e+00> : vector<512x512xf32>
    %dot_general3A_14 = tpu.matmul %convert_element_type3A_9, %get3A_12, %dot_general3A_13 {dimension_numbers = #tpu.dot_dimension_numbers<[1], [0], [0], [1], [0, 0, 1, 1], [], []>, transpose_lhs_hint = false} : vector<512x512xbf16>, vector<512x512xbf16>, vector<512x512xf32> -> vector<512x512xf32>
    %add3A = arith.addf %dot_general3A_5, %dot_general3A_14 : vector<512x512xf32>
    %get3A_15 = arith.constant 0 : index
    %get3A_16 = arith.constant 0 : index
    %get3A_17 = vector.load %arg5[%get3A_15, %get3A_16] : memref<1x512xf32, #tpu.memory_space<vmem>>, vector<1x512xf32>
    %add3A_18 = vector.broadcast %get3A_17 : vector<1x512xf32> to vector<512x512xf32>
    %add3A_19 = arith.addf %add3A, %add3A_18 : vector<512x512xf32>
    %convert_element_type3A_20 = arith.truncf %add3A_19 : vector<512x512xf32> to vector<512x512xbf16>
    %swap3A = arith.constant 0 : index
    %swap3A_21 = arith.constant 0 : index
    %swap3A_22 = vector.load %arg6[%swap3A, %swap3A_21] : memref<512x512xbf16, #tpu.memory_space<vmem>>, vector<512x512xbf16>
    tpu.vector_store %arg6[%swap3A, %swap3A_21], %convert_element_type3A_20 {strides = array<i32>} : memref<512x512xbf16, #tpu.memory_space<vmem>>, vector<512x512xbf16>,
    %reduce_sum3A = arith.constant dense<0.000000e+00> : vector<512xf32>
    %reduce_sum3A_23 = vector.multi_reduction <add>, %add3A_19, %reduce_sum3A [0] : vector<512x512xf32> to vector<512xf32>
    %broadcast_in_dim3A = vector.shape_cast %reduce_sum3A_23 : vector<512xf32> to vector<1x512xf32>
    %mul3A = arith.mulf %add3A_19, %add3A_19 : vector<512x512xf32>
    %reduce_sum3A_24 = arith.constant dense<0.000000e+00> : vector<512xf32>
    %reduce_sum3A_25 = vector.multi_reduction <add>, %mul3A, %reduce_sum3A_24 [0] : vector<512x512xf32> to vector<512xf32>
    %broadcast_in_dim3A_26 = vector.shape_cast %reduce_sum3A_25 : vector<512xf32> to vector<1x512xf32>
    %eq3A = arith.constant 0 : i32
    %eq3A_27 = arith.cmpi eq, %arg0, %eq3A : i32
    %convert_element_type3A_28 = arith.extui %eq3A_27 : i1 to i32
    %cond3A = arith.constant 0 : i32
    %cond3A_29 = arith.cmpi ne, %convert_element_type3A_28, %cond3A : i32
    scf.if %cond3A_29 {
      %swap3A_34 = arith.constant 0 : index
      %swap3A_35 = arith.constant 0 : index
      %swap3A_36 = vector.load %arg7[%swap3A_34, %swap3A_35] : memref<1x512xf32, #tpu.memory_space<vmem>>, vector<1x512xf32>
      tpu.vector_store %arg7[%swap3A_34, %swap3A_35], %broadcast_in_dim3A {strides = array<i32>} : memref<1x512xf32, #tpu.memory_space<vmem>>, vector<1x512xf32>,
      %swap3A_37 = arith.constant 0 : index
      %swap3A_38 = arith.constant 0 : index
      %swap3A_39 = vector.load %arg8[%swap3A_37, %swap3A_38] : memref<1x512xf32, #tpu.memory_space<vmem>>, vector<1x512xf32>
      tpu.vector_store %arg8[%swap3A_37, %swap3A_38], %broadcast_in_dim3A_26 {strides = array<i32>} : memref<1x512xf32, #tpu.memory_space<vmem>>, vector<1x512xf32>,
    } else {
    }
    %ne3A = arith.constant 0 : i32
    %ne3A_30 = arith.cmpi ne, %arg0, %ne3A : i32
    %convert_element_type3A_31 = arith.extui %ne3A_30 : i1 to i32
    %cond3A_32 = arith.constant 0 : i32
    %cond3A_33 = arith.cmpi ne, %convert_element_type3A_31, %cond3A_32 : i32
    scf.if %cond3A_33 {
      %get3A_34 = arith.constant 0 : index
      %get3A_35 = arith.constant 0 : index
      %get3A_36 = vector.load %arg7[%get3A_34, %get3A_35] : memref<1x512xf32, #tpu.memory_space<vmem>>, vector<1x512xf32>
      %add3A_37 = arith.addf %get3A_36, %broadcast_in_dim3A : vector<1x512xf32>
      %swap3A_38 = arith.constant 0 : index
      %swap3A_39 = arith.constant 0 : index
      %swap3A_40 = vector.load %arg7[%swap3A_38, %swap3A_39] : memref<1x512xf32, #tpu.memory_space<vmem>>, vector<1x512xf32>
      tpu.vector_store %arg7[%swap3A_38, %swap3A_39], %add3A_37 {strides = array<i32>} : memref<1x512xf32, #tpu.memory_space<vmem>>, vector<1x512xf32>,
      %get3A_41 = arith.constant 0 : index
      %get3A_42 = arith.constant 0 : index
      %get3A_43 = vector.load %arg8[%get3A_41, %get3A_42] : memref<1x512xf32, #tpu.memory_space<vmem>>, vector<1x512xf32>
      %add3A_44 = arith.addf %get3A_43, %broadcast_in_dim3A_26 : vector<1x512xf32>
      %swap3A_45 = arith.constant 0 : index
      %swap3A_46 = arith.constant 0 : index
      %swap3A_47 = vector.load %arg8[%swap3A_45, %swap3A_46] : memref<1x512xf32, #tpu.memory_space<vmem>>, vector<1x512xf32>
      tpu.vector_store %arg8[%swap3A_45, %swap3A_46], %add3A_44 {strides = array<i32>} : memref<1x512xf32, #tpu.memory_space<vmem>>, vector<1x512xf32>,
    } else {
    }
    return
  }
  func.func @transform_0(%arg0: i32) -> (i32, i32) {
    %c0_i32 = arith.constant 0 : i32
    %c0_i32_0 = arith.constant 0 : i32
    return %arg0, %c0_i32 : i32, i32
  }
  func.func @transform_1(%arg0: i32) -> (i32, i32) {
    %c0_i32 = arith.constant 0 : i32
    %c0_i32_0 = arith.constant 0 : i32
    return %arg0, %c0_i32 : i32, i32
  }
  func.func @transform_2(%arg0: i32) -> (i32, i32) {
    %c0_i32 = arith.constant 0 : i32
    %c0_i32_0 = arith.constant 0 : i32
    %c0_i32_1 = arith.constant 0 : i32
    return %c0_i32, %c0_i32_0 : i32, i32
  }
  func.func @transform_3(%arg0: i32) -> (i32, i32) {
    %c0_i32 = arith.constant 0 : i32
    %c0_i32_0 = arith.constant 0 : i32
    %c0_i32_1 = arith.constant 0 : i32
    return %c0_i32, %c0_i32_0 : i32, i32
  }
  func.func @transform_4(%arg0: i32) -> (i32, i32) {
    %c0_i32 = arith.constant 0 : i32
    %c0_i32_0 = arith.constant 0 : i32
    %c0_i32_1 = arith.constant 0 : i32
    return %c0_i32, %c0_i32_0 : i32, i32
  }
  func.func @transform_5(%arg0: i32) -> (i32, i32) {
    %c0_i32 = arith.constant 0 : i32
    %c0_i32_0 = arith.constant 0 : i32
    return %arg0, %c0_i32 : i32, i32
  }
  func.func @transform_6(%arg0: i32) -> (i32, i32) {
    %c0_i32 = arith.constant 0 : i32
    %c0_i32_0 = arith.constant 0 : i32
    %c0_i32_1 = arith.constant 0 : i32
    return %c0_i32, %c0_i32_0 : i32, i32
  }
  func.func @transform_7(%arg0: i32) -> (i32, i32) {
    %c0_i32 = arith.constant 0 : i32
    %c0_i32_0 = arith.constant 0 : i32
    %c0_i32_1 = arith.constant 0 : i32
    return %c0_i32, %c0_i32_0 : i32, i32
  }
}

module attributes {stable_mosaic.version = 14 : i64} {
  func.func @_bn_mm2_body(%arg0: i32, %arg1: memref<512x512xbf16, #tpu.memory_space<vmem>>, %arg2: memref<1x512xf32, #tpu.memory_space<vmem>>, %arg3: memref<1x512xf32, #tpu.memory_space<vmem>>, %arg4: memref<1x512xf32, #tpu.memory_space<vmem>>, %arg5: memref<1x512xf32, #tpu.memory_space<vmem>>, %arg6: memref<512x512xbf16, #tpu.memory_space<vmem>>, %arg7: memref<1x512xf32, #tpu.memory_space<vmem>>, %arg8: memref<512x512xbf16, #tpu.memory_space<vmem>>, %arg9: memref<1x512xf32, #tpu.memory_space<vmem>>, %arg10: memref<1x512xf32, #tpu.memory_space<vmem>>) attributes {dimension_semantics = [#tpu.dimension_semantics<arbitrary>], iteration_bounds = array<i64: 128>, scalar_prefetch = 0 : i64, scratch_operands = 0 : i64, tpu.core_type = #tpu.core_type<tc>, window_params = [{transform_indices = @transform_0, window_bounds = array<i64: 512, 512>}, {pipeline_mode = #tpu.pipeline_mode<synchronous>, transform_indices = @transform_1, window_bounds = array<i64: 1, 512>}, {pipeline_mode = #tpu.pipeline_mode<synchronous>, transform_indices = @transform_2, window_bounds = array<i64: 1, 512>}, {pipeline_mode = #tpu.pipeline_mode<synchronous>, transform_indices = @transform_3, window_bounds = array<i64: 1, 512>}, {pipeline_mode = #tpu.pipeline_mode<synchronous>, transform_indices = @transform_4, window_bounds = array<i64: 1, 512>}, {pipeline_mode = #tpu.pipeline_mode<synchronous>, transform_indices = @transform_5, window_bounds = array<i64: 512, 512>}, {pipeline_mode = #tpu.pipeline_mode<synchronous>, transform_indices = @transform_6, window_bounds = array<i64: 1, 512>}, {transform_indices = @transform_7, window_bounds = array<i64: 512, 512>}, {pipeline_mode = #tpu.pipeline_mode<synchronous>, transform_indices = @transform_8, window_bounds = array<i64: 1, 512>}, {pipeline_mode = #tpu.pipeline_mode<synchronous>, transform_indices = @transform_9, window_bounds = array<i64: 1, 512>}]} {
    %get3A = arith.constant 0 : index
    %get3A_0 = arith.constant 0 : index
    %get3A_1 = vector.load %arg2[%get3A, %get3A_0] : memref<1x512xf32, #tpu.memory_space<vmem>>, vector<1x512xf32>
    %mul3A = arith.constant 1.52587891E-5 : f32
    %mul3A_2 = vector.broadcast %mul3A : f32 to vector<1x512xf32>
    %mul3A_3 = arith.mulf %get3A_1, %mul3A_2 : vector<1x512xf32>
    %get3A_4 = arith.constant 0 : index
    %get3A_5 = arith.constant 0 : index
    %get3A_6 = vector.load %arg3[%get3A_4, %get3A_5] : memref<1x512xf32, #tpu.memory_space<vmem>>, vector<1x512xf32>
    %mul3A_7 = arith.constant 1.52587891E-5 : f32
    %mul3A_8 = vector.broadcast %mul3A_7 : f32 to vector<1x512xf32>
    %mul3A_9 = arith.mulf %get3A_6, %mul3A_8 : vector<1x512xf32>
    %mul3A_10 = arith.mulf %mul3A_3, %mul3A_3 : vector<1x512xf32>
    %sub3A = arith.subf %mul3A_9, %mul3A_10 : vector<1x512xf32>
    %get3A_11 = arith.constant 0 : index
    %get3A_12 = arith.constant 0 : index
    %get3A_13 = vector.load %arg4[%get3A_11, %get3A_12] : memref<1x512xf32, #tpu.memory_space<vmem>>, vector<1x512xf32>
    %get3A_14 = arith.constant 0 : index
    %get3A_15 = arith.constant 0 : index
    %get3A_16 = vector.load %arg1[%get3A_14, %get3A_15] : memref<512x512xbf16, #tpu.memory_space<vmem>>, vector<512x512xbf16>
    %convert_element_type3A = arith.extf %get3A_16 : vector<512x512xbf16> to vector<512x512xf32>
    %sub3A_17 = vector.broadcast %mul3A_3 : vector<1x512xf32> to vector<512x512xf32>
    %sub3A_18 = arith.subf %convert_element_type3A, %sub3A_17 : vector<512x512xf32>
    %mul3A_19 = vector.broadcast %get3A_13 : vector<1x512xf32> to vector<512x512xf32>
    %mul3A_20 = arith.mulf %mul3A_19, %sub3A_18 : vector<512x512xf32>
    %add3A = arith.constant 9.99999974E-6 : f32
    %add3A_21 = vector.broadcast %add3A : f32 to vector<1x512xf32>
    %add3A_22 = arith.addf %sub3A, %add3A_21 : vector<1x512xf32>
    %sqrt3A = math.sqrt %add3A_22 : vector<1x512xf32>
    %div3A = vector.broadcast %sqrt3A : vector<1x512xf32> to vector<512x512xf32>
    %div3A_23 = arith.divf %mul3A_20, %div3A : vector<512x512xf32>
    %get3A_24 = arith.constant 0 : index
    %get3A_25 = arith.constant 0 : index
    %get3A_26 = vector.load %arg5[%get3A_24, %get3A_25] : memref<1x512xf32, #tpu.memory_space<vmem>>, vector<1x512xf32>
    %add3A_27 = vector.broadcast %get3A_26 : vector<1x512xf32> to vector<512x512xf32>
    %add3A_28 = arith.addf %div3A_23, %add3A_27 : vector<512x512xf32>
    %max3A = arith.constant 0.000000e+00 : f32
    %max3A_29 = vector.broadcast %max3A : f32 to vector<512x512xf32>
    %max3A_30 = arith.maximumf %add3A_28, %max3A_29 : vector<512x512xf32>
    %convert_element_type3A_31 = arith.truncf %max3A_30 : vector<512x512xf32> to vector<512x512xbf16>
    %get3A_32 = arith.constant 0 : index
    %get3A_33 = arith.constant 0 : index
    %get3A_34 = vector.load %arg6[%get3A_32, %get3A_33] : memref<512x512xbf16, #tpu.memory_space<vmem>>, vector<512x512xbf16>
    %dot_general3A = arith.constant dense<0.000000e+00> : vector<512x512xf32>
    %dot_general3A_35 = tpu.matmul %convert_element_type3A_31, %get3A_34, %dot_general3A {dimension_numbers = #tpu.dot_dimension_numbers<[1], [0], [0], [1], [0, 0, 1, 1], [], []>, transpose_lhs_hint = false} : vector<512x512xbf16>, vector<512x512xbf16>, vector<512x512xf32> -> vector<512x512xf32>
    %get3A_36 = arith.constant 0 : index
    %get3A_37 = arith.constant 0 : index
    %get3A_38 = vector.load %arg7[%get3A_36, %get3A_37] : memref<1x512xf32, #tpu.memory_space<vmem>>, vector<1x512xf32>
    %add3A_39 = vector.broadcast %get3A_38 : vector<1x512xf32> to vector<512x512xf32>
    %add3A_40 = arith.addf %dot_general3A_35, %add3A_39 : vector<512x512xf32>
    %convert_element_type3A_41 = arith.truncf %add3A_40 : vector<512x512xf32> to vector<512x512xbf16>
    %swap3A = arith.constant 0 : index
    %swap3A_42 = arith.constant 0 : index
    %swap3A_43 = vector.load %arg8[%swap3A, %swap3A_42] : memref<512x512xbf16, #tpu.memory_space<vmem>>, vector<512x512xbf16>
    tpu.vector_store %arg8[%swap3A, %swap3A_42], %convert_element_type3A_41 {strides = array<i32>} : memref<512x512xbf16, #tpu.memory_space<vmem>>, vector<512x512xbf16>,
    %reduce_sum3A = arith.constant dense<0.000000e+00> : vector<512xf32>
    %reduce_sum3A_44 = vector.multi_reduction <add>, %add3A_40, %reduce_sum3A [0] : vector<512x512xf32> to vector<512xf32>
    %broadcast_in_dim3A = vector.shape_cast %reduce_sum3A_44 : vector<512xf32> to vector<1x512xf32>
    %mul3A_45 = arith.mulf %add3A_40, %add3A_40 : vector<512x512xf32>
    %reduce_sum3A_46 = arith.constant dense<0.000000e+00> : vector<512xf32>
    %reduce_sum3A_47 = vector.multi_reduction <add>, %mul3A_45, %reduce_sum3A_46 [0] : vector<512x512xf32> to vector<512xf32>
    %broadcast_in_dim3A_48 = vector.shape_cast %reduce_sum3A_47 : vector<512xf32> to vector<1x512xf32>
    %eq3A = arith.constant 0 : i32
    %eq3A_49 = arith.cmpi eq, %arg0, %eq3A : i32
    %convert_element_type3A_50 = arith.extui %eq3A_49 : i1 to i32
    %cond3A = arith.constant 0 : i32
    %cond3A_51 = arith.cmpi ne, %convert_element_type3A_50, %cond3A : i32
    scf.if %cond3A_51 {
      %swap3A_56 = arith.constant 0 : index
      %swap3A_57 = arith.constant 0 : index
      %swap3A_58 = vector.load %arg9[%swap3A_56, %swap3A_57] : memref<1x512xf32, #tpu.memory_space<vmem>>, vector<1x512xf32>
      tpu.vector_store %arg9[%swap3A_56, %swap3A_57], %broadcast_in_dim3A {strides = array<i32>} : memref<1x512xf32, #tpu.memory_space<vmem>>, vector<1x512xf32>,
      %swap3A_59 = arith.constant 0 : index
      %swap3A_60 = arith.constant 0 : index
      %swap3A_61 = vector.load %arg10[%swap3A_59, %swap3A_60] : memref<1x512xf32, #tpu.memory_space<vmem>>, vector<1x512xf32>
      tpu.vector_store %arg10[%swap3A_59, %swap3A_60], %broadcast_in_dim3A_48 {strides = array<i32>} : memref<1x512xf32, #tpu.memory_space<vmem>>, vector<1x512xf32>,
    } else {
    }
    %ne3A = arith.constant 0 : i32
    %ne3A_52 = arith.cmpi ne, %arg0, %ne3A : i32
    %convert_element_type3A_53 = arith.extui %ne3A_52 : i1 to i32
    %cond3A_54 = arith.constant 0 : i32
    %cond3A_55 = arith.cmpi ne, %convert_element_type3A_53, %cond3A_54 : i32
    scf.if %cond3A_55 {
      %get3A_56 = arith.constant 0 : index
      %get3A_57 = arith.constant 0 : index
      %get3A_58 = vector.load %arg9[%get3A_56, %get3A_57] : memref<1x512xf32, #tpu.memory_space<vmem>>, vector<1x512xf32>
      %add3A_59 = arith.addf %get3A_58, %broadcast_in_dim3A : vector<1x512xf32>
      %swap3A_60 = arith.constant 0 : index
      %swap3A_61 = arith.constant 0 : index
      %swap3A_62 = vector.load %arg9[%swap3A_60, %swap3A_61] : memref<1x512xf32, #tpu.memory_space<vmem>>, vector<1x512xf32>
      tpu.vector_store %arg9[%swap3A_60, %swap3A_61], %add3A_59 {strides = array<i32>} : memref<1x512xf32, #tpu.memory_space<vmem>>, vector<1x512xf32>,
      %get3A_63 = arith.constant 0 : index
      %get3A_64 = arith.constant 0 : index
      %get3A_65 = vector.load %arg10[%get3A_63, %get3A_64] : memref<1x512xf32, #tpu.memory_space<vmem>>, vector<1x512xf32>
      %add3A_66 = arith.addf %get3A_65, %broadcast_in_dim3A_48 : vector<1x512xf32>
      %swap3A_67 = arith.constant 0 : index
      %swap3A_68 = arith.constant 0 : index
      %swap3A_69 = vector.load %arg10[%swap3A_67, %swap3A_68] : memref<1x512xf32, #tpu.memory_space<vmem>>, vector<1x512xf32>
      tpu.vector_store %arg10[%swap3A_67, %swap3A_68], %add3A_66 {strides = array<i32>} : memref<1x512xf32, #tpu.memory_space<vmem>>, vector<1x512xf32>,
    } else {
    }
    return
  }
  func.func @transform_0(%arg0: i32) -> (i32, i32) {
    %c0_i32 = arith.constant 0 : i32
    %c0_i32_0 = arith.constant 0 : i32
    return %arg0, %c0_i32 : i32, i32
  }
  func.func @transform_1(%arg0: i32) -> (i32, i32) {
    %c0_i32 = arith.constant 0 : i32
    %c0_i32_0 = arith.constant 0 : i32
    %c0_i32_1 = arith.constant 0 : i32
    return %c0_i32, %c0_i32_0 : i32, i32
  }
  func.func @transform_2(%arg0: i32) -> (i32, i32) {
    %c0_i32 = arith.constant 0 : i32
    %c0_i32_0 = arith.constant 0 : i32
    %c0_i32_1 = arith.constant 0 : i32
    return %c0_i32, %c0_i32_0 : i32, i32
  }
  func.func @transform_3(%arg0: i32) -> (i32, i32) {
    %c0_i32 = arith.constant 0 : i32
    %c0_i32_0 = arith.constant 0 : i32
    %c0_i32_1 = arith.constant 0 : i32
    return %c0_i32, %c0_i32_0 : i32, i32
  }
  func.func @transform_4(%arg0: i32) -> (i32, i32) {
    %c0_i32 = arith.constant 0 : i32
    %c0_i32_0 = arith.constant 0 : i32
    %c0_i32_1 = arith.constant 0 : i32
    return %c0_i32, %c0_i32_0 : i32, i32
  }
  func.func @transform_5(%arg0: i32) -> (i32, i32) {
    %c0_i32 = arith.constant 0 : i32
    %c0_i32_0 = arith.constant 0 : i32
    %c0_i32_1 = arith.constant 0 : i32
    return %c0_i32, %c0_i32_0 : i32, i32
  }
  func.func @transform_6(%arg0: i32) -> (i32, i32) {
    %c0_i32 = arith.constant 0 : i32
    %c0_i32_0 = arith.constant 0 : i32
    %c0_i32_1 = arith.constant 0 : i32
    return %c0_i32, %c0_i32_0 : i32, i32
  }
  func.func @transform_7(%arg0: i32) -> (i32, i32) {
    %c0_i32 = arith.constant 0 : i32
    %c0_i32_0 = arith.constant 0 : i32
    return %arg0, %c0_i32 : i32, i32
  }
  func.func @transform_8(%arg0: i32) -> (i32, i32) {
    %c0_i32 = arith.constant 0 : i32
    %c0_i32_0 = arith.constant 0 : i32
    %c0_i32_1 = arith.constant 0 : i32
    return %c0_i32, %c0_i32_0 : i32, i32
  }
  func.func @transform_9(%arg0: i32) -> (i32, i32) {
    %c0_i32 = arith.constant 0 : i32
    %c0_i32_0 = arith.constant 0 : i32
    %c0_i32_1 = arith.constant 0 : i32
    return %c0_i32, %c0_i32_0 : i32, i32
  }
}

module attributes {stable_mosaic.version = 14 : i64} {
  func.func @_bn_out_body(%arg0: i32, %arg1: memref<512x512xbf16, #tpu.memory_space<vmem>>, %arg2: memref<1x512xf32, #tpu.memory_space<vmem>>, %arg3: memref<1x512xf32, #tpu.memory_space<vmem>>, %arg4: memref<1x512xf32, #tpu.memory_space<vmem>>, %arg5: memref<1x512xf32, #tpu.memory_space<vmem>>, %arg6: memref<512x512xf32, #tpu.memory_space<vmem>>) attributes {dimension_semantics = [#tpu.dimension_semantics<arbitrary>], iteration_bounds = array<i64: 128>, scalar_prefetch = 0 : i64, scratch_operands = 0 : i64, tpu.core_type = #tpu.core_type<tc>, window_params = [{transform_indices = @transform_0, window_bounds = array<i64: 512, 512>}, {pipeline_mode = #tpu.pipeline_mode<synchronous>, transform_indices = @transform_1, window_bounds = array<i64: 1, 512>}, {pipeline_mode = #tpu.pipeline_mode<synchronous>, transform_indices = @transform_2, window_bounds = array<i64: 1, 512>}, {pipeline_mode = #tpu.pipeline_mode<synchronous>, transform_indices = @transform_3, window_bounds = array<i64: 1, 512>}, {pipeline_mode = #tpu.pipeline_mode<synchronous>, transform_indices = @transform_4, window_bounds = array<i64: 1, 512>}, {transform_indices = @transform_5, window_bounds = array<i64: 512, 512>}]} {
    %get3A = arith.constant 0 : index
    %get3A_0 = arith.constant 0 : index
    %get3A_1 = vector.load %arg2[%get3A, %get3A_0] : memref<1x512xf32, #tpu.memory_space<vmem>>, vector<1x512xf32>
    %mul3A = arith.constant 1.52587891E-5 : f32
    %mul3A_2 = vector.broadcast %mul3A : f32 to vector<1x512xf32>
    %mul3A_3 = arith.mulf %get3A_1, %mul3A_2 : vector<1x512xf32>
    %get3A_4 = arith.constant 0 : index
    %get3A_5 = arith.constant 0 : index
    %get3A_6 = vector.load %arg3[%get3A_4, %get3A_5] : memref<1x512xf32, #tpu.memory_space<vmem>>, vector<1x512xf32>
    %mul3A_7 = arith.constant 1.52587891E-5 : f32
    %mul3A_8 = vector.broadcast %mul3A_7 : f32 to vector<1x512xf32>
    %mul3A_9 = arith.mulf %get3A_6, %mul3A_8 : vector<1x512xf32>
    %mul3A_10 = arith.mulf %mul3A_3, %mul3A_3 : vector<1x512xf32>
    %sub3A = arith.subf %mul3A_9, %mul3A_10 : vector<1x512xf32>
    %get3A_11 = arith.constant 0 : index
    %get3A_12 = arith.constant 0 : index
    %get3A_13 = vector.load %arg4[%get3A_11, %get3A_12] : memref<1x512xf32, #tpu.memory_space<vmem>>, vector<1x512xf32>
    %get3A_14 = arith.constant 0 : index
    %get3A_15 = arith.constant 0 : index
    %get3A_16 = vector.load %arg1[%get3A_14, %get3A_15] : memref<512x512xbf16, #tpu.memory_space<vmem>>, vector<512x512xbf16>
    %convert_element_type3A = arith.extf %get3A_16 : vector<512x512xbf16> to vector<512x512xf32>
    %sub3A_17 = vector.broadcast %mul3A_3 : vector<1x512xf32> to vector<512x512xf32>
    %sub3A_18 = arith.subf %convert_element_type3A, %sub3A_17 : vector<512x512xf32>
    %mul3A_19 = vector.broadcast %get3A_13 : vector<1x512xf32> to vector<512x512xf32>
    %mul3A_20 = arith.mulf %mul3A_19, %sub3A_18 : vector<512x512xf32>
    %add3A = arith.constant 9.99999974E-6 : f32
    %add3A_21 = vector.broadcast %add3A : f32 to vector<1x512xf32>
    %add3A_22 = arith.addf %sub3A, %add3A_21 : vector<1x512xf32>
    %sqrt3A = math.sqrt %add3A_22 : vector<1x512xf32>
    %div3A = vector.broadcast %sqrt3A : vector<1x512xf32> to vector<512x512xf32>
    %div3A_23 = arith.divf %mul3A_20, %div3A : vector<512x512xf32>
    %get3A_24 = arith.constant 0 : index
    %get3A_25 = arith.constant 0 : index
    %get3A_26 = vector.load %arg5[%get3A_24, %get3A_25] : memref<1x512xf32, #tpu.memory_space<vmem>>, vector<1x512xf32>
    %add3A_27 = vector.broadcast %get3A_26 : vector<1x512xf32> to vector<512x512xf32>
    %add3A_28 = arith.addf %div3A_23, %add3A_27 : vector<512x512xf32>
    %max3A = arith.constant 0.000000e+00 : f32
    %max3A_29 = vector.broadcast %max3A : f32 to vector<512x512xf32>
    %max3A_30 = arith.maximumf %add3A_28, %max3A_29 : vector<512x512xf32>
    %swap3A = arith.constant 0 : index
    %swap3A_31 = arith.constant 0 : index
    %swap3A_32 = vector.load %arg6[%swap3A, %swap3A_31] : memref<512x512xf32, #tpu.memory_space<vmem>>, vector<512x512xf32>
    tpu.vector_store %arg6[%swap3A, %swap3A_31], %max3A_30 {strides = array<i32>} : memref<512x512xf32, #tpu.memory_space<vmem>>, vector<512x512xf32>,
    return
  }
  func.func @transform_0(%arg0: i32) -> (i32, i32) {
    %c0_i32 = arith.constant 0 : i32
    %c0_i32_0 = arith.constant 0 : i32
    return %arg0, %c0_i32 : i32, i32
  }
  func.func @transform_1(%arg0: i32) -> (i32, i32) {
    %c0_i32 = arith.constant 0 : i32
    %c0_i32_0 = arith.constant 0 : i32
    %c0_i32_1 = arith.constant 0 : i32
    return %c0_i32, %c0_i32_0 : i32, i32
  }
  func.func @transform_2(%arg0: i32) -> (i32, i32) {
    %c0_i32 = arith.constant 0 : i32
    %c0_i32_0 = arith.constant 0 : i32
    %c0_i32_1 = arith.constant 0 : i32
    return %c0_i32, %c0_i32_0 : i32, i32
  }
  func.func @transform_3(%arg0: i32) -> (i32, i32) {
    %c0_i32 = arith.constant 0 : i32
    %c0_i32_0 = arith.constant 0 : i32
    %c0_i32_1 = arith.constant 0 : i32
    return %c0_i32, %c0_i32_0 : i32, i32
  }
  func.func @transform_4(%arg0: i32) -> (i32, i32) {
    %c0_i32 = arith.constant 0 : i32
    %c0_i32_0 = arith.constant 0 : i32
    %c0_i32_1 = arith.constant 0 : i32
    return %c0_i32, %c0_i32_0 : i32, i32
  }
  func.func @transform_5(%arg0: i32) -> (i32, i32) {
    %c0_i32 = arith.constant 0 : i32
    %c0_i32_0 = arith.constant 0 : i32
    return %arg0, %c0_i32 : i32, i32
  }
}

</mosaic_0001>

<sc_bundles>
// kernel: kernel.11.cloned.1.call-start
scs
__scs_entry_jumppad:
0x0: {  	(pc) =	sbr.rel $0x88, $3  }
0x1: {  	(tag) =	ssettag $0x0;
	lr =	simm.s32 $0x1  }
0x2: {  	[smem:$0x3F95] =	sst lr;
	_ =	strace $0xD0000000  }
0x3: {  	_ = 	snop  }
0x4: {  	_ = 	snop  }
0x5: {  	_ = 	snop  }
0x6: {  	_ = 	snop  }
0x7: {  	_ = 	snop  }
__scs_overlays_trampoline_lowered:
0x8: {  	[smem:$0x3FA4] =	sst s0  }
0x9: {  	[smem:$0x3FA5] =	sst s1  }
0xa: {  	[smem:$0x3FA6] =	sst s2  }
0xb: {  	[smem:$0x3FA7] =	sst s3  }
0xc: {  	[smem:$0x3FA8] =	sst s4  }
0xd: {  	[smem:$0x3FA9] =	sst s5  }
0xe: {  	[smem:$0x3FAA] =	sst s6  }
0xf: {  	[smem:$0x3FAB] =	sst s7  }
0x10: {  	[smem:$0x3FAC] =	sst s8  }
0x11: {  	[smem:$0x3FAD] =	sst s9;
	s0 =	simm.s32 @!p0 $0x0  }
0x12: {  	s1 =	sld [smem:$0x3F93];
	s0 =	simm.s32 @p0 $0x1  }
0x13: {  	[smem:$0x3FAE] =	sst s0;
	s0 =	simm.s32 @!p1 $0x0  }
0x14: {  	s2 =	sld [smem:$0x3F92];
	s0 =	simm.s32 @p1 $0x1  }
0x15: {  	[smem:$0x3FAF] =	sst s0;
	s0 =	simm.s32 @!p2 $0x0  }
0x16: {  	s3 =	sld [smem:$0x3FDB];
	s0 =	simm.s32 @p2 $0x1  }
0x17: {  	s4 =	simm.s32 $0x1BF5;
	[smem:$0x3FB1] =	sst s0  }
0x18: {  	s0 =	sld [smem:$0x3F94];
	_ =	swait.ge [sflag:s4], $0x0  }
0x19: {  	s7 =	sld [smem:$0x3F95]  }
0x1a: {  	s8 =	sadd.s32 $0xFFFFE003, lr  }
0x1b: {  	s9 =	sadd.s32 $0xFFFFFEF7, lr;
	s5 =	simm.s32 $0xFFFFFFFF;
	p2 =	slt.u32 s8, $0xFFFFF086  }
0x1c: {  	p1 =	slt.u32 s9, $0xF7A;
	s5 =	simm.s32 @!p2 $0x0  }
0x1d: {  	s5 =	simm.s32 @p1 $0x1;
	p0 =	seq.s32 s7, s2  }
0x1e: {  	s7 =	smul.u32 @!p0 $0xF7A, s2;
	p2 =	seq.s32 @!p0 s5, $0x0  }
0x1f: {  	s9 =	smul.u32 $0xF7A, s1;
	s8 =	simm.s32 @!p0 $0x1BF5;
	p2 =	por !p2, p0  }
0x20: {  	[sflag:s8] =	ssyncset.s32 @!p0 $0xFFFFF086;
	s6 =	sadd.s32 @!p0 s3, s7;
	s7 =	simm.s32 @!p0 $0x108  }
0x21: {  	s3 =	sadd.s32 s3, s9;
	s6 =	sadd.s32 @!p0 $0x88, s6;
	s7 =	simm.s32 @p2 $0x1082  }
0x22: {  	[simem:s7], [sflag:s8] =	dma.local @!p0 [hbm:s6], $0xF7A  }
0x23: {  	s9 =	sor.u32 $0xD0000000, s2;
	s6 =	simm.s32 $0x108;
	_ =	swait.ge @!p0 [sflag:s8], $0x0  }
0x24: {  	s3 =	sadd.s32 $0x88, s3;
	s6 =	simm.s32 @!p1 $0x1082;
	[sflag:s4] =	ssyncset.s32 $0xFFFFF086  }
0x25: {  	[simem:s6], [sflag:s4] =	dma.local [hbm:s3], $0xF7A  }
0x26: {  	[smem:$0x3F95] =	sst s1;
	(tag) =	ssettag s2;
	_ =	strace s9  }
0x27: {  	s1 =	sld [smem:$0x3FA5]  }
0x28: {  	s2 =	sld [smem:$0x3FA6]  }
0x29: {  	s4 =	sld [smem:$0x3FA8]  }
0x2a: {  	p0 =	seq.s32 s5, $0x0;
	s5 =	sld [smem:$0x3FA9]  }
0x2b: {  	s6 =	sld [smem:$0x3FAA]  }
0x2c: {  	s7 =	sld [smem:$0x3FAB]  }
0x2d: {  	s3 =	simm.s32 $0x108;
	s8 =	sld [smem:$0x3FAC]  }
0x2e: {  	s3 =	simm.s32 @!p0 $0x1082;
	s9 =	sld [smem:$0x3FAD]  }
0x2f: {  	lr =	sadd.s32 s0, s3;
	s0 =	sld [smem:$0x3FA4]  }
0x30: {  	s3 =	sld [smem:$0x3FA7]  }
0x31: {  	[smem:$0x3FB0] =	sst s10  }
0x32: {  	s10 =	sld [smem:$0x3FAE];
	_ =	sdelay $0x3  }
0x33: {  	p0 =	seq.s32 s10, $0x1;
	s10 =	sld [smem:$0x3FB0];
	_ =	sdelay $0x3  }
0x34: {  	[smem:$0x3FB0] =	sst s10  }
0x35: {  	s10 =	sld [smem:$0x3FAF];
	_ =	sdelay $0x3  }
0x36: {  	p1 =	seq.s32 s10, $0x1;
	s10 =	sld [smem:$0x3FB0];
	_ =	sdelay $0x3  }
0x37: {  	[smem:$0x3FB0] =	sst s10  }
0x38: {  	s10 =	sld [smem:$0x3FB1]  }
0x39: {  	_ = 	snop;
	(pc) =	sbr.ind lr, $3  }
0x3a: {  	_ = 	snop  }
0x3b: {  	_ = 	snop  }
0x3c: {  	p2 =	seq.s32 s10, $0x1;
	s10 =	sld [smem:$0x3FB0]  }
0x3d: {  	_ =	shalt  }
0x3e: {  	_ =	shalt  }
0x3f: {  	_ =	shalt  }
0x40: {  	_ =	shalt  }
0x41: {  	_ =	shalt  }
0x42: {  	_ =	shalt  }
0x43: {  	_ =	shalt  }
0x44: {  	_ =	shalt  }
0x45: {  	_ =	shalt  }
0x46: {  	_ =	shalt  }
0x47: {  	_ =	shalt  }
0x48: {  	_ =	shalt  }
0x49: {  	_ =	shalt  }
0x4a: {  	_ =	shalt  }
0x4b: {  	_ =	shalt  }
0x4c: {  	_ =	shalt  }
0x4d: {  	_ =	shalt  }
0x4e: {  	_ =	shalt  }
0x4f: {  	_ =	shalt  }
0x50: {  	_ =	shalt  }
0x51: {  	_ =	shalt  }
0x52: {  	_ =	shalt  }
0x53: {  	_ =	shalt  }
0x54: {  	_ =	shalt  }
0x55: {  	_ =	shalt  }
0x56: {  	_ =	shalt  }
0x57: {  	_ =	shalt  }
0x58: {  	_ =	shalt  }
0x59: {  	_ =	shalt  }
0x5a: {  	_ =	shalt  }
0x5b: {  	_ =	shalt  }
0x5c: {  	_ =	shalt  }
0x5d: {  	_ =	shalt  }
0x5e: {  	_ =	shalt  }
0x5f: {  	_ =	shalt  }
0x60: {  	_ =	shalt  }
0x61: {  	_ =	shalt  }
0x62: {  	_ =	shalt  }
0x63: {  	_ =	shalt  }
0x64: {  	_ =	shalt  }
0x65: {  	_ =	shalt  }
0x66: {  	_ =	shalt  }
0x67: {  	_ =	shalt  }
0x68: {  	_ =	shalt  }
0x69: {  	_ =	shalt  }
0x6a: {  	_ =	shalt  }
0x6b: {  	_ =	shalt  }
0x6c: {  	_ =	shalt  }
0x6d: {  	_ =	shalt  }
0x6e: {  	_ =	shalt  }
0x6f: {  	_ =	shalt  }
0x70: {  	_ =	shalt  }
0x71: {  	_ =	shalt  }
0x72: {  	_ =	shalt  }
0x73: {  	_ =	shalt  }
0x74: {  	_ =	shalt  }
0x75: {  	_ =	shalt  }
0x76: {  	_ =	shalt  }
0x77: {  	_ =	shalt  }
0x78: {  	_ =	shalt  }
0x79: {  	_ =	shalt  }
0x7a: {  	_ =	shalt  }
0x7b: {  	_ =	shalt  }
0x7c: {  	_ =	shalt  }
0x7d: {  	_ =	shalt  }
0x7e: {  	_ =	shalt  }
0x7f: {  	_ =	shalt  }
0x80: {  	_ =	shalt  }
0x81: {  	_ =	shalt  }
0x82: {  	_ =	shalt  }
0x83: {  	_ =	shalt  }
0x84: {  	_ =	shalt  }
0x85: {  	_ =	shalt  }
0x86: {  	_ =	shalt  }
0x87: {  	_ =	shalt  }
.Lfunc_end0:
.L_simem_size_0:
called_computation.1_lowered:
.L_overlay_start_0:
0x88: {  	s2 =	sld [smem:$0x3FD9]  }
0x89: {  	s3 =	sld [smem:$0x3FFE];
	_ =	sdelay $0x1  }
0x8a: {  	s1 =	srdreg.scid  }
0x8b: {  	s0 =	sand.u32 $0x1, s1  }
0x8c: {  	s17 =	sshll.u32 s0, $0xA;
	s2 =	sadd.s32 s3, s2  }
0x8d: {  	s2 =	sadd.s32 s2, s17  }
0x8e: {  	[smem:$0x3FBC] =	sst s2  }
0x8f: {  	_ = 	snop  }
0x90: {  	s2 =	sld [smem:$0x3FD0];
	(tm) =	ssettm $0x1  }
0x91: {  	s18 =	sld [smem:$0x3FFB];
	_ =	sdelay $0x3  }
0x92: {  	_ =	strace s18  }
0x93: {  	s3 =	sld [smem:$0x3FFC];
	_ =	sdelay $0x3  }
0x94: {  	_ =	strace s3  }
0x95: {  	s3 =	sld [smem:$0x3FFD];
	_ =	sdelay $0x3  }
0x96: {  	_ =	strace s3  }
0x97: {  	_ =	strace $0x8FFFFFFF  }
0x98: {  	s19 =	sld [smem:$0x3FDB];
	_ =	sdelay $0x1  }
0x99: {  	s4 =	simm.s32 $_scs_section_size  }
0x9a: {  	s5 =	simm.s32 $_size__tile_overlayer_lowered;
	s6 =	simm.s32 $_tile_overlayer_lowered  }
0x9b: {  	s22 =	simm.s32 $0x1BFF;
	s21 =	sshll.u32 s6, $0x1;
	s3 =	sadd.s32 s4, s19  }
0x9c: {  	s7 =	simm.s32 $0x0;
	s20 =	sshll.u32 s5, $0x1;
	s5 =	sadd.s32 s21, s3  }
0x9d: {  	[timem:s7], [sflag:s22] =	dma.local [hbm:s5], s20  }
0x9e: {  	_ =	swait.ge [sflag:s22], s20  }
0x9f: {  	s4 =	ssub.s32 $0x0, s20;
	[sflag:s22] =	ssyncset.done $0x0  }
0xa0: {  	[sflag:s22] =	ssyncadd.s32 s4;
	_ =	sdelay $0x1  }
0xa1: {  	s23 =	simm.s32 $0x1B8B  }
0xa2: {  	_ =	swait.ge [sflag:s23], $0x1  }
0xa3: {  	[sflag:s23] =	ssyncset.done $0x0  }
0xa4: {  	s25 =	simm.s32 $0x1B8E;
	s24 =	sld [smem:$0x3FFE];
	[sflag:s23] =	ssyncadd.s32 $0xFFFFFFFF  }
0xa5: {  	s26 =	simm.s32 $execute0_lowered;
	[smem:$0x3FD2] =	sst s25  }
0xa6: {  	s5 =	sshll.u32 s26, $0x1;
	_ =	strace $0x80000049;
	[dreg:$0x1] =	wrdreg $0xFFFFFFFF  }
0xa7: {  	s28 =	simm.s32 $_size_execute0_lowered;
	s3 =	sadd.s32 s3, s5;
	[dreg:$0x0] =	wrdreg $0x0  }
0xa8: {  	s5 =	sshll.u32 s28, $0x1;
	[dreg:$0x2] =	wrdreg s3  }
0xa9: {  	[dreg:$0x3] =	wrdreg s5  }
0xaa: {  	[dreg:$0x4] =	wrdreg $0xC0  }
0xab: {  	_ =	task [dreg:s7], $0x5FFFF  }
0xac: {  	[dreg:$0x1] =	wrdreg $0xFFFFFFFF  }
0xad: {  	[dreg:$0x0] =	wrdreg $0x60  }
0xae: {  	[dreg:$0x2] =	wrdreg s24  }
0xaf: {  	[dreg:$0x3] =	wrdreg s2  }
0xb0: {  	[dreg:$0x4] =	wrdreg $0x9  }
0xb1: {  	_ =	task.clear_ibuf [dreg:s7], $0x5FFFF;
	_ =	strace $0x90000049  }
0xb2: {  	s29 =	simm.s32 $0x9;
	_ =	strace $0x8000004B  }
0xb3: {  	_ =	swait.ge [sflag:s29], $0x1  }
0xb4: {  	[sflag:s29] =	ssyncadd.s32 $0xFFFFFFFF  }
0xb5: {  	_ =	strace $0x9000004B  }
0xb6: {  	_ =	sfence  }
0xb7: {  	s30 =	sld [smem:$0x0];
	_ =	sdelay $0x2  }
0xb8: {  	s31 =	sshll.u32 s1, $0xD;
	s1 =	sshrl.u32 s1, $0x2  }
0xb9: {  	s3 =	sand.u32 $0x4000, s31;
	s1 =	sadd.s32 s1, s30  }
0xba: {  	s0 =	sor.u32 s3, s0;
	s1 =	sshll.u32 s1, $0x11  }
0xbb: {  	s0 =	sor.u32 s1, s0  }
0xbc: {  	s0 =	sadd.s32 $0x8F2B, s0  }
0xbd: {  	[sflag:s0] =	ssyncadd.remote.s32 $0x1  }
0xbe: {  	_ =	sfence.sel $0xFFFF  }
0xbf: {  	[dreg:$0x0] =	wrdreg $0xFFFFFFFF;
	(pc) =	sbr.abs _section_cstart, $3  }
0xc0: {  	[dreg:$0x1] =	wrdreg $0xFFFFFFFF  }
0xc1: {  	_ =	task.clear_ibuf [dreg:s7], $0x2FFFF;
	_ =	strace $0x9FFFFFFF  }
0xc2: {  	(tm) =	ssettm $0x7FFFFFFF  }
0xc3: {  	_ =	shalt  }
tec
execute0_lowered:
.L_overlay_start_1:
0x0: {  	(tag) =	ssettag $0x1  }
0x1: {  	s0 =	rddreg [dreg:$0x0];
	s1 =	srdreg.scid  }
0x2: {  	s3 =	stileid.u32;
	s2 =	rddreg [dreg:$0x1]  }
0x3: {  	s19 =	simm.s32 $0x4800;
	s20 =	simm.s32 $0x5000;
	s21 =	simm.s32 $0x5800  }
0x4: {  	s22 =	simm.s32 $0x6000;
	s23 =	simm.s32 $0x6800;
	s28 =	simm.s32 $0x3  }
0x5: {  	s29 =	simm.s32 $0x8800;
	s30 =	simm.s32 $0x2;
	s31 =	simm.s32 $0x4  }
0x6: {  	s1 =	sand.u32 $0x1, s1;
	s4 =	sshll.u32 s3, $0x1;
	s3 =	simm.s32 $0x0  }
0x7: {  	s10 =	simm.s32 $0x0;
	s7 =	sor.u32 s1, s4;
	[smem:$0x7FF] =	sst s3  }
0x8: {  	s1 =	ssub.s32 $0x2, s1;
	s4 =	sadd.s32 $0x2200, s0;
	s5 =	smul.u32 $0x300, s7  }
0x9: {  	_ =	strace $0x8000004A;
	s6 =	sshrl.u32 s1, $0x1;
	s26 =	sshll.u32 s7, $0xF  }
0xa: {  	s24 =	ssub.s32 s1, s6;
	s6 =	sshll.u32 s7, $0xB;
	s7 =	sshll.u32 s7, $0x11  }
0xb: {  	s1 =	simm.s32 $0xA800;
	s8 =	sadd.s32 s5, s0;
	s5 =	sadd.s32 $0x182200, s0  }
0xc: {  	v2 =	vlaneseq.u32;
	s9 =	sadd.s32 s2, s7;
	s0 =	smax.u32 s24, $0x1;
	s24 =	simm.s32 $0x7000  }
0xd: {  	vm0 =	vmmov $0xffff;
	v1 =	vshrl.u32 v2, $0x3;
	s25 =	sadd.s32 $0x282200, s8;
	s8 =	sadd.s32 s5, s26;
	[dreg:$0x4] =	wrdreg s0  }
0xe: {  	v0 =	vand.u32 $0x7, v2;
	v2 =	vor.u32 $0x8, v2;
	v1 =	vmul.u32 $0x8, v1;
	s26 =	simm.s32 $0x1;
	[dreg:$0x3] =	wrdreg s25;
	s25 =	simm.s32 $0x8000  }
.LBB2_1:
0xf: {  	[dreg:$0x5] =	wrdreg s10  }
0x10: {  	s0 =	rddreg [dreg:$0x3];
	s11 =	simm.s32 $0x7  }
0x11: {  	[tilespmem:s3], [sflag:$0x7] =	stream.linear.gather [hbm4b:s0+s3], $0x1800, $0x38;
	[tilespmem:$0xC800] =	vst v63  }
0x12: {  	_ =	swait.ge [sflag:s11], $0x1800  }
0x13: {  	[sflag:s11] =	ssyncset.done $0x0  }
0x14: {  	[sflag:s11] =	ssyncadd.s32 $0xFFFFE800  }
0x15: {  	v3 =	vld [tilespmem:$0x0];
	_ =	sdelay $0x4  }
0x16: {  	v4 =	vshll.u32 v3, $0x1  }
0x17: {  	v3 =	vand.u32 $0x7, v3;
	v4 =	vand.u32 $0xFFFFFFF0, v4  }
0x18: {  	v3 =	vor.u32 v3, v4  }
0x19: {  	v4 =	vperm.xlane v3, v0;
	_ =	sdelay $0x1  }
0x1a: {  	v3 =	vperm.xlane v3, v2;
	v4 =	vadd.s32 v1, v4;
	_ =	sdelay $0x1  }
0x1b: {  	v3 =	vadd.s32 v1, v3;
	_ =	sdelay $0x1  }
0x1c: {  	s12 =	simm.s32 $0x1800  }
0x1d: {  	[tilespmem:s12], [sflag:$0x1] =	stream.indirect_vreg.gather [hbm4b:s4+s3], $0x80, v4, vm0, $0xb8;
	[tilespmem:$0xC800] =	vst v63  }
0x1e: {  	s13 =	simm.s32 $0x2000  }
0x1f: {  	[tilespmem:s13], [sflag:$0x1] =	stream.indirect_vreg.gather [hbm4b:s4+s3], $0x80, v3, vm0, $0xb8;
	[tilespmem:$0xC800] =	vst v63  }
0x20: {  	v3 =	vld [tilespmem:$0x10];
	_ =	sdelay $0x4  }
0x21: {  	v62 =	vshll.u32 v3, $0x1  }
0x22: {  	v3 =	vand.u32 $0x7, v3;
	v4 =	vand.u32 $0xFFFFFFF0, v62  }
0x23: {  	v3 =	vor.u32 v3, v4  }
0x24: {  	v4 =	vperm.xlane v3, v0;
	_ =	sdelay $0x1  }
0x25: {  	v3 =	vperm.xlane v3, v2;
	v4 =	vadd.s32 v1, v4;
	_ =	sdelay $0x1  }
0x26: {  	v3 =	vadd.s32 v1, v3;
	_ =	sdelay $0x1  }
0x27: {  	s14 =	simm.s32 $0x2800  }
0x28: {  	[tilespmem:s14], [sflag:$0x1] =	stream.indirect_vreg.gather [hbm4b:s4+s3], $0x80, v4, vm0, $0xb8;
	[tilespmem:$0xC800] =	vst v63  }
0x29: {  	s15 =	simm.s32 $0x3000  }
0x2a: {  	[tilespmem:s15], [sflag:$0x1] =	stream.indirect_vreg.gather [hbm4b:s4+s3], $0x80, v3, vm0, $0xb8;
	[tilespmem:$0xC800] =	vst v63  }
0x2b: {  	v3 =	vld [tilespmem:$0x20];
	_ =	sdelay $0x4  }
0x2c: {  	v63 =	vshll.u32 v3, $0x1  }
0x2d: {  	v3 =	vand.u32 $0x7, v3;
	v4 =	vand.u32 $0xFFFFFFF0, v63  }
0x2e: {  	v3 =	vor.u32 v3, v4  }
0x2f: {  	v4 =	vperm.xlane v3, v0;
	_ =	sdelay $0x1  }
0x30: {  	v3 =	vperm.xlane v3, v2;
	v4 =	vadd.s32 v1, v4;
	_ =	sdelay $0x1  }
0x31: {  	v3 =	vadd.s32 v1, v3;
	_ =	sdelay $0x1  }
0x32: {  	s16 =	simm.s32 $0x3800  }
0x33: {  	[tilespmem:s16], [sflag:$0x1] =	stream.indirect_vreg.gather [hbm4b:s4+s3], $0x80, v4, vm0, $0xb8;
	[tilespmem:$0xC800] =	vst v63  }
0x34: {  	s17 =	simm.s32 $0x4000  }
0x35: {  	[tilespmem:s17], [sflag:$0x1] =	stream.indirect_vreg.gather [hbm4b:s4+s3], $0x80, v3, vm0, $0xb8;
	[tilespmem:$0xC800] =	vst v63  }
0x36: {  	s18 =	simm.s32 $0x7800;
	s14 =	simm.s32 $0x0  }
0x37: {  	[tilespmem:s18], [sflag:$0x3] =	stream.linear.gather [hbm4b:s8+s3], $0x800, $0x38;
	[tilespmem:$0xC800] =	vst v63  }
.LBB2_2:
0x38: {  	s0 =	sshllo.u32 s14, $0x1  }
0x39: {  	s7 =	smul.u32 $0xC0, s0;
	_ =	sdelay $0x1  }
0x3a: {  	s7 =	sshra.s32 s7, $0x2  }
0x3b: {  	v3 =	vld [tilespmem:s7+$0x0];
	_ =	sdelay $0x4  }
0x3c: {  	v4 =	vshll.u32 v3, $0x1  }
0x3d: {  	v3 =	vand.u32 $0x7, v3;
	v4 =	vand.u32 $0xFFFFFFF0, v4  }
0x3e: {  	v3 =	vor.u32 v3, v4  }
0x3f: {  	v4 =	vperm.xlane v3, v0;
	_ =	sdelay $0x1  }
0x40: {  	v3 =	vperm.xlane v3, v2;
	v4 =	vadd.s32 v1, v4;
	_ =	sdelay $0x1  }
0x41: {  	v3 =	vadd.s32 v1, v3;
	_ =	sdelay $0x2  }
0x42: {  	[tilespmem:s19], [sflag:$0x2] =	stream.indirect_vreg.gather [hbm4b:s4+s3], $0x80, v4, vm0, $0xb8;
	[tilespmem:$0xC800] =	vst v63  }
0x43: {  	_ = 	snop  }
0x44: {  	[tilespmem:s20], [sflag:$0x2] =	stream.indirect_vreg.gather [hbm4b:s4+s3], $0x80, v3, vm0, $0xb8;
	[tilespmem:$0xC800] =	vst v63  }
0x45: {  	v3 =	vld [tilespmem:s7+$0x10];
	_ =	sdelay $0x4  }
0x46: {  	v4 =	vshll.u32 v3, $0x1  }
0x47: {  	v3 =	vand.u32 $0x7, v3;
	v4 =	vand.u32 $0xFFFFFFF0, v4  }
0x48: {  	v3 =	vor.u32 v3, v4  }
0x49: {  	v4 =	vperm.xlane v3, v0;
	_ =	sdelay $0x1  }
0x4a: {  	v3 =	vperm.xlane v3, v2;
	v4 =	vadd.s32 v1, v4;
	_ =	sdelay $0x1  }
0x4b: {  	v3 =	vadd.s32 v1, v3;
	_ =	sdelay $0x2  }
0x4c: {  	[tilespmem:s21], [sflag:$0x2] =	stream.indirect_vreg.gather [hbm4b:s4+s3], $0x80, v4, vm0, $0xb8;
	[tilespmem:$0xC800] =	vst v63  }
0x4d: {  	_ = 	snop  }
0x4e: {  	[tilespmem:s22], [sflag:$0x2] =	stream.indirect_vreg.gather [hbm4b:s4+s3], $0x80, v3, vm0, $0xb8;
	[tilespmem:$0xC800] =	vst v63  }
0x4f: {  	v3 =	vld [tilespmem:s7+$0x20];
	_ =	sdelay $0x4  }
0x50: {  	v4 =	vshll.u32 v3, $0x1  }
0x51: {  	v3 =	vand.u32 $0x7, v3;
	v4 =	vand.u32 $0xFFFFFFF0, v4  }
0x52: {  	v3 =	vor.u32 v3, v4  }
0x53: {  	v4 =	vperm.xlane v3, v0;
	_ =	sdelay $0x1  }
0x54: {  	v3 =	vperm.xlane v3, v2;
	v4 =	vadd.s32 v1, v4;
	_ =	sdelay $0x1  }
0x55: {  	v3 =	vadd.s32 v1, v3  }
0x56: {  	s0 =	sshll.u32 s0, $0x4  }
0x57: {  	s15 =	sadd.s32 s6, s0  }
0x58: {  	[tilespmem:s23], [sflag:$0x2] =	stream.indirect_vreg.gather [hbm4b:s4+s3], $0x80, v4, vm0, $0xb8;
	[tilespmem:$0xC800] =	vst v63  }
0x59: {  	s0 =	sshll.u32 s15, $0x4  }
0x5a: {  	[tilespmem:s24], [sflag:$0x2] =	stream.indirect_vreg.gather [hbm4b:s4+s3], $0x80, v3, vm0, $0xb8;
	[tilespmem:$0xC800] =	vst v63  }
0x5b: {  	s0 =	sadd.s32 s5, s0  }
0x5c: {  	[tilespmem:s25], [sflag:$0x4] =	stream.linear.gather [hbm4b:s0+s3], $0x800, $0x38;
	[tilespmem:$0xC800] =	vst v63  }
0x5d: {  	_ =	swait.ge [sflag:s26], $0x3000  }
0x5e: {  	[sflag:s26] =	ssyncset.done $0x0  }
0x5f: {  	[sflag:s26] =	ssyncadd.s32 $0xFFFFD000  }
0x60: {  	_ =	swait.ge [sflag:s28], $0x800  }
0x61: {  	p0 =	seq.s32 s14, $0x0;
	[sflag:s28] =	ssyncset.done $0x0  }
0x62: {  	s0 =	simm.s32 @!p0 $0x5;
	[sflag:s28] =	ssyncadd.s32 $0xFFFFF800  }
0x63: {  	_ =	swait.ge @!p0 [sflag:s0], $0x2000  }
0x64: {  	[sflag:s0] =	ssyncset.done @!p0 $0x0  }
0x65: {  	s17 =	simm.s32 $0x0;
	[sflag:s0] =	ssyncadd.s32 @!p0 $0xFFFFE000  }
0x66: {  	s16 =	sand.u32 $0x70, s17;
	s18 =	sand.u32 $0x400, s17;
	v3 =	vld [tilespmem:$0x7800]  }
0x67: {  	s0 =	sor.u32 s16, s18;
	v4 =	vld [tilespmem:$0x7810]  }
0x68: {  	v6 =	vld [tilespmem:s0+$0x1800]  }
0x69: {  	v7 =	vld [tilespmem:s0+$0x1880]  }
0x6a: {  	v5 =	vld [tilespmem:$0x7820]  }
0x6b: {  	v8 =	vld [tilespmem:s0+$0x1900];
	_ =	sdelay $0x2  }
0x6c: {  	v6 =	vmul.bf16 v6, v3;
	v7 =	vmul.bf16 v7, v4;
	_ =	sdelay $0x1  }
0x6d: {  	v6 =	vadd.bf16 v7, v6;
	v7 =	vmul.bf16 v8, v5;
	_ =	sdelay $0x1  }
0x6e: {  	v6 =	vadd.bf16 v7, v6  }
0x6f: {  	s11 =	sand.u32 $0xC00, s17;
	s7 =	sand.u32 $0x60, s17  }
0x70: {  	s10 =	simm.s32 $0x10;
	s18 =	simm.s32 $0x80;
	s0 =	sor.u32 s7, s11;
	v7 =	vunpack.i.u.bf16.f32 v6  }
0x71: {  	s12 =	sand.u32 $0x70, s10;
	s10 =	simm.s32 $0x20;
	s13 =	sand.u32 $0x400, s18;
	v6 =	vunpack.i.l.bf16.f32 v6;
	[tilespmem:s0+$0x8810] =	vst v7  }
0x72: {  	s16 =	sshll.u32 s14, $0x1;
	s7 =	simm.s32 $0x0;
	s11 =	sor.u32 s12, s13;
	[tilespmem:s0+$0x8800] =	vst v6  }
.LBB2_3:
0x73: {  	p1 =	sne.s32 s10, $0xF0;
	v6 =	vld [tilespmem:s11+$0x1800]  }
0x74: {  	v7 =	vld [tilespmem:s11+$0x1880]  }
0x75: {  	v8 =	vld [tilespmem:s11+$0x1900];
	_ =	sdelay $0x3  }
0x76: {  	v6 =	vmul.bf16 v6, v3;
	v7 =	vmul.bf16 v7, v4;
	_ =	sdelay $0x1  }
0x77: {  	v6 =	vadd.bf16 v7, v6;
	v7 =	vmul.bf16 v8, v5;
	_ =	sdelay $0x1  }
.Ltmp0:
0x78: {  	s17 =	sadd.s32 $0x100, s17;
	s7 =	sadd.s32 $0x20, s7;
	v6 =	vadd.bf16 v7, v6;
	(pc) =	sbr.rel @p1 .LBB2_3-.Ltmp0, $4  }
0x79: {  	s0 =	sand.u32 $0x60, s7;
	s11 =	sand.u32 $0xC00, s17  }
0x7a: {  	s18 =	sadd.s32 $0x80, s18;
	s0 =	sor.u32 s0, s11;
	v7 =	vunpack.i.u.bf16.f32 v6;
	v6 =	vunpack.i.l.bf16.f32 v6  }
0x7b: {  	s12 =	sand.u32 $0x400, s18;
	s11 =	sand.u32 $0x70, s10;
	[tilespmem:s0+$0x8810] =	vst v7  }
0x7c: {  	s10 =	sadd.s32 $0x10, s10;
	s11 =	sor.u32 s11, s12;
	[tilespmem:s0+$0x8800] =	vst v6  }
0x7d: {  	v6 =	vld [tilespmem:s11+$0x1800]  }
0x7e: {  	v7 =	vld [tilespmem:s11+$0x1880];
	_ =	sdelay $0x1  }
0x7f: {  	v8 =	vld [tilespmem:s11+$0x1900];
	_ =	sdelay $0x2  }
0x80: {  	v3 =	vmul.bf16 v6, v3;
	v4 =	vmul.bf16 v7, v4;
	_ =	sdelay $0x1  }
0x81: {  	v3 =	vadd.bf16 v4, v3;
	v4 =	vmul.bf16 v8, v5;
	_ =	sdelay $0x1  }
0x82: {  	s0 =	sadd.s32 $0x100, s17;
	s7 =	sadd.s32 $0x20, s7;
	v3 =	vadd.bf16 v4, v3  }
0x83: {  	s7 =	sand.u32 $0x60, s7;
	s0 =	sand.u32 $0xC00, s0  }
0x84: {  	s0 =	sor.u32 s7, s0;
	v4 =	vunpack.i.u.bf16.f32 v3  }
0x85: {  	v3 =	vunpack.i.l.bf16.f32 v3;
	[tilespmem:s0+$0x8810] =	vst v4  }
0x86: {  	s17 =	simm.s32 $0x0;
	[tilespmem:s0+$0x8800] =	vst v3  }
0x87: {  	s13 =	sand.u32 $0x70, s17;
	s18 =	sand.u32 $0x400, s17;
	v3 =	vld [tilespmem:$0x7880]  }
0x88: {  	s0 =	sor.u32 s13, s18;
	v4 =	vld [tilespmem:$0x7890]  }
0x89: {  	v6 =	vld [tilespmem:s0+$0x1980]  }
0x8a: {  	v7 =	vld [tilespmem:s0+$0x1A00]  }
0x8b: {  	v5 =	vld [tilespmem:$0x78A0]  }
0x8c: {  	v63 =	vld [tilespmem:s0+$0x1A80];
	_ =	sdelay $0x2  }
0x8d: {  	v6 =	vmul.bf16 v6, v3;
	v7 =	vmul.bf16 v7, v4;
	_ =	sdelay $0x1  }
0x8e: {  	v6 =	vadd.bf16 v7, v6;
	v7 =	vmul.bf16 v63, v5;
	_ =	sdelay $0x1  }
0x8f: {  	v6 =	vadd.bf16 v7, v6  }
0x90: {  	s11 =	sand.u32 $0xC00, s17;
	s7 =	sand.u32 $0x60, s17  }
0x91: {  	s10 =	simm.s32 $0x10;
	s18 =	simm.s32 $0x80;
	s0 =	sor.u32 s7, s11;
	v7 =	vunpack.i.u.bf16.f32 v6  }
0x92: {  	s12 =	sand.u32 $0x70, s10;
	s13 =	sand.u32 $0x400, s18;
	v6 =	vunpack.i.l.bf16.f32 v6;
	[tilespmem:s0+$0x8890] =	vst v7  }
0x93: {  	s10 =	simm.s32 $0x20;
	s7 =	simm.s32 $0x0;
	s11 =	sor.u32 s12, s13;
	[tilespmem:s0+$0x8880] =	vst v6  }
.LBB2_5:
0x94: {  	p1 =	sne.s32 s10, $0xF0;
	v6 =	vld [tilespmem:s11+$0x1980]  }
0x95: {  	v7 =	vld [tilespmem:s11+$0x1A00]  }
0x96: {  	v8 =	vld [tilespmem:s11+$0x1A80];
	_ =	sdelay $0x3  }
0x97: {  	v6 =	vmul.bf16 v6, v3;
	v7 =	vmul.bf16 v7, v4;
	_ =	sdelay $0x1  }
0x98: {  	v6 =	vadd.bf16 v7, v6;
	v7 =	vmul.bf16 v8, v5;
	_ =	sdelay $0x1  }
.Ltmp1:
0x99: {  	s17 =	sadd.s32 $0x100, s17;
	s7 =	sadd.s32 $0x20, s7;
	v6 =	vadd.bf16 v7, v6;
	(pc) =	sbr.rel @p1 .LBB2_5-.Ltmp1, $4  }
0x9a: {  	s0 =	sand.u32 $0x60, s7;
	s11 =	sand.u32 $0xC00, s17  }
0x9b: {  	s18 =	sadd.s32 $0x80, s18;
	s0 =	sor.u32 s0, s11;
	v7 =	vunpack.i.u.bf16.f32 v6;
	v6 =	vunpack.i.l.bf16.f32 v6  }
0x9c: {  	s12 =	sand.u32 $0x400, s18;
	s11 =	sand.u32 $0x70, s10;
	[tilespmem:s0+$0x8890] =	vst v7  }
0x9d: {  	s10 =	sadd.s32 $0x10, s10;
	s11 =	sor.u32 s11, s12;
	[tilespmem:s0+$0x8880] =	vst v6  }
0x9e: {  	v6 =	vld [tilespmem:s11+$0x1980]  }
0x9f: {  	v7 =	vld [tilespmem:s11+$0x1A00];
	_ =	sdelay $0x1  }
0xa0: {  	v8 =	vld [tilespmem:s11+$0x1A80];
	_ =	sdelay $0x2  }
0xa1: {  	v3 =	vmul.bf16 v6, v3;
	v4 =	vmul.bf16 v7, v4;
	_ =	sdelay $0x1  }
0xa2: {  	v3 =	vadd.bf16 v4, v3;
	v4 =	vmul.bf16 v8, v5;
	_ =	sdelay $0x1  }
0xa3: {  	s0 =	sadd.s32 $0x100, s17;
	s7 =	sadd.s32 $0x20, s7;
	v3 =	vadd.bf16 v4, v3  }
0xa4: {  	s7 =	sand.u32 $0x60, s7;
	s0 =	sand.u32 $0xC00, s0  }
0xa5: {  	s0 =	sor.u32 s7, s0;
	v4 =	vunpack.i.u.bf16.f32 v3  }
0xa6: {  	v3 =	vunpack.i.l.bf16.f32 v3;
	[tilespmem:s0+$0x8890] =	vst v4  }
0xa7: {  	s17 =	simm.s32 $0x0;
	[tilespmem:s0+$0x8880] =	vst v3  }
0xa8: {  	s10 =	sand.u32 $0x400, s17;
	s7 =	sand.u32 $0x70, s17;
	v3 =	vld [tilespmem:$0x7900]  }
0xa9: {  	s11 =	sor.u32 s17, s17;
	s0 =	sor.u32 s7, s10;
	v4 =	vld [tilespmem:$0x7910]  }
0xaa: {  	s7 =	sor.u32 $0x380, s11;
	v6 =	vld [tilespmem:s0+$0x1B00]  }
0xab: {  	v7 =	vld [tilespmem:s7+$0x1800]  }
0xac: {  	v5 =	vld [tilespmem:$0x7920]  }
0xad: {  	v63 =	vld [tilespmem:s0+$0x2000];
	_ =	sdelay $0x2  }
0xae: {  	v6 =	vmul.bf16 v6, v3;
	v7 =	vmul.bf16 v7, v4;
	_ =	sdelay $0x1  }
0xaf: {  	v6 =	vadd.bf16 v7, v6;
	v7 =	vmul.bf16 v63, v5;
	_ =	sdelay $0x1  }
0xb0: {  	v6 =	vadd.bf16 v7, v6  }
0xb1: {  	s12 =	sand.u32 $0xC00, s17;
	s10 =	sand.u32 $0x60, s17  }
0xb2: {  	s0 =	simm.s32 $0x10;
	s7 =	simm.s32 $0x80;
	s12 =	sor.u32 s10, s12;
	v7 =	vunpack.i.u.bf16.f32 v6  }
0xb3: {  	s10 =	simm.s32 $0x20;
	s13 =	sand.u32 $0x70, s0;
	s18 =	sand.u32 $0x400, s7;
	v6 =	vunpack.i.l.bf16.f32 v6;
	[tilespmem:s12+$0x8910] =	vst v7  }
0xb4: {  	s0 =	sor.u32 s7, s0;
	s11 =	sor.u32 s13, s18;
	s18 =	simm.s32 $0x0;
	[tilespmem:s12+$0x8900] =	vst v6  }
.LBB2_7:
0xb5: {  	p1 =	sne.s32 s10, $0xF0;
	v6 =	vld [tilespmem:s11+$0x1B00];
	s0 =	sor.u32 $0x380, s0  }
0xb6: {  	v7 =	vld [tilespmem:s0+$0x1800]  }
0xb7: {  	v8 =	vld [tilespmem:s11+$0x2000];
	_ =	sdelay $0x3  }
0xb8: {  	v6 =	vmul.bf16 v6, v3;
	v7 =	vmul.bf16 v7, v4;
	_ =	sdelay $0x1  }
0xb9: {  	v6 =	vadd.bf16 v7, v6;
	v7 =	vmul.bf16 v8, v5;
	_ =	sdelay $0x1  }
.Ltmp2:
0xba: {  	s17 =	sadd.s32 $0x100, s17;
	s18 =	sadd.s32 $0x20, s18;
	v6 =	vadd.bf16 v7, v6;
	(pc) =	sbr.rel @p1 .LBB2_7-.Ltmp2, $4  }
0xbb: {  	s0 =	sand.u32 $0x60, s18;
	s11 =	sand.u32 $0xC00, s17  }
0xbc: {  	s7 =	sadd.s32 $0x80, s7;
	s12 =	sor.u32 s0, s11;
	v7 =	vunpack.i.u.bf16.f32 v6;
	v6 =	vunpack.i.l.bf16.f32 v6  }
0xbd: {  	s0 =	sand.u32 $0x70, s10;
	s11 =	sand.u32 $0x400, s7;
	[tilespmem:s12+$0x8910] =	vst v7  }
0xbe: {  	s11 =	sor.u32 s0, s11;
	s0 =	sor.u32 s7, s10;
	s10 =	sadd.s32 $0x10, s10;
	[tilespmem:s12+$0x8900] =	vst v6  }
0xbf: {  	v6 =	vld [tilespmem:s11+$0x1B00];
	s0 =	sor.u32 $0x380, s0  }
0xc0: {  	v7 =	vld [tilespmem:s0+$0x1800];
	_ =	sdelay $0x1  }
0xc1: {  	v8 =	vld [tilespmem:s11+$0x2000];
	_ =	sdelay $0x2  }
0xc2: {  	v3 =	vmul.bf16 v6, v3;
	v4 =	vmul.bf16 v7, v4;
	_ =	sdelay $0x1  }
0xc3: {  	v3 =	vadd.bf16 v4, v3;
	v4 =	vmul.bf16 v8, v5;
	_ =	sdelay $0x1  }
0xc4: {  	s12 =	sadd.s32 $0x100, s17;
	s7 =	sadd.s32 $0x20, s18;
	v3 =	vadd.bf16 v4, v3  }
0xc5: {  	s7 =	sand.u32 $0x60, s7;
	s0 =	sand.u32 $0xC00, s12  }
0xc6: {  	s0 =	sor.u32 s7, s0;
	v4 =	vunpack.i.u.bf16.f32 v3  }
0xc7: {  	v3 =	vunpack.i.l.bf16.f32 v3;
	[tilespmem:s0+$0x8910] =	vst v4  }
0xc8: {  	s17 =	simm.s32 $0x0;
	[tilespmem:s0+$0x8900] =	vst v3  }
0xc9: {  	s13 =	sand.u32 $0x70, s17;
	s18 =	sand.u32 $0x400, s17;
	v3 =	vld [tilespmem:$0x7980]  }
0xca: {  	s0 =	sor.u32 s13, s18;
	v4 =	vld [tilespmem:$0x7990]  }
0xcb: {  	v6 =	vld [tilespmem:s0+$0x2080]  }
0xcc: {  	v7 =	vld [tilespmem:s0+$0x2100]  }
0xcd: {  	v5 =	vld [tilespmem:$0x79A0]  }
0xce: {  	v63 =	vld [tilespmem:s0+$0x2180];
	_ =	sdelay $0x2  }
0xcf: {  	v6 =	vmul.bf16 v6, v3;
	v7 =	vmul.bf16 v7, v4;
	_ =	sdelay $0x1  }
0xd0: {  	v6 =	vadd.bf16 v7, v6;
	v7 =	vmul.bf16 v63, v5;
	_ =	sdelay $0x1  }
0xd1: {  	v6 =	vadd.bf16 v7, v6  }
0xd2: {  	s11 =	sand.u32 $0xC00, s17;
	s7 =	sand.u32 $0x60, s17  }
0xd3: {  	s10 =	simm.s32 $0x10;
	s18 =	simm.s32 $0x80;
	s0 =	sor.u32 s7, s11;
	v7 =	vunpack.i.u.bf16.f32 v6  }
0xd4: {  	s12 =	sand.u32 $0x70, s10;
	s13 =	sand.u32 $0x400, s18;
	v6 =	vunpack.i.l.bf16.f32 v6;
	[tilespmem:s0+$0x8990] =	vst v7  }
0xd5: {  	s10 =	simm.s32 $0x20;
	s7 =	simm.s32 $0x0;
	s11 =	sor.u32 s12, s13;
	[tilespmem:s0+$0x8980] =	vst v6  }
.LBB2_9:
0xd6: {  	p1 =	sne.s32 s10, $0xF0;
	v6 =	vld [tilespmem:s11+$0x2080]  }
0xd7: {  	v7 =	vld [tilespmem:s11+$0x2100]  }
0xd8: {  	v8 =	vld [tilespmem:s11+$0x2180];
	_ =	sdelay $0x3  }
0xd9: {  	v6 =	vmul.bf16 v6, v3;
	v7 =	vmul.bf16 v7, v4;
	_ =	sdelay $0x1  }
0xda: {  	v6 =	vadd.bf16 v7, v6;
	v7 =	vmul.bf16 v8, v5;
	_ =	sdelay $0x1  }
.Ltmp3:
0xdb: {  	s17 =	sadd.s32 $0x100, s17;
	s7 =	sadd.s32 $0x20, s7;
	v6 =	vadd.bf16 v7, v6;
	(pc) =	sbr.rel @p1 .LBB2_9-.Ltmp3, $4  }
0xdc: {  	s0 =	sand.u32 $0x60, s7;
	s11 =	sand.u32 $0xC00, s17  }
0xdd: {  	s18 =	sadd.s32 $0x80, s18;
	s0 =	sor.u32 s0, s11;
	v7 =	vunpack.i.u.bf16.f32 v6;
	v6 =	vunpack.i.l.bf16.f32 v6  }
0xde: {  	s12 =	sand.u32 $0x400, s18;
	s11 =	sand.u32 $0x70, s10;
	[tilespmem:s0+$0x8990] =	vst v7  }
0xdf: {  	s10 =	sadd.s32 $0x10, s10;
	s11 =	sor.u32 s11, s12;
	[tilespmem:s0+$0x8980] =	vst v6  }
0xe0: {  	v6 =	vld [tilespmem:s11+$0x2080]  }
0xe1: {  	v7 =	vld [tilespmem:s11+$0x2100];
	_ =	sdelay $0x1  }
0xe2: {  	v8 =	vld [tilespmem:s11+$0x2180];
	_ =	sdelay $0x2  }
0xe3: {  	v3 =	vmul.bf16 v6, v3;
	v4 =	vmul.bf16 v7, v4;
	_ =	sdelay $0x1  }
0xe4: {  	v3 =	vadd.bf16 v4, v3;
	v4 =	vmul.bf16 v8, v5;
	_ =	sdelay $0x1  }
0xe5: {  	s0 =	sadd.s32 $0x100, s17;
	s7 =	sadd.s32 $0x20, s7;
	v3 =	vadd.bf16 v4, v3  }
0xe6: {  	s7 =	sand.u32 $0x60, s7;
	s0 =	sand.u32 $0xC00, s0  }
0xe7: {  	s0 =	sor.u32 s7, s0;
	v4 =	vunpack.i.u.bf16.f32 v3  }
0xe8: {  	v3 =	vunpack.i.l.bf16.f32 v3;
	[tilespmem:s0+$0x8990] =	vst v4  }
0xe9: {  	s17 =	simm.s32 $0x0;
	[tilespmem:s0+$0x8980] =	vst v3  }
0xea: {  	s13 =	sand.u32 $0x70, s17;
	s18 =	sand.u32 $0x400, s17;
	v3 =	vld [tilespmem:$0x7A00]  }
0xeb: {  	s0 =	sor.u32 s13, s18;
	v4 =	vld [tilespmem:$0x7A10]  }
0xec: {  	v6 =	vld [tilespmem:s0+$0x2200]  }
0xed: {  	v7 =	vld [tilespmem:s0+$0x2280]  }
0xee: {  	v5 =	vld [tilespmem:$0x7A20]  }
0xef: {  	v63 =	vld [tilespmem:s0+$0x2300];
	_ =	sdelay $0x2  }
0xf0: {  	v6 =	vmul.bf16 v6, v3;
	v7 =	vmul.bf16 v7, v4;
	_ =	sdelay $0x1  }
0xf1: {  	v6 =	vadd.bf16 v7, v6;
	v7 =	vmul.bf16 v63, v5;
	_ =	sdelay $0x1  }
0xf2: {  	v6 =	vadd.bf16 v7, v6  }
0xf3: {  	s11 =	sand.u32 $0xC00, s17;
	s7 =	sand.u32 $0x60, s17  }
0xf4: {  	s10 =	simm.s32 $0x10;
	s18 =	simm.s32 $0x80;
	s0 =	sor.u32 s7, s11;
	v7 =	vunpack.i.u.bf16.f32 v6  }
0xf5: {  	s12 =	sand.u32 $0x70, s10;
	s13 =	sand.u32 $0x400, s18;
	v6 =	vunpack.i.l.bf16.f32 v6;
	[tilespmem:s0+$0x8A10] =	vst v7  }
0xf6: {  	s10 =	simm.s32 $0x20;
	s7 =	simm.s32 $0x0;
	s11 =	sor.u32 s12, s13;
	[tilespmem:s0+$0x8A00] =	vst v6  }
.LBB2_11:
0xf7: {  	p1 =	sne.s32 s10, $0xF0;
	v6 =	vld [tilespmem:s11+$0x2200]  }
0xf8: {  	v7 =	vld [tilespmem:s11+$0x2280]  }
0xf9: {  	v8 =	vld [tilespmem:s11+$0x2300];
	_ =	sdelay $0x3  }
0xfa: {  	v6 =	vmul.bf16 v6, v3;
	v7 =	vmul.bf16 v7, v4;
	_ =	sdelay $0x1  }
0xfb: {  	v6 =	vadd.bf16 v7, v6;
	v7 =	vmul.bf16 v8, v5;
	_ =	sdelay $0x1  }
.Ltmp4:
0xfc: {  	s17 =	sadd.s32 $0x100, s17;
	s7 =	sadd.s32 $0x20, s7;
	v6 =	vadd.bf16 v7, v6;
	(pc) =	sbr.rel @p1 .LBB2_11-.Ltmp4, $4  }
0xfd: {  	s0 =	sand.u32 $0x60, s7;
	s11 =	sand.u32 $0xC00, s17  }
0xfe: {  	s18 =	sadd.s32 $0x80, s18;
	s0 =	sor.u32 s0, s11;
	v7 =	vunpack.i.u.bf16.f32 v6;
	v6 =	vunpack.i.l.bf16.f32 v6  }
0xff: {  	s12 =	sand.u32 $0x400, s18;
	s11 =	sand.u32 $0x70, s10;
	[tilespmem:s0+$0x8A10] =	vst v7  }
0x100: {  	s10 =	sadd.s32 $0x10, s10;
	s11 =	sor.u32 s11, s12;
	[tilespmem:s0+$0x8A00] =	vst v6  }
0x101: {  	v6 =	vld [tilespmem:s11+$0x2200]  }
0x102: {  	v7 =	vld [tilespmem:s11+$0x2280];
	_ =	sdelay $0x1  }
0x103: {  	v8 =	vld [tilespmem:s11+$0x2300];
	_ =	sdelay $0x2  }
0x104: {  	v3 =	vmul.bf16 v6, v3;
	v4 =	vmul.bf16 v7, v4;
	_ =	sdelay $0x1  }
0x105: {  	v3 =	vadd.bf16 v4, v3;
	v4 =	vmul.bf16 v8, v5;
	_ =	sdelay $0x1  }
0x106: {  	s0 =	sadd.s32 $0x100, s17;
	s7 =	sadd.s32 $0x20, s7;
	v3 =	vadd.bf16 v4, v3  }
0x107: {  	s7 =	sand.u32 $0x60, s7;
	s0 =	sand.u32 $0xC00, s0  }
0x108: {  	s0 =	sor.u32 s7, s0;
	v4 =	vunpack.i.u.bf16.f32 v3  }
0x109: {  	v3 =	vunpack.i.l.bf16.f32 v3;
	[tilespmem:s0+$0x8A10] =	vst v4  }
0x10a: {  	s17 =	simm.s32 $0x0;
	[tilespmem:s0+$0x8A00] =	vst v3  }
0x10b: {  	s13 =	sand.u32 $0x70, s17;
	s18 =	sand.u32 $0x400, s17;
	v3 =	vld [tilespmem:$0x7A80]  }
0x10c: {  	s0 =	sor.u32 s13, s18;
	v4 =	vld [tilespmem:$0x7A90]  }
0x10d: {  	v6 =	vld [tilespmem:s0+$0x2380]  }
0x10e: {  	v7 =	vld [tilespmem:s0+$0x2800]  }
0x10f: {  	v5 =	vld [tilespmem:$0x7AA0]  }
0x110: {  	v63 =	vld [tilespmem:s0+$0x2880];
	_ =	sdelay $0x2  }
0x111: {  	v6 =	vmul.bf16 v6, v3;
	v7 =	vmul.bf16 v7, v4;
	_ =	sdelay $0x1  }
0x112: {  	v6 =	vadd.bf16 v7, v6;
	v7 =	vmul.bf16 v63, v5;
	_ =	sdelay $0x1  }
0x113: {  	v6 =	vadd.bf16 v7, v6  }
0x114: {  	s11 =	sand.u32 $0xC00, s17;
	s7 =	sand.u32 $0x60, s17  }
0x115: {  	s10 =	simm.s32 $0x10;
	s18 =	simm.s32 $0x80;
	s0 =	sor.u32 s7, s11;
	v7 =	vunpack.i.u.bf16.f32 v6  }
0x116: {  	s12 =	sand.u32 $0x70, s10;
	s13 =	sand.u32 $0x400, s18;
	v6 =	vunpack.i.l.bf16.f32 v6;
	[tilespmem:s0+$0x8A90] =	vst v7  }
0x117: {  	s10 =	simm.s32 $0x20;
	s7 =	simm.s32 $0x0;
	s11 =	sor.u32 s12, s13;
	[tilespmem:s0+$0x8A80] =	vst v6  }
.LBB2_13:
0x118: {  	p1 =	sne.s32 s10, $0xF0;
	v6 =	vld [tilespmem:s11+$0x2380]  }
0x119: {  	v7 =	vld [tilespmem:s11+$0x2800]  }
0x11a: {  	v8 =	vld [tilespmem:s11+$0x2880];
	_ =	sdelay $0x3  }
0x11b: {  	v6 =	vmul.bf16 v6, v3;
	v7 =	vmul.bf16 v7, v4;
	_ =	sdelay $0x1  }
0x11c: {  	v6 =	vadd.bf16 v7, v6;
	v7 =	vmul.bf16 v8, v5;
	_ =	sdelay $0x1  }
.Ltmp5:
0x11d: {  	s17 =	sadd.s32 $0x100, s17;
	s7 =	sadd.s32 $0x20, s7;
	v6 =	vadd.bf16 v7, v6;
	(pc) =	sbr.rel @p1 .LBB2_13-.Ltmp5, $4  }
0x11e: {  	s0 =	sand.u32 $0x60, s7;
	s11 =	sand.u32 $0xC00, s17  }
0x11f: {  	s18 =	sadd.s32 $0x80, s18;
	s0 =	sor.u32 s0, s11;
	v7 =	vunpack.i.u.bf16.f32 v6;
	v6 =	vunpack.i.l.bf16.f32 v6  }
0x120: {  	s12 =	sand.u32 $0x400, s18;
	s11 =	sand.u32 $0x70, s10;
	[tilespmem:s0+$0x8A90] =	vst v7  }
0x121: {  	s10 =	sadd.s32 $0x10, s10;
	s11 =	sor.u32 s11, s12;
	[tilespmem:s0+$0x8A80] =	vst v6  }
0x122: {  	v6 =	vld [tilespmem:s11+$0x2380]  }
0x123: {  	v7 =	vld [tilespmem:s11+$0x2800];
	_ =	sdelay $0x1  }
0x124: {  	v8 =	vld [tilespmem:s11+$0x2880];
	_ =	sdelay $0x2  }
0x125: {  	v3 =	vmul.bf16 v6, v3;
	v4 =	vmul.bf16 v7, v4;
	_ =	sdelay $0x1  }
0x126: {  	v3 =	vadd.bf16 v4, v3;
	v4 =	vmul.bf16 v8, v5;
	_ =	sdelay $0x1  }
0x127: {  	s0 =	sadd.s32 $0x100, s17;
	s7 =	sadd.s32 $0x20, s7;
	v3 =	vadd.bf16 v4, v3  }
0x128: {  	s7 =	sand.u32 $0x60, s7;
	s0 =	sand.u32 $0xC00, s0  }
0x129: {  	s0 =	sor.u32 s7, s0;
	v4 =	vunpack.i.u.bf16.f32 v3  }
0x12a: {  	v3 =	vunpack.i.l.bf16.f32 v3;
	[tilespmem:s0+$0x8A90] =	vst v4  }
0x12b: {  	s17 =	simm.s32 $0x0;
	[tilespmem:s0+$0x8A80] =	vst v3  }
0x12c: {  	s11 =	sand.u32 $0x70, s17;
	s12 =	sand.u32 $0x400, s17;
	v3 =	vld [tilespmem:$0x7B00]  }
0x12d: {  	s0 =	sor.u32 s11, s12;
	v4 =	vld [tilespmem:$0x7B10]  }
0x12e: {  	v6 =	vld [tilespmem:s0+$0x2900]  }
0x12f: {  	v7 =	vld [tilespmem:s0+$0x2980]  }
0x130: {  	v5 =	vld [tilespmem:$0x7B20]  }
0x131: {  	v8 =	vld [tilespmem:s0+$0x2A00];
	_ =	sdelay $0x2  }
0x132: {  	v6 =	vmul.bf16 v6, v3;
	v7 =	vmul.bf16 v7, v4;
	_ =	sdelay $0x1  }
0x133: {  	v6 =	vadd.bf16 v7, v6;
	v7 =	vmul.bf16 v8, v5  }
0x134: {  	s13 =	sand.u32 $0x3, s17  }
0x135: {  	s0 =	sshll.u32 s13, $0x5;
	v6 =	vadd.bf16 v7, v6  }
0x136: {  	s0 =	sadd.s32 $0x0, s0  }
0x137: {  	s10 =	simm.s32 $0x10;
	s7 =	simm.s32 $0x80;
	s18 =	sor.u32 $0x300, s0;
	v7 =	vunpack.i.l.bf16.f32 v6  }
0x138: {  	s10 =	sand.u32 $0x70, s10;
	s12 =	sand.u32 $0x400, s7;
	s0 =	sor.u32 $0x310, s0;
	v6 =	vunpack.i.u.bf16.f32 v6;
	[tilespmem:s18+$0x8800] =	vst v7  }
0x139: {  	s11 =	sor.u32 s10, s12;
	[tilespmem:s0+$0x8800] =	vst v6  }
0x13a: {  	s10 =	simm.s32 $0x20;
	s18 =	simm.s32 $0x0;
	v6 =	vld [tilespmem:s11+$0x2900]  }
.LBB2_15:
0x13b: {  	p1 =	sne.s32 s10, $0xF0;
	v7 =	vld [tilespmem:s11+$0x2980];
	_ =	sdelay $0x1  }
0x13c: {  	v8 =	vld [tilespmem:s11+$0x2A00];
	_ =	sdelay $0x2  }
0x13d: {  	v6 =	vmul.bf16 v6, v3;
	v7 =	vmul.bf16 v7, v4;
	_ =	sdelay $0x1  }
0x13e: {  	s17 =	sadd.s32 $0x1, s17;
	v6 =	vadd.bf16 v7, v6;
	v7 =	vmul.bf16 v8, v5  }
0x13f: {  	s0 =	sand.u32 $0x3, s17  }
0x140: {  	s18 =	sadd.s32 $0x100, s18;
	s0 =	sshll.u32 s0, $0x5;
	v6 =	vadd.bf16 v7, v6  }
.Ltmp6:
0x141: {  	s0 =	sadd.s32 s0, s18;
	(pc) =	sbr.rel @p1 .LBB2_15-.Ltmp6, $4  }
0x142: {  	s7 =	sadd.s32 $0x80, s7;
	s11 =	sor.u32 $0x300, s0;
	v7 =	vunpack.i.u.bf16.f32 v6;
	v6 =	vunpack.i.l.bf16.f32 v6  }
0x143: {  	s12 =	sand.u32 $0x70, s10;
	s13 =	sand.u32 $0x400, s7;
	s0 =	sor.u32 $0x310, s0;
	[tilespmem:s11+$0x8800] =	vst v6  }
0x144: {  	s11 =	sor.u32 s12, s13;
	[tilespmem:s0+$0x8800] =	vst v7  }
0x145: {  	s10 =	sadd.s32 $0x10, s10;
	v6 =	vld [tilespmem:s11+$0x2900]  }
0x146: {  	v7 =	vld [tilespmem:s11+$0x2980];
	_ =	sdelay $0x1  }
0x147: {  	v8 =	vld [tilespmem:s11+$0x2A00];
	_ =	sdelay $0x2  }
0x148: {  	v3 =	vmul.bf16 v6, v3;
	v4 =	vmul.bf16 v7, v4;
	_ =	sdelay $0x1  }
0x149: {  	s0 =	sadd.s32 $0x1, s17;
	v3 =	vadd.bf16 v4, v3;
	v4 =	vmul.bf16 v8, v5  }
0x14a: {  	s0 =	sand.u32 $0x3, s0  }
0x14b: {  	s7 =	sadd.s32 $0x100, s18;
	s0 =	sshll.u32 s0, $0x5;
	v3 =	vadd.bf16 v4, v3  }
0x14c: {  	s0 =	sadd.s32 s0, s7  }
0x14d: {  	s7 =	sor.u32 $0x300, s0;
	v4 =	vunpack.i.l.bf16.f32 v3  }
0x14e: {  	s0 =	sor.u32 $0x310, s0;
	v3 =	vunpack.i.u.bf16.f32 v3;
	[tilespmem:s7+$0x8800] =	vst v4  }
0x14f: {  	s17 =	simm.s32 $0x0;
	[tilespmem:s0+$0x8800] =	vst v3  }
0x150: {  	s11 =	sand.u32 $0x70, s17;
	s12 =	sand.u32 $0x400, s17;
	v3 =	vld [tilespmem:$0x7B80]  }
0x151: {  	s0 =	sor.u32 s11, s12;
	v4 =	vld [tilespmem:$0x7B90]  }
0x152: {  	v6 =	vld [tilespmem:s0+$0x2A80]  }
0x153: {  	v7 =	vld [tilespmem:s0+$0x2B00]  }
0x154: {  	v5 =	vld [tilespmem:$0x7BA0]  }
0x155: {  	v8 =	vld [tilespmem:s0+$0x2B80];
	_ =	sdelay $0x2  }
0x156: {  	v6 =	vmul.bf16 v6, v3;
	v7 =	vmul.bf16 v7, v4;
	_ =	sdelay $0x1  }
0x157: {  	v6 =	vadd.bf16 v7, v6;
	v7 =	vmul.bf16 v8, v5;
	_ =	sdelay $0x1  }
0x158: {  	v6 =	vadd.bf16 v7, v6  }
0x159: {  	s13 =	sor.u32 s17, s17  }
0x15a: {  	s10 =	simm.s32 $0x10;
	s18 =	sor.u32 $0x380, s13;
	s7 =	simm.s32 $0x80;
	v7 =	vunpack.i.l.bf16.f32 v6  }
0x15b: {  	s10 =	sand.u32 $0x70, s10;
	s12 =	sand.u32 $0x400, s7;
	s0 =	sor.u32 $0x390, s13;
	v6 =	vunpack.i.u.bf16.f32 v6;
	[tilespmem:s18+$0x8800] =	vst v7  }
0x15c: {  	s11 =	sor.u32 s10, s12;
	[tilespmem:s0+$0x8800] =	vst v6  }
0x15d: {  	s10 =	simm.s32 $0x20;
	s18 =	simm.s32 $0x0;
	v6 =	vld [tilespmem:s11+$0x2A80]  }
.LBB2_17:
0x15e: {  	p1 =	sne.s32 s10, $0xF0;
	v7 =	vld [tilespmem:s11+$0x2B00];
	_ =	sdelay $0x1  }
0x15f: {  	v8 =	vld [tilespmem:s11+$0x2B80];
	_ =	sdelay $0x2  }
0x160: {  	v6 =	vmul.bf16 v6, v3;
	v7 =	vmul.bf16 v7, v4;
	_ =	sdelay $0x1  }
0x161: {  	v6 =	vadd.bf16 v7, v6;
	v7 =	vmul.bf16 v8, v5;
	_ =	sdelay $0x1  }
0x162: {  	s17 =	sadd.s32 $0x100, s17;
	s18 =	sadd.s32 $0x20, s18;
	v6 =	vadd.bf16 v7, v6  }
.Ltmp7:
0x163: {  	s0 =	sor.u32 s18, s17;
	(pc) =	sbr.rel @p1 .LBB2_17-.Ltmp7, $4  }
0x164: {  	s7 =	sadd.s32 $0x80, s7;
	s11 =	sor.u32 $0x380, s0;
	v7 =	vunpack.i.u.bf16.f32 v6;
	v6 =	vunpack.i.l.bf16.f32 v6  }
0x165: {  	s12 =	sand.u32 $0x70, s10;
	s13 =	sand.u32 $0x400, s7;
	s0 =	sor.u32 $0x390, s0;
	[tilespmem:s11+$0x8800] =	vst v6  }
0x166: {  	s11 =	sor.u32 s12, s13;
	[tilespmem:s0+$0x8800] =	vst v7  }
0x167: {  	s10 =	sadd.s32 $0x10, s10;
	v6 =	vld [tilespmem:s11+$0x2A80]  }
0x168: {  	v7 =	vld [tilespmem:s11+$0x2B00];
	_ =	sdelay $0x1  }
0x169: {  	v8 =	vld [tilespmem:s11+$0x2B80];
	_ =	sdelay $0x2  }
0x16a: {  	v3 =	vmul.bf16 v6, v3;
	v4 =	vmul.bf16 v7, v4;
	_ =	sdelay $0x1  }
0x16b: {  	v3 =	vadd.bf16 v4, v3;
	v4 =	vmul.bf16 v8, v5;
	_ =	sdelay $0x1  }
0x16c: {  	s0 =	sadd.s32 $0x100, s17;
	s7 =	sadd.s32 $0x20, s18;
	v3 =	vadd.bf16 v4, v3  }
0x16d: {  	s0 =	sor.u32 s7, s0  }
0x16e: {  	s7 =	sor.u32 $0x380, s0;
	v4 =	vunpack.i.l.bf16.f32 v3  }
0x16f: {  	s0 =	sor.u32 $0x390, s0;
	v3 =	vunpack.i.u.bf16.f32 v3;
	[tilespmem:s7+$0x8800] =	vst v4  }
0x170: {  	s17 =	simm.s32 $0x0;
	[tilespmem:s0+$0x8800] =	vst v3  }
0x171: {  	s13 =	sand.u32 $0x70, s17;
	s18 =	sand.u32 $0x400, s17;
	v3 =	vld [tilespmem:$0x7C00]  }
0x172: {  	s0 =	sor.u32 s13, s18;
	v4 =	vld [tilespmem:$0x7C10]  }
0x173: {  	v6 =	vld [tilespmem:s0+$0x3000]  }
0x174: {  	v7 =	vld [tilespmem:s0+$0x3080]  }
0x175: {  	v5 =	vld [tilespmem:$0x7C20]  }
0x176: {  	v63 =	vld [tilespmem:s0+$0x3100];
	_ =	sdelay $0x2  }
0x177: {  	v6 =	vmul.bf16 v6, v3;
	v7 =	vmul.bf16 v7, v4;
	_ =	sdelay $0x1  }
0x178: {  	v6 =	vadd.bf16 v7, v6;
	v7 =	vmul.bf16 v63, v5;
	_ =	sdelay $0x1  }
0x179: {  	v6 =	vadd.bf16 v7, v6  }
0x17a: {  	s11 =	sand.u32 $0xC00, s17;
	s7 =	sand.u32 $0x60, s17  }
0x17b: {  	s10 =	simm.s32 $0x10;
	s18 =	simm.s32 $0x80;
	s0 =	sor.u32 s7, s11;
	v7 =	vunpack.i.u.bf16.f32 v6  }
0x17c: {  	s12 =	sand.u32 $0x70, s10;
	s13 =	sand.u32 $0x400, s18;
	v6 =	vunpack.i.l.bf16.f32 v6;
	[tilespmem:s0+$0x9810] =	vst v7  }
0x17d: {  	s10 =	simm.s32 $0x20;
	s7 =	simm.s32 $0x0;
	s11 =	sor.u32 s12, s13;
	[tilespmem:s0+$0x9800] =	vst v6  }
.LBB2_19:
0x17e: {  	p1 =	sne.s32 s10, $0xF0;
	v6 =	vld [tilespmem:s11+$0x3000]  }
0x17f: {  	v7 =	vld [tilespmem:s11+$0x3080]  }
0x180: {  	v8 =	vld [tilespmem:s11+$0x3100];
	_ =	sdelay $0x3  }
0x181: {  	v6 =	vmul.bf16 v6, v3;
	v7 =	vmul.bf16 v7, v4;
	_ =	sdelay $0x1  }
0x182: {  	v6 =	vadd.bf16 v7, v6;
	v7 =	vmul.bf16 v8, v5;
	_ =	sdelay $0x1  }
.Ltmp8:
0x183: {  	s17 =	sadd.s32 $0x100, s17;
	s7 =	sadd.s32 $0x20, s7;
	v6 =	vadd.bf16 v7, v6;
	(pc) =	sbr.rel @p1 .LBB2_19-.Ltmp8, $4  }
0x184: {  	s0 =	sand.u32 $0x60, s7;
	s11 =	sand.u32 $0xC00, s17  }
0x185: {  	s18 =	sadd.s32 $0x80, s18;
	s0 =	sor.u32 s0, s11;
	v7 =	vunpack.i.u.bf16.f32 v6;
	v6 =	vunpack.i.l.bf16.f32 v6  }
0x186: {  	s12 =	sand.u32 $0x400, s18;
	s11 =	sand.u32 $0x70, s10;
	[tilespmem:s0+$0x9810] =	vst v7  }
0x187: {  	s10 =	sadd.s32 $0x10, s10;
	s11 =	sor.u32 s11, s12;
	[tilespmem:s0+$0x9800] =	vst v6  }
0x188: {  	v6 =	vld [tilespmem:s11+$0x3000]  }
0x189: {  	v7 =	vld [tilespmem:s11+$0x3080];
	_ =	sdelay $0x1  }
0x18a: {  	v8 =	vld [tilespmem:s11+$0x3100];
	_ =	sdelay $0x2  }
0x18b: {  	v3 =	vmul.bf16 v6, v3;
	v4 =	vmul.bf16 v7, v4;
	_ =	sdelay $0x1  }
0x18c: {  	v3 =	vadd.bf16 v4, v3;
	v4 =	vmul.bf16 v8, v5;
	_ =	sdelay $0x1  }
0x18d: {  	s0 =	sadd.s32 $0x100, s17;
	s7 =	sadd.s32 $0x20, s7;
	v3 =	vadd.bf16 v4, v3  }
0x18e: {  	s7 =	sand.u32 $0x60, s7;
	s0 =	sand.u32 $0xC00, s0  }
0x18f: {  	s0 =	sor.u32 s7, s0;
	v4 =	vunpack.i.u.bf16.f32 v3  }
0x190: {  	v3 =	vunpack.i.l.bf16.f32 v3;
	[tilespmem:s0+$0x9810] =	vst v4  }
0x191: {  	s17 =	simm.s32 $0x0;
	[tilespmem:s0+$0x9800] =	vst v3  }
0x192: {  	s13 =	sand.u32 $0x70, s17;
	s18 =	sand.u32 $0x400, s17;
	v3 =	vld [tilespmem:$0x7C80]  }
0x193: {  	s0 =	sor.u32 s13, s18;
	v4 =	vld [tilespmem:$0x7C90]  }
0x194: {  	v6 =	vld [tilespmem:s0+$0x3180]  }
0x195: {  	v7 =	vld [tilespmem:s0+$0x3200]  }
0x196: {  	v5 =	vld [tilespmem:$0x7CA0]  }
0x197: {  	v63 =	vld [tilespmem:s0+$0x3280];
	_ =	sdelay $0x2  }
0x198: {  	v6 =	vmul.bf16 v6, v3;
	v7 =	vmul.bf16 v7, v4;
	_ =	sdelay $0x1  }
0x199: {  	v6 =	vadd.bf16 v7, v6;
	v7 =	vmul.bf16 v63, v5;
	_ =	sdelay $0x1  }
0x19a: {  	v6 =	vadd.bf16 v7, v6  }
0x19b: {  	s11 =	sand.u32 $0xC00, s17;
	s7 =	sand.u32 $0x60, s17  }
0x19c: {  	s10 =	simm.s32 $0x10;
	s18 =	simm.s32 $0x80;
	s0 =	sor.u32 s7, s11;
	v7 =	vunpack.i.u.bf16.f32 v6  }
0x19d: {  	s12 =	sand.u32 $0x70, s10;
	s13 =	sand.u32 $0x400, s18;
	v6 =	vunpack.i.l.bf16.f32 v6;
	[tilespmem:s0+$0x9890] =	vst v7  }
0x19e: {  	s10 =	simm.s32 $0x20;
	s7 =	simm.s32 $0x0;
	s11 =	sor.u32 s12, s13;
	[tilespmem:s0+$0x9880] =	vst v6  }
.LBB2_21:
0x19f: {  	p1 =	sne.s32 s10, $0xF0;
	v6 =	vld [tilespmem:s11+$0x3180]  }
0x1a0: {  	v7 =	vld [tilespmem:s11+$0x3200]  }
0x1a1: {  	v8 =	vld [tilespmem:s11+$0x3280];
	_ =	sdelay $0x3  }
0x1a2: {  	v6 =	vmul.bf16 v6, v3;
	v7 =	vmul.bf16 v7, v4;
	_ =	sdelay $0x1  }
0x1a3: {  	v6 =	vadd.bf16 v7, v6;
	v7 =	vmul.bf16 v8, v5;
	_ =	sdelay $0x1  }
.Ltmp9:
0x1a4: {  	s17 =	sadd.s32 $0x100, s17;
	s7 =	sadd.s32 $0x20, s7;
	v6 =	vadd.bf16 v7, v6;
	(pc) =	sbr.rel @p1 .LBB2_21-.Ltmp9, $4  }
0x1a5: {  	s0 =	sand.u32 $0x60, s7;
	s11 =	sand.u32 $0xC00, s17  }
0x1a6: {  	s18 =	sadd.s32 $0x80, s18;
	s0 =	sor.u32 s0, s11;
	v7 =	vunpack.i.u.bf16.f32 v6;
	v6 =	vunpack.i.l.bf16.f32 v6  }
0x1a7: {  	s12 =	sand.u32 $0x400, s18;
	s11 =	sand.u32 $0x70, s10;
	[tilespmem:s0+$0x9890] =	vst v7  }
0x1a8: {  	s10 =	sadd.s32 $0x10, s10;
	s11 =	sor.u32 s11, s12;
	[tilespmem:s0+$0x9880] =	vst v6  }
0x1a9: {  	v6 =	vld [tilespmem:s11+$0x3180]  }
0x1aa: {  	v7 =	vld [tilespmem:s11+$0x3200];
	_ =	sdelay $0x1  }
0x1ab: {  	v8 =	vld [tilespmem:s11+$0x3280];
	_ =	sdelay $0x2  }
0x1ac: {  	v3 =	vmul.bf16 v6, v3;
	v4 =	vmul.bf16 v7, v4;
	_ =	sdelay $0x1  }
0x1ad: {  	v3 =	vadd.bf16 v4, v3;
	v4 =	vmul.bf16 v8, v5;
	_ =	sdelay $0x1  }
0x1ae: {  	s0 =	sadd.s32 $0x100, s17;
	s7 =	sadd.s32 $0x20, s7;
	v3 =	vadd.bf16 v4, v3  }
0x1af: {  	s7 =	sand.u32 $0x60, s7;
	s0 =	sand.u32 $0xC00, s0  }
0x1b0: {  	s0 =	sor.u32 s7, s0;
	v4 =	vunpack.i.u.bf16.f32 v3  }
0x1b1: {  	v3 =	vunpack.i.l.bf16.f32 v3;
	[tilespmem:s0+$0x9890] =	vst v4  }
0x1b2: {  	s17 =	simm.s32 $0x0;
	[tilespmem:s0+$0x9880] =	vst v3  }
0x1b3: {  	s13 =	sand.u32 $0x70, s17;
	s18 =	sand.u32 $0x400, s17;
	v3 =	vld [tilespmem:$0x7D00]  }
0x1b4: {  	s0 =	sor.u32 s13, s18;
	v4 =	vld [tilespmem:$0x7D10]  }
0x1b5: {  	v6 =	vld [tilespmem:s0+$0x3300]  }
0x1b6: {  	v7 =	vld [tilespmem:s0+$0x3380]  }
0x1b7: {  	v5 =	vld [tilespmem:$0x7D20]  }
0x1b8: {  	v63 =	vld [tilespmem:s0+$0x3800];
	_ =	sdelay $0x2  }
0x1b9: {  	v6 =	vmul.bf16 v6, v3;
	v7 =	vmul.bf16 v7, v4;
	_ =	sdelay $0x1  }
0x1ba: {  	v6 =	vadd.bf16 v7, v6;
	v7 =	vmul.bf16 v63, v5;
	_ =	sdelay $0x1  }
0x1bb: {  	v6 =	vadd.bf16 v7, v6  }
0x1bc: {  	s11 =	sand.u32 $0xC00, s17;
	s7 =	sand.u32 $0x60, s17  }
0x1bd: {  	s10 =	simm.s32 $0x10;
	s18 =	simm.s32 $0x80;
	s0 =	sor.u32 s7, s11;
	v7 =	vunpack.i.u.bf16.f32 v6  }
0x1be: {  	s12 =	sand.u32 $0x70, s10;
	s13 =	sand.u32 $0x400, s18;
	v6 =	vunpack.i.l.bf16.f32 v6;
	[tilespmem:s0+$0x9910] =	vst v7  }
0x1bf: {  	s10 =	simm.s32 $0x20;
	s7 =	simm.s32 $0x0;
	s11 =	sor.u32 s12, s13;
	[tilespmem:s0+$0x9900] =	vst v6  }
.LBB2_23:
0x1c0: {  	p1 =	sne.s32 s10, $0xF0;
	v6 =	vld [tilespmem:s11+$0x3300]  }
0x1c1: {  	v7 =	vld [tilespmem:s11+$0x3380]  }
0x1c2: {  	v8 =	vld [tilespmem:s11+$0x3800];
	_ =	sdelay $0x3  }
0x1c3: {  	v6 =	vmul.bf16 v6, v3;
	v7 =	vmul.bf16 v7, v4;
	_ =	sdelay $0x1  }
0x1c4: {  	v6 =	vadd.bf16 v7, v6;
	v7 =	vmul.bf16 v8, v5;
	_ =	sdelay $0x1  }
.Ltmp10:
0x1c5: {  	s17 =	sadd.s32 $0x100, s17;
	s7 =	sadd.s32 $0x20, s7;
	v6 =	vadd.bf16 v7, v6;
	(pc) =	sbr.rel @p1 .LBB2_23-.Ltmp10, $4  }
0x1c6: {  	s0 =	sand.u32 $0x60, s7;
	s11 =	sand.u32 $0xC00, s17  }
0x1c7: {  	s18 =	sadd.s32 $0x80, s18;
	s0 =	sor.u32 s0, s11;
	v7 =	vunpack.i.u.bf16.f32 v6;
	v6 =	vunpack.i.l.bf16.f32 v6  }
0x1c8: {  	s12 =	sand.u32 $0x400, s18;
	s11 =	sand.u32 $0x70, s10;
	[tilespmem:s0+$0x9910] =	vst v7  }
0x1c9: {  	s10 =	sadd.s32 $0x10, s10;
	s11 =	sor.u32 s11, s12;
	[tilespmem:s0+$0x9900] =	vst v6  }
0x1ca: {  	v6 =	vld [tilespmem:s11+$0x3300]  }
0x1cb: {  	v7 =	vld [tilespmem:s11+$0x3380];
	_ =	sdelay $0x1  }
0x1cc: {  	v8 =	vld [tilespmem:s11+$0x3800];
	_ =	sdelay $0x2  }
0x1cd: {  	v3 =	vmul.bf16 v6, v3;
	v4 =	vmul.bf16 v7, v4;
	_ =	sdelay $0x1  }
0x1ce: {  	v3 =	vadd.bf16 v4, v3;
	v4 =	vmul.bf16 v8, v5;
	_ =	sdelay $0x1  }
0x1cf: {  	s0 =	sadd.s32 $0x100, s17;
	s7 =	sadd.s32 $0x20, s7;
	v3 =	vadd.bf16 v4, v3  }
0x1d0: {  	s7 =	sand.u32 $0x60, s7;
	s0 =	sand.u32 $0xC00, s0  }
0x1d1: {  	s0 =	sor.u32 s7, s0;
	v4 =	vunpack.i.u.bf16.f32 v3  }
0x1d2: {  	v3 =	vunpack.i.l.bf16.f32 v3;
	[tilespmem:s0+$0x9910] =	vst v4  }
0x1d3: {  	s17 =	simm.s32 $0x0;
	[tilespmem:s0+$0x9900] =	vst v3  }
0x1d4: {  	s13 =	sand.u32 $0x70, s17;
	s18 =	sand.u32 $0x400, s17;
	v3 =	vld [tilespmem:$0x7D80]  }
0x1d5: {  	s0 =	sor.u32 s13, s18;
	v4 =	vld [tilespmem:$0x7D90]  }
0x1d6: {  	v6 =	vld [tilespmem:s0+$0x3880]  }
0x1d7: {  	v7 =	vld [tilespmem:s0+$0x3900]  }
0x1d8: {  	v5 =	vld [tilespmem:$0x7DA0]  }
0x1d9: {  	v63 =	vld [tilespmem:s0+$0x3980];
	_ =	sdelay $0x2  }
0x1da: {  	v6 =	vmul.bf16 v6, v3;
	v7 =	vmul.bf16 v7, v4;
	_ =	sdelay $0x1  }
0x1db: {  	v6 =	vadd.bf16 v7, v6;
	v7 =	vmul.bf16 v63, v5;
	_ =	sdelay $0x1  }
0x1dc: {  	v6 =	vadd.bf16 v7, v6  }
0x1dd: {  	s11 =	sand.u32 $0xC00, s17;
	s7 =	sand.u32 $0x60, s17  }
0x1de: {  	s10 =	simm.s32 $0x10;
	s18 =	simm.s32 $0x80;
	s0 =	sor.u32 s7, s11;
	v7 =	vunpack.i.u.bf16.f32 v6  }
0x1df: {  	s12 =	sand.u32 $0x70, s10;
	s13 =	sand.u32 $0x400, s18;
	v6 =	vunpack.i.l.bf16.f32 v6;
	[tilespmem:s0+$0x9990] =	vst v7  }
0x1e0: {  	s10 =	simm.s32 $0x20;
	s7 =	simm.s32 $0x0;
	s11 =	sor.u32 s12, s13;
	[tilespmem:s0+$0x9980] =	vst v6  }
.LBB2_25:
0x1e1: {  	p1 =	sne.s32 s10, $0xF0;
	v6 =	vld [tilespmem:s11+$0x3880]  }
0x1e2: {  	v7 =	vld [tilespmem:s11+$0x3900]  }
0x1e3: {  	v8 =	vld [tilespmem:s11+$0x3980];
	_ =	sdelay $0x3  }
0x1e4: {  	v6 =	vmul.bf16 v6, v3;
	v7 =	vmul.bf16 v7, v4;
	_ =	sdelay $0x1  }
0x1e5: {  	v6 =	vadd.bf16 v7, v6;
	v7 =	vmul.bf16 v8, v5;
	_ =	sdelay $0x1  }
.Ltmp11:
0x1e6: {  	s17 =	sadd.s32 $0x100, s17;
	s7 =	sadd.s32 $0x20, s7;
	v6 =	vadd.bf16 v7, v6;
	(pc) =	sbr.rel @p1 .LBB2_25-.Ltmp11, $4  }
0x1e7: {  	s0 =	sand.u32 $0x60, s7;
	s11 =	sand.u32 $0xC00, s17  }
0x1e8: {  	s18 =	sadd.s32 $0x80, s18;
	s0 =	sor.u32 s0, s11;
	v7 =	vunpack.i.u.bf16.f32 v6;
	v6 =	vunpack.i.l.bf16.f32 v6  }
0x1e9: {  	s12 =	sand.u32 $0x400, s18;
	s11 =	sand.u32 $0x70, s10;
	[tilespmem:s0+$0x9990] =	vst v7  }
0x1ea: {  	s10 =	sadd.s32 $0x10, s10;
	s11 =	sor.u32 s11, s12;
	[tilespmem:s0+$0x9980] =	vst v6  }
0x1eb: {  	v6 =	vld [tilespmem:s11+$0x3880]  }
0x1ec: {  	v7 =	vld [tilespmem:s11+$0x3900];
	_ =	sdelay $0x1  }
0x1ed: {  	v8 =	vld [tilespmem:s11+$0x3980];
	_ =	sdelay $0x2  }
0x1ee: {  	v3 =	vmul.bf16 v6, v3;
	v4 =	vmul.bf16 v7, v4;
	_ =	sdelay $0x1  }
0x1ef: {  	v3 =	vadd.bf16 v4, v3;
	v4 =	vmul.bf16 v8, v5;
	_ =	sdelay $0x1  }
0x1f0: {  	s0 =	sadd.s32 $0x100, s17;
	s7 =	sadd.s32 $0x20, s7;
	v3 =	vadd.bf16 v4, v3  }
0x1f1: {  	s7 =	sand.u32 $0x60, s7;
	s0 =	sand.u32 $0xC00, s0  }
0x1f2: {  	s0 =	sor.u32 s7, s0;
	v4 =	vunpack.i.u.bf16.f32 v3  }
0x1f3: {  	v3 =	vunpack.i.l.bf16.f32 v3;
	[tilespmem:s0+$0x9990] =	vst v4  }
0x1f4: {  	s17 =	simm.s32 $0x0;
	[tilespmem:s0+$0x9980] =	vst v3  }
0x1f5: {  	s13 =	sand.u32 $0x70, s17;
	s18 =	sand.u32 $0x400, s17;
	v3 =	vld [tilespmem:$0x7E00]  }
0x1f6: {  	s0 =	sor.u32 s13, s18;
	v4 =	vld [tilespmem:$0x7E10]  }
0x1f7: {  	v6 =	vld [tilespmem:s0+$0x3A00]  }
0x1f8: {  	v7 =	vld [tilespmem:s0+$0x3A80]  }
0x1f9: {  	v5 =	vld [tilespmem:$0x7E20]  }
0x1fa: {  	v63 =	vld [tilespmem:s0+$0x3B00];
	_ =	sdelay $0x2  }
0x1fb: {  	v6 =	vmul.bf16 v6, v3;
	v7 =	vmul.bf16 v7, v4;
	_ =	sdelay $0x1  }
0x1fc: {  	v6 =	vadd.bf16 v7, v6;
	v7 =	vmul.bf16 v63, v5;
	_ =	sdelay $0x1  }
0x1fd: {  	v6 =	vadd.bf16 v7, v6  }
0x1fe: {  	s11 =	sand.u32 $0xC00, s17;
	s7 =	sand.u32 $0x60, s17  }
0x1ff: {  	s10 =	simm.s32 $0x10;
	s18 =	simm.s32 $0x80;
	s0 =	sor.u32 s7, s11;
	v7 =	vunpack.i.u.bf16.f32 v6  }
0x200: {  	s12 =	sand.u32 $0x70, s10;
	s13 =	sand.u32 $0x400, s18;
	v6 =	vunpack.i.l.bf16.f32 v6;
	[tilespmem:s0+$0x9A10] =	vst v7  }
0x201: {  	s10 =	simm.s32 $0x20;
	s7 =	simm.s32 $0x0;
	s11 =	sor.u32 s12, s13;
	[tilespmem:s0+$0x9A00] =	vst v6  }
.LBB2_27:
0x202: {  	p1 =	sne.s32 s10, $0xF0;
	v6 =	vld [tilespmem:s11+$0x3A00]  }
0x203: {  	v7 =	vld [tilespmem:s11+$0x3A80]  }
0x204: {  	v8 =	vld [tilespmem:s11+$0x3B00];
	_ =	sdelay $0x3  }
0x205: {  	v6 =	vmul.bf16 v6, v3;
	v7 =	vmul.bf16 v7, v4;
	_ =	sdelay $0x1  }
0x206: {  	v6 =	vadd.bf16 v7, v6;
	v7 =	vmul.bf16 v8, v5;
	_ =	sdelay $0x1  }
.Ltmp12:
0x207: {  	s17 =	sadd.s32 $0x100, s17;
	s7 =	sadd.s32 $0x20, s7;
	v6 =	vadd.bf16 v7, v6;
	(pc) =	sbr.rel @p1 .LBB2_27-.Ltmp12, $4  }
0x208: {  	s0 =	sand.u32 $0x60, s7;
	s11 =	sand.u32 $0xC00, s17  }
0x209: {  	s18 =	sadd.s32 $0x80, s18;
	s0 =	sor.u32 s0, s11;
	v7 =	vunpack.i.u.bf16.f32 v6;
	v6 =	vunpack.i.l.bf16.f32 v6  }
0x20a: {  	s12 =	sand.u32 $0x400, s18;
	s11 =	sand.u32 $0x70, s10;
	[tilespmem:s0+$0x9A10] =	vst v7  }
0x20b: {  	s10 =	sadd.s32 $0x10, s10;
	s11 =	sor.u32 s11, s12;
	[tilespmem:s0+$0x9A00] =	vst v6  }
0x20c: {  	v6 =	vld [tilespmem:s11+$0x3A00]  }
0x20d: {  	v7 =	vld [tilespmem:s11+$0x3A80];
	_ =	sdelay $0x1  }
0x20e: {  	v8 =	vld [tilespmem:s11+$0x3B00];
	_ =	sdelay $0x2  }
0x20f: {  	v3 =	vmul.bf16 v6, v3;
	v4 =	vmul.bf16 v7, v4;
	_ =	sdelay $0x1  }
0x210: {  	v3 =	vadd.bf16 v4, v3;
	v4 =	vmul.bf16 v8, v5;
	_ =	sdelay $0x1  }
0x211: {  	s0 =	sadd.s32 $0x100, s17;
	s7 =	sadd.s32 $0x20, s7;
	v3 =	vadd.bf16 v4, v3  }
0x212: {  	s7 =	sand.u32 $0x60, s7;
	s0 =	sand.u32 $0xC00, s0  }
0x213: {  	s0 =	sor.u32 s7, s0;
	v4 =	vunpack.i.u.bf16.f32 v3  }
0x214: {  	v3 =	vunpack.i.l.bf16.f32 v3;
	[tilespmem:s0+$0x9A10] =	vst v4  }
0x215: {  	s17 =	simm.s32 $0x0;
	[tilespmem:s0+$0x9A00] =	vst v3  }
0x216: {  	s13 =	sand.u32 $0x70, s17;
	s18 =	sand.u32 $0x400, s17;
	v3 =	vld [tilespmem:$0x7E80]  }
0x217: {  	s0 =	sor.u32 s13, s18;
	v4 =	vld [tilespmem:$0x7E90]  }
0x218: {  	v6 =	vld [tilespmem:s0+$0x3B80]  }
0x219: {  	v7 =	vld [tilespmem:s0+$0x4000]  }
0x21a: {  	v5 =	vld [tilespmem:$0x7EA0]  }
0x21b: {  	v63 =	vld [tilespmem:s0+$0x4080];
	_ =	sdelay $0x2  }
0x21c: {  	v6 =	vmul.bf16 v6, v3;
	v7 =	vmul.bf16 v7, v4;
	_ =	sdelay $0x1  }
0x21d: {  	v6 =	vadd.bf16 v7, v6;
	v7 =	vmul.bf16 v63, v5;
	_ =	sdelay $0x1  }
0x21e: {  	v6 =	vadd.bf16 v7, v6  }
0x21f: {  	s11 =	sand.u32 $0xC00, s17;
	s7 =	sand.u32 $0x60, s17  }
0x220: {  	s10 =	simm.s32 $0x10;
	s18 =	simm.s32 $0x80;
	s0 =	sor.u32 s7, s11;
	v7 =	vunpack.i.u.bf16.f32 v6  }
0x221: {  	s12 =	sand.u32 $0x70, s10;
	s13 =	sand.u32 $0x400, s18;
	v6 =	vunpack.i.l.bf16.f32 v6;
	[tilespmem:s0+$0x9A90] =	vst v7  }
0x222: {  	s10 =	simm.s32 $0x20;
	s7 =	simm.s32 $0x0;
	s11 =	sor.u32 s12, s13;
	[tilespmem:s0+$0x9A80] =	vst v6  }
.LBB2_29:
0x223: {  	p1 =	sne.s32 s10, $0xF0;
	v6 =	vld [tilespmem:s11+$0x3B80]  }
0x224: {  	v7 =	vld [tilespmem:s11+$0x4000]  }
0x225: {  	v8 =	vld [tilespmem:s11+$0x4080];
	_ =	sdelay $0x3  }
0x226: {  	v6 =	vmul.bf16 v6, v3;
	v7 =	vmul.bf16 v7, v4;
	_ =	sdelay $0x1  }
0x227: {  	v6 =	vadd.bf16 v7, v6;
	v7 =	vmul.bf16 v8, v5;
	_ =	sdelay $0x1  }
.Ltmp13:
0x228: {  	s17 =	sadd.s32 $0x100, s17;
	s7 =	sadd.s32 $0x20, s7;
	v6 =	vadd.bf16 v7, v6;
	(pc) =	sbr.rel @p1 .LBB2_29-.Ltmp13, $4  }
0x229: {  	s0 =	sand.u32 $0x60, s7;
	s11 =	sand.u32 $0xC00, s17  }
0x22a: {  	s18 =	sadd.s32 $0x80, s18;
	s0 =	sor.u32 s0, s11;
	v7 =	vunpack.i.u.bf16.f32 v6;
	v6 =	vunpack.i.l.bf16.f32 v6  }
0x22b: {  	s12 =	sand.u32 $0x400, s18;
	s11 =	sand.u32 $0x70, s10;
	[tilespmem:s0+$0x9A90] =	vst v7  }
0x22c: {  	s10 =	sadd.s32 $0x10, s10;
	s11 =	sor.u32 s11, s12;
	[tilespmem:s0+$0x9A80] =	vst v6  }
0x22d: {  	v6 =	vld [tilespmem:s11+$0x3B80]  }
0x22e: {  	v7 =	vld [tilespmem:s11+$0x4000];
	_ =	sdelay $0x1  }
0x22f: {  	v8 =	vld [tilespmem:s11+$0x4080];
	_ =	sdelay $0x2  }
0x230: {  	v3 =	vmul.bf16 v6, v3;
	v4 =	vmul.bf16 v7, v4;
	_ =	sdelay $0x1  }
0x231: {  	v3 =	vadd.bf16 v4, v3;
	v4 =	vmul.bf16 v8, v5;
	_ =	sdelay $0x1  }
0x232: {  	s0 =	sadd.s32 $0x100, s17;
	s7 =	sadd.s32 $0x20, s7;
	v3 =	vadd.bf16 v4, v3  }
0x233: {  	s7 =	sand.u32 $0x60, s7;
	s0 =	sand.u32 $0xC00, s0  }
0x234: {  	s0 =	sor.u32 s7, s0;
	v4 =	vunpack.i.u.bf16.f32 v3  }
0x235: {  	v3 =	vunpack.i.l.bf16.f32 v3;
	[tilespmem:s0+$0x9A90] =	vst v4  }
0x236: {  	s17 =	simm.s32 $0x0;
	[tilespmem:s0+$0x9A80] =	vst v3  }
0x237: {  	s13 =	sand.u32 $0x70, s17;
	s18 =	sand.u32 $0x400, s17;
	v3 =	vld [tilespmem:$0x7F00]  }
0x238: {  	s0 =	sor.u32 s13, s18;
	v4 =	vld [tilespmem:$0x7F10]  }
0x239: {  	v6 =	vld [tilespmem:s0+$0x4100]  }
0x23a: {  	v7 =	vld [tilespmem:s0+$0x4180]  }
0x23b: {  	v5 =	vld [tilespmem:$0x7F20]  }
0x23c: {  	v63 =	vld [tilespmem:s0+$0x4200];
	_ =	sdelay $0x2  }
0x23d: {  	v6 =	vmul.bf16 v6, v3;
	v7 =	vmul.bf16 v7, v4;
	_ =	sdelay $0x1  }
0x23e: {  	v6 =	vadd.bf16 v7, v6;
	v7 =	vmul.bf16 v63, v5;
	_ =	sdelay $0x1  }
0x23f: {  	v6 =	vadd.bf16 v7, v6  }
0x240: {  	s11 =	sand.u32 $0xC00, s17;
	s7 =	sand.u32 $0x60, s17  }
0x241: {  	s10 =	simm.s32 $0x10;
	s18 =	simm.s32 $0x80;
	s0 =	sor.u32 s7, s11;
	v7 =	vunpack.i.u.bf16.f32 v6  }
0x242: {  	s12 =	sand.u32 $0x70, s10;
	s13 =	sand.u32 $0x400, s18;
	v6 =	vunpack.i.l.bf16.f32 v6;
	[tilespmem:s0+$0x9B10] =	vst v7  }
0x243: {  	s10 =	simm.s32 $0x20;
	s7 =	simm.s32 $0x0;
	s11 =	sor.u32 s12, s13;
	[tilespmem:s0+$0x9B00] =	vst v6  }
.LBB2_31:
0x244: {  	p1 =	sne.s32 s10, $0xF0;
	v6 =	vld [tilespmem:s11+$0x4100]  }
0x245: {  	v7 =	vld [tilespmem:s11+$0x4180]  }
0x246: {  	v8 =	vld [tilespmem:s11+$0x4200];
	_ =	sdelay $0x3  }
0x247: {  	v6 =	vmul.bf16 v6, v3;
	v7 =	vmul.bf16 v7, v4;
	_ =	sdelay $0x1  }
0x248: {  	v6 =	vadd.bf16 v7, v6;
	v7 =	vmul.bf16 v8, v5;
	_ =	sdelay $0x1  }
.Ltmp14:
0x249: {  	s17 =	sadd.s32 $0x100, s17;
	s7 =	sadd.s32 $0x20, s7;
	v6 =	vadd.bf16 v7, v6;
	(pc) =	sbr.rel @p1 .LBB2_31-.Ltmp14, $4  }
0x24a: {  	s0 =	sand.u32 $0x60, s7;
	s11 =	sand.u32 $0xC00, s17  }
0x24b: {  	s18 =	sadd.s32 $0x80, s18;
	s0 =	sor.u32 s0, s11;
	v7 =	vunpack.i.u.bf16.f32 v6;
	v6 =	vunpack.i.l.bf16.f32 v6  }
0x24c: {  	s12 =	sand.u32 $0x400, s18;
	s11 =	sand.u32 $0x70, s10;
	[tilespmem:s0+$0x9B10] =	vst v7  }
0x24d: {  	s10 =	sadd.s32 $0x10, s10;
	s11 =	sor.u32 s11, s12;
	[tilespmem:s0+$0x9B00] =	vst v6  }
0x24e: {  	v6 =	vld [tilespmem:s11+$0x4100]  }
0x24f: {  	v7 =	vld [tilespmem:s11+$0x4180];
	_ =	sdelay $0x1  }
0x250: {  	v8 =	vld [tilespmem:s11+$0x4200];
	_ =	sdelay $0x2  }
0x251: {  	v3 =	vmul.bf16 v6, v3;
	v4 =	vmul.bf16 v7, v4;
	_ =	sdelay $0x1  }
0x252: {  	v3 =	vadd.bf16 v4, v3;
	v4 =	vmul.bf16 v8, v5;
	_ =	sdelay $0x1  }
0x253: {  	s0 =	sadd.s32 $0x100, s17;
	s7 =	sadd.s32 $0x20, s7;
	v3 =	vadd.bf16 v4, v3  }
0x254: {  	s7 =	sand.u32 $0x60, s7;
	s0 =	sand.u32 $0xC00, s0  }
0x255: {  	s0 =	sor.u32 s7, s0;
	v4 =	vunpack.i.u.bf16.f32 v3  }
0x256: {  	v3 =	vunpack.i.l.bf16.f32 v3;
	[tilespmem:s0+$0x9B10] =	vst v4  }
0x257: {  	s17 =	simm.s32 $0x0;
	[tilespmem:s0+$0x9B00] =	vst v3  }
0x258: {  	s13 =	sand.u32 $0x70, s17;
	s18 =	sand.u32 $0x400, s17;
	v3 =	vld [tilespmem:$0x7F80]  }
0x259: {  	s0 =	sor.u32 s13, s18;
	v4 =	vld [tilespmem:$0x7F90]  }
0x25a: {  	v6 =	vld [tilespmem:s0+$0x4280]  }
0x25b: {  	v7 =	vld [tilespmem:s0+$0x4300]  }
0x25c: {  	v5 =	vld [tilespmem:$0x7FA0]  }
0x25d: {  	v63 =	vld [tilespmem:s0+$0x4380];
	_ =	sdelay $0x2  }
0x25e: {  	v6 =	vmul.bf16 v6, v3;
	v7 =	vmul.bf16 v7, v4;
	_ =	sdelay $0x1  }
0x25f: {  	v6 =	vadd.bf16 v7, v6;
	v7 =	vmul.bf16 v63, v5;
	_ =	sdelay $0x1  }
0x260: {  	v6 =	vadd.bf16 v7, v6  }
0x261: {  	s11 =	sand.u32 $0xC00, s17;
	s7 =	sand.u32 $0x60, s17  }
0x262: {  	s10 =	simm.s32 $0x10;
	s18 =	simm.s32 $0x80;
	s0 =	sor.u32 s7, s11;
	v7 =	vunpack.i.u.bf16.f32 v6  }
0x263: {  	s12 =	sand.u32 $0x70, s10;
	s13 =	sand.u32 $0x400, s18;
	v6 =	vunpack.i.l.bf16.f32 v6;
	[tilespmem:s0+$0x9B90] =	vst v7  }
0x264: {  	s10 =	simm.s32 $0x20;
	s7 =	simm.s32 $0x0;
	s11 =	sor.u32 s12, s13;
	[tilespmem:s0+$0x9B80] =	vst v6  }
.LBB2_33:
0x265: {  	p1 =	sne.s32 s10, $0xF0;
	v6 =	vld [tilespmem:s11+$0x4280]  }
0x266: {  	v7 =	vld [tilespmem:s11+$0x4300]  }
0x267: {  	v8 =	vld [tilespmem:s11+$0x4380];
	_ =	sdelay $0x3  }
0x268: {  	v6 =	vmul.bf16 v6, v3;
	v7 =	vmul.bf16 v7, v4;
	_ =	sdelay $0x1  }
0x269: {  	v6 =	vadd.bf16 v7, v6;
	v7 =	vmul.bf16 v8, v5;
	_ =	sdelay $0x1  }
.Ltmp15:
0x26a: {  	s17 =	sadd.s32 $0x100, s17;
	s7 =	sadd.s32 $0x20, s7;
	v6 =	vadd.bf16 v7, v6;
	(pc) =	sbr.rel @p1 .LBB2_33-.Ltmp15, $4  }
0x26b: {  	s0 =	sand.u32 $0x60, s7;
	s11 =	sand.u32 $0xC00, s17  }
0x26c: {  	s18 =	sadd.s32 $0x80, s18;
	s0 =	sor.u32 s0, s11;
	v7 =	vunpack.i.u.bf16.f32 v6;
	v6 =	vunpack.i.l.bf16.f32 v6  }
0x26d: {  	s12 =	sand.u32 $0x400, s18;
	s11 =	sand.u32 $0x70, s10;
	[tilespmem:s0+$0x9B90] =	vst v7  }
0x26e: {  	s10 =	sadd.s32 $0x10, s10;
	s11 =	sor.u32 s11, s12;
	[tilespmem:s0+$0x9B80] =	vst v6  }
0x26f: {  	v6 =	vld [tilespmem:s11+$0x4280]  }
0x270: {  	v7 =	vld [tilespmem:s11+$0x4300];
	_ =	sdelay $0x1  }
0x271: {  	v8 =	vld [tilespmem:s11+$0x4380];
	_ =	sdelay $0x2  }
0x272: {  	v3 =	vmul.bf16 v6, v3;
	v4 =	vmul.bf16 v7, v4;
	_ =	sdelay $0x1  }
0x273: {  	v3 =	vadd.bf16 v4, v3;
	v4 =	vmul.bf16 v8, v5;
	_ =	sdelay $0x1  }
0x274: {  	s0 =	sadd.s32 $0x100, s17;
	s7 =	sadd.s32 $0x20, s7;
	p1 =	seq.s32 s14, $0x3F;
	v3 =	vadd.bf16 v4, v3  }
0x275: {  	s7 =	sand.u32 $0x60, s7;
	s0 =	sand.u32 $0xC00, s0;
	s10 =	sadd.s32 @!p1 $0x2, s16  }
0x276: {  	s0 =	sor.u32 s7, s0;
	s7 =	smul.u32 @!p1 $0xC0, s10;
	v4 =	vunpack.i.u.bf16.f32 v3  }
0x277: {  	s13 =	sshll.u32 s14, $0xB;
	v3 =	vunpack.i.l.bf16.f32 v3;
	[tilespmem:s0+$0x9B90] =	vst v4  }
0x278: {  	s16 =	sadd.s32 s13, s9;
	[tilespmem:s0+$0x9B80] =	vst v3;
	s0 =	sshra.s32 @!p1 s7, $0x2  }
0x279: {  	[hbm4b:s16+s3] =	stream.linear.scatter [tilespmem:s29], [sflag:$0x5], $0x2000, $0x38;
	[tilespmem:$0xC800] =	vst v63  }
0x27a: {  	v3 =	vld @!p1 [tilespmem:s0+$0x0];
	_ =	sdelay $0x4  }
0x27b: {  	v4 =	vshll.u32 @!p1 v3, $0x1  }
0x27c: {  	v5 =	vlaneseq.u32 @!p1;
	v3 =	vand.u32 @!p1 $0x7, v3;
	v4 =	vand.u32 @!p1 $0xFFFFFFF0, v4  }
0x27d: {  	v6 =	vshrl.u32 @!p1 v5, $0x3;
	v3 =	vor.u32 @!p1 v3, v4;
	v4 =	vand.u32 @!p1 $0x7, v5  }
0x27e: {  	v6 =	vmul.u32 @!p1 $0x8, v6;
	v7 =	vperm.xlane @!p1 v3, v4  }
0x27f: {  	v5 =	vor.u32 @!p1 $0x8, v5  }
0x280: {  	v3 =	vperm.xlane @!p1 v3, v5;
	v7 =	vadd.s32 @!p1 v6, v7;
	_ =	sdelay $0x1  }
0x281: {  	v3 =	vadd.s32 @!p1 v6, v3;
	_ =	sdelay $0x1  }
0x282: {  	vm1 =	vmmov @!p1 $0xffff;
	s11 =	simm.s32 @!p1 $0x1800;
	s7 =	simm.s32 @!p1 $0x0  }
0x283: {  	[tilespmem:s11], [sflag:$0x1] =	stream.indirect_vreg.gather @!p1 [hbm4b:s4+s7], $0x80, v7, vm1, $0xb8;
	[tilespmem:$0xC800] =	vst v63  }
0x284: {  	s11 =	simm.s32 @!p1 $0x2000  }
0x285: {  	[tilespmem:s11], [sflag:$0x1] =	stream.indirect_vreg.gather @!p1 [hbm4b:s4+s7], $0x80, v3, vm1, $0xb8;
	[tilespmem:$0xC800] =	vst v63  }
0x286: {  	v3 =	vld @!p1 [tilespmem:s0+$0x10];
	_ =	sdelay $0x4  }
0x287: {  	v7 =	vshll.u32 @!p1 v3, $0x1  }
0x288: {  	v3 =	vand.u32 @!p1 $0x7, v3;
	v7 =	vand.u32 @!p1 $0xFFFFFFF0, v7  }
0x289: {  	v3 =	vor.u32 @!p1 v3, v7  }
0x28a: {  	v7 =	vperm.xlane @!p1 v3, v4;
	_ =	sdelay $0x1  }
0x28b: {  	v3 =	vperm.xlane @!p1 v3, v5;
	v7 =	vadd.s32 @!p1 v6, v7;
	_ =	sdelay $0x1  }
0x28c: {  	v3 =	vadd.s32 @!p1 v6, v3;
	_ =	sdelay $0x1  }
0x28d: {  	s11 =	simm.s32 @!p1 $0x2800  }
0x28e: {  	[tilespmem:s11], [sflag:$0x1] =	stream.indirect_vreg.gather @!p1 [hbm4b:s4+s7], $0x80, v7, vm1, $0xb8;
	[tilespmem:$0xC800] =	vst v63  }
0x28f: {  	s11 =	simm.s32 @!p1 $0x3000  }
0x290: {  	[tilespmem:s11], [sflag:$0x1] =	stream.indirect_vreg.gather @!p1 [hbm4b:s4+s7], $0x80, v3, vm1, $0xb8;
	[tilespmem:$0xC800] =	vst v63  }
0x291: {  	v3 =	vld @!p1 [tilespmem:s0+$0x20];
	_ =	sdelay $0x4  }
0x292: {  	v7 =	vshll.u32 @!p1 v3, $0x1  }
0x293: {  	v3 =	vand.u32 @!p1 $0x7, v3;
	v7 =	vand.u32 @!p1 $0xFFFFFFF0, v7  }
0x294: {  	v3 =	vor.u32 @!p1 v3, v7  }
0x295: {  	v4 =	vperm.xlane @!p1 v3, v4;
	_ =	sdelay $0x1  }
0x296: {  	v3 =	vperm.xlane @!p1 v3, v5;
	v4 =	vadd.s32 @!p1 v6, v4;
	_ =	sdelay $0x1  }
0x297: {  	v3 =	vadd.s32 @!p1 v6, v3;
	_ =	sdelay $0x1  }
0x298: {  	s0 =	simm.s32 @!p1 $0x3800  }
0x299: {  	[tilespmem:s0], [sflag:$0x1] =	stream.indirect_vreg.gather @!p1 [hbm4b:s4+s7], $0x80, v4, vm1, $0xb8;
	[tilespmem:$0xC800] =	vst v63  }
0x29a: {  	s0 =	simm.s32 @!p1 $0x4000  }
0x29b: {  	[tilespmem:s0], [sflag:$0x1] =	stream.indirect_vreg.gather @!p1 [hbm4b:s4+s7], $0x80, v3, vm1, $0xb8;
	[tilespmem:$0xC800] =	vst v63  }
0x29c: {  	s0 =	sshll.u32 @!p1 s10, $0x8  }
0x29d: {  	s10 =	simm.s32 @!p1 $0x7800;
	s0 =	sadd.s32 @!p1 s0, s8  }
0x29e: {  	[tilespmem:s10], [sflag:$0x3] =	stream.linear.gather @!p1 [hbm4b:s0+s7], $0x800, $0x38;
	[tilespmem:$0xC800] =	vst v63  }
0x29f: {  	_ =	swait.ge [sflag:s30], $0x3000  }
0x2a0: {  	[sflag:s30] =	ssyncset.done $0x0  }
0x2a1: {  	[sflag:s30] =	ssyncadd.s32 $0xFFFFD000  }
0x2a2: {  	_ =	swait.ge [sflag:s31], $0x800  }
0x2a3: {  	[sflag:s31] =	ssyncset.done $0x0  }
0x2a4: {  	s0 =	simm.s32 @!p0 $0x6;
	[sflag:s31] =	ssyncadd.s32 $0xFFFFF800  }
0x2a5: {  	_ =	swait.ge @!p0 [sflag:s0], $0x2000  }
0x2a6: {  	[sflag:s0] =	ssyncset.done @!p0 $0x0  }
0x2a7: {  	s16 =	simm.s32 $0x0;
	[sflag:s0] =	ssyncadd.s32 @!p0 $0xFFFFE000  }
0x2a8: {  	s17 =	sand.u32 $0x70, s16;
	s18 =	sand.u32 $0x400, s16;
	v3 =	vld [tilespmem:$0x8000]  }
0x2a9: {  	s0 =	sor.u32 s17, s18;
	v4 =	vld [tilespmem:$0x8010]  }
0x2aa: {  	v6 =	vld [tilespmem:s0+$0x4800]  }
0x2ab: {  	v7 =	vld [tilespmem:s0+$0x4880]  }
0x2ac: {  	v5 =	vld [tilespmem:$0x8020]  }
0x2ad: {  	v63 =	vld [tilespmem:s0+$0x4900];
	_ =	sdelay $0x2  }
0x2ae: {  	v6 =	vmul.bf16 v6, v3;
	v7 =	vmul.bf16 v7, v4;
	_ =	sdelay $0x1  }
0x2af: {  	v6 =	vadd.bf16 v7, v6;
	v7 =	vmul.bf16 v63, v5;
	_ =	sdelay $0x1  }
0x2b0: {  	v6 =	vadd.bf16 v7, v6  }
0x2b1: {  	s11 =	sand.u32 $0xC00, s16;
	s10 =	sand.u32 $0x60, s16  }
0x2b2: {  	s12 =	simm.s32 $0x10;
	s17 =	simm.s32 $0x80;
	s0 =	sor.u32 s10, s11;
	v7 =	vunpack.i.u.bf16.f32 v6  }
0x2b3: {  	s13 =	sand.u32 $0x70, s12;
	s18 =	sand.u32 $0x400, s17;
	v6 =	vunpack.i.l.bf16.f32 v6;
	[tilespmem:s0+$0xA810] =	vst v7  }
0x2b4: {  	s7 =	simm.s32 $0x0;
	s10 =	simm.s32 $0x20;
	s11 =	sor.u32 s13, s18;
	[tilespmem:s0+$0xA800] =	vst v6  }
.LBB2_35:
0x2b5: {  	p0 =	sne.s32 s10, $0xF0;
	v6 =	vld [tilespmem:s11+$0x4800]  }
0x2b6: {  	v7 =	vld [tilespmem:s11+$0x4880]  }
0x2b7: {  	v8 =	vld [tilespmem:s11+$0x4900];
	_ =	sdelay $0x3  }
0x2b8: {  	v6 =	vmul.bf16 v6, v3;
	v7 =	vmul.bf16 v7, v4;
	_ =	sdelay $0x1  }
0x2b9: {  	v6 =	vadd.bf16 v7, v6;
	v7 =	vmul.bf16 v8, v5;
	_ =	sdelay $0x1  }
.Ltmp16:
0x2ba: {  	s16 =	sadd.s32 $0x100, s16;
	s7 =	sadd.s32 $0x20, s7;
	v6 =	vadd.bf16 v7, v6;
	(pc) =	sbr.rel @p0 .LBB2_35-.Ltmp16, $4  }
0x2bb: {  	s0 =	sand.u32 $0x60, s7;
	s11 =	sand.u32 $0xC00, s16  }
0x2bc: {  	s17 =	sadd.s32 $0x80, s17;
	s0 =	sor.u32 s0, s11;
	v7 =	vunpack.i.u.bf16.f32 v6;
	v6 =	vunpack.i.l.bf16.f32 v6  }
0x2bd: {  	s12 =	sand.u32 $0x400, s17;
	s11 =	sand.u32 $0x70, s10;
	[tilespmem:s0+$0xA810] =	vst v7  }
0x2be: {  	s10 =	sadd.s32 $0x10, s10;
	s11 =	sor.u32 s11, s12;
	[tilespmem:s0+$0xA800] =	vst v6  }
0x2bf: {  	v6 =	vld [tilespmem:s11+$0x4800]  }
0x2c0: {  	v7 =	vld [tilespmem:s11+$0x4880];
	_ =	sdelay $0x1  }
0x2c1: {  	v8 =	vld [tilespmem:s11+$0x4900];
	_ =	sdelay $0x2  }
0x2c2: {  	v3 =	vmul.bf16 v6, v3;
	v4 =	vmul.bf16 v7, v4;
	_ =	sdelay $0x1  }
0x2c3: {  	v3 =	vadd.bf16 v4, v3;
	v4 =	vmul.bf16 v8, v5;
	_ =	sdelay $0x1  }
0x2c4: {  	s0 =	sadd.s32 $0x100, s16;
	s7 =	sadd.s32 $0x20, s7;
	v3 =	vadd.bf16 v4, v3  }
0x2c5: {  	s7 =	sand.u32 $0x60, s7;
	s0 =	sand.u32 $0xC00, s0  }
0x2c6: {  	s0 =	sor.u32 s7, s0;
	v4 =	vunpack.i.u.bf16.f32 v3  }
0x2c7: {  	v3 =	vunpack.i.l.bf16.f32 v3;
	[tilespmem:s0+$0xA810] =	vst v4  }
0x2c8: {  	s16 =	simm.s32 $0x0;
	[tilespmem:s0+$0xA800] =	vst v3  }
0x2c9: {  	s10 =	sand.u32 $0x400, s16;
	s7 =	sand.u32 $0x70, s16;
	v3 =	vld [tilespmem:$0x8080]  }
0x2ca: {  	s0 =	sor.u32 s7, s10;
	v4 =	vld [tilespmem:$0x8090]  }
0x2cb: {  	v6 =	vld [tilespmem:s0+$0x4980]  }
0x2cc: {  	v7 =	vld [tilespmem:s0+$0x4A00]  }
0x2cd: {  	v5 =	vld [tilespmem:$0x80A0]  }
0x2ce: {  	v63 =	vld [tilespmem:s0+$0x4A80];
	_ =	sdelay $0x2  }
0x2cf: {  	v6 =	vmul.bf16 v6, v3;
	v7 =	vmul.bf16 v7, v4;
	_ =	sdelay $0x1  }
0x2d0: {  	v6 =	vadd.bf16 v7, v6;
	v7 =	vmul.bf16 v63, v5;
	_ =	sdelay $0x1  }
0x2d1: {  	v6 =	vadd.bf16 v7, v6  }
0x2d2: {  	s11 =	sand.u32 $0x60, s16;
	s12 =	sand.u32 $0xC00, s16  }
0x2d3: {  	s17 =	simm.s32 $0x80;
	s10 =	simm.s32 $0x10;
	s0 =	sor.u32 s11, s12;
	v7 =	vunpack.i.u.bf16.f32 v6  }
0x2d4: {  	s18 =	sand.u32 $0x400, s17;
	s13 =	sand.u32 $0x70, s10;
	v6 =	vunpack.i.l.bf16.f32 v6;
	[tilespmem:s0+$0xA890] =	vst v7  }
0x2d5: {  	s7 =	simm.s32 $0x0;
	s10 =	simm.s32 $0x20;
	s11 =	sor.u32 s13, s18;
	[tilespmem:s0+$0xA880] =	vst v6  }
.LBB2_37:
0x2d6: {  	p0 =	sne.s32 s10, $0xF0;
	v6 =	vld [tilespmem:s11+$0x4980]  }
0x2d7: {  	v7 =	vld [tilespmem:s11+$0x4A00]  }
0x2d8: {  	v8 =	vld [tilespmem:s11+$0x4A80];
	_ =	sdelay $0x3  }
0x2d9: {  	v6 =	vmul.bf16 v6, v3;
	v7 =	vmul.bf16 v7, v4;
	_ =	sdelay $0x1  }
0x2da: {  	v6 =	vadd.bf16 v7, v6;
	v7 =	vmul.bf16 v8, v5;
	_ =	sdelay $0x1  }
.Ltmp17:
0x2db: {  	s16 =	sadd.s32 $0x100, s16;
	s7 =	sadd.s32 $0x20, s7;
	v6 =	vadd.bf16 v7, v6;
	(pc) =	sbr.rel @p0 .LBB2_37-.Ltmp17, $4  }
0x2dc: {  	s0 =	sand.u32 $0x60, s7;
	s11 =	sand.u32 $0xC00, s16  }
0x2dd: {  	s17 =	sadd.s32 $0x80, s17;
	s0 =	sor.u32 s0, s11;
	v7 =	vunpack.i.u.bf16.f32 v6;
	v6 =	vunpack.i.l.bf16.f32 v6  }
0x2de: {  	s12 =	sand.u32 $0x400, s17;
	s11 =	sand.u32 $0x70, s10;
	[tilespmem:s0+$0xA890] =	vst v7  }
0x2df: {  	s10 =	sadd.s32 $0x10, s10;
	s11 =	sor.u32 s11, s12;
	[tilespmem:s0+$0xA880] =	vst v6  }
0x2e0: {  	v6 =	vld [tilespmem:s11+$0x4980]  }
0x2e1: {  	v7 =	vld [tilespmem:s11+$0x4A00];
	_ =	sdelay $0x1  }
0x2e2: {  	v8 =	vld [tilespmem:s11+$0x4A80];
	_ =	sdelay $0x2  }
0x2e3: {  	v3 =	vmul.bf16 v6, v3;
	v4 =	vmul.bf16 v7, v4;
	_ =	sdelay $0x1  }
0x2e4: {  	v3 =	vadd.bf16 v4, v3;
	v4 =	vmul.bf16 v8, v5;
	_ =	sdelay $0x1  }
0x2e5: {  	s0 =	sadd.s32 $0x100, s16;
	s7 =	sadd.s32 $0x20, s7;
	v3 =	vadd.bf16 v4, v3  }
0x2e6: {  	s7 =	sand.u32 $0x60, s7;
	s0 =	sand.u32 $0xC00, s0  }
0x2e7: {  	s0 =	sor.u32 s7, s0;
	v4 =	vunpack.i.u.bf16.f32 v3  }
0x2e8: {  	v3 =	vunpack.i.l.bf16.f32 v3;
	[tilespmem:s0+$0xA890] =	vst v4  }
0x2e9: {  	s16 =	simm.s32 $0x0;
	[tilespmem:s0+$0xA880] =	vst v3  }
0x2ea: {  	s10 =	sand.u32 $0x70, s16;
	s11 =	sand.u32 $0x400, s16;
	v3 =	vld [tilespmem:$0x8100]  }
0x2eb: {  	s12 =	sor.u32 s16, s16;
	s0 =	sor.u32 s10, s11;
	v4 =	vld [tilespmem:$0x8110]  }
0x2ec: {  	s7 =	sor.u32 $0x380, s12;
	v6 =	vld [tilespmem:s0+$0x4B00]  }
0x2ed: {  	v7 =	vld [tilespmem:s7+$0x4800]  }
0x2ee: {  	v5 =	vld [tilespmem:$0x8120]  }
0x2ef: {  	v63 =	vld [tilespmem:s0+$0x5000];
	_ =	sdelay $0x2  }
0x2f0: {  	v6 =	vmul.bf16 v6, v3;
	v7 =	vmul.bf16 v7, v4;
	_ =	sdelay $0x1  }
0x2f1: {  	v6 =	vadd.bf16 v7, v6;
	v7 =	vmul.bf16 v63, v5;
	_ =	sdelay $0x1  }
0x2f2: {  	v6 =	vadd.bf16 v7, v6  }
0x2f3: {  	s13 =	sand.u32 $0xC00, s16;
	s10 =	sand.u32 $0x60, s16  }
0x2f4: {  	s0 =	simm.s32 $0x10;
	s7 =	simm.s32 $0x80;
	s12 =	sor.u32 s10, s13;
	v7 =	vunpack.i.u.bf16.f32 v6  }
0x2f5: {  	s10 =	simm.s32 $0x20;
	s17 =	sand.u32 $0x70, s0;
	s18 =	sand.u32 $0x400, s7;
	v6 =	vunpack.i.l.bf16.f32 v6;
	[tilespmem:s12+$0xA910] =	vst v7  }
0x2f6: {  	s0 =	sor.u32 s7, s0;
	s11 =	sor.u32 s17, s18;
	s17 =	simm.s32 $0x0;
	[tilespmem:s12+$0xA900] =	vst v6  }
.LBB2_39:
0x2f7: {  	p0 =	sne.s32 s10, $0xF0;
	v6 =	vld [tilespmem:s11+$0x4B00];
	s0 =	sor.u32 $0x380, s0  }
0x2f8: {  	v7 =	vld [tilespmem:s0+$0x4800]  }
0x2f9: {  	v8 =	vld [tilespmem:s11+$0x5000];
	_ =	sdelay $0x3  }
0x2fa: {  	v6 =	vmul.bf16 v6, v3;
	v7 =	vmul.bf16 v7, v4;
	_ =	sdelay $0x1  }
0x2fb: {  	v6 =	vadd.bf16 v7, v6;
	v7 =	vmul.bf16 v8, v5;
	_ =	sdelay $0x1  }
.Ltmp18:
0x2fc: {  	s16 =	sadd.s32 $0x100, s16;
	s17 =	sadd.s32 $0x20, s17;
	v6 =	vadd.bf16 v7, v6;
	(pc) =	sbr.rel @p0 .LBB2_39-.Ltmp18, $4  }
0x2fd: {  	s0 =	sand.u32 $0x60, s17;
	s11 =	sand.u32 $0xC00, s16  }
0x2fe: {  	s7 =	sadd.s32 $0x80, s7;
	s12 =	sor.u32 s0, s11;
	v7 =	vunpack.i.u.bf16.f32 v6;
	v6 =	vunpack.i.l.bf16.f32 v6  }
0x2ff: {  	s0 =	sand.u32 $0x70, s10;
	s11 =	sand.u32 $0x400, s7;
	[tilespmem:s12+$0xA910] =	vst v7  }
0x300: {  	s11 =	sor.u32 s0, s11;
	s0 =	sor.u32 s7, s10;
	s10 =	sadd.s32 $0x10, s10;
	[tilespmem:s12+$0xA900] =	vst v6  }
0x301: {  	v6 =	vld [tilespmem:s11+$0x4B00];
	s0 =	sor.u32 $0x380, s0  }
0x302: {  	v7 =	vld [tilespmem:s0+$0x4800];
	_ =	sdelay $0x1  }
0x303: {  	v8 =	vld [tilespmem:s11+$0x5000];
	_ =	sdelay $0x2  }
0x304: {  	v3 =	vmul.bf16 v6, v3;
	v4 =	vmul.bf16 v7, v4;
	_ =	sdelay $0x1  }
0x305: {  	v3 =	vadd.bf16 v4, v3;
	v4 =	vmul.bf16 v8, v5;
	_ =	sdelay $0x1  }
0x306: {  	s18 =	sadd.s32 $0x100, s16;
	s7 =	sadd.s32 $0x20, s17;
	v3 =	vadd.bf16 v4, v3  }
0x307: {  	s7 =	sand.u32 $0x60, s7;
	s0 =	sand.u32 $0xC00, s18  }
0x308: {  	s0 =	sor.u32 s7, s0;
	v4 =	vunpack.i.u.bf16.f32 v3  }
0x309: {  	v3 =	vunpack.i.l.bf16.f32 v3;
	[tilespmem:s0+$0xA910] =	vst v4  }
0x30a: {  	s16 =	simm.s32 $0x0;
	[tilespmem:s0+$0xA900] =	vst v3  }
0x30b: {  	s10 =	sand.u32 $0x400, s16;
	s7 =	sand.u32 $0x70, s16;
	v3 =	vld [tilespmem:$0x8180]  }
0x30c: {  	s0 =	sor.u32 s7, s10;
	v4 =	vld [tilespmem:$0x8190]  }
0x30d: {  	v6 =	vld [tilespmem:s0+$0x5080]  }
0x30e: {  	v7 =	vld [tilespmem:s0+$0x5100]  }
0x30f: {  	v5 =	vld [tilespmem:$0x81A0]  }
0x310: {  	v63 =	vld [tilespmem:s0+$0x5180];
	_ =	sdelay $0x2  }
0x311: {  	v6 =	vmul.bf16 v6, v3;
	v7 =	vmul.bf16 v7, v4;
	_ =	sdelay $0x1  }
0x312: {  	v6 =	vadd.bf16 v7, v6;
	v7 =	vmul.bf16 v63, v5;
	_ =	sdelay $0x1  }
0x313: {  	v6 =	vadd.bf16 v7, v6  }
0x314: {  	s11 =	sand.u32 $0x60, s16;
	s12 =	sand.u32 $0xC00, s16  }
0x315: {  	s17 =	simm.s32 $0x80;
	s10 =	simm.s32 $0x10;
	s0 =	sor.u32 s11, s12;
	v7 =	vunpack.i.u.bf16.f32 v6  }
0x316: {  	s18 =	sand.u32 $0x400, s17;
	s13 =	sand.u32 $0x70, s10;
	v6 =	vunpack.i.l.bf16.f32 v6;
	[tilespmem:s0+$0xA990] =	vst v7  }
0x317: {  	s7 =	simm.s32 $0x0;
	s10 =	simm.s32 $0x20;
	s11 =	sor.u32 s13, s18;
	[tilespmem:s0+$0xA980] =	vst v6  }
.LBB2_41:
0x318: {  	p0 =	sne.s32 s10, $0xF0;
	v6 =	vld [tilespmem:s11+$0x5080]  }
0x319: {  	v7 =	vld [tilespmem:s11+$0x5100]  }
0x31a: {  	v8 =	vld [tilespmem:s11+$0x5180];
	_ =	sdelay $0x3  }
0x31b: {  	v6 =	vmul.bf16 v6, v3;
	v7 =	vmul.bf16 v7, v4;
	_ =	sdelay $0x1  }
0x31c: {  	v6 =	vadd.bf16 v7, v6;
	v7 =	vmul.bf16 v8, v5;
	_ =	sdelay $0x1  }
.Ltmp19:
0x31d: {  	s16 =	sadd.s32 $0x100, s16;
	s7 =	sadd.s32 $0x20, s7;
	v6 =	vadd.bf16 v7, v6;
	(pc) =	sbr.rel @p0 .LBB2_41-.Ltmp19, $4  }
0x31e: {  	s0 =	sand.u32 $0x60, s7;
	s11 =	sand.u32 $0xC00, s16  }
0x31f: {  	s17 =	sadd.s32 $0x80, s17;
	s0 =	sor.u32 s0, s11;
	v7 =	vunpack.i.u.bf16.f32 v6;
	v6 =	vunpack.i.l.bf16.f32 v6  }
0x320: {  	s12 =	sand.u32 $0x400, s17;
	s11 =	sand.u32 $0x70, s10;
	[tilespmem:s0+$0xA990] =	vst v7  }
0x321: {  	s10 =	sadd.s32 $0x10, s10;
	s11 =	sor.u32 s11, s12;
	[tilespmem:s0+$0xA980] =	vst v6  }
0x322: {  	v6 =	vld [tilespmem:s11+$0x5080]  }
0x323: {  	v7 =	vld [tilespmem:s11+$0x5100];
	_ =	sdelay $0x1  }
0x324: {  	v8 =	vld [tilespmem:s11+$0x5180];
	_ =	sdelay $0x2  }
0x325: {  	v3 =	vmul.bf16 v6, v3;
	v4 =	vmul.bf16 v7, v4;
	_ =	sdelay $0x1  }
0x326: {  	v3 =	vadd.bf16 v4, v3;
	v4 =	vmul.bf16 v8, v5;
	_ =	sdelay $0x1  }
0x327: {  	s0 =	sadd.s32 $0x100, s16;
	s7 =	sadd.s32 $0x20, s7;
	v3 =	vadd.bf16 v4, v3  }
0x328: {  	s7 =	sand.u32 $0x60, s7;
	s0 =	sand.u32 $0xC00, s0  }
0x329: {  	s0 =	sor.u32 s7, s0;
	v4 =	vunpack.i.u.bf16.f32 v3  }
0x32a: {  	v3 =	vunpack.i.l.bf16.f32 v3;
	[tilespmem:s0+$0xA990] =	vst v4  }
0x32b: {  	s16 =	simm.s32 $0x0;
	[tilespmem:s0+$0xA980] =	vst v3  }
0x32c: {  	s10 =	sand.u32 $0x400, s16;
	s7 =	sand.u32 $0x70, s16;
	v3 =	vld [tilespmem:$0x8200]  }
0x32d: {  	s0 =	sor.u32 s7, s10;
	v4 =	vld [tilespmem:$0x8210]  }
0x32e: {  	v6 =	vld [tilespmem:s0+$0x5200]  }
0x32f: {  	v7 =	vld [tilespmem:s0+$0x5280]  }
0x330: {  	v5 =	vld [tilespmem:$0x8220]  }
0x331: {  	v63 =	vld [tilespmem:s0+$0x5300];
	_ =	sdelay $0x2  }
0x332: {  	v6 =	vmul.bf16 v6, v3;
	v7 =	vmul.bf16 v7, v4;
	_ =	sdelay $0x1  }
0x333: {  	v6 =	vadd.bf16 v7, v6;
	v7 =	vmul.bf16 v63, v5;
	_ =	sdelay $0x1  }
0x334: {  	v6 =	vadd.bf16 v7, v6  }
0x335: {  	s11 =	sand.u32 $0x60, s16;
	s12 =	sand.u32 $0xC00, s16  }
0x336: {  	s17 =	simm.s32 $0x80;
	s10 =	simm.s32 $0x10;
	s0 =	sor.u32 s11, s12;
	v7 =	vunpack.i.u.bf16.f32 v6  }
0x337: {  	s18 =	sand.u32 $0x400, s17;
	s13 =	sand.u32 $0x70, s10;
	v6 =	vunpack.i.l.bf16.f32 v6;
	[tilespmem:s0+$0xAA10] =	vst v7  }
0x338: {  	s7 =	simm.s32 $0x0;
	s10 =	simm.s32 $0x20;
	s11 =	sor.u32 s13, s18;
	[tilespmem:s0+$0xAA00] =	vst v6  }
.LBB2_43:
0x339: {  	p0 =	sne.s32 s10, $0xF0;
	v6 =	vld [tilespmem:s11+$0x5200]  }
0x33a: {  	v7 =	vld [tilespmem:s11+$0x5280]  }
0x33b: {  	v8 =	vld [tilespmem:s11+$0x5300];
	_ =	sdelay $0x3  }
0x33c: {  	v6 =	vmul.bf16 v6, v3;
	v7 =	vmul.bf16 v7, v4;
	_ =	sdelay $0x1  }
0x33d: {  	v6 =	vadd.bf16 v7, v6;
	v7 =	vmul.bf16 v8, v5;
	_ =	sdelay $0x1  }
.Ltmp20:
0x33e: {  	s16 =	sadd.s32 $0x100, s16;
	s7 =	sadd.s32 $0x20, s7;
	v6 =	vadd.bf16 v7, v6;
	(pc) =	sbr.rel @p0 .LBB2_43-.Ltmp20, $4  }
0x33f: {  	s0 =	sand.u32 $0x60, s7;
	s11 =	sand.u32 $0xC00, s16  }
0x340: {  	s17 =	sadd.s32 $0x80, s17;
	s0 =	sor.u32 s0, s11;
	v7 =	vunpack.i.u.bf16.f32 v6;
	v6 =	vunpack.i.l.bf16.f32 v6  }
0x341: {  	s12 =	sand.u32 $0x400, s17;
	s11 =	sand.u32 $0x70, s10;
	[tilespmem:s0+$0xAA10] =	vst v7  }
0x342: {  	s10 =	sadd.s32 $0x10, s10;
	s11 =	sor.u32 s11, s12;
	[tilespmem:s0+$0xAA00] =	vst v6  }
0x343: {  	v6 =	vld [tilespmem:s11+$0x5200]  }
0x344: {  	v7 =	vld [tilespmem:s11+$0x5280];
	_ =	sdelay $0x1  }
0x345: {  	v8 =	vld [tilespmem:s11+$0x5300];
	_ =	sdelay $0x2  }
0x346: {  	v3 =	vmul.bf16 v6, v3;
	v4 =	vmul.bf16 v7, v4;
	_ =	sdelay $0x1  }
0x347: {  	v3 =	vadd.bf16 v4, v3;
	v4 =	vmul.bf16 v8, v5;
	_ =	sdelay $0x1  }
0x348: {  	s0 =	sadd.s32 $0x100, s16;
	s7 =	sadd.s32 $0x20, s7;
	v3 =	vadd.bf16 v4, v3  }
0x349: {  	s7 =	sand.u32 $0x60, s7;
	s0 =	sand.u32 $0xC00, s0  }
0x34a: {  	s0 =	sor.u32 s7, s0;
	v4 =	vunpack.i.u.bf16.f32 v3  }
0x34b: {  	v3 =	vunpack.i.l.bf16.f32 v3;
	[tilespmem:s0+$0xAA10] =	vst v4  }
0x34c: {  	s16 =	simm.s32 $0x0;
	[tilespmem:s0+$0xAA00] =	vst v3  }
0x34d: {  	s10 =	sand.u32 $0x400, s16;
	s7 =	sand.u32 $0x70, s16;
	v3 =	vld [tilespmem:$0x8280]  }
0x34e: {  	s0 =	sor.u32 s7, s10;
	v4 =	vld [tilespmem:$0x8290]  }
0x34f: {  	v6 =	vld [tilespmem:s0+$0x5380]  }
0x350: {  	v7 =	vld [tilespmem:s0+$0x5800]  }
0x351: {  	v5 =	vld [tilespmem:$0x82A0]  }
0x352: {  	v63 =	vld [tilespmem:s0+$0x5880];
	_ =	sdelay $0x2  }
0x353: {  	v6 =	vmul.bf16 v6, v3;
	v7 =	vmul.bf16 v7, v4;
	_ =	sdelay $0x1  }
0x354: {  	v6 =	vadd.bf16 v7, v6;
	v7 =	vmul.bf16 v63, v5;
	_ =	sdelay $0x1  }
0x355: {  	v6 =	vadd.bf16 v7, v6  }
0x356: {  	s11 =	sand.u32 $0x60, s16;
	s12 =	sand.u32 $0xC00, s16  }
0x357: {  	s17 =	simm.s32 $0x80;
	s10 =	simm.s32 $0x10;
	s0 =	sor.u32 s11, s12;
	v7 =	vunpack.i.u.bf16.f32 v6  }
0x358: {  	s18 =	sand.u32 $0x400, s17;
	s13 =	sand.u32 $0x70, s10;
	v6 =	vunpack.i.l.bf16.f32 v6;
	[tilespmem:s0+$0xAA90] =	vst v7  }
0x359: {  	s7 =	simm.s32 $0x0;
	s10 =	simm.s32 $0x20;
	s11 =	sor.u32 s13, s18;
	[tilespmem:s0+$0xAA80] =	vst v6  }
.LBB2_45:
0x35a: {  	p0 =	sne.s32 s10, $0xF0;
	v6 =	vld [tilespmem:s11+$0x5380]  }
0x35b: {  	v7 =	vld [tilespmem:s11+$0x5800]  }
0x35c: {  	v8 =	vld [tilespmem:s11+$0x5880];
	_ =	sdelay $0x3  }
0x35d: {  	v6 =	vmul.bf16 v6, v3;
	v7 =	vmul.bf16 v7, v4;
	_ =	sdelay $0x1  }
0x35e: {  	v6 =	vadd.bf16 v7, v6;
	v7 =	vmul.bf16 v8, v5;
	_ =	sdelay $0x1  }
.Ltmp21:
0x35f: {  	s16 =	sadd.s32 $0x100, s16;
	s7 =	sadd.s32 $0x20, s7;
	v6 =	vadd.bf16 v7, v6;
	(pc) =	sbr.rel @p0 .LBB2_45-.Ltmp21, $4  }
0x360: {  	s0 =	sand.u32 $0x60, s7;
	s11 =	sand.u32 $0xC00, s16  }
0x361: {  	s17 =	sadd.s32 $0x80, s17;
	s0 =	sor.u32 s0, s11;
	v7 =	vunpack.i.u.bf16.f32 v6;
	v6 =	vunpack.i.l.bf16.f32 v6  }
0x362: {  	s12 =	sand.u32 $0x400, s17;
	s11 =	sand.u32 $0x70, s10;
	[tilespmem:s0+$0xAA90] =	vst v7  }
0x363: {  	s10 =	sadd.s32 $0x10, s10;
	s11 =	sor.u32 s11, s12;
	[tilespmem:s0+$0xAA80] =	vst v6  }
0x364: {  	v6 =	vld [tilespmem:s11+$0x5380]  }
0x365: {  	v7 =	vld [tilespmem:s11+$0x5800];
	_ =	sdelay $0x1  }
0x366: {  	v8 =	vld [tilespmem:s11+$0x5880];
	_ =	sdelay $0x2  }
0x367: {  	v3 =	vmul.bf16 v6, v3;
	v4 =	vmul.bf16 v7, v4;
	_ =	sdelay $0x1  }
0x368: {  	v3 =	vadd.bf16 v4, v3;
	v4 =	vmul.bf16 v8, v5;
	_ =	sdelay $0x1  }
0x369: {  	s0 =	sadd.s32 $0x100, s16;
	s7 =	sadd.s32 $0x20, s7;
	v3 =	vadd.bf16 v4, v3  }
0x36a: {  	s7 =	sand.u32 $0x60, s7;
	s0 =	sand.u32 $0xC00, s0  }
0x36b: {  	s0 =	sor.u32 s7, s0;
	v4 =	vunpack.i.u.bf16.f32 v3  }
0x36c: {  	v3 =	vunpack.i.l.bf16.f32 v3;
	[tilespmem:s0+$0xAA90] =	vst v4  }
0x36d: {  	s16 =	simm.s32 $0x0;
	[tilespmem:s0+$0xAA80] =	vst v3  }
0x36e: {  	s12 =	sand.u32 $0x70, s16;
	s13 =	sand.u32 $0x400, s16;
	v3 =	vld [tilespmem:$0x8300]  }
0x36f: {  	s0 =	sor.u32 s12, s13;
	v4 =	vld [tilespmem:$0x8310]  }
0x370: {  	v6 =	vld [tilespmem:s0+$0x5900]  }
0x371: {  	v7 =	vld [tilespmem:s0+$0x5980]  }
0x372: {  	v5 =	vld [tilespmem:$0x8320]  }
0x373: {  	v8 =	vld [tilespmem:s0+$0x5A00];
	_ =	sdelay $0x2  }
0x374: {  	v6 =	vmul.bf16 v6, v3;
	v7 =	vmul.bf16 v7, v4;
	_ =	sdelay $0x1  }
0x375: {  	v6 =	vadd.bf16 v7, v6;
	v7 =	vmul.bf16 v8, v5  }
0x376: {  	s17 =	sand.u32 $0x3, s16  }
0x377: {  	s0 =	sshll.u32 s17, $0x5;
	v6 =	vadd.bf16 v7, v6  }
0x378: {  	s0 =	sadd.s32 $0x0, s0  }
0x379: {  	s10 =	simm.s32 $0x10;
	s7 =	simm.s32 $0x80;
	s18 =	sor.u32 $0x300, s0;
	v7 =	vunpack.i.l.bf16.f32 v6  }
0x37a: {  	s10 =	sand.u32 $0x70, s10;
	s12 =	sand.u32 $0x400, s7;
	s0 =	sor.u32 $0x310, s0;
	v6 =	vunpack.i.u.bf16.f32 v6;
	[tilespmem:s18+$0xA800] =	vst v7  }
0x37b: {  	s11 =	sor.u32 s10, s12;
	[tilespmem:s0+$0xA800] =	vst v6  }
0x37c: {  	s10 =	simm.s32 $0x20;
	s17 =	simm.s32 $0x0;
	v6 =	vld [tilespmem:s11+$0x5900]  }
.LBB2_47:
0x37d: {  	p0 =	sne.s32 s10, $0xF0;
	v7 =	vld [tilespmem:s11+$0x5980];
	_ =	sdelay $0x1  }
0x37e: {  	v8 =	vld [tilespmem:s11+$0x5A00];
	_ =	sdelay $0x2  }
0x37f: {  	v6 =	vmul.bf16 v6, v3;
	v7 =	vmul.bf16 v7, v4;
	_ =	sdelay $0x1  }
0x380: {  	s16 =	sadd.s32 $0x1, s16;
	v6 =	vadd.bf16 v7, v6;
	v7 =	vmul.bf16 v8, v5  }
0x381: {  	s0 =	sand.u32 $0x3, s16  }
0x382: {  	s17 =	sadd.s32 $0x100, s17;
	s0 =	sshll.u32 s0, $0x5;
	v6 =	vadd.bf16 v7, v6  }
.Ltmp22:
0x383: {  	s0 =	sadd.s32 s0, s17;
	(pc) =	sbr.rel @p0 .LBB2_47-.Ltmp22, $4  }
0x384: {  	s7 =	sadd.s32 $0x80, s7;
	s11 =	sor.u32 $0x300, s0;
	v7 =	vunpack.i.u.bf16.f32 v6;
	v6 =	vunpack.i.l.bf16.f32 v6  }
0x385: {  	s12 =	sand.u32 $0x70, s10;
	s13 =	sand.u32 $0x400, s7;
	s0 =	sor.u32 $0x310, s0;
	[tilespmem:s11+$0xA800] =	vst v6  }
0x386: {  	s11 =	sor.u32 s12, s13;
	[tilespmem:s0+$0xA800] =	vst v7  }
0x387: {  	s10 =	sadd.s32 $0x10, s10;
	v6 =	vld [tilespmem:s11+$0x5900]  }
0x388: {  	v7 =	vld [tilespmem:s11+$0x5980];
	_ =	sdelay $0x1  }
0x389: {  	v8 =	vld [tilespmem:s11+$0x5A00];
	_ =	sdelay $0x2  }
0x38a: {  	v3 =	vmul.bf16 v6, v3;
	v4 =	vmul.bf16 v7, v4;
	_ =	sdelay $0x1  }
0x38b: {  	s0 =	sadd.s32 $0x1, s16;
	v3 =	vadd.bf16 v4, v3;
	v4 =	vmul.bf16 v8, v5  }
0x38c: {  	s0 =	sand.u32 $0x3, s0  }
0x38d: {  	s7 =	sadd.s32 $0x100, s17;
	s0 =	sshll.u32 s0, $0x5;
	v3 =	vadd.bf16 v4, v3  }
0x38e: {  	s0 =	sadd.s32 s0, s7  }
0x38f: {  	s7 =	sor.u32 $0x300, s0;
	v4 =	vunpack.i.l.bf16.f32 v3  }
0x390: {  	s0 =	sor.u32 $0x310, s0;
	v3 =	vunpack.i.u.bf16.f32 v3;
	[tilespmem:s7+$0xA800] =	vst v4  }
0x391: {  	s16 =	simm.s32 $0x0;
	[tilespmem:s0+$0xA800] =	vst v3  }
0x392: {  	s12 =	sand.u32 $0x70, s16;
	s13 =	sand.u32 $0x400, s16;
	v3 =	vld [tilespmem:$0x8380]  }
0x393: {  	s0 =	sor.u32 s12, s13;
	v4 =	vld [tilespmem:$0x8390]  }
0x394: {  	v6 =	vld [tilespmem:s0+$0x5A80]  }
0x395: {  	v7 =	vld [tilespmem:s0+$0x5B00]  }
0x396: {  	v5 =	vld [tilespmem:$0x83A0]  }
0x397: {  	v8 =	vld [tilespmem:s0+$0x5B80];
	_ =	sdelay $0x2  }
0x398: {  	v6 =	vmul.bf16 v6, v3;
	v7 =	vmul.bf16 v7, v4;
	_ =	sdelay $0x1  }
0x399: {  	v6 =	vadd.bf16 v7, v6;
	v7 =	vmul.bf16 v8, v5;
	_ =	sdelay $0x1  }
0x39a: {  	v6 =	vadd.bf16 v7, v6  }
0x39b: {  	s17 =	sor.u32 s16, s16  }
0x39c: {  	s10 =	simm.s32 $0x10;
	s18 =	sor.u32 $0x380, s17;
	s7 =	simm.s32 $0x80;
	v7 =	vunpack.i.l.bf16.f32 v6  }
0x39d: {  	s10 =	sand.u32 $0x70, s10;
	s12 =	sand.u32 $0x400, s7;
	s0 =	sor.u32 $0x390, s17;
	v6 =	vunpack.i.u.bf16.f32 v6;
	[tilespmem:s18+$0xA800] =	vst v7  }
0x39e: {  	s11 =	sor.u32 s10, s12;
	[tilespmem:s0+$0xA800] =	vst v6  }
0x39f: {  	s10 =	simm.s32 $0x20;
	s17 =	simm.s32 $0x0;
	v6 =	vld [tilespmem:s11+$0x5A80]  }
.LBB2_49:
0x3a0: {  	p0 =	sne.s32 s10, $0xF0;
	v7 =	vld [tilespmem:s11+$0x5B00];
	_ =	sdelay $0x1  }
0x3a1: {  	v8 =	vld [tilespmem:s11+$0x5B80];
	_ =	sdelay $0x2  }
0x3a2: {  	v6 =	vmul.bf16 v6, v3;
	v7 =	vmul.bf16 v7, v4;
	_ =	sdelay $0x1  }
0x3a3: {  	v6 =	vadd.bf16 v7, v6;
	v7 =	vmul.bf16 v8, v5;
	_ =	sdelay $0x1  }
0x3a4: {  	s16 =	sadd.s32 $0x100, s16;
	s17 =	sadd.s32 $0x20, s17;
	v6 =	vadd.bf16 v7, v6  }
.Ltmp23:
0x3a5: {  	s0 =	sor.u32 s17, s16;
	(pc) =	sbr.rel @p0 .LBB2_49-.Ltmp23, $4  }
0x3a6: {  	s7 =	sadd.s32 $0x80, s7;
	s11 =	sor.u32 $0x380, s0;
	v7 =	vunpack.i.u.bf16.f32 v6;
	v6 =	vunpack.i.l.bf16.f32 v6  }
0x3a7: {  	s12 =	sand.u32 $0x70, s10;
	s13 =	sand.u32 $0x400, s7;
	s0 =	sor.u32 $0x390, s0;
	[tilespmem:s11+$0xA800] =	vst v6  }
0x3a8: {  	s11 =	sor.u32 s12, s13;
	[tilespmem:s0+$0xA800] =	vst v7  }
0x3a9: {  	s10 =	sadd.s32 $0x10, s10;
	v6 =	vld [tilespmem:s11+$0x5A80]  }
0x3aa: {  	v7 =	vld [tilespmem:s11+$0x5B00];
	_ =	sdelay $0x1  }
0x3ab: {  	v8 =	vld [tilespmem:s11+$0x5B80];
	_ =	sdelay $0x2  }
0x3ac: {  	v3 =	vmul.bf16 v6, v3;
	v4 =	vmul.bf16 v7, v4;
	_ =	sdelay $0x1  }
0x3ad: {  	v3 =	vadd.bf16 v4, v3;
	v4 =	vmul.bf16 v8, v5;
	_ =	sdelay $0x1  }
0x3ae: {  	s0 =	sadd.s32 $0x100, s16;
	s7 =	sadd.s32 $0x20, s17;
	v3 =	vadd.bf16 v4, v3  }
0x3af: {  	s0 =	sor.u32 s7, s0  }
0x3b0: {  	s7 =	sor.u32 $0x380, s0;
	v4 =	vunpack.i.l.bf16.f32 v3  }
0x3b1: {  	s0 =	sor.u32 $0x390, s0;
	v3 =	vunpack.i.u.bf16.f32 v3;
	[tilespmem:s7+$0xA800] =	vst v4  }
0x3b2: {  	s16 =	simm.s32 $0x0;
	[tilespmem:s0+$0xA800] =	vst v3  }
0x3b3: {  	s10 =	sand.u32 $0x400, s16;
	s7 =	sand.u32 $0x70, s16;
	v3 =	vld [tilespmem:$0x8400]  }
0x3b4: {  	s0 =	sor.u32 s7, s10;
	v4 =	vld [tilespmem:$0x8410]  }
0x3b5: {  	v6 =	vld [tilespmem:s0+$0x6000]  }
0x3b6: {  	v7 =	vld [tilespmem:s0+$0x6080]  }
0x3b7: {  	v5 =	vld [tilespmem:$0x8420]  }
0x3b8: {  	v63 =	vld [tilespmem:s0+$0x6100];
	_ =	sdelay $0x2  }
0x3b9: {  	v6 =	vmul.bf16 v6, v3;
	v7 =	vmul.bf16 v7, v4;
	_ =	sdelay $0x1  }
0x3ba: {  	v6 =	vadd.bf16 v7, v6;
	v7 =	vmul.bf16 v63, v5;
	_ =	sdelay $0x1  }
0x3bb: {  	v6 =	vadd.bf16 v7, v6  }
0x3bc: {  	s11 =	sand.u32 $0x60, s16;
	s12 =	sand.u32 $0xC00, s16  }
0x3bd: {  	s17 =	simm.s32 $0x80;
	s10 =	simm.s32 $0x10;
	s0 =	sor.u32 s11, s12;
	v7 =	vunpack.i.u.bf16.f32 v6  }
0x3be: {  	s18 =	sand.u32 $0x400, s17;
	s13 =	sand.u32 $0x70, s10;
	v6 =	vunpack.i.l.bf16.f32 v6;
	[tilespmem:s0+$0xB810] =	vst v7  }
0x3bf: {  	s7 =	simm.s32 $0x0;
	s10 =	simm.s32 $0x20;
	s11 =	sor.u32 s13, s18;
	[tilespmem:s0+$0xB800] =	vst v6  }
.LBB2_51:
0x3c0: {  	p0 =	sne.s32 s10, $0xF0;
	v6 =	vld [tilespmem:s11+$0x6000]  }
0x3c1: {  	v7 =	vld [tilespmem:s11+$0x6080]  }
0x3c2: {  	v8 =	vld [tilespmem:s11+$0x6100];
	_ =	sdelay $0x3  }
0x3c3: {  	v6 =	vmul.bf16 v6, v3;
	v7 =	vmul.bf16 v7, v4;
	_ =	sdelay $0x1  }
0x3c4: {  	v6 =	vadd.bf16 v7, v6;
	v7 =	vmul.bf16 v8, v5;
	_ =	sdelay $0x1  }
.Ltmp24:
0x3c5: {  	s16 =	sadd.s32 $0x100, s16;
	s7 =	sadd.s32 $0x20, s7;
	v6 =	vadd.bf16 v7, v6;
	(pc) =	sbr.rel @p0 .LBB2_51-.Ltmp24, $4  }
0x3c6: {  	s0 =	sand.u32 $0x60, s7;
	s11 =	sand.u32 $0xC00, s16  }
0x3c7: {  	s17 =	sadd.s32 $0x80, s17;
	s0 =	sor.u32 s0, s11;
	v7 =	vunpack.i.u.bf16.f32 v6;
	v6 =	vunpack.i.l.bf16.f32 v6  }
0x3c8: {  	s12 =	sand.u32 $0x400, s17;
	s11 =	sand.u32 $0x70, s10;
	[tilespmem:s0+$0xB810] =	vst v7  }
0x3c9: {  	s10 =	sadd.s32 $0x10, s10;
	s11 =	sor.u32 s11, s12;
	[tilespmem:s0+$0xB800] =	vst v6  }
0x3ca: {  	v6 =	vld [tilespmem:s11+$0x6000]  }
0x3cb: {  	v7 =	vld [tilespmem:s11+$0x6080];
	_ =	sdelay $0x1  }
0x3cc: {  	v8 =	vld [tilespmem:s11+$0x6100];
	_ =	sdelay $0x2  }
0x3cd: {  	v3 =	vmul.bf16 v6, v3;
	v4 =	vmul.bf16 v7, v4;
	_ =	sdelay $0x1  }
0x3ce: {  	v3 =	vadd.bf16 v4, v3;
	v4 =	vmul.bf16 v8, v5;
	_ =	sdelay $0x1  }
0x3cf: {  	s0 =	sadd.s32 $0x100, s16;
	s7 =	sadd.s32 $0x20, s7;
	v3 =	vadd.bf16 v4, v3  }
0x3d0: {  	s7 =	sand.u32 $0x60, s7;
	s0 =	sand.u32 $0xC00, s0  }
0x3d1: {  	s0 =	sor.u32 s7, s0;
	v4 =	vunpack.i.u.bf16.f32 v3  }
0x3d2: {  	v3 =	vunpack.i.l.bf16.f32 v3;
	[tilespmem:s0+$0xB810] =	vst v4  }
0x3d3: {  	s16 =	simm.s32 $0x0;
	[tilespmem:s0+$0xB800] =	vst v3  }
0x3d4: {  	s10 =	sand.u32 $0x400, s16;
	s7 =	sand.u32 $0x70, s16;
	v3 =	vld [tilespmem:$0x8480]  }
0x3d5: {  	s0 =	sor.u32 s7, s10;
	v4 =	vld [tilespmem:$0x8490]  }
0x3d6: {  	v6 =	vld [tilespmem:s0+$0x6180]  }
0x3d7: {  	v7 =	vld [tilespmem:s0+$0x6200]  }
0x3d8: {  	v5 =	vld [tilespmem:$0x84A0]  }
0x3d9: {  	v63 =	vld [tilespmem:s0+$0x6280];
	_ =	sdelay $0x2  }
0x3da: {  	v6 =	vmul.bf16 v6, v3;
	v7 =	vmul.bf16 v7, v4;
	_ =	sdelay $0x1  }
0x3db: {  	v6 =	vadd.bf16 v7, v6;
	v7 =	vmul.bf16 v63, v5;
	_ =	sdelay $0x1  }
0x3dc: {  	v6 =	vadd.bf16 v7, v6  }
0x3dd: {  	s11 =	sand.u32 $0x60, s16;
	s12 =	sand.u32 $0xC00, s16  }
0x3de: {  	s17 =	simm.s32 $0x80;
	s10 =	simm.s32 $0x10;
	s0 =	sor.u32 s11, s12;
	v7 =	vunpack.i.u.bf16.f32 v6  }
0x3df: {  	s18 =	sand.u32 $0x400, s17;
	s13 =	sand.u32 $0x70, s10;
	v6 =	vunpack.i.l.bf16.f32 v6;
	[tilespmem:s0+$0xB890] =	vst v7  }
0x3e0: {  	s7 =	simm.s32 $0x0;
	s10 =	simm.s32 $0x20;
	s11 =	sor.u32 s13, s18;
	[tilespmem:s0+$0xB880] =	vst v6  }
.LBB2_53:
0x3e1: {  	p0 =	sne.s32 s10, $0xF0;
	v6 =	vld [tilespmem:s11+$0x6180]  }
0x3e2: {  	v7 =	vld [tilespmem:s11+$0x6200]  }
0x3e3: {  	v8 =	vld [tilespmem:s11+$0x6280];
	_ =	sdelay $0x3  }
0x3e4: {  	v6 =	vmul.bf16 v6, v3;
	v7 =	vmul.bf16 v7, v4;
	_ =	sdelay $0x1  }
0x3e5: {  	v6 =	vadd.bf16 v7, v6;
	v7 =	vmul.bf16 v8, v5;
	_ =	sdelay $0x1  }
.Ltmp25:
0x3e6: {  	s16 =	sadd.s32 $0x100, s16;
	s7 =	sadd.s32 $0x20, s7;
	v6 =	vadd.bf16 v7, v6;
	(pc) =	sbr.rel @p0 .LBB2_53-.Ltmp25, $4  }
0x3e7: {  	s0 =	sand.u32 $0x60, s7;
	s11 =	sand.u32 $0xC00, s16  }
0x3e8: {  	s17 =	sadd.s32 $0x80, s17;
	s0 =	sor.u32 s0, s11;
	v7 =	vunpack.i.u.bf16.f32 v6;
	v6 =	vunpack.i.l.bf16.f32 v6  }
0x3e9: {  	s12 =	sand.u32 $0x400, s17;
	s11 =	sand.u32 $0x70, s10;
	[tilespmem:s0+$0xB890] =	vst v7  }
0x3ea: {  	s10 =	sadd.s32 $0x10, s10;
	s11 =	sor.u32 s11, s12;
	[tilespmem:s0+$0xB880] =	vst v6  }
0x3eb: {  	v6 =	vld [tilespmem:s11+$0x6180]  }
0x3ec: {  	v7 =	vld [tilespmem:s11+$0x6200];
	_ =	sdelay $0x1  }
0x3ed: {  	v8 =	vld [tilespmem:s11+$0x6280];
	_ =	sdelay $0x2  }
0x3ee: {  	v3 =	vmul.bf16 v6, v3;
	v4 =	vmul.bf16 v7, v4;
	_ =	sdelay $0x1  }
0x3ef: {  	v3 =	vadd.bf16 v4, v3;
	v4 =	vmul.bf16 v8, v5;
	_ =	sdelay $0x1  }
0x3f0: {  	s0 =	sadd.s32 $0x100, s16;
	s7 =	sadd.s32 $0x20, s7;
	v3 =	vadd.bf16 v4, v3  }
0x3f1: {  	s7 =	sand.u32 $0x60, s7;
	s0 =	sand.u32 $0xC00, s0  }
0x3f2: {  	s0 =	sor.u32 s7, s0;
	v4 =	vunpack.i.u.bf16.f32 v3  }
0x3f3: {  	v3 =	vunpack.i.l.bf16.f32 v3;
	[tilespmem:s0+$0xB890] =	vst v4  }
0x3f4: {  	s16 =	simm.s32 $0x0;
	[tilespmem:s0+$0xB880] =	vst v3  }
0x3f5: {  	s10 =	sand.u32 $0x400, s16;
	s7 =	sand.u32 $0x70, s16;
	v3 =	vld [tilespmem:$0x8500]  }
0x3f6: {  	s0 =	sor.u32 s7, s10;
	v4 =	vld [tilespmem:$0x8510]  }
0x3f7: {  	v6 =	vld [tilespmem:s0+$0x6300]  }
0x3f8: {  	v7 =	vld [tilespmem:s0+$0x6380]  }
0x3f9: {  	v5 =	vld [tilespmem:$0x8520]  }
0x3fa: {  	v63 =	vld [tilespmem:s0+$0x6800];
	_ =	sdelay $0x2  }
0x3fb: {  	v6 =	vmul.bf16 v6, v3;
	v7 =	vmul.bf16 v7, v4;
	_ =	sdelay $0x1  }
0x3fc: {  	v6 =	vadd.bf16 v7, v6;
	v7 =	vmul.bf16 v63, v5;
	_ =	sdelay $0x1  }
0x3fd: {  	v6 =	vadd.bf16 v7, v6  }
0x3fe: {  	s11 =	sand.u32 $0x60, s16;
	s12 =	sand.u32 $0xC00, s16  }
0x3ff: {  	s17 =	simm.s32 $0x80;
	s10 =	simm.s32 $0x10;
	s0 =	sor.u32 s11, s12;
	v7 =	vunpack.i.u.bf16.f32 v6  }
0x400: {  	s18 =	sand.u32 $0x400, s17;
	s13 =	sand.u32 $0x70, s10;
	v6 =	vunpack.i.l.bf16.f32 v6;
	[tilespmem:s0+$0xB910] =	vst v7  }
0x401: {  	s7 =	simm.s32 $0x0;
	s10 =	simm.s32 $0x20;
	s11 =	sor.u32 s13, s18;
	[tilespmem:s0+$0xB900] =	vst v6  }
.LBB2_55:
0x402: {  	p0 =	sne.s32 s10, $0xF0;
	v6 =	vld [tilespmem:s11+$0x6300]  }
0x403: {  	v7 =	vld [tilespmem:s11+$0x6380]  }
0x404: {  	v8 =	vld [tilespmem:s11+$0x6800];
	_ =	sdelay $0x3  }
0x405: {  	v6 =	vmul.bf16 v6, v3;
	v7 =	vmul.bf16 v7, v4;
	_ =	sdelay $0x1  }
0x406: {  	v6 =	vadd.bf16 v7, v6;
	v7 =	vmul.bf16 v8, v5;
	_ =	sdelay $0x1  }
.Ltmp26:
0x407: {  	s16 =	sadd.s32 $0x100, s16;
	s7 =	sadd.s32 $0x20, s7;
	v6 =	vadd.bf16 v7, v6;
	(pc) =	sbr.rel @p0 .LBB2_55-.Ltmp26, $4  }
0x408: {  	s0 =	sand.u32 $0x60, s7;
	s11 =	sand.u32 $0xC00, s16  }
0x409: {  	s17 =	sadd.s32 $0x80, s17;
	s0 =	sor.u32 s0, s11;
	v7 =	vunpack.i.u.bf16.f32 v6;
	v6 =	vunpack.i.l.bf16.f32 v6  }
0x40a: {  	s12 =	sand.u32 $0x400, s17;
	s11 =	sand.u32 $0x70, s10;
	[tilespmem:s0+$0xB910] =	vst v7  }
0x40b: {  	s10 =	sadd.s32 $0x10, s10;
	s11 =	sor.u32 s11, s12;
	[tilespmem:s0+$0xB900] =	vst v6  }
0x40c: {  	v6 =	vld [tilespmem:s11+$0x6300]  }
0x40d: {  	v7 =	vld [tilespmem:s11+$0x6380];
	_ =	sdelay $0x1  }
0x40e: {  	v8 =	vld [tilespmem:s11+$0x6800];
	_ =	sdelay $0x2  }
0x40f: {  	v3 =	vmul.bf16 v6, v3;
	v4 =	vmul.bf16 v7, v4;
	_ =	sdelay $0x1  }
0x410: {  	v3 =	vadd.bf16 v4, v3;
	v4 =	vmul.bf16 v8, v5;
	_ =	sdelay $0x1  }
0x411: {  	s0 =	sadd.s32 $0x100, s16;
	s7 =	sadd.s32 $0x20, s7;
	v3 =	vadd.bf16 v4, v3  }
0x412: {  	s7 =	sand.u32 $0x60, s7;
	s0 =	sand.u32 $0xC00, s0  }
0x413: {  	s0 =	sor.u32 s7, s0;
	v4 =	vunpack.i.u.bf16.f32 v3  }
0x414: {  	v3 =	vunpack.i.l.bf16.f32 v3;
	[tilespmem:s0+$0xB910] =	vst v4  }
0x415: {  	s16 =	simm.s32 $0x0;
	[tilespmem:s0+$0xB900] =	vst v3  }
0x416: {  	s10 =	sand.u32 $0x400, s16;
	s7 =	sand.u32 $0x70, s16;
	v3 =	vld [tilespmem:$0x8580]  }
0x417: {  	s0 =	sor.u32 s7, s10;
	v4 =	vld [tilespmem:$0x8590]  }
0x418: {  	v6 =	vld [tilespmem:s0+$0x6880]  }
0x419: {  	v7 =	vld [tilespmem:s0+$0x6900]  }
0x41a: {  	v5 =	vld [tilespmem:$0x85A0]  }
0x41b: {  	v63 =	vld [tilespmem:s0+$0x6980];
	_ =	sdelay $0x2  }
0x41c: {  	v6 =	vmul.bf16 v6, v3;
	v7 =	vmul.bf16 v7, v4;
	_ =	sdelay $0x1  }
0x41d: {  	v6 =	vadd.bf16 v7, v6;
	v7 =	vmul.bf16 v63, v5;
	_ =	sdelay $0x1  }
0x41e: {  	v6 =	vadd.bf16 v7, v6  }
0x41f: {  	s11 =	sand.u32 $0x60, s16;
	s12 =	sand.u32 $0xC00, s16  }
0x420: {  	s17 =	simm.s32 $0x80;
	s10 =	simm.s32 $0x10;
	s0 =	sor.u32 s11, s12;
	v7 =	vunpack.i.u.bf16.f32 v6  }
0x421: {  	s18 =	sand.u32 $0x400, s17;
	s13 =	sand.u32 $0x70, s10;
	v6 =	vunpack.i.l.bf16.f32 v6;
	[tilespmem:s0+$0xB990] =	vst v7  }
0x422: {  	s7 =	simm.s32 $0x0;
	s10 =	simm.s32 $0x20;
	s11 =	sor.u32 s13, s18;
	[tilespmem:s0+$0xB980] =	vst v6  }
.LBB2_57:
0x423: {  	p0 =	sne.s32 s10, $0xF0;
	v6 =	vld [tilespmem:s11+$0x6880]  }
0x424: {  	v7 =	vld [tilespmem:s11+$0x6900]  }
0x425: {  	v8 =	vld [tilespmem:s11+$0x6980];
	_ =	sdelay $0x3  }
0x426: {  	v6 =	vmul.bf16 v6, v3;
	v7 =	vmul.bf16 v7, v4;
	_ =	sdelay $0x1  }
0x427: {  	v6 =	vadd.bf16 v7, v6;
	v7 =	vmul.bf16 v8, v5;
	_ =	sdelay $0x1  }
.Ltmp27:
0x428: {  	s16 =	sadd.s32 $0x100, s16;
	s7 =	sadd.s32 $0x20, s7;
	v6 =	vadd.bf16 v7, v6;
	(pc) =	sbr.rel @p0 .LBB2_57-.Ltmp27, $4  }
0x429: {  	s0 =	sand.u32 $0x60, s7;
	s11 =	sand.u32 $0xC00, s16  }
0x42a: {  	s17 =	sadd.s32 $0x80, s17;
	s0 =	sor.u32 s0, s11;
	v7 =	vunpack.i.u.bf16.f32 v6;
	v6 =	vunpack.i.l.bf16.f32 v6  }
0x42b: {  	s12 =	sand.u32 $0x400, s17;
	s11 =	sand.u32 $0x70, s10;
	[tilespmem:s0+$0xB990] =	vst v7  }
0x42c: {  	s10 =	sadd.s32 $0x10, s10;
	s11 =	sor.u32 s11, s12;
	[tilespmem:s0+$0xB980] =	vst v6  }
0x42d: {  	v6 =	vld [tilespmem:s11+$0x6880]  }
0x42e: {  	v7 =	vld [tilespmem:s11+$0x6900];
	_ =	sdelay $0x1  }
0x42f: {  	v8 =	vld [tilespmem:s11+$0x6980];
	_ =	sdelay $0x2  }
0x430: {  	v3 =	vmul.bf16 v6, v3;
	v4 =	vmul.bf16 v7, v4;
	_ =	sdelay $0x1  }
0x431: {  	v3 =	vadd.bf16 v4, v3;
	v4 =	vmul.bf16 v8, v5;
	_ =	sdelay $0x1  }
0x432: {  	s0 =	sadd.s32 $0x100, s16;
	s7 =	sadd.s32 $0x20, s7;
	v3 =	vadd.bf16 v4, v3  }
0x433: {  	s7 =	sand.u32 $0x60, s7;
	s0 =	sand.u32 $0xC00, s0  }
0x434: {  	s0 =	sor.u32 s7, s0;
	v4 =	vunpack.i.u.bf16.f32 v3  }
0x435: {  	v3 =	vunpack.i.l.bf16.f32 v3;
	[tilespmem:s0+$0xB990] =	vst v4  }
0x436: {  	s16 =	simm.s32 $0x0;
	[tilespmem:s0+$0xB980] =	vst v3  }
0x437: {  	s10 =	sand.u32 $0x400, s16;
	s7 =	sand.u32 $0x70, s16;
	v3 =	vld [tilespmem:$0x8600]  }
0x438: {  	s0 =	sor.u32 s7, s10;
	v4 =	vld [tilespmem:$0x8610]  }
0x439: {  	v6 =	vld [tilespmem:s0+$0x6A00]  }
0x43a: {  	v7 =	vld [tilespmem:s0+$0x6A80]  }
0x43b: {  	v5 =	vld [tilespmem:$0x8620]  }
0x43c: {  	v63 =	vld [tilespmem:s0+$0x6B00];
	_ =	sdelay $0x2  }
0x43d: {  	v6 =	vmul.bf16 v6, v3;
	v7 =	vmul.bf16 v7, v4;
	_ =	sdelay $0x1  }
0x43e: {  	v6 =	vadd.bf16 v7, v6;
	v7 =	vmul.bf16 v63, v5;
	_ =	sdelay $0x1  }
0x43f: {  	v6 =	vadd.bf16 v7, v6  }
0x440: {  	s11 =	sand.u32 $0x60, s16;
	s12 =	sand.u32 $0xC00, s16  }
0x441: {  	s17 =	simm.s32 $0x80;
	s10 =	simm.s32 $0x10;
	s0 =	sor.u32 s11, s12;
	v7 =	vunpack.i.u.bf16.f32 v6  }
0x442: {  	s18 =	sand.u32 $0x400, s17;
	s13 =	sand.u32 $0x70, s10;
	v6 =	vunpack.i.l.bf16.f32 v6;
	[tilespmem:s0+$0xBA10] =	vst v7  }
0x443: {  	s7 =	simm.s32 $0x0;
	s10 =	simm.s32 $0x20;
	s11 =	sor.u32 s13, s18;
	[tilespmem:s0+$0xBA00] =	vst v6  }
.LBB2_59:
0x444: {  	p0 =	sne.s32 s10, $0xF0;
	v6 =	vld [tilespmem:s11+$0x6A00]  }
0x445: {  	v7 =	vld [tilespmem:s11+$0x6A80]  }
0x446: {  	v8 =	vld [tilespmem:s11+$0x6B00];
	_ =	sdelay $0x3  }
0x447: {  	v6 =	vmul.bf16 v6, v3;
	v7 =	vmul.bf16 v7, v4;
	_ =	sdelay $0x1  }
0x448: {  	v6 =	vadd.bf16 v7, v6;
	v7 =	vmul.bf16 v8, v5;
	_ =	sdelay $0x1  }
.Ltmp28:
0x449: {  	s16 =	sadd.s32 $0x100, s16;
	s7 =	sadd.s32 $0x20, s7;
	v6 =	vadd.bf16 v7, v6;
	(pc) =	sbr.rel @p0 .LBB2_59-.Ltmp28, $4  }
0x44a: {  	s0 =	sand.u32 $0x60, s7;
	s11 =	sand.u32 $0xC00, s16  }
0x44b: {  	s17 =	sadd.s32 $0x80, s17;
	s0 =	sor.u32 s0, s11;
	v7 =	vunpack.i.u.bf16.f32 v6;
	v6 =	vunpack.i.l.bf16.f32 v6  }
0x44c: {  	s12 =	sand.u32 $0x400, s17;
	s11 =	sand.u32 $0x70, s10;
	[tilespmem:s0+$0xBA10] =	vst v7  }
0x44d: {  	s10 =	sadd.s32 $0x10, s10;
	s11 =	sor.u32 s11, s12;
	[tilespmem:s0+$0xBA00] =	vst v6  }
0x44e: {  	v6 =	vld [tilespmem:s11+$0x6A00]  }
0x44f: {  	v7 =	vld [tilespmem:s11+$0x6A80];
	_ =	sdelay $0x1  }
0x450: {  	v8 =	vld [tilespmem:s11+$0x6B00];
	_ =	sdelay $0x2  }
0x451: {  	v3 =	vmul.bf16 v6, v3;
	v4 =	vmul.bf16 v7, v4;
	_ =	sdelay $0x1  }
0x452: {  	v3 =	vadd.bf16 v4, v3;
	v4 =	vmul.bf16 v8, v5;
	_ =	sdelay $0x1  }
0x453: {  	s0 =	sadd.s32 $0x100, s16;
	s7 =	sadd.s32 $0x20, s7;
	v3 =	vadd.bf16 v4, v3  }
0x454: {  	s7 =	sand.u32 $0x60, s7;
	s0 =	sand.u32 $0xC00, s0  }
0x455: {  	s0 =	sor.u32 s7, s0;
	v4 =	vunpack.i.u.bf16.f32 v3  }
0x456: {  	v3 =	vunpack.i.l.bf16.f32 v3;
	[tilespmem:s0+$0xBA10] =	vst v4  }
0x457: {  	s16 =	simm.s32 $0x0;
	[tilespmem:s0+$0xBA00] =	vst v3  }
0x458: {  	s10 =	sand.u32 $0x400, s16;
	s7 =	sand.u32 $0x70, s16;
	v3 =	vld [tilespmem:$0x8680]  }
0x459: {  	s0 =	sor.u32 s7, s10;
	v4 =	vld [tilespmem:$0x8690]  }
0x45a: {  	v6 =	vld [tilespmem:s0+$0x6B80]  }
0x45b: {  	v7 =	vld [tilespmem:s0+$0x7000]  }
0x45c: {  	v5 =	vld [tilespmem:$0x86A0]  }
0x45d: {  	v63 =	vld [tilespmem:s0+$0x7080];
	_ =	sdelay $0x2  }
0x45e: {  	v6 =	vmul.bf16 v6, v3;
	v7 =	vmul.bf16 v7, v4;
	_ =	sdelay $0x1  }
0x45f: {  	v6 =	vadd.bf16 v7, v6;
	v7 =	vmul.bf16 v63, v5;
	_ =	sdelay $0x1  }
0x460: {  	v6 =	vadd.bf16 v7, v6  }
0x461: {  	s11 =	sand.u32 $0x60, s16;
	s12 =	sand.u32 $0xC00, s16  }
0x462: {  	s17 =	simm.s32 $0x80;
	s10 =	simm.s32 $0x10;
	s0 =	sor.u32 s11, s12;
	v7 =	vunpack.i.u.bf16.f32 v6  }
0x463: {  	s18 =	sand.u32 $0x400, s17;
	s13 =	sand.u32 $0x70, s10;
	v6 =	vunpack.i.l.bf16.f32 v6;
	[tilespmem:s0+$0xBA90] =	vst v7  }
0x464: {  	s7 =	simm.s32 $0x0;
	s10 =	simm.s32 $0x20;
	s11 =	sor.u32 s13, s18;
	[tilespmem:s0+$0xBA80] =	vst v6  }
.LBB2_61:
0x465: {  	p0 =	sne.s32 s10, $0xF0;
	v6 =	vld [tilespmem:s11+$0x6B80]  }
0x466: {  	v7 =	vld [tilespmem:s11+$0x7000]  }
0x467: {  	v8 =	vld [tilespmem:s11+$0x7080];
	_ =	sdelay $0x3  }
0x468: {  	v6 =	vmul.bf16 v6, v3;
	v7 =	vmul.bf16 v7, v4;
	_ =	sdelay $0x1  }
0x469: {  	v6 =	vadd.bf16 v7, v6;
	v7 =	vmul.bf16 v8, v5;
	_ =	sdelay $0x1  }
.Ltmp29:
0x46a: {  	s16 =	sadd.s32 $0x100, s16;
	s7 =	sadd.s32 $0x20, s7;
	v6 =	vadd.bf16 v7, v6;
	(pc) =	sbr.rel @p0 .LBB2_61-.Ltmp29, $4  }
0x46b: {  	s0 =	sand.u32 $0x60, s7;
	s11 =	sand.u32 $0xC00, s16  }
0x46c: {  	s17 =	sadd.s32 $0x80, s17;
	s0 =	sor.u32 s0, s11;
	v7 =	vunpack.i.u.bf16.f32 v6;
	v6 =	vunpack.i.l.bf16.f32 v6  }
0x46d: {  	s12 =	sand.u32 $0x400, s17;
	s11 =	sand.u32 $0x70, s10;
	[tilespmem:s0+$0xBA90] =	vst v7  }
0x46e: {  	s10 =	sadd.s32 $0x10, s10;
	s11 =	sor.u32 s11, s12;
	[tilespmem:s0+$0xBA80] =	vst v6  }
0x46f: {  	v6 =	vld [tilespmem:s11+$0x6B80]  }
0x470: {  	v7 =	vld [tilespmem:s11+$0x7000];
	_ =	sdelay $0x1  }
0x471: {  	v8 =	vld [tilespmem:s11+$0x7080];
	_ =	sdelay $0x2  }
0x472: {  	v3 =	vmul.bf16 v6, v3;
	v4 =	vmul.bf16 v7, v4;
	_ =	sdelay $0x1  }
0x473: {  	v3 =	vadd.bf16 v4, v3;
	v4 =	vmul.bf16 v8, v5;
	_ =	sdelay $0x1  }
0x474: {  	s0 =	sadd.s32 $0x100, s16;
	s7 =	sadd.s32 $0x20, s7;
	v3 =	vadd.bf16 v4, v3  }
0x475: {  	s7 =	sand.u32 $0x60, s7;
	s0 =	sand.u32 $0xC00, s0  }
0x476: {  	s0 =	sor.u32 s7, s0;
	v4 =	vunpack.i.u.bf16.f32 v3  }
0x477: {  	v3 =	vunpack.i.l.bf16.f32 v3;
	[tilespmem:s0+$0xBA90] =	vst v4  }
0x478: {  	s16 =	simm.s32 $0x0;
	[tilespmem:s0+$0xBA80] =	vst v3  }
0x479: {  	s10 =	sand.u32 $0x400, s16;
	s7 =	sand.u32 $0x70, s16;
	v3 =	vld [tilespmem:$0x8700]  }
0x47a: {  	s0 =	sor.u32 s7, s10;
	v4 =	vld [tilespmem:$0x8710]  }
0x47b: {  	v6 =	vld [tilespmem:s0+$0x7100]  }
0x47c: {  	v7 =	vld [tilespmem:s0+$0x7180]  }
0x47d: {  	v5 =	vld [tilespmem:$0x8720]  }
0x47e: {  	v63 =	vld [tilespmem:s0+$0x7200];
	_ =	sdelay $0x2  }
0x47f: {  	v6 =	vmul.bf16 v6, v3;
	v7 =	vmul.bf16 v7, v4;
	_ =	sdelay $0x1  }
0x480: {  	v6 =	vadd.bf16 v7, v6;
	v7 =	vmul.bf16 v63, v5;
	_ =	sdelay $0x1  }
0x481: {  	v6 =	vadd.bf16 v7, v6  }
0x482: {  	s11 =	sand.u32 $0x60, s16;
	s12 =	sand.u32 $0xC00, s16  }
0x483: {  	s17 =	simm.s32 $0x80;
	s10 =	simm.s32 $0x10;
	s0 =	sor.u32 s11, s12;
	v7 =	vunpack.i.u.bf16.f32 v6  }
0x484: {  	s18 =	sand.u32 $0x400, s17;
	s13 =	sand.u32 $0x70, s10;
	v6 =	vunpack.i.l.bf16.f32 v6;
	[tilespmem:s0+$0xBB10] =	vst v7  }
0x485: {  	s7 =	simm.s32 $0x0;
	s10 =	simm.s32 $0x20;
	s11 =	sor.u32 s13, s18;
	[tilespmem:s0+$0xBB00] =	vst v6  }
.LBB2_63:
0x486: {  	p0 =	sne.s32 s10, $0xF0;
	v6 =	vld [tilespmem:s11+$0x7100]  }
0x487: {  	v7 =	vld [tilespmem:s11+$0x7180]  }
0x488: {  	v8 =	vld [tilespmem:s11+$0x7200];
	_ =	sdelay $0x3  }
0x489: {  	v6 =	vmul.bf16 v6, v3;
	v7 =	vmul.bf16 v7, v4;
	_ =	sdelay $0x1  }
0x48a: {  	v6 =	vadd.bf16 v7, v6;
	v7 =	vmul.bf16 v8, v5;
	_ =	sdelay $0x1  }
.Ltmp30:
0x48b: {  	s16 =	sadd.s32 $0x100, s16;
	s7 =	sadd.s32 $0x20, s7;
	v6 =	vadd.bf16 v7, v6;
	(pc) =	sbr.rel @p0 .LBB2_63-.Ltmp30, $4  }
0x48c: {  	s0 =	sand.u32 $0x60, s7;
	s11 =	sand.u32 $0xC00, s16  }
0x48d: {  	s17 =	sadd.s32 $0x80, s17;
	s0 =	sor.u32 s0, s11;
	v7 =	vunpack.i.u.bf16.f32 v6;
	v6 =	vunpack.i.l.bf16.f32 v6  }
0x48e: {  	s12 =	sand.u32 $0x400, s17;
	s11 =	sand.u32 $0x70, s10;
	[tilespmem:s0+$0xBB10] =	vst v7  }
0x48f: {  	s10 =	sadd.s32 $0x10, s10;
	s11 =	sor.u32 s11, s12;
	[tilespmem:s0+$0xBB00] =	vst v6  }
0x490: {  	v6 =	vld [tilespmem:s11+$0x7100]  }
0x491: {  	v7 =	vld [tilespmem:s11+$0x7180];
	_ =	sdelay $0x1  }
0x492: {  	v8 =	vld [tilespmem:s11+$0x7200];
	_ =	sdelay $0x2  }
0x493: {  	v3 =	vmul.bf16 v6, v3;
	v4 =	vmul.bf16 v7, v4;
	_ =	sdelay $0x1  }
0x494: {  	v3 =	vadd.bf16 v4, v3;
	v4 =	vmul.bf16 v8, v5;
	_ =	sdelay $0x1  }
0x495: {  	s0 =	sadd.s32 $0x100, s16;
	s7 =	sadd.s32 $0x20, s7;
	v3 =	vadd.bf16 v4, v3  }
0x496: {  	s7 =	sand.u32 $0x60, s7;
	s0 =	sand.u32 $0xC00, s0  }
0x497: {  	s0 =	sor.u32 s7, s0;
	v4 =	vunpack.i.u.bf16.f32 v3  }
0x498: {  	v3 =	vunpack.i.l.bf16.f32 v3;
	[tilespmem:s0+$0xBB10] =	vst v4  }
0x499: {  	s16 =	simm.s32 $0x0;
	[tilespmem:s0+$0xBB00] =	vst v3  }
0x49a: {  	s10 =	sand.u32 $0x400, s16;
	s7 =	sand.u32 $0x70, s16;
	v3 =	vld [tilespmem:$0x8780]  }
0x49b: {  	s0 =	sor.u32 s7, s10;
	v4 =	vld [tilespmem:$0x8790]  }
0x49c: {  	v6 =	vld [tilespmem:s0+$0x7280]  }
0x49d: {  	v7 =	vld [tilespmem:s0+$0x7300]  }
0x49e: {  	v5 =	vld [tilespmem:$0x87A0]  }
0x49f: {  	v63 =	vld [tilespmem:s0+$0x7380];
	_ =	sdelay $0x2  }
0x4a0: {  	v6 =	vmul.bf16 v6, v3;
	v7 =	vmul.bf16 v7, v4;
	_ =	sdelay $0x1  }
0x4a1: {  	v6 =	vadd.bf16 v7, v6;
	v7 =	vmul.bf16 v63, v5;
	_ =	sdelay $0x1  }
0x4a2: {  	v6 =	vadd.bf16 v7, v6  }
0x4a3: {  	s11 =	sand.u32 $0x60, s16;
	s12 =	sand.u32 $0xC00, s16  }
0x4a4: {  	s17 =	simm.s32 $0x80;
	s10 =	simm.s32 $0x10;
	s0 =	sor.u32 s11, s12;
	v7 =	vunpack.i.u.bf16.f32 v6  }
0x4a5: {  	s18 =	sand.u32 $0x400, s17;
	s13 =	sand.u32 $0x70, s10;
	v6 =	vunpack.i.l.bf16.f32 v6;
	[tilespmem:s0+$0xBB90] =	vst v7  }
0x4a6: {  	s7 =	simm.s32 $0x0;
	s10 =	simm.s32 $0x20;
	s11 =	sor.u32 s13, s18;
	[tilespmem:s0+$0xBB80] =	vst v6  }
.LBB2_65:
0x4a7: {  	p0 =	sne.s32 s10, $0xF0;
	v6 =	vld [tilespmem:s11+$0x7280]  }
0x4a8: {  	v7 =	vld [tilespmem:s11+$0x7300]  }
0x4a9: {  	v8 =	vld [tilespmem:s11+$0x7380];
	_ =	sdelay $0x3  }
0x4aa: {  	v6 =	vmul.bf16 v6, v3;
	v7 =	vmul.bf16 v7, v4;
	_ =	sdelay $0x1  }
0x4ab: {  	v6 =	vadd.bf16 v7, v6;
	v7 =	vmul.bf16 v8, v5;
	_ =	sdelay $0x1  }
.Ltmp31:
0x4ac: {  	s16 =	sadd.s32 $0x100, s16;
	s7 =	sadd.s32 $0x20, s7;
	v6 =	vadd.bf16 v7, v6;
	(pc) =	sbr.rel @p0 .LBB2_65-.Ltmp31, $4  }
0x4ad: {  	s0 =	sand.u32 $0x60, s7;
	s11 =	sand.u32 $0xC00, s16  }
0x4ae: {  	s17 =	sadd.s32 $0x80, s17;
	s0 =	sor.u32 s0, s11;
	v7 =	vunpack.i.u.bf16.f32 v6;
	v6 =	vunpack.i.l.bf16.f32 v6  }
0x4af: {  	s12 =	sand.u32 $0x400, s17;
	s11 =	sand.u32 $0x70, s10;
	[tilespmem:s0+$0xBB90] =	vst v7  }
0x4b0: {  	s10 =	sadd.s32 $0x10, s10;
	s11 =	sor.u32 s11, s12;
	[tilespmem:s0+$0xBB80] =	vst v6  }
0x4b1: {  	v6 =	vld [tilespmem:s11+$0x7280]  }
0x4b2: {  	v7 =	vld [tilespmem:s11+$0x7300];
	_ =	sdelay $0x1  }
0x4b3: {  	v8 =	vld [tilespmem:s11+$0x7380];
	_ =	sdelay $0x2  }
0x4b4: {  	v3 =	vmul.bf16 v6, v3;
	v4 =	vmul.bf16 v7, v4;
	_ =	sdelay $0x1  }
0x4b5: {  	v63 =	vmul.bf16 v8, v5;
	v3 =	vadd.bf16 v4, v3  }
0x4b6: {  	s14 =	sadd.s32 $0x1, s14  }
0x4b7: {  	s0 =	sadd.s32 $0x100, s16;
	s7 =	sadd.s32 $0x20, s7;
	p0 =	sne.s32 s14, $0x40;
	v3 =	vadd.bf16 v63, v3  }
.Ltmp32:
0x4b8: {  	s7 =	sand.u32 $0x60, s7;
	s0 =	sand.u32 $0xC00, s0;
	(pc) =	sbr.rel @p0 .LBB2_2-.Ltmp32, $4  }
0x4b9: {  	s0 =	sor.u32 s7, s0;
	v4 =	vunpack.i.u.bf16.f32 v3  }
0x4ba: {  	s17 =	sshll.u32 s15, $0x6;
	v3 =	vunpack.i.l.bf16.f32 v3;
	[tilespmem:s0+$0xBB90] =	vst v4  }
0x4bb: {  	s18 =	sadd.s32 s2, s17;
	[tilespmem:s0+$0xBB80] =	vst v3  }
0x4bc: {  	[hbm4b:s18+s3] =	stream.linear.scatter [tilespmem:s1], [sflag:$0x6], $0x2000, $0x38;
	[tilespmem:$0xC800] =	vst v63  }
0x4bd: {  	s0 =	simm.s32 $0x5  }
0x4be: {  	_ =	swait.ge [sflag:s0], $0x2000  }
0x4bf: {  	[sflag:s0] =	ssyncset.done $0x0  }
0x4c0: {  	s7 =	simm.s32 $0x6;
	[sflag:s0] =	ssyncadd.s32 $0xFFFFE000  }
0x4c1: {  	_ =	swait.ge [sflag:s7], $0x2000  }
0x4c2: {  	s10 =	rddreg [dreg:$0x5]  }
0x4c3: {  	s18 =	rddreg [dreg:$0x4];
	s10 =	sadd.s32 $0x1, s10  }
0x4c4: {  	p0 =	sne.s32 s10, s18  }
.Ltmp33:
0x4c5: {  	_ = 	snop;
	(pc) =	sbr.rel @p0 .LBB2_1-.Ltmp33, $3  }
0x4c6: {  	_ =	sdelay $0x1  }
0x4c7: {  	[sflag:s7] =	ssyncset.done $0x0  }
0x4c8: {  	[sflag:s7] =	ssyncadd.s32 $0xFFFFE000  }
0x4c9: {  	_ =	sfence.sel $0x180000  }
0x4ca: {  	[bflag:$0x0] =	sbarrier.arrive $0xFFFF  }
0x4cb: {  	_ =	strace $0x9000004A  }
0x4cc: {  	s0 =	stileid.u32;
	[bflag:$0x2] =	sbarrier.arrive $0xFFFF  }
0x4cd: {  	p0 =	sne.s32 s0, $0x0;
	s0 =	rddreg [dreg:$0x2]  }
0x4ce: {  	s0 =	sadd.s32 @!p0 $0x100000, s0  }
0x4cf: {  	[sflag:s0] =	ssyncadd.tile.s32 @!p0 $0x1;
	_ =	shalt  }
.Lfunc_end2:
_tile_overlayer_lowered:
.L_overlay_start_2:
0x4d0: {  	(tag) =	ssettag $0x2  }
0x4d1: {  	s0 =	rddreg [dreg:$0x0];
	s2 =	stileid.u32  }
0x4d2: {  	s1 =	rddreg [dreg:$0x1];
	p0 =	sne.s32 s2, $0x0  }
0x4d3: {  	s3 =	rddreg [dreg:$0x2];
	[bflag:$0x3] =	sbarrier.arrive $0xFFFF;
	s2 =	simm.s32 @!p0 $0x1C07  }
0x4d4: {  	[timem:s3], [sflag:s2] =	dma.local @!p0 [hbm:s0], s1  }
0x4d5: {  	s0 =	simm.s32 @!p0 $0x7  }
0x4d6: {  	_ =	swait.ge @!p0 [sflag:s0], s1  }
0x4d7: {  	s1 =	ssub.s32 @!p0 $0x0, s1;
	[sflag:s0] =	ssyncset.done @!p0 $0x0  }
0x4d8: {  	[sflag:s0] =	ssyncadd.s32 @!p0 s1  }
0x4d9: {  	[bflag:$0x3] =	sbarrier.arrive $0xFFFF  }
0x4da: {  	_ =	shalt  }

// kernel: kernel.8.cloned.1.call-start
scs
__scs_entry_jumppad:
0x0: {  	(pc) =	sbr.rel $0x88, $3  }
0x1: {  	(tag) =	ssettag $0x0;
	lr =	simm.s32 $0x1  }
0x2: {  	[smem:$0x3F95] =	sst lr;
	_ =	strace $0xD0000000  }
0x3: {  	_ = 	snop  }
0x4: {  	_ = 	snop  }
0x5: {  	_ = 	snop  }
0x6: {  	_ = 	snop  }
0x7: {  	_ = 	snop  }
__scs_overlays_trampoline_lowered:
0x8: {  	[smem:$0x3FA4] =	sst s0  }
0x9: {  	[smem:$0x3FA5] =	sst s1  }
0xa: {  	[smem:$0x3FA6] =	sst s2  }
0xb: {  	[smem:$0x3FA7] =	sst s3  }
0xc: {  	[smem:$0x3FA8] =	sst s4  }
0xd: {  	[smem:$0x3FA9] =	sst s5  }
0xe: {  	[smem:$0x3FAA] =	sst s6  }
0xf: {  	[smem:$0x3FAB] =	sst s7  }
0x10: {  	[smem:$0x3FAC] =	sst s8  }
0x11: {  	[smem:$0x3FAD] =	sst s9;
	s0 =	simm.s32 @!p0 $0x0  }
0x12: {  	s1 =	sld [smem:$0x3F93];
	s0 =	simm.s32 @p0 $0x1  }
0x13: {  	[smem:$0x3FAE] =	sst s0;
	s0 =	simm.s32 @!p1 $0x0  }
0x14: {  	s2 =	sld [smem:$0x3F92];
	s0 =	simm.s32 @p1 $0x1  }
0x15: {  	[smem:$0x3FAF] =	sst s0;
	s0 =	simm.s32 @!p2 $0x0  }
0x16: {  	s3 =	sld [smem:$0x3FDB];
	s0 =	simm.s32 @p2 $0x1  }
0x17: {  	s4 =	simm.s32 $0x1BF5;
	[smem:$0x3FB1] =	sst s0  }
0x18: {  	s0 =	sld [smem:$0x3F94];
	_ =	swait.ge [sflag:s4], $0x0  }
0x19: {  	s7 =	sld [smem:$0x3F95]  }
0x1a: {  	s8 =	sadd.s32 $0xFFFFE003, lr  }
0x1b: {  	s9 =	sadd.s32 $0xFFFFFEF7, lr;
	s5 =	simm.s32 $0xFFFFFFFF;
	p2 =	slt.u32 s8, $0xFFFFF086  }
0x1c: {  	p1 =	slt.u32 s9, $0xF7A;
	s5 =	simm.s32 @!p2 $0x0  }
0x1d: {  	s5 =	simm.s32 @p1 $0x1;
	p0 =	seq.s32 s7, s2  }
0x1e: {  	s7 =	smul.u32 @!p0 $0xF7A, s2;
	p2 =	seq.s32 @!p0 s5, $0x0  }
0x1f: {  	s9 =	smul.u32 $0xF7A, s1;
	s8 =	simm.s32 @!p0 $0x1BF5;
	p2 =	por !p2, p0  }
0x20: {  	[sflag:s8] =	ssyncset.s32 @!p0 $0xFFFFF086;
	s6 =	sadd.s32 @!p0 s3, s7;
	s7 =	simm.s32 @!p0 $0x108  }
0x21: {  	s3 =	sadd.s32 s3, s9;
	s6 =	sadd.s32 @!p0 $0x88, s6;
	s7 =	simm.s32 @p2 $0x1082  }
0x22: {  	[simem:s7], [sflag:s8] =	dma.local @!p0 [hbm:s6], $0xF7A  }
0x23: {  	s9 =	sor.u32 $0xD0000000, s2;
	s6 =	simm.s32 $0x108;
	_ =	swait.ge @!p0 [sflag:s8], $0x0  }
0x24: {  	s3 =	sadd.s32 $0x88, s3;
	s6 =	simm.s32 @!p1 $0x1082;
	[sflag:s4] =	ssyncset.s32 $0xFFFFF086  }
0x25: {  	[simem:s6], [sflag:s4] =	dma.local [hbm:s3], $0xF7A  }
0x26: {  	[smem:$0x3F95] =	sst s1;
	(tag) =	ssettag s2;
	_ =	strace s9  }
0x27: {  	s1 =	sld [smem:$0x3FA5]  }
0x28: {  	s2 =	sld [smem:$0x3FA6]  }
0x29: {  	s4 =	sld [smem:$0x3FA8]  }
0x2a: {  	p0 =	seq.s32 s5, $0x0;
	s5 =	sld [smem:$0x3FA9]  }
0x2b: {  	s6 =	sld [smem:$0x3FAA]  }
0x2c: {  	s7 =	sld [smem:$0x3FAB]  }
0x2d: {  	s3 =	simm.s32 $0x108;
	s8 =	sld [smem:$0x3FAC]  }
0x2e: {  	s3 =	simm.s32 @!p0 $0x1082;
	s9 =	sld [smem:$0x3FAD]  }
0x2f: {  	lr =	sadd.s32 s0, s3;
	s0 =	sld [smem:$0x3FA4]  }
0x30: {  	s3 =	sld [smem:$0x3FA7]  }
0x31: {  	[smem:$0x3FB0] =	sst s10  }
0x32: {  	s10 =	sld [smem:$0x3FAE];
	_ =	sdelay $0x3  }
0x33: {  	p0 =	seq.s32 s10, $0x1;
	s10 =	sld [smem:$0x3FB0];
	_ =	sdelay $0x3  }
0x34: {  	[smem:$0x3FB0] =	sst s10  }
0x35: {  	s10 =	sld [smem:$0x3FAF];
	_ =	sdelay $0x3  }
0x36: {  	p1 =	seq.s32 s10, $0x1;
	s10 =	sld [smem:$0x3FB0];
	_ =	sdelay $0x3  }
0x37: {  	[smem:$0x3FB0] =	sst s10  }
0x38: {  	s10 =	sld [smem:$0x3FB1]  }
0x39: {  	_ = 	snop;
	(pc) =	sbr.ind lr, $3  }
0x3a: {  	_ = 	snop  }
0x3b: {  	_ = 	snop  }
0x3c: {  	p2 =	seq.s32 s10, $0x1;
	s10 =	sld [smem:$0x3FB0]  }
0x3d: {  	_ =	shalt  }
0x3e: {  	_ =	shalt  }
0x3f: {  	_ =	shalt  }
0x40: {  	_ =	shalt  }
0x41: {  	_ =	shalt  }
0x42: {  	_ =	shalt  }
0x43: {  	_ =	shalt  }
0x44: {  	_ =	shalt  }
0x45: {  	_ =	shalt  }
0x46: {  	_ =	shalt  }
0x47: {  	_ =	shalt  }
0x48: {  	_ =	shalt  }
0x49: {  	_ =	shalt  }
0x4a: {  	_ =	shalt  }
0x4b: {  	_ =	shalt  }
0x4c: {  	_ =	shalt  }
0x4d: {  	_ =	shalt  }
0x4e: {  	_ =	shalt  }
0x4f: {  	_ =	shalt  }
0x50: {  	_ =	shalt  }
0x51: {  	_ =	shalt  }
0x52: {  	_ =	shalt  }
0x53: {  	_ =	shalt  }
0x54: {  	_ =	shalt  }
0x55: {  	_ =	shalt  }
0x56: {  	_ =	shalt  }
0x57: {  	_ =	shalt  }
0x58: {  	_ =	shalt  }
0x59: {  	_ =	shalt  }
0x5a: {  	_ =	shalt  }
0x5b: {  	_ =	shalt  }
0x5c: {  	_ =	shalt  }
0x5d: {  	_ =	shalt  }
0x5e: {  	_ =	shalt  }
0x5f: {  	_ =	shalt  }
0x60: {  	_ =	shalt  }
0x61: {  	_ =	shalt  }
0x62: {  	_ =	shalt  }
0x63: {  	_ =	shalt  }
0x64: {  	_ =	shalt  }
0x65: {  	_ =	shalt  }
0x66: {  	_ =	shalt  }
0x67: {  	_ =	shalt  }
0x68: {  	_ =	shalt  }
0x69: {  	_ =	shalt  }
0x6a: {  	_ =	shalt  }
0x6b: {  	_ =	shalt  }
0x6c: {  	_ =	shalt  }
0x6d: {  	_ =	shalt  }
0x6e: {  	_ =	shalt  }
0x6f: {  	_ =	shalt  }
0x70: {  	_ =	shalt  }
0x71: {  	_ =	shalt  }
0x72: {  	_ =	shalt  }
0x73: {  	_ =	shalt  }
0x74: {  	_ =	shalt  }
0x75: {  	_ =	shalt  }
0x76: {  	_ =	shalt  }
0x77: {  	_ =	shalt  }
0x78: {  	_ =	shalt  }
0x79: {  	_ =	shalt  }
0x7a: {  	_ =	shalt  }
0x7b: {  	_ =	shalt  }
0x7c: {  	_ =	shalt  }
0x7d: {  	_ =	shalt  }
0x7e: {  	_ =	shalt  }
0x7f: {  	_ =	shalt  }
0x80: {  	_ =	shalt  }
0x81: {  	_ =	shalt  }
0x82: {  	_ =	shalt  }
0x83: {  	_ =	shalt  }
0x84: {  	_ =	shalt  }
0x85: {  	_ =	shalt  }
0x86: {  	_ =	shalt  }
0x87: {  	_ =	shalt  }
.Lfunc_end0:
.L_simem_size_0:
called_computation_lowered:
.L_overlay_start_0:
0x88: {  	s2 =	sld [smem:$0x3FD9]  }
0x89: {  	s3 =	sld [smem:$0x3FFE];
	_ =	sdelay $0x1  }
0x8a: {  	s1 =	srdreg.scid  }
0x8b: {  	s0 =	sand.u32 $0x1, s1  }
0x8c: {  	s17 =	sshll.u32 s0, $0xA;
	s2 =	sadd.s32 s3, s2  }
0x8d: {  	s2 =	sadd.s32 s2, s17  }
0x8e: {  	[smem:$0x3FBC] =	sst s2  }
0x8f: {  	_ = 	snop  }
0x90: {  	s2 =	sld [smem:$0x3FC6];
	(tm) =	ssettm $0x1  }
0x91: {  	s18 =	sld [smem:$0x3FFB];
	_ =	sdelay $0x3  }
0x92: {  	_ =	strace s18  }
0x93: {  	s3 =	sld [smem:$0x3FFC];
	_ =	sdelay $0x3  }
0x94: {  	_ =	strace s3  }
0x95: {  	s3 =	sld [smem:$0x3FFD];
	_ =	sdelay $0x3  }
0x96: {  	_ =	strace s3  }
0x97: {  	_ =	strace $0x8FFFFFFF  }
0x98: {  	s19 =	sld [smem:$0x3FDB];
	_ =	sdelay $0x1  }
0x99: {  	s4 =	simm.s32 $_scs_section_size  }
0x9a: {  	s5 =	simm.s32 $_size__tile_overlayer_lowered;
	s6 =	simm.s32 $_tile_overlayer_lowered  }
0x9b: {  	s22 =	simm.s32 $0x1BFF;
	s21 =	sshll.u32 s6, $0x1;
	s3 =	sadd.s32 s4, s19  }
0x9c: {  	s7 =	simm.s32 $0x0;
	s20 =	sshll.u32 s5, $0x1;
	s5 =	sadd.s32 s21, s3  }
0x9d: {  	[timem:s7], [sflag:s22] =	dma.local [hbm:s5], s20  }
0x9e: {  	_ =	swait.ge [sflag:s22], s20  }
0x9f: {  	s4 =	ssub.s32 $0x0, s20;
	[sflag:s22] =	ssyncset.done $0x0  }
0xa0: {  	[sflag:s22] =	ssyncadd.s32 s4;
	_ =	sdelay $0x1  }
0xa1: {  	s23 =	simm.s32 $0x1B8B  }
0xa2: {  	_ =	swait.ge [sflag:s23], $0x1  }
0xa3: {  	[sflag:s23] =	ssyncset.done $0x0  }
0xa4: {  	s25 =	simm.s32 $0x1B8E;
	s24 =	sld [smem:$0x3FFE];
	[sflag:s23] =	ssyncadd.s32 $0xFFFFFFFF  }
0xa5: {  	s26 =	simm.s32 $execute0_lowered;
	[smem:$0x3FD2] =	sst s25  }
0xa6: {  	s5 =	sshll.u32 s26, $0x1;
	_ =	strace $0x80000046;
	[dreg:$0x1] =	wrdreg $0xFFFFFFFF  }
0xa7: {  	s28 =	simm.s32 $_size_execute0_lowered;
	s3 =	sadd.s32 s3, s5;
	[dreg:$0x0] =	wrdreg $0x0  }
0xa8: {  	s5 =	sshll.u32 s28, $0x1;
	[dreg:$0x2] =	wrdreg s3  }
0xa9: {  	[dreg:$0x3] =	wrdreg s5  }
0xaa: {  	[dreg:$0x4] =	wrdreg $0xC0  }
0xab: {  	_ =	task [dreg:s7], $0x5FFFF  }
0xac: {  	[dreg:$0x1] =	wrdreg $0xFFFFFFFF  }
0xad: {  	[dreg:$0x0] =	wrdreg $0x60  }
0xae: {  	[dreg:$0x2] =	wrdreg s2  }
0xaf: {  	[dreg:$0x3] =	wrdreg s24  }
0xb0: {  	[dreg:$0x4] =	wrdreg $0x9  }
0xb1: {  	_ =	task.clear_ibuf [dreg:s7], $0x5FFFF;
	_ =	strace $0x90000046  }
0xb2: {  	s29 =	simm.s32 $0x9;
	_ =	strace $0x80000048  }
0xb3: {  	_ =	swait.ge [sflag:s29], $0x1  }
0xb4: {  	[sflag:s29] =	ssyncadd.s32 $0xFFFFFFFF  }
0xb5: {  	_ =	strace $0x90000048  }
0xb6: {  	_ =	sfence  }
0xb7: {  	s30 =	sld [smem:$0x0];
	_ =	sdelay $0x2  }
0xb8: {  	s31 =	sshll.u32 s1, $0xD;
	s1 =	sshrl.u32 s1, $0x2  }
0xb9: {  	s3 =	sand.u32 $0x4000, s31;
	s1 =	sadd.s32 s1, s30  }
0xba: {  	s0 =	sor.u32 s3, s0;
	s1 =	sshll.u32 s1, $0x11  }
0xbb: {  	s0 =	sor.u32 s1, s0  }
0xbc: {  	s0 =	sadd.s32 $0x8F2B, s0  }
0xbd: {  	[sflag:s0] =	ssyncadd.remote.s32 $0x1  }
0xbe: {  	_ =	sfence.sel $0xFFFF  }
0xbf: {  	[dreg:$0x0] =	wrdreg $0xFFFFFFFF;
	(pc) =	sbr.abs _section_cstart, $3  }
0xc0: {  	[dreg:$0x1] =	wrdreg $0xFFFFFFFF  }
0xc1: {  	_ =	task.clear_ibuf [dreg:s7], $0x2FFFF;
	_ =	strace $0x9FFFFFFF  }
0xc2: {  	(tm) =	ssettm $0x7FFFFFFF  }
0xc3: {  	_ =	shalt  }
tec
execute0_lowered:
.L_overlay_start_1:
0x0: {  	(tag) =	ssettag $0x1  }
0x1: {  	s1 =	rddreg [dreg:$0x0]  }
0x2: {  	s4 =	rddreg [dreg:$0x1];
	s3 =	srdreg.scid  }
0x3: {  	s0 =	rddreg [dreg:$0x2];
	s2 =	simm.s32 $0x0;
	s8 =	simm.s32 $0x2000  }
.Ltmp0:
0x4: {  	s9 =	simm.s32 $0x0;
	s5 =	sand.u32 $0x1, s3;
	(pc) =	sbr.rel .LBB2_1-.Ltmp0, $4  }
0x5: {  	[smem:$0x7FF] =	sst s2;
	s3 =	stileid.u32;
	s6 =	ssub.s32 $0x2, s5  }
0x6: {  	s4 =	sadd.s32 $0x2200, s4;
	_ =	strace $0x80000047;
	s7 =	sshrl.u32 s6, $0x1  }
0x7: {  	s31 =	sshll.u32 s3, $0xA;
	s5 =	sshll.u32 s5, $0x9;
	s6 =	ssub.s32 s6, s7  }
0x8: {  	s5 =	sor.u32 s5, s31;
	s7 =	simm.s32 $0x1;
	s6 =	smax.u32 s6, $0x1  }
.LBB2_71:
0x9: {  	s9 =	sadd.s32 $0x1, s9  }
0xa: {  	p0 =	sne.s32 s9, s6  }
.Ltmp1:
0xb: {  	_ = 	snop;
	(pc) =	sbr.rel @!p0 .LBB2_72-.Ltmp1, $1  }
0xc: {  	_ =	sdelay $0x3  }
.LBB2_1:
0xd: {  	s10 =	simm.s32 $0x0  }
.LBB2_2:
0xe: {  	s11 =	sshll.u32 s10, $0x4  }
0xf: {  	s11 =	sadd.s32 s5, s11  }
0x10: {  	s12 =	sshll.u32 s11, $0x6  }
0x11: {  	s13 =	sadd.s32 s1, s12;
	s12 =	simm.s32 $0x0  }
0x12: {  	[tilespmem:s12], [sflag:$0x1] =	stream.linear.gather [hbm4b:s13+s12], $0x2000, $0x38;
	[tilespmem:$0x3000] =	vst v63  }
0x13: {  	_ =	swait.ge [sflag:s7], $0x2000  }
0x14: {  	s30 =	sand.u32 $0x60, s12;
	s14 =	sand.u32 $0xC00, s12;
	[sflag:s7] =	ssyncset.done $0x0  }
0x15: {  	s13 =	sor.u32 s30, s14;
	[sflag:s7] =	ssyncadd.s32 $0xFFFFE000  }
0x16: {  	v0 =	vld [tilespmem:s13+$0x10]  }
0x17: {  	v1 =	vld [tilespmem:s13+$0x0];
	_ =	sdelay $0x2  }
0x18: {  	s31 =	simm.s32 $0x20;
	s16 =	simm.s32 $0x100  }
0x19: {  	s19 =	simm.s32 $0x40;
	s15 =	sand.u32 $0x70, s12;
	s17 =	sand.u32 $0x400, s12  }
0x1a: {  	s18 =	sand.u32 $0xC00, s16;
	s14 =	sand.u32 $0x60, s31;
	s15 =	sor.u32 s15, s17;
	v0 =	vpack.i.f32.bf16 v0, v1  }
0x1b: {  	s17 =	simm.s32 $0x0;
	s20 =	sor.u32 s14, s18;
	s18 =	simm.s32 $0x0;
	[tilespmem:s15+$0x2000] =	vst v0  }
.LBB2_3:
0x1c: {  	p0 =	sne.s32 s19, $0x1E0;
	v0 =	vld [tilespmem:s20+$0x10]  }
0x1d: {  	v1 =	vld [tilespmem:s20+$0x0];
	_ =	sdelay $0x1  }
.Ltmp2:
0x1e: {  	(pc) =	sbr.rel @p0 .LBB2_3-.Ltmp2, $4  }
0x1f: {  	s17 =	sadd.s32 $0x80, s17;
	s18 =	sadd.s32 $0x10, s18  }
0x20: {  	s16 =	sadd.s32 $0x100, s16;
	s20 =	sand.u32 $0x70, s18;
	s21 =	sand.u32 $0x400, s17  }
0x21: {  	s22 =	sand.u32 $0x60, s19;
	s23 =	sand.u32 $0xC00, s16;
	s21 =	sor.u32 s20, s21;
	v0 =	vpack.i.f32.bf16 v0, v1  }
0x22: {  	s19 =	sadd.s32 $0x20, s19;
	s20 =	sor.u32 s22, s23;
	[tilespmem:s21+$0x2000] =	vst v0  }
0x23: {  	v0 =	vld [tilespmem:s20+$0x10]  }
0x24: {  	v1 =	vld [tilespmem:s20+$0x0];
	_ =	sdelay $0x2  }
0x25: {  	s16 =	sadd.s32 $0x80, s17;
	s30 =	sadd.s32 $0x10, s18  }
0x26: {  	s17 =	sand.u32 $0x70, s30;
	s16 =	sand.u32 $0x400, s16  }
0x27: {  	s16 =	sor.u32 s17, s16;
	v0 =	vpack.i.f32.bf16 v0, v1  }
0x28: {  	[tilespmem:s16+$0x2000] =	vst v0  }
0x29: {  	v0 =	vld [tilespmem:s13+$0x90]  }
0x2a: {  	v63 =	vld [tilespmem:s13+$0x80];
	_ =	sdelay $0x3  }
0x2b: {  	s13 =	simm.s32 $0x100  }
0x2c: {  	s31 =	sand.u32 $0xC00, s13;
	v0 =	vpack.i.f32.bf16 v0, v63  }
0x2d: {  	s16 =	simm.s32 $0x40;
	s17 =	sor.u32 s14, s31;
	s14 =	simm.s32 $0x0;
	[tilespmem:s15+$0x2080] =	vst v0  }
.LBB2_5:
0x2e: {  	p0 =	sne.s32 s16, $0x1E0;
	v0 =	vld [tilespmem:s17+$0x90]  }
0x2f: {  	v1 =	vld [tilespmem:s17+$0x80];
	_ =	sdelay $0x1  }
.Ltmp3:
0x30: {  	(pc) =	sbr.rel @p0 .LBB2_5-.Ltmp3, $4  }
0x31: {  	s12 =	sadd.s32 $0x80, s12;
	s14 =	sadd.s32 $0x10, s14  }
0x32: {  	s13 =	sadd.s32 $0x100, s13;
	s15 =	sand.u32 $0x70, s14;
	s17 =	sand.u32 $0x400, s12  }
0x33: {  	s18 =	sand.u32 $0x60, s16;
	s19 =	sand.u32 $0xC00, s13;
	s15 =	sor.u32 s15, s17;
	v0 =	vpack.i.f32.bf16 v0, v1  }
0x34: {  	s16 =	sadd.s32 $0x20, s16;
	s17 =	sor.u32 s18, s19;
	[tilespmem:s15+$0x2080] =	vst v0  }
0x35: {  	v0 =	vld [tilespmem:s17+$0x90]  }
0x36: {  	v1 =	vld [tilespmem:s17+$0x80]  }
0x37: {  	s13 =	sadd.s32 $0x10, s14;
	s30 =	sadd.s32 $0x80, s12;
	p1 =	por $0x1, $0x1  }
.Ltmp4:
0x38: {  	s12 =	simm.s32 $0x0;
	p0 =	por $0x0, $0x0;
	(pc) =	sbr.rel @!p1 .LBB2_10-.Ltmp4, $4  }
0x39: {  	s18 =	simm.s32 $0x0;
	p2 =	por $0x0, $0x0;
	s13 =	sand.u32 $0x70, s13  }
0x3a: {  	s14 =	sand.u32 $0x400, s30;
	s15 =	sand.u32 $0x60, s12;
	s16 =	sand.u32 $0xC00, s12  }
0x3b: {  	s31 =	sor.u32 s13, s14;
	s13 =	sor.u32 s15, s16;
	s15 =	simm.s32 $0x20;
	v0 =	vpack.i.f32.bf16 v0, v1  }
0x3c: {  	s14 =	sand.u32 $0x70, s12;
	s16 =	simm.s32 $0x0;
	s20 =	smov.u32 s13;
	[tilespmem:s31+$0x2080] =	vst v0  }
0x3d: {  	v0 =	vld [tilespmem:s13+$0x110]  }
0x3e: {  	v1 =	vld [tilespmem:s13+$0x100]  }
0x3f: {  	p3 =	por $0x1, $0x1  }
.Ltmp5:
0x40: {  	_ = 	snop;
	(pc) =	sbr.rel @!p3 .LBB2_8-.Ltmp5, $4  }
0x41: {  	s17 =	simm.s32 $0x100  }
0x42: {  	s16 =	sand.u32 $0x400, s12;
	s18 =	sand.u32 $0x60, s15;
	s19 =	sand.u32 $0xC00, s17  }
0x43: {  	p2 =	por $0x1, $0x1;
	s16 =	sor.u32 s14, s16;
	s20 =	sor.u32 s18, s19;
	v0 =	vpack.i.f32.bf16 v0, v1  }
0x44: {  	s19 =	simm.s32 $0x40;
	s18 =	simm.s32 $0x0;
	[tilespmem:s16+$0x2100] =	vst v0;
	s16 =	simm.s32 $0x0  }
.LBB2_9:
0x45: {  	p3 =	sne.s32 s19, $0x1E0;
	v0 =	vld [tilespmem:s20+$0x110]  }
0x46: {  	v1 =	vld [tilespmem:s20+$0x100];
	_ =	sdelay $0x1  }
.Ltmp6:
0x47: {  	(pc) =	sbr.rel @p3 .LBB2_9-.Ltmp6, $4  }
0x48: {  	s16 =	sadd.s32 $0x80, s16;
	s18 =	sadd.s32 $0x10, s18  }
0x49: {  	s17 =	sadd.s32 $0x100, s17;
	s20 =	sand.u32 $0x70, s18;
	s21 =	sand.u32 $0x400, s16  }
0x4a: {  	s22 =	sand.u32 $0x60, s19;
	s23 =	sand.u32 $0xC00, s17;
	s21 =	sor.u32 s20, s21;
	v0 =	vpack.i.f32.bf16 v0, v1  }
0x4b: {  	s19 =	sadd.s32 $0x20, s19;
	s20 =	sor.u32 s22, s23;
	[tilespmem:s21+$0x2100] =	vst v0  }
.LBB2_10:
0x4c: {  	v0 =	vld [tilespmem:s20+$0x110]  }
0x4d: {  	v1 =	vld [tilespmem:s20+$0x100]  }
0x4e: {  	s16 =	sadd.s32 @p2 $0x80, s16;
	s17 =	sadd.s32 @p2 $0x10, s18  }
.Ltmp7:
0x4f: {  	s18 =	simm.s32 $0x0;
	s19 =	simm.s32 $0x0;
	(pc) =	sbr.rel @!p1 .LBB2_11-.Ltmp7, $4  }
0x50: {  	s18 =	smov.u32 @p2 s17;
	s19 =	smov.u32 @p2 s16  }
0x51: {  	s30 =	sand.u32 $0x70, s18;
	s31 =	sand.u32 $0x400, s19  }
0x52: {  	s16 =	sor.u32 s30, s31;
	v0 =	vpack.i.f32.bf16 v0, v1  }
0x53: {  	[tilespmem:s16+$0x2100] =	vst v0  }
0x54: {  	v0 =	vld [tilespmem:s13+$0x190]  }
0x55: {  	v1 =	vld [tilespmem:s13+$0x180]  }
0x56: {  	p1 =	por $0x1, $0x1  }
.Ltmp8:
0x57: {  	_ = 	snop;
	(pc) =	sbr.rel @!p1 .LBB2_13-.Ltmp8, $4  }
0x58: {  	s16 =	simm.s32 $0x100  }
0x59: {  	s31 =	sand.u32 $0x400, s12;
	s15 =	sand.u32 $0x60, s15;
	s17 =	sand.u32 $0xC00, s16  }
0x5a: {  	p0 =	por $0x1, $0x1;
	s14 =	sor.u32 s14, s31;
	s13 =	sor.u32 s15, s17;
	v0 =	vpack.i.f32.bf16 v0, v1  }
0x5b: {  	s17 =	simm.s32 $0x40;
	s15 =	simm.s32 $0x0;
	[tilespmem:s14+$0x2180] =	vst v0;
	s14 =	simm.s32 $0x0  }
.LBB2_14:
0x5c: {  	p1 =	sne.s32 s17, $0x1E0;
	v0 =	vld [tilespmem:s13+$0x190]  }
0x5d: {  	v1 =	vld [tilespmem:s13+$0x180];
	_ =	sdelay $0x1  }
.Ltmp9:
0x5e: {  	(pc) =	sbr.rel @p1 .LBB2_14-.Ltmp9, $4  }
0x5f: {  	s14 =	sadd.s32 $0x80, s14;
	s15 =	sadd.s32 $0x10, s15  }
0x60: {  	s16 =	sadd.s32 $0x100, s16;
	s13 =	sand.u32 $0x70, s15;
	s18 =	sand.u32 $0x400, s14  }
0x61: {  	s19 =	sand.u32 $0x60, s17;
	s20 =	sand.u32 $0xC00, s16;
	s18 =	sor.u32 s13, s18;
	v0 =	vpack.i.f32.bf16 v0, v1  }
0x62: {  	s17 =	sadd.s32 $0x20, s17;
	s13 =	sor.u32 s19, s20;
	[tilespmem:s18+$0x2180] =	vst v0  }
.LBB2_15:
0x63: {  	v0 =	vld [tilespmem:s13+$0x190]  }
0x64: {  	v1 =	vld [tilespmem:s13+$0x180];
	s13 =	sadd.s32 @p0 $0x10, s15;
	s15 =	simm.s32 $0x0;
	s14 =	sadd.s32 @p0 $0x80, s14  }
0x65: {  	p1 =	por $0x1, $0x1;
	s18 =	simm.s32 $0x0;
	p2 =	por $0x0, $0x0  }
.Ltmp10:
0x66: {  	s15 =	smov.u32 @p0 s13;
	s12 =	smov.u32 @p0 s14;
	(pc) =	sbr.rel @!p1 .LBB2_19-.Ltmp10, $4  }
0x67: {  	s13 =	simm.s32 $0x0;
	p0 =	por $0x0, $0x0;
	s15 =	sand.u32 $0x70, s15  }
0x68: {  	s12 =	sand.u32 $0x400, s12;
	s31 =	sand.u32 $0x60, s13;
	s16 =	sand.u32 $0xC00, s13  }
0x69: {  	s14 =	sand.u32 $0x70, s13;
	s17 =	sor.u32 s15, s12;
	s12 =	sor.u32 s31, s16;
	v0 =	vpack.i.f32.bf16 v0, v1  }
0x6a: {  	s15 =	simm.s32 $0x20;
	s16 =	simm.s32 $0x0;
	s20 =	smov.u32 s12;
	[tilespmem:s17+$0x2180] =	vst v0  }
0x6b: {  	v0 =	vld [tilespmem:s12+$0x210]  }
0x6c: {  	v1 =	vld [tilespmem:s12+$0x200]  }
0x6d: {  	p3 =	por $0x1, $0x1  }
.Ltmp11:
0x6e: {  	_ = 	snop;
	(pc) =	sbr.rel @!p3 .LBB2_17-.Ltmp11, $4  }
0x6f: {  	s17 =	simm.s32 $0x100  }
0x70: {  	s16 =	sand.u32 $0x400, s13;
	s18 =	sand.u32 $0x60, s15;
	s19 =	sand.u32 $0xC00, s17  }
0x71: {  	p2 =	por $0x1, $0x1;
	s16 =	sor.u32 s14, s16;
	s20 =	sor.u32 s18, s19;
	v0 =	vpack.i.f32.bf16 v0, v1  }
0x72: {  	s19 =	simm.s32 $0x40;
	s18 =	simm.s32 $0x0;
	[tilespmem:s16+$0x2200] =	vst v0;
	s16 =	simm.s32 $0x0  }
.LBB2_18:
0x73: {  	p3 =	sne.s32 s19, $0x1E0;
	v0 =	vld [tilespmem:s20+$0x210]  }
0x74: {  	v1 =	vld [tilespmem:s20+$0x200];
	_ =	sdelay $0x1  }
.Ltmp12:
0x75: {  	(pc) =	sbr.rel @p3 .LBB2_18-.Ltmp12, $4  }
0x76: {  	s16 =	sadd.s32 $0x80, s16;
	s18 =	sadd.s32 $0x10, s18  }
0x77: {  	s17 =	sadd.s32 $0x100, s17;
	s20 =	sand.u32 $0x70, s18;
	s21 =	sand.u32 $0x400, s16  }
0x78: {  	s22 =	sand.u32 $0x60, s19;
	s23 =	sand.u32 $0xC00, s17;
	s21 =	sor.u32 s20, s21;
	v0 =	vpack.i.f32.bf16 v0, v1  }
0x79: {  	s19 =	sadd.s32 $0x20, s19;
	s20 =	sor.u32 s22, s23;
	[tilespmem:s21+$0x2200] =	vst v0  }
.LBB2_19:
0x7a: {  	v0 =	vld [tilespmem:s20+$0x210]  }
0x7b: {  	v1 =	vld [tilespmem:s20+$0x200]  }
0x7c: {  	s16 =	sadd.s32 @p2 $0x80, s16;
	s17 =	sadd.s32 @p2 $0x10, s18  }
.Ltmp13:
0x7d: {  	s18 =	simm.s32 $0x0;
	s19 =	simm.s32 $0x0;
	(pc) =	sbr.rel @!p1 .LBB2_20-.Ltmp13, $4  }
0x7e: {  	s18 =	smov.u32 @p2 s17;
	s19 =	smov.u32 @p2 s16  }
0x7f: {  	s30 =	sand.u32 $0x70, s18;
	s31 =	sand.u32 $0x400, s19  }
0x80: {  	s16 =	sor.u32 s30, s31;
	v0 =	vpack.i.f32.bf16 v0, v1  }
0x81: {  	[tilespmem:s16+$0x2200] =	vst v0  }
0x82: {  	v0 =	vld [tilespmem:s12+$0x290]  }
0x83: {  	v1 =	vld [tilespmem:s12+$0x280]  }
0x84: {  	p1 =	por $0x1, $0x1  }
.Ltmp14:
0x85: {  	_ = 	snop;
	(pc) =	sbr.rel @!p1 .LBB2_22-.Ltmp14, $4  }
0x86: {  	s16 =	simm.s32 $0x100  }
0x87: {  	s31 =	sand.u32 $0x400, s13;
	s15 =	sand.u32 $0x60, s15;
	s17 =	sand.u32 $0xC00, s16  }
0x88: {  	p0 =	por $0x1, $0x1;
	s14 =	sor.u32 s14, s31;
	s12 =	sor.u32 s15, s17;
	v0 =	vpack.i.f32.bf16 v0, v1  }
0x89: {  	s17 =	simm.s32 $0x40;
	s15 =	simm.s32 $0x0;
	[tilespmem:s14+$0x2280] =	vst v0;
	s14 =	simm.s32 $0x0  }
.LBB2_23:
0x8a: {  	p1 =	sne.s32 s17, $0x1E0;
	v0 =	vld [tilespmem:s12+$0x290]  }
0x8b: {  	v1 =	vld [tilespmem:s12+$0x280];
	_ =	sdelay $0x1  }
.Ltmp15:
0x8c: {  	(pc) =	sbr.rel @p1 .LBB2_23-.Ltmp15, $4  }
0x8d: {  	s14 =	sadd.s32 $0x80, s14;
	s15 =	sadd.s32 $0x10, s15  }
0x8e: {  	s16 =	sadd.s32 $0x100, s16;
	s12 =	sand.u32 $0x70, s15;
	s18 =	sand.u32 $0x400, s14  }
0x8f: {  	s19 =	sand.u32 $0x60, s17;
	s20 =	sand.u32 $0xC00, s16;
	s18 =	sor.u32 s12, s18;
	v0 =	vpack.i.f32.bf16 v0, v1  }
0x90: {  	s17 =	sadd.s32 $0x20, s17;
	s12 =	sor.u32 s19, s20;
	[tilespmem:s18+$0x2280] =	vst v0  }
.LBB2_24:
0x91: {  	v0 =	vld [tilespmem:s12+$0x290]  }
0x92: {  	v1 =	vld [tilespmem:s12+$0x280]  }
0x93: {  	s12 =	sadd.s32 @p0 $0x80, s14;
	p1 =	por $0x1, $0x1  }
.Ltmp16:
0x94: {  	s14 =	sadd.s32 @p0 $0x10, s15;
	s15 =	simm.s32 $0x0;
	(pc) =	sbr.rel @!p1 .LBB2_25-.Ltmp16, $4  }
0x95: {  	s15 =	smov.u32 @p0 s14;
	s13 =	smov.u32 @p0 s12  }
0x96: {  	s12 =	simm.s32 $0x0;
	s14 =	sand.u32 $0x70, s15;
	s13 =	sand.u32 $0x400, s13  }
0x97: {  	s31 =	sand.u32 $0x3, s12;
	s13 =	sor.u32 s14, s13;
	v0 =	vpack.i.f32.bf16 v0, v1  }
0x98: {  	p0 =	por $0x0, $0x0;
	s18 =	sshll.u32 s31, $0x5;
	[tilespmem:s13+$0x2280] =	vst v0;
	s13 =	simm.s32 $0x20  }
0x99: {  	s14 =	sadd.s32 $0x0, s18  }
0x9a: {  	s15 =	sor.u32 $0x310, s14  }
0x9b: {  	p3 =	por $0x1, $0x1;
	s16 =	sor.u32 $0x300, s14;
	v0 =	vld [tilespmem:s15+$0x0]  }
.Ltmp17:
0x9c: {  	v1 =	vld [tilespmem:s16+$0x0];
	(pc) =	sbr.rel @!p3 .LBB2_27-.Ltmp17, $4  }
0x9d: {  	s17 =	simm.s32 $0x1  }
0x9e: {  	s19 =	sand.u32 $0x70, s12;
	s20 =	simm.s32 $0x40;
	s21 =	sand.u32 $0x400, s12  }
0x9f: {  	p2 =	por $0x1, $0x1;
	s31 =	sand.u32 $0x3, s17;
	s14 =	simm.s32 $0x100  }
0xa0: {  	s18 =	sshll.u32 s31, $0x5;
	s15 =	simm.s32 $0x0;
	s16 =	simm.s32 $0x0  }
.LBB2_28:
0xa1: {  	p3 =	sne.s32 s20, $0x1E0;
	s18 =	sadd.s32 s18, s14;
	v0 =	vpack.i.f32.bf16 v0, v1;
	s19 =	sor.u32 s19, s21  }
0xa2: {  	s21 =	sor.u32 $0x310, s18;
	[tilespmem:s19+$0x2300] =	vst v0  }
0xa3: {  	s18 =	sor.u32 $0x300, s18;
	v0 =	vld [tilespmem:s21+$0x0]  }
.Ltmp18:
0xa4: {  	v1 =	vld [tilespmem:s18+$0x0];
	(pc) =	sbr.rel @p3 .LBB2_28-.Ltmp18, $4  }
0xa5: {  	_ = 	snop  }
0xa6: {  	s17 =	sadd.s32 $0x1, s17;
	s15 =	sadd.s32 $0x80, s15;
	s16 =	sadd.s32 $0x10, s16  }
0xa7: {  	s14 =	sadd.s32 $0x100, s14;
	s19 =	sand.u32 $0x70, s16;
	s18 =	sand.u32 $0x3, s17  }
0xa8: {  	s20 =	sadd.s32 $0x20, s20;
	s21 =	sand.u32 $0x400, s15;
	s18 =	sshll.u32 s18, $0x5  }
.LBB2_29:
0xa9: {  	s14 =	sadd.s32 s18, s14;
	v0 =	vpack.i.f32.bf16 @p2 v0, v1;
	s17 =	sor.u32 @p2 s19, s21  }
0xaa: {  	s18 =	sor.u32 $0x310, s14;
	[tilespmem:s17+$0x2300] =	vst @p2 v0  }
0xab: {  	s14 =	sor.u32 $0x300, s14;
	v0 =	vld [tilespmem:s18+$0x0]  }
0xac: {  	v63 =	vld [tilespmem:s14+$0x0]  }
0xad: {  	s17 =	simm.s32 $0x0;
	s14 =	sadd.s32 @p2 $0x80, s15  }
.Ltmp19:
0xae: {  	s15 =	sadd.s32 @p2 $0x10, s16;
	s16 =	simm.s32 $0x0;
	(pc) =	sbr.rel @!p1 .LBB2_30-.Ltmp19, $4  }
0xaf: {  	s16 =	smov.u32 @p2 s15;
	s17 =	smov.u32 @p2 s14  }
0xb0: {  	s30 =	sand.u32 $0x70, s16;
	s31 =	sand.u32 $0x400, s17  }
0xb1: {  	s14 =	sor.u32 s12, s12;
	s15 =	sor.u32 s30, s31;
	v0 =	vpack.i.f32.bf16 v0, v63  }
0xb2: {  	s17 =	sor.u32 $0x390, s14;
	[tilespmem:s15+$0x2300] =	vst v0  }
0xb3: {  	s15 =	sor.u32 $0x380, s14;
	v0 =	vld [tilespmem:s17+$0x0]  }
0xb4: {  	v1 =	vld [tilespmem:s15+$0x0]  }
0xb5: {  	p1 =	por $0x1, $0x1  }
.Ltmp20:
0xb6: {  	_ = 	snop;
	(pc) =	sbr.rel @!p1 .LBB2_32-.Ltmp20, $4  }
0xb7: {  	_ = 	snop  }
0xb8: {  	s16 =	simm.s32 $0x100  }
0xb9: {  	s18 =	simm.s32 $0x40;
	p0 =	por $0x1, $0x1;
	s14 =	sor.u32 s13, s16;
	v0 =	vpack.i.f32.bf16 v0, v1  }
0xba: {  	s13 =	simm.s32 $0x0;
	s17 =	sor.u32 $0x390, s14;
	[tilespmem:s15+$0x2000] =	vst v0;
	s15 =	simm.s32 $0x0  }
.LBB2_33:
0xbb: {  	p1 =	sne.s32 s18, $0x1E0;
	s14 =	sor.u32 $0x380, s14;
	v0 =	vld [tilespmem:s17+$0x0]  }
0xbc: {  	v1 =	vld [tilespmem:s14+$0x0];
	_ =	sdelay $0x1  }
.Ltmp21:
0xbd: {  	(pc) =	sbr.rel @p1 .LBB2_33-.Ltmp21, $4  }
0xbe: {  	s13 =	sadd.s32 $0x80, s13;
	s15 =	sadd.s32 $0x10, s15  }
0xbf: {  	s16 =	sadd.s32 $0x100, s16;
	s17 =	sor.u32 s13, s15  }
0xc0: {  	s14 =	sor.u32 s18, s16;
	s19 =	sor.u32 $0x380, s17;
	v0 =	vpack.i.f32.bf16 v0, v1  }
0xc1: {  	s18 =	sadd.s32 $0x20, s18;
	s17 =	sor.u32 $0x390, s14;
	[tilespmem:s19+$0x2000] =	vst v0  }
.LBB2_34:
0xc2: {  	s14 =	sor.u32 $0x380, s14;
	v0 =	vld [tilespmem:s17+$0x0]  }
0xc3: {  	s13 =	sadd.s32 @p0 $0x80, s13;
	p1 =	por $0x1, $0x1;
	v1 =	vld [tilespmem:s14+$0x0]  }
0xc4: {  	s18 =	simm.s32 $0x0;
	s14 =	sadd.s32 @p0 $0x10, s15;
	s15 =	simm.s32 $0x0  }
.Ltmp22:
0xc5: {  	s12 =	smov.u32 @p0 s13;
	s13 =	simm.s32 $0x0;
	(pc) =	sbr.rel @!p1 .LBB2_38-.Ltmp22, $4  }
0xc6: {  	p2 =	por $0x0, $0x0;
	s15 =	smov.u32 @p0 s14;
	s30 =	sand.u32 $0x60, s13  }
0xc7: {  	s31 =	sand.u32 $0xC00, s13;
	p0 =	por $0x0, $0x0;
	s12 =	sor.u32 s12, s15  }
0xc8: {  	s14 =	sand.u32 $0x70, s13;
	s16 =	sor.u32 $0x380, s12;
	s12 =	sor.u32 s30, s31;
	v0 =	vpack.i.f32.bf16 v0, v1  }
0xc9: {  	s15 =	simm.s32 $0x20;
	s20 =	smov.u32 s12;
	[tilespmem:s16+$0x2000] =	vst v0;
	s16 =	simm.s32 $0x0  }
0xca: {  	v0 =	vld [tilespmem:s12+$0x1010]  }
0xcb: {  	v1 =	vld [tilespmem:s12+$0x1000]  }
0xcc: {  	p3 =	por $0x1, $0x1  }
.Ltmp23:
0xcd: {  	_ = 	snop;
	(pc) =	sbr.rel @!p3 .LBB2_36-.Ltmp23, $4  }
0xce: {  	s17 =	simm.s32 $0x100  }
0xcf: {  	s16 =	sand.u32 $0x400, s13;
	s18 =	sand.u32 $0x60, s15;
	s19 =	sand.u32 $0xC00, s17  }
0xd0: {  	p2 =	por $0x1, $0x1;
	s16 =	sor.u32 s14, s16;
	s20 =	sor.u32 s18, s19;
	v0 =	vpack.i.f32.bf16 v0, v1  }
0xd1: {  	s19 =	simm.s32 $0x40;
	s18 =	simm.s32 $0x0;
	[tilespmem:s16+$0x2800] =	vst v0;
	s16 =	simm.s32 $0x0  }
.LBB2_37:
0xd2: {  	p3 =	sne.s32 s19, $0x1E0;
	v0 =	vld [tilespmem:s20+$0x1010]  }
0xd3: {  	v1 =	vld [tilespmem:s20+$0x1000];
	_ =	sdelay $0x1  }
.Ltmp24:
0xd4: {  	(pc) =	sbr.rel @p3 .LBB2_37-.Ltmp24, $4  }
0xd5: {  	s16 =	sadd.s32 $0x80, s16;
	s18 =	sadd.s32 $0x10, s18  }
0xd6: {  	s17 =	sadd.s32 $0x100, s17;
	s20 =	sand.u32 $0x70, s18;
	s21 =	sand.u32 $0x400, s16  }
0xd7: {  	s22 =	sand.u32 $0x60, s19;
	s23 =	sand.u32 $0xC00, s17;
	s21 =	sor.u32 s20, s21;
	v0 =	vpack.i.f32.bf16 v0, v1  }
0xd8: {  	s19 =	sadd.s32 $0x20, s19;
	s20 =	sor.u32 s22, s23;
	[tilespmem:s21+$0x2800] =	vst v0  }
.LBB2_38:
0xd9: {  	v0 =	vld [tilespmem:s20+$0x1010]  }
0xda: {  	v1 =	vld [tilespmem:s20+$0x1000]  }
0xdb: {  	s16 =	sadd.s32 @p2 $0x80, s16;
	s17 =	sadd.s32 @p2 $0x10, s18  }
.Ltmp25:
0xdc: {  	s18 =	simm.s32 $0x0;
	s19 =	simm.s32 $0x0;
	(pc) =	sbr.rel @!p1 .LBB2_39-.Ltmp25, $4  }
0xdd: {  	s18 =	smov.u32 @p2 s17;
	s19 =	smov.u32 @p2 s16  }
0xde: {  	s30 =	sand.u32 $0x70, s18;
	s31 =	sand.u32 $0x400, s19  }
0xdf: {  	s16 =	sor.u32 s30, s31;
	v0 =	vpack.i.f32.bf16 v0, v1  }
0xe0: {  	[tilespmem:s16+$0x2800] =	vst v0  }
0xe1: {  	v0 =	vld [tilespmem:s12+$0x1090]  }
0xe2: {  	v1 =	vld [tilespmem:s12+$0x1080]  }
0xe3: {  	p1 =	por $0x1, $0x1  }
.Ltmp26:
0xe4: {  	_ = 	snop;
	(pc) =	sbr.rel @!p1 .LBB2_41-.Ltmp26, $4  }
0xe5: {  	s16 =	simm.s32 $0x100  }
0xe6: {  	s31 =	sand.u32 $0x400, s13;
	s15 =	sand.u32 $0x60, s15;
	s17 =	sand.u32 $0xC00, s16  }
0xe7: {  	p0 =	por $0x1, $0x1;
	s14 =	sor.u32 s14, s31;
	s12 =	sor.u32 s15, s17;
	v0 =	vpack.i.f32.bf16 v0, v1  }
0xe8: {  	s17 =	simm.s32 $0x40;
	s15 =	simm.s32 $0x0;
	[tilespmem:s14+$0x2880] =	vst v0;
	s14 =	simm.s32 $0x0  }
.LBB2_42:
0xe9: {  	p1 =	sne.s32 s17, $0x1E0;
	v0 =	vld [tilespmem:s12+$0x1090]  }
0xea: {  	v1 =	vld [tilespmem:s12+$0x1080];
	_ =	sdelay $0x1  }
.Ltmp27:
0xeb: {  	(pc) =	sbr.rel @p1 .LBB2_42-.Ltmp27, $4  }
0xec: {  	s14 =	sadd.s32 $0x80, s14;
	s15 =	sadd.s32 $0x10, s15  }
0xed: {  	s16 =	sadd.s32 $0x100, s16;
	s12 =	sand.u32 $0x70, s15;
	s18 =	sand.u32 $0x400, s14  }
0xee: {  	s19 =	sand.u32 $0x60, s17;
	s20 =	sand.u32 $0xC00, s16;
	s18 =	sor.u32 s12, s18;
	v0 =	vpack.i.f32.bf16 v0, v1  }
0xef: {  	s17 =	sadd.s32 $0x20, s17;
	s12 =	sor.u32 s19, s20;
	[tilespmem:s18+$0x2880] =	vst v0  }
.LBB2_43:
0xf0: {  	v0 =	vld [tilespmem:s12+$0x1090]  }
0xf1: {  	v1 =	vld [tilespmem:s12+$0x1080];
	s12 =	sadd.s32 @p0 $0x10, s15;
	s15 =	simm.s32 $0x0;
	s14 =	sadd.s32 @p0 $0x80, s14  }
0xf2: {  	p1 =	por $0x1, $0x1;
	s18 =	simm.s32 $0x0;
	p2 =	por $0x0, $0x0  }
.Ltmp28:
0xf3: {  	s15 =	smov.u32 @p0 s12;
	s13 =	smov.u32 @p0 s14;
	(pc) =	sbr.rel @!p1 .LBB2_47-.Ltmp28, $4  }
0xf4: {  	s12 =	simm.s32 $0x0;
	p0 =	por $0x0, $0x0;
	s15 =	sand.u32 $0x70, s15  }
0xf5: {  	s13 =	sand.u32 $0x400, s13;
	s31 =	sand.u32 $0x60, s12;
	s16 =	sand.u32 $0xC00, s12  }
0xf6: {  	s14 =	sand.u32 $0x70, s12;
	s17 =	sor.u32 s15, s13;
	s13 =	sor.u32 s31, s16;
	v0 =	vpack.i.f32.bf16 v0, v1  }
0xf7: {  	s15 =	simm.s32 $0x20;
	s16 =	simm.s32 $0x0;
	s20 =	smov.u32 s13;
	[tilespmem:s17+$0x2880] =	vst v0  }
0xf8: {  	v0 =	vld [tilespmem:s13+$0x1110]  }
0xf9: {  	v1 =	vld [tilespmem:s13+$0x1100]  }
0xfa: {  	p3 =	por $0x1, $0x1  }
.Ltmp29:
0xfb: {  	_ = 	snop;
	(pc) =	sbr.rel @!p3 .LBB2_45-.Ltmp29, $4  }
0xfc: {  	s17 =	simm.s32 $0x100  }
0xfd: {  	s16 =	sand.u32 $0x400, s12;
	s18 =	sand.u32 $0x60, s15;
	s19 =	sand.u32 $0xC00, s17  }
0xfe: {  	p2 =	por $0x1, $0x1;
	s16 =	sor.u32 s14, s16;
	s20 =	sor.u32 s18, s19;
	v0 =	vpack.i.f32.bf16 v0, v1  }
0xff: {  	s19 =	simm.s32 $0x40;
	s18 =	simm.s32 $0x0;
	[tilespmem:s16+$0x2900] =	vst v0;
	s16 =	simm.s32 $0x0  }
.LBB2_46:
0x100: {  	p3 =	sne.s32 s19, $0x1E0;
	v0 =	vld [tilespmem:s20+$0x1110]  }
0x101: {  	v1 =	vld [tilespmem:s20+$0x1100];
	_ =	sdelay $0x1  }
.Ltmp30:
0x102: {  	(pc) =	sbr.rel @p3 .LBB2_46-.Ltmp30, $4  }
0x103: {  	s16 =	sadd.s32 $0x80, s16;
	s18 =	sadd.s32 $0x10, s18  }
0x104: {  	s17 =	sadd.s32 $0x100, s17;
	s20 =	sand.u32 $0x70, s18;
	s21 =	sand.u32 $0x400, s16  }
0x105: {  	s22 =	sand.u32 $0x60, s19;
	s23 =	sand.u32 $0xC00, s17;
	s21 =	sor.u32 s20, s21;
	v0 =	vpack.i.f32.bf16 v0, v1  }
0x106: {  	s19 =	sadd.s32 $0x20, s19;
	s20 =	sor.u32 s22, s23;
	[tilespmem:s21+$0x2900] =	vst v0  }
.LBB2_47:
0x107: {  	v0 =	vld [tilespmem:s20+$0x1110]  }
0x108: {  	v1 =	vld [tilespmem:s20+$0x1100]  }
0x109: {  	s16 =	sadd.s32 @p2 $0x80, s16;
	s17 =	sadd.s32 @p2 $0x10, s18  }
.Ltmp31:
0x10a: {  	s18 =	simm.s32 $0x0;
	s19 =	simm.s32 $0x0;
	(pc) =	sbr.rel @!p1 .LBB2_48-.Ltmp31, $4  }
0x10b: {  	s18 =	smov.u32 @p2 s17;
	s19 =	smov.u32 @p2 s16  }
0x10c: {  	s30 =	sand.u32 $0x70, s18;
	s31 =	sand.u32 $0x400, s19  }
0x10d: {  	s16 =	sor.u32 s30, s31;
	v0 =	vpack.i.f32.bf16 v0, v1  }
0x10e: {  	[tilespmem:s16+$0x2900] =	vst v0  }
0x10f: {  	v0 =	vld [tilespmem:s13+$0x1190]  }
0x110: {  	v1 =	vld [tilespmem:s13+$0x1180]  }
0x111: {  	p1 =	por $0x1, $0x1  }
.Ltmp32:
0x112: {  	_ = 	snop;
	(pc) =	sbr.rel @!p1 .LBB2_50-.Ltmp32, $4  }
0x113: {  	s16 =	simm.s32 $0x100  }
0x114: {  	s31 =	sand.u32 $0x400, s12;
	s15 =	sand.u32 $0x60, s15;
	s17 =	sand.u32 $0xC00, s16  }
0x115: {  	p0 =	por $0x1, $0x1;
	s14 =	sor.u32 s14, s31;
	s13 =	sor.u32 s15, s17;
	v0 =	vpack.i.f32.bf16 v0, v1  }
0x116: {  	s17 =	simm.s32 $0x40;
	s15 =	simm.s32 $0x0;
	[tilespmem:s14+$0x2980] =	vst v0;
	s14 =	simm.s32 $0x0  }
.LBB2_51:
0x117: {  	p1 =	sne.s32 s17, $0x1E0;
	v0 =	vld [tilespmem:s13+$0x1190]  }
0x118: {  	v1 =	vld [tilespmem:s13+$0x1180];
	_ =	sdelay $0x1  }
.Ltmp33:
0x119: {  	(pc) =	sbr.rel @p1 .LBB2_51-.Ltmp33, $4  }
0x11a: {  	s14 =	sadd.s32 $0x80, s14;
	s15 =	sadd.s32 $0x10, s15  }
0x11b: {  	s16 =	sadd.s32 $0x100, s16;
	s13 =	sand.u32 $0x70, s15;
	s18 =	sand.u32 $0x400, s14  }
0x11c: {  	s19 =	sand.u32 $0x60, s17;
	s20 =	sand.u32 $0xC00, s16;
	s18 =	sor.u32 s13, s18;
	v0 =	vpack.i.f32.bf16 v0, v1  }
0x11d: {  	s17 =	sadd.s32 $0x20, s17;
	s13 =	sor.u32 s19, s20;
	[tilespmem:s18+$0x2980] =	vst v0  }
.LBB2_52:
0x11e: {  	v0 =	vld [tilespmem:s13+$0x1190]  }
0x11f: {  	v1 =	vld [tilespmem:s13+$0x1180];
	s13 =	sadd.s32 @p0 $0x10, s15;
	s15 =	simm.s32 $0x0;
	s14 =	sadd.s32 @p0 $0x80, s14  }
0x120: {  	p1 =	por $0x1, $0x1;
	s18 =	simm.s32 $0x0;
	p2 =	por $0x0, $0x0  }
.Ltmp34:
0x121: {  	s15 =	smov.u32 @p0 s13;
	s12 =	smov.u32 @p0 s14;
	(pc) =	sbr.rel @!p1 .LBB2_56-.Ltmp34, $4  }
0x122: {  	s13 =	simm.s32 $0x0;
	p0 =	por $0x0, $0x0;
	s15 =	sand.u32 $0x70, s15  }
0x123: {  	s12 =	sand.u32 $0x400, s12;
	s31 =	sand.u32 $0x60, s13;
	s16 =	sand.u32 $0xC00, s13  }
0x124: {  	s14 =	sand.u32 $0x70, s13;
	s17 =	sor.u32 s15, s12;
	s12 =	sor.u32 s31, s16;
	v0 =	vpack.i.f32.bf16 v0, v1  }
0x125: {  	s15 =	simm.s32 $0x20;
	s16 =	simm.s32 $0x0;
	s20 =	smov.u32 s12;
	[tilespmem:s17+$0x2980] =	vst v0  }
0x126: {  	v0 =	vld [tilespmem:s12+$0x1210]  }
0x127: {  	v1 =	vld [tilespmem:s12+$0x1200]  }
0x128: {  	p3 =	por $0x1, $0x1  }
.Ltmp35:
0x129: {  	_ = 	snop;
	(pc) =	sbr.rel @!p3 .LBB2_54-.Ltmp35, $4  }
0x12a: {  	s17 =	simm.s32 $0x100  }
0x12b: {  	s16 =	sand.u32 $0x400, s13;
	s18 =	sand.u32 $0x60, s15;
	s19 =	sand.u32 $0xC00, s17  }
0x12c: {  	p2 =	por $0x1, $0x1;
	s16 =	sor.u32 s14, s16;
	s20 =	sor.u32 s18, s19;
	v0 =	vpack.i.f32.bf16 v0, v1  }
0x12d: {  	s19 =	simm.s32 $0x40;
	s18 =	simm.s32 $0x0;
	[tilespmem:s16+$0x2A00] =	vst v0;
	s16 =	simm.s32 $0x0  }
.LBB2_55:
0x12e: {  	p3 =	sne.s32 s19, $0x1E0;
	v0 =	vld [tilespmem:s20+$0x1210]  }
0x12f: {  	v1 =	vld [tilespmem:s20+$0x1200];
	_ =	sdelay $0x1  }
.Ltmp36:
0x130: {  	(pc) =	sbr.rel @p3 .LBB2_55-.Ltmp36, $4  }
0x131: {  	s16 =	sadd.s32 $0x80, s16;
	s18 =	sadd.s32 $0x10, s18  }
0x132: {  	s17 =	sadd.s32 $0x100, s17;
	s20 =	sand.u32 $0x70, s18;
	s21 =	sand.u32 $0x400, s16  }
0x133: {  	s22 =	sand.u32 $0x60, s19;
	s23 =	sand.u32 $0xC00, s17;
	s21 =	sor.u32 s20, s21;
	v0 =	vpack.i.f32.bf16 v0, v1  }
0x134: {  	s19 =	sadd.s32 $0x20, s19;
	s20 =	sor.u32 s22, s23;
	[tilespmem:s21+$0x2A00] =	vst v0  }
.LBB2_56:
0x135: {  	v0 =	vld [tilespmem:s20+$0x1210]  }
0x136: {  	v1 =	vld [tilespmem:s20+$0x1200]  }
0x137: {  	s16 =	sadd.s32 @p2 $0x80, s16;
	s17 =	sadd.s32 @p2 $0x10, s18  }
.Ltmp37:
0x138: {  	s18 =	simm.s32 $0x0;
	s19 =	simm.s32 $0x0;
	(pc) =	sbr.rel @!p1 .LBB2_57-.Ltmp37, $4  }
0x139: {  	s18 =	smov.u32 @p2 s17;
	s19 =	smov.u32 @p2 s16  }
0x13a: {  	s30 =	sand.u32 $0x70, s18;
	s31 =	sand.u32 $0x400, s19  }
0x13b: {  	s16 =	sor.u32 s30, s31;
	v0 =	vpack.i.f32.bf16 v0, v1  }
0x13c: {  	[tilespmem:s16+$0x2A00] =	vst v0  }
0x13d: {  	v0 =	vld [tilespmem:s12+$0x1290]  }
0x13e: {  	v1 =	vld [tilespmem:s12+$0x1280]  }
0x13f: {  	p1 =	por $0x1, $0x1  }
.Ltmp38:
0x140: {  	_ = 	snop;
	(pc) =	sbr.rel @!p1 .LBB2_59-.Ltmp38, $4  }
0x141: {  	s16 =	simm.s32 $0x100  }
0x142: {  	s31 =	sand.u32 $0x400, s13;
	s15 =	sand.u32 $0x60, s15;
	s17 =	sand.u32 $0xC00, s16  }
0x143: {  	p0 =	por $0x1, $0x1;
	s14 =	sor.u32 s14, s31;
	s12 =	sor.u32 s15, s17;
	v0 =	vpack.i.f32.bf16 v0, v1  }
0x144: {  	s17 =	simm.s32 $0x40;
	s15 =	simm.s32 $0x0;
	[tilespmem:s14+$0x2A80] =	vst v0;
	s14 =	simm.s32 $0x0  }
.LBB2_60:
0x145: {  	p1 =	sne.s32 s17, $0x1E0;
	v0 =	vld [tilespmem:s12+$0x1290]  }
0x146: {  	v1 =	vld [tilespmem:s12+$0x1280];
	_ =	sdelay $0x1  }
.Ltmp39:
0x147: {  	(pc) =	sbr.rel @p1 .LBB2_60-.Ltmp39, $4  }
0x148: {  	s14 =	sadd.s32 $0x80, s14;
	s15 =	sadd.s32 $0x10, s15  }
0x149: {  	s16 =	sadd.s32 $0x100, s16;
	s12 =	sand.u32 $0x70, s15;
	s18 =	sand.u32 $0x400, s14  }
0x14a: {  	s19 =	sand.u32 $0x60, s17;
	s20 =	sand.u32 $0xC00, s16;
	s18 =	sor.u32 s12, s18;
	v0 =	vpack.i.f32.bf16 v0, v1  }
0x14b: {  	s17 =	sadd.s32 $0x20, s17;
	s12 =	sor.u32 s19, s20;
	[tilespmem:s18+$0x2A80] =	vst v0  }
.LBB2_61:
0x14c: {  	v0 =	vld [tilespmem:s12+$0x1290]  }
0x14d: {  	v1 =	vld [tilespmem:s12+$0x1280];
	s12 =	sadd.s32 @p0 $0x10, s15;
	s15 =	simm.s32 $0x0;
	s14 =	sadd.s32 @p0 $0x80, s14  }
0x14e: {  	p1 =	por $0x1, $0x1;
	s18 =	simm.s32 $0x0;
	p2 =	por $0x0, $0x0  }
.Ltmp40:
0x14f: {  	s15 =	smov.u32 @p0 s12;
	s13 =	smov.u32 @p0 s14;
	(pc) =	sbr.rel @!p1 .LBB2_65-.Ltmp40, $4  }
0x150: {  	s12 =	simm.s32 $0x0;
	p0 =	por $0x0, $0x0;
	s15 =	sand.u32 $0x70, s15  }
0x151: {  	s13 =	sand.u32 $0x400, s13;
	s31 =	sand.u32 $0x60, s12;
	s16 =	sand.u32 $0xC00, s12  }
0x152: {  	s14 =	sand.u32 $0x70, s12;
	s17 =	sor.u32 s15, s13;
	s13 =	sor.u32 s31, s16;
	v0 =	vpack.i.f32.bf16 v0, v1  }
0x153: {  	s15 =	simm.s32 $0x20;
	s16 =	simm.s32 $0x0;
	s20 =	smov.u32 s13;
	[tilespmem:s17+$0x2A80] =	vst v0  }
0x154: {  	v0 =	vld [tilespmem:s13+$0x1310]  }
0x155: {  	v1 =	vld [tilespmem:s13+$0x1300]  }
0x156: {  	p3 =	por $0x1, $0x1  }
.Ltmp41:
0x157: {  	_ = 	snop;
	(pc) =	sbr.rel @!p3 .LBB2_63-.Ltmp41, $4  }
0x158: {  	s17 =	simm.s32 $0x100  }
0x159: {  	s16 =	sand.u32 $0x400, s12;
	s18 =	sand.u32 $0x60, s15;
	s19 =	sand.u32 $0xC00, s17  }
0x15a: {  	p2 =	por $0x1, $0x1;
	s16 =	sor.u32 s14, s16;
	s20 =	sor.u32 s18, s19;
	v0 =	vpack.i.f32.bf16 v0, v1  }
0x15b: {  	s19 =	simm.s32 $0x40;
	s18 =	simm.s32 $0x0;
	[tilespmem:s16+$0x2B00] =	vst v0;
	s16 =	simm.s32 $0x0  }
.LBB2_64:
0x15c: {  	p3 =	sne.s32 s19, $0x1E0;
	v0 =	vld [tilespmem:s20+$0x1310]  }
0x15d: {  	v1 =	vld [tilespmem:s20+$0x1300];
	_ =	sdelay $0x1  }
.Ltmp42:
0x15e: {  	(pc) =	sbr.rel @p3 .LBB2_64-.Ltmp42, $4  }
0x15f: {  	s16 =	sadd.s32 $0x80, s16;
	s18 =	sadd.s32 $0x10, s18  }
0x160: {  	s17 =	sadd.s32 $0x100, s17;
	s20 =	sand.u32 $0x70, s18;
	s21 =	sand.u32 $0x400, s16  }
0x161: {  	s22 =	sand.u32 $0x60, s19;
	s23 =	sand.u32 $0xC00, s17;
	s21 =	sor.u32 s20, s21;
	v0 =	vpack.i.f32.bf16 v0, v1  }
0x162: {  	s19 =	sadd.s32 $0x20, s19;
	s20 =	sor.u32 s22, s23;
	[tilespmem:s21+$0x2B00] =	vst v0  }
.LBB2_65:
0x163: {  	v0 =	vld [tilespmem:s20+$0x1310]  }
0x164: {  	v1 =	vld [tilespmem:s20+$0x1300]  }
0x165: {  	s16 =	sadd.s32 @p2 $0x80, s16;
	s17 =	sadd.s32 @p2 $0x10, s18  }
.Ltmp43:
0x166: {  	s18 =	simm.s32 $0x0;
	s19 =	simm.s32 $0x0;
	(pc) =	sbr.rel @!p1 .LBB2_66-.Ltmp43, $4  }
0x167: {  	s18 =	smov.u32 @p2 s17;
	s19 =	smov.u32 @p2 s16  }
0x168: {  	s30 =	sand.u32 $0x70, s18;
	s31 =	sand.u32 $0x400, s19  }
0x169: {  	s16 =	sor.u32 s30, s31;
	v0 =	vpack.i.f32.bf16 v0, v1  }
0x16a: {  	[tilespmem:s16+$0x2B00] =	vst v0  }
0x16b: {  	v0 =	vld [tilespmem:s13+$0x1390]  }
0x16c: {  	v1 =	vld [tilespmem:s13+$0x1380]  }
0x16d: {  	p1 =	por $0x1, $0x1  }
.Ltmp44:
0x16e: {  	_ = 	snop;
	(pc) =	sbr.rel @!p1 .LBB2_68-.Ltmp44, $4  }
0x16f: {  	s16 =	simm.s32 $0x100  }
0x170: {  	s31 =	sand.u32 $0x400, s12;
	s15 =	sand.u32 $0x60, s15;
	s17 =	sand.u32 $0xC00, s16  }
0x171: {  	p0 =	por $0x1, $0x1;
	s14 =	sor.u32 s14, s31;
	s13 =	sor.u32 s15, s17;
	v0 =	vpack.i.f32.bf16 v0, v1  }
0x172: {  	s17 =	simm.s32 $0x40;
	s15 =	simm.s32 $0x0;
	[tilespmem:s14+$0x2B80] =	vst v0;
	s14 =	simm.s32 $0x0  }
.LBB2_69:
0x173: {  	p1 =	sne.s32 s17, $0x1E0;
	v0 =	vld [tilespmem:s13+$0x1390]  }
0x174: {  	v1 =	vld [tilespmem:s13+$0x1380];
	_ =	sdelay $0x1  }
.Ltmp45:
0x175: {  	(pc) =	sbr.rel @p1 .LBB2_69-.Ltmp45, $4  }
0x176: {  	s14 =	sadd.s32 $0x80, s14;
	s15 =	sadd.s32 $0x10, s15  }
0x177: {  	s16 =	sadd.s32 $0x100, s16;
	s13 =	sand.u32 $0x70, s15;
	s18 =	sand.u32 $0x400, s14  }
0x178: {  	s19 =	sand.u32 $0x60, s17;
	s20 =	sand.u32 $0xC00, s16;
	s18 =	sor.u32 s13, s18;
	v0 =	vpack.i.f32.bf16 v0, v1  }
0x179: {  	s17 =	sadd.s32 $0x20, s17;
	s13 =	sor.u32 s19, s20;
	[tilespmem:s18+$0x2B80] =	vst v0  }
.LBB2_70:
0x17a: {  	v0 =	vld [tilespmem:s13+$0x1390]  }
0x17b: {  	v1 =	vld [tilespmem:s13+$0x1380];
	_ =	sdelay $0x1  }
0x17c: {  	s13 =	sadd.s32 @p0 $0x80, s14;
	s14 =	sadd.s32 @p0 $0x10, s15;
	s15 =	simm.s32 $0x0  }
0x17d: {  	s15 =	smov.u32 @p0 s14;
	s12 =	smov.u32 @p0 s13  }
0x17e: {  	s31 =	sand.u32 $0x70, s15;
	s12 =	sand.u32 $0x400, s12  }
0x17f: {  	s11 =	sshll.u32 s11, $0x5;
	s10 =	sadd.s32 $0x1, s10;
	s12 =	sor.u32 s31, s12;
	v0 =	vpack.i.f32.bf16 v0, v1  }
0x180: {  	s11 =	sadd.s32 s4, s11;
	p0 =	sne.s32 s10, $0x20;
	[tilespmem:s12+$0x2B80] =	vst v0  }
0x181: {  	[hbm4b:s11+s2] =	stream.linear.scatter [tilespmem:s8], [sflag:$0x1], $0x1000, $0x38;
	[tilespmem:$0x3000] =	vst v63  }
.Ltmp46:
0x182: {  	_ = 	snop;
	(pc) =	sbr.rel @p0 .LBB2_2-.Ltmp46, $4  }
.Ltmp47:
0x183: {  	_ = 	snop;
	(pc) =	sbr.rel @!p0 .LBB2_71-.Ltmp47, $4  }
0x184: {  	_ =	swait.ge [sflag:s7], $0x1000  }
0x185: {  	[sflag:s7] =	ssyncset.done $0x0  }
0x186: {  	[sflag:s7] =	ssyncadd.s32 $0xFFFFF000  }
0x187: {  	_ = 	snop  }
.LBB2_11:
.Ltmp48:
0x188: {  	(pc) =	sbr.rel .LBB2_15-.Ltmp48, $2  }
0x189: {  	_ =	sdelay $0x2  }
0x18a: {  	s14 =	simm.s32 $0x0;
	s15 =	simm.s32 $0x0  }
.LBB2_20:
.Ltmp49:
0x18b: {  	(pc) =	sbr.rel .LBB2_24-.Ltmp49, $2  }
0x18c: {  	_ =	sdelay $0x2  }
0x18d: {  	s14 =	simm.s32 $0x0;
	s15 =	simm.s32 $0x0  }
.LBB2_25:
.Ltmp50:
0x18e: {  	(pc) =	sbr.rel .LBB2_29-.Ltmp50, $3  }
0x18f: {  	_ =	sdelay $0x1  }
0x190: {  	s14 =	simm.s32 $0x0  }
0x191: {  	s15 =	simm.s32 $0x0;
	s16 =	simm.s32 $0x0;
	p2 =	por $0x0, $0x0  }
.LBB2_30:
.Ltmp51:
0x192: {  	(pc) =	sbr.rel .LBB2_34-.Ltmp51, $2  }
0x193: {  	_ =	sdelay $0x2  }
0x194: {  	s13 =	simm.s32 $0x0;
	s15 =	simm.s32 $0x0  }
.LBB2_39:
.Ltmp52:
0x195: {  	(pc) =	sbr.rel .LBB2_43-.Ltmp52, $2  }
0x196: {  	_ =	sdelay $0x2  }
0x197: {  	s14 =	simm.s32 $0x0;
	s15 =	simm.s32 $0x0  }
.LBB2_48:
.Ltmp53:
0x198: {  	(pc) =	sbr.rel .LBB2_52-.Ltmp53, $2  }
0x199: {  	_ =	sdelay $0x2  }
0x19a: {  	s14 =	simm.s32 $0x0;
	s15 =	simm.s32 $0x0  }
.LBB2_57:
.Ltmp54:
0x19b: {  	(pc) =	sbr.rel .LBB2_61-.Ltmp54, $2  }
0x19c: {  	_ =	sdelay $0x2  }
0x19d: {  	s14 =	simm.s32 $0x0;
	s15 =	simm.s32 $0x0  }
.LBB2_66:
.Ltmp55:
0x19e: {  	(pc) =	sbr.rel .LBB2_70-.Ltmp55, $2  }
0x19f: {  	_ =	sdelay $0x2  }
0x1a0: {  	s14 =	simm.s32 $0x0;
	s15 =	simm.s32 $0x0  }
.LBB2_8:
.Ltmp56:
0x1a1: {  	(pc) =	sbr.rel .LBB2_10-.Ltmp56, $2  }
0x1a2: {  	_ =	sdelay $0x2  }
0x1a3: {  	s16 =	simm.s32 $0x0;
	s18 =	simm.s32 $0x0  }
.LBB2_13:
.Ltmp57:
0x1a4: {  	(pc) =	sbr.rel .LBB2_15-.Ltmp57, $2  }
0x1a5: {  	_ =	sdelay $0x2  }
0x1a6: {  	s14 =	simm.s32 $0x0;
	s15 =	simm.s32 $0x0  }
.LBB2_17:
.Ltmp58:
0x1a7: {  	(pc) =	sbr.rel .LBB2_19-.Ltmp58, $2  }
0x1a8: {  	_ =	sdelay $0x2  }
0x1a9: {  	s16 =	simm.s32 $0x0;
	s18 =	simm.s32 $0x0  }
.LBB2_22:
.Ltmp59:
0x1aa: {  	(pc) =	sbr.rel .LBB2_24-.Ltmp59, $2  }
0x1ab: {  	_ =	sdelay $0x2  }
0x1ac: {  	s14 =	simm.s32 $0x0;
	s15 =	simm.s32 $0x0  }
.LBB2_27:
.Ltmp60:
0x1ad: {  	(pc) =	sbr.rel .LBB2_29-.Ltmp60, $2  }
0x1ae: {  	_ =	sdelay $0x2  }
0x1af: {  	s15 =	simm.s32 $0x0;
	s16 =	simm.s32 $0x0  }
.LBB2_32:
.Ltmp61:
0x1b0: {  	(pc) =	sbr.rel .LBB2_34-.Ltmp61, $2  }
0x1b1: {  	_ =	sdelay $0x2  }
0x1b2: {  	s13 =	simm.s32 $0x0;
	s15 =	simm.s32 $0x0  }
.LBB2_36:
.Ltmp62:
0x1b3: {  	(pc) =	sbr.rel .LBB2_38-.Ltmp62, $2  }
0x1b4: {  	_ =	sdelay $0x2  }
0x1b5: {  	s16 =	simm.s32 $0x0;
	s18 =	simm.s32 $0x0  }
.LBB2_41:
.Ltmp63:
0x1b6: {  	(pc) =	sbr.rel .LBB2_43-.Ltmp63, $2  }
0x1b7: {  	_ =	sdelay $0x2  }
0x1b8: {  	s14 =	simm.s32 $0x0;
	s15 =	simm.s32 $0x0  }
.LBB2_45:
.Ltmp64:
0x1b9: {  	(pc) =	sbr.rel .LBB2_47-.Ltmp64, $2  }
0x1ba: {  	_ =	sdelay $0x2  }
0x1bb: {  	s16 =	simm.s32 $0x0;
	s18 =	simm.s32 $0x0  }
.LBB2_50:
.Ltmp65:
0x1bc: {  	(pc) =	sbr.rel .LBB2_52-.Ltmp65, $2  }
0x1bd: {  	_ =	sdelay $0x2  }
0x1be: {  	s14 =	simm.s32 $0x0;
	s15 =	simm.s32 $0x0  }
.LBB2_54:
.Ltmp66:
0x1bf: {  	(pc) =	sbr.rel .LBB2_56-.Ltmp66, $2  }
0x1c0: {  	_ =	sdelay $0x2  }
0x1c1: {  	s16 =	simm.s32 $0x0;
	s18 =	simm.s32 $0x0  }
.LBB2_59:
.Ltmp67:
0x1c2: {  	(pc) =	sbr.rel .LBB2_61-.Ltmp67, $2  }
0x1c3: {  	_ =	sdelay $0x2  }
0x1c4: {  	s14 =	simm.s32 $0x0;
	s15 =	simm.s32 $0x0  }
.LBB2_63:
.Ltmp68:
0x1c5: {  	(pc) =	sbr.rel .LBB2_65-.Ltmp68, $2  }
0x1c6: {  	_ =	sdelay $0x2  }
0x1c7: {  	s16 =	simm.s32 $0x0;
	s18 =	simm.s32 $0x0  }
.LBB2_68:
.Ltmp69:
0x1c8: {  	(pc) =	sbr.rel .LBB2_70-.Ltmp69, $2  }
0x1c9: {  	_ =	sdelay $0x2  }
0x1ca: {  	s14 =	simm.s32 $0x0;
	s15 =	simm.s32 $0x0  }
.LBB2_72:
0x1cb: {  	_ =	sfence.sel $0x180000  }
0x1cc: {  	[bflag:$0x0] =	sbarrier.arrive $0xFFFF  }
0x1cd: {  	p0 =	sne.s32 s3, $0x0;
	_ =	strace $0x90000047  }
0x1ce: {  	s0 =	sadd.s32 @!p0 $0x100000, s0;
	[bflag:$0x2] =	sbarrier.arrive $0xFFFF  }
0x1cf: {  	[sflag:s0] =	ssyncadd.tile.s32 @!p0 $0x1;
	_ =	shalt  }
.Lfunc_end2:
_tile_overlayer_lowered:
.L_overlay_start_2:
0x1d0: {  	(tag) =	ssettag $0x2  }
0x1d1: {  	s0 =	rddreg [dreg:$0x0];
	s2 =	stileid.u32  }
0x1d2: {  	s1 =	rddreg [dreg:$0x1];
	p0 =	sne.s32 s2, $0x0  }
0x1d3: {  	s3 =	rddreg [dreg:$0x2];
	[bflag:$0x3] =	sbarrier.arrive $0xFFFF;
	s2 =	simm.s32 @!p0 $0x1C02  }
0x1d4: {  	[timem:s3], [sflag:s2] =	dma.local @!p0 [hbm:s0], s1  }
0x1d5: {  	s0 =	simm.s32 @!p0 $0x2  }
0x1d6: {  	_ =	swait.ge @!p0 [sflag:s0], s1  }
0x1d7: {  	s1 =	ssub.s32 @!p0 $0x0, s1;
	[sflag:s0] =	ssyncset.done @!p0 $0x0  }
0x1d8: {  	[sflag:s0] =	ssyncadd.s32 @!p0 s1  }
0x1d9: {  	[bflag:$0x3] =	sbarrier.arrive $0xFFFF  }
0x1da: {  	_ =	shalt  }

</sc_bundles>
